<compile_context>
chip_gen: v7x
topology: tpu7x:2x2x1
jax: 0.10.2.dev20260603
libtpu: 0.0.44.dev20260713+nightly
codegen_flags: <defaults>
</compile_context>

<pallas_src>
import jax
import jax.numpy as jnp
from jax import lax
from jax.experimental import pallas as pl
from jax.experimental.pallas import tpu as pltpu
from jax.experimental.pallas import tpu_sc as plsc

B = 16384
F = 32
NC = 2
NS = 16
NW = NC * NS
BPW = B // NW
CHUNK = 128
NCHUNK = BPW // CHUNK
GROUPS = BPW // 16
NSLOT = 8
LAG = 7


def _dot_body(uid_hbm, iid_hbm, uet_hbm, iet_hbm, out_hbm,
              uidv, iidv, ublk, iblk, pbuf, outv, usem, isem):
    wid = lax.axis_index("s") * NC + lax.axis_index("c")
    base = wid * BPW

    pltpu.sync_copy(uid_hbm.at[pl.ds(base, BPW)], uidv)
    pltpu.sync_copy(iid_hbm.at[pl.ds(base, BPW)], iidv)

    iota16 = lax.iota(jnp.int32, 16)

    def fire(slot, bu, bi):
        pltpu.async_copy(uet_hbm.at[:, pl.ds((bu >> 7) * 128, 128)],
                         ublk.at[slot], usem)
        pltpu.async_copy(iet_hbm.at[:, pl.ds((bi >> 7) * 128, 128)],
                         iblk.at[slot], isem)

    def extract(slot, n, bu, bi):
        pltpu.make_async_copy(uet_hbm.at[:, pl.ds(0, 128)],
                              ublk.at[slot], usem).wait()
        pltpu.make_async_copy(iet_hbm.at[:, pl.ds(0, 128)],
                              iblk.at[slot], isem).wait()
        cu = jnp.zeros((16,), jnp.int32) + (bu & 127)
        ci = jnp.zeros((16,), jnp.int32) + (bi & 127)
        acc = jnp.zeros((16,), jnp.float32)
        for h in range(2):
            rows = iota16 + h * 16
            uv = plsc.load_gather(ublk.at[slot], [rows, cu])
            iv = plsc.load_gather(iblk.at[slot], [rows, ci])
            acc = acc + uv * iv
        pbuf[pl.ds(n * 16, 16)] = acc

    zvec = jnp.zeros((16,), jnp.int32)

    def step(g, carry):
        uprev, iprev = carry
        ucur = uidv[pl.ds(g * 16, 16)]
        icur = iidv[pl.ds(g * 16, 16)]
        for i in range(16):
            fire(i % NSLOT, ucur[i], icur[i])
            m = i - LAG
            if m >= 0:
                extract(m % NSLOT, g * 16 + m, ucur[m], icur[m])
            else:
                mp = m + 16

                @pl.when(g > 0)
                def _():
                    extract(mp % NSLOT, (g - 1) * 16 + mp,
                            uprev[mp], iprev[mp])
        return ucur, icur

    ulast, ilast = lax.fori_loop(0, GROUPS, step, (zvec, zvec),
                                 unroll=False)
    for mp in range(16 - LAG, 16):
        extract(mp % NSLOT, (GROUPS - 1) * 16 + mp, ulast[mp], ilast[mp])

    def group(g, carry):
        acc = jnp.zeros((16,), jnp.float32)
        rows = (g * 16 + iota16) * 16
        for k in range(16):
            acc = acc + plsc.load_gather(pbuf, [rows + k])
        outv[pl.ds(g * 16, 16)] = acc
        return carry

    lax.fori_loop(0, GROUPS, group, 0)
    pltpu.sync_copy(outv, out_hbm.at[pl.ds(base, BPW)])


def _bias_body(dot_hbm, uid_hbm, iid_hbm, ub_hbm, ib_hbm, out_hbm,
               uidx, iidx, dotv, ubv, ibv, outv, sem):
    wid = lax.axis_index("s") * NC + lax.axis_index("c")
    base = wid * BPW

    pltpu.sync_copy(uid_hbm.at[wid], uidx)
    pltpu.sync_copy(iid_hbm.at[wid], iidx)
    pltpu.sync_copy(dot_hbm.at[pl.ds(base, BPW)], dotv)

    copies = []
    for j in range(NCHUNK):
        sl = pl.ds(j * CHUNK, CHUNK)
        copies.append(pltpu.async_copy(ub_hbm.at[uidx.at[j]], ubv.at[sl], sem))
        copies.append(pltpu.async_copy(ib_hbm.at[iidx.at[j]], ibv.at[sl], sem))
    for cp in copies:
        cp.wait()

    def group(g, carry):
        sl = pl.ds(g * 16, 16)
        outv[sl] = dotv[sl] + ubv[sl] + ibv[sl]
        return carry

    lax.fori_loop(0, GROUPS, group, 0)
    pltpu.sync_copy(outv, out_hbm.at[pl.ds(base, BPW)])


@jax.jit
def _mf(uid, iid, uet, iet, ub, ib):
    mesh = plsc.VectorSubcoreMesh(core_axis_name="c", subcore_axis_name="s")
    dot_run = pl.kernel(
        _dot_body,
        mesh=mesh,
        compiler_params=pltpu.CompilerParams(
            needs_layout_passes=False, use_tc_tiling_on_sc=True),
        out_type=jax.ShapeDtypeStruct((B,), jnp.float32),
        scratch_types=[
            pltpu.VMEM((BPW,), jnp.int32),
            pltpu.VMEM((BPW,), jnp.int32),
            pltpu.VMEM((NSLOT, F, 128), jnp.float32),
            pltpu.VMEM((NSLOT, F, 128), jnp.float32),
            pltpu.VMEM((BPW * 16,), jnp.float32),
            pltpu.VMEM((BPW,), jnp.float32),
            pltpu.SemaphoreType.DMA,
            pltpu.SemaphoreType.DMA,
        ],
    )
    bias_run = pl.kernel(
        _bias_body,
        mesh=mesh,
        compiler_params=pltpu.CompilerParams(
            needs_layout_passes=False, use_tc_tiling_on_sc=False),
        out_type=jax.ShapeDtypeStruct((B,), jnp.float32),
        scratch_types=[
            pltpu.VMEM((NCHUNK, CHUNK), jnp.int32),
            pltpu.VMEM((NCHUNK, CHUNK), jnp.int32),
            pltpu.VMEM((BPW,), jnp.float32),
            pltpu.VMEM((BPW,), jnp.float32),
            pltpu.VMEM((BPW,), jnp.float32),
            pltpu.VMEM((BPW,), jnp.float32),
            pltpu.SemaphoreType.DMA,
        ],
    )
    dots = dot_run(uid, iid, uet, iet)
    return bias_run(dots, uid.reshape(NW, NCHUNK, CHUNK),
                    iid.reshape(NW, NCHUNK, CHUNK), ub, ib)


def kernel(user_ids, item_ids, user_embed, user_bias_embed, item_embed,
           item_bias_embed):
    uid = user_ids.astype(jnp.int32)
    iid = item_ids.astype(jnp.int32)
    uet = user_embed.T
    iet = item_embed.T
    ub = user_bias_embed.reshape(-1)
    ib = item_bias_embed.reshape(-1)
    out = _mf(uid, iid, uet, iet, ub, ib)
    return out.reshape(B, 1)

# --- scband reference (transcript-rebuilt; emitter-appended) ---
"""Pipeline reference for scband-matrix-factorisation-44358422233770 (READ-ONLY COPY).

The authoritative reference and input builder live on the scoring server;
editing this copy changes nothing except your own understanding.
"""

import jax, jax.numpy as jnp
import numpy as np

NUM_USERS = 1000000
NUM_ITEMS = 1000000
FEATURES = 32
BATCH = 16384


def setup_inputs(seed: int = 0) -> dict:
    key = jax.random.key(seed)
    k1, k2, k3, k4, k5, k6 = jax.random.split(key, 6)
    user_ids = jax.random.randint(k1, (BATCH,), 0, NUM_USERS, dtype=jnp.int64 if jax.config.jax_enable_x64 else jnp.int32)
    item_ids = jax.random.randint(k2, (BATCH,), 0, NUM_ITEMS, dtype=jnp.int64 if jax.config.jax_enable_x64 else jnp.int32)
    # Learned parameters (flax nn.Embed default init ~ normal / sqrt(features))
    user_embed = jax.random.normal(k3, (NUM_USERS, FEATURES), dtype=jnp.float32) * (1.0 / np.sqrt(FEATURES))
    user_bias_embed = jax.random.normal(k4, (NUM_USERS, 1), dtype=jnp.float32) * 0.01
    item_embed = jax.random.normal(k5, (NUM_ITEMS, FEATURES), dtype=jnp.float32) * (1.0 / np.sqrt(FEATURES))
    item_bias_embed = jax.random.normal(k6, (NUM_ITEMS, 1), dtype=jnp.float32) * 0.01
    return {
        'user_ids': user_ids,
        'item_ids': item_ids,
        'user_embed': user_embed,
        'user_bias_embed': user_bias_embed,
        'item_embed': item_embed,
        'item_bias_embed': item_bias_embed,
    }


def reference(user_ids, item_ids, user_embed, user_bias_embed, item_embed, item_bias_embed):
    # Embedding lookups (gather rows)
    user_embedding = jnp.take(user_embed, user_ids, axis=0)          # [B, F]
    user_bias = jnp.take(user_bias_embed, user_ids, axis=0)          # [B, 1]
    item_embedding = jnp.take(item_embed, item_ids, axis=0)          # [B, F]
    item_bias = jnp.take(item_bias_embed, item_ids, axis=0)          # [B, 1]
    # einops.reduce(user_embedding * item_embedding, 'b r -> b', 'sum') then add biases
    dot = jnp.sum(user_embedding * item_embedding, axis=-1, keepdims=True)  # [B, 1]
    return dot + user_bias + item_bias

if __name__ == "__main__":
    import jax
    _d = setup_inputs()
    print(jax.jit(kernel)(*tuple(_d.values())))

</pallas_src>

<mosaic_0001>
#map = affine_map<(d0, d1) -> (0)>
#map1 = affine_map<(d0, d1) -> (0, 0)>
module attributes {stable_mosaic.version = 14 : i64} {
  func.func @_dot_body(%arg0: i32, %arg1: i32, %arg2: memref<16384xi32, #tpu.memory_space<hbm>>, %arg3: memref<16384xi32, #tpu.memory_space<hbm>>, %arg4: memref<32x1000000xf32, #tpu.memory_space<hbm>>, %arg5: memref<32x1000000xf32, #tpu.memory_space<hbm>>, %arg6: memref<16384xf32, #tpu.memory_space<hbm>>, %arg7: memref<512xi32, #tpu.memory_space<vmem>>, %arg8: memref<512xi32, #tpu.memory_space<vmem>>, %arg9: memref<8x32x128xf32, #tpu.memory_space<vmem>>, %arg10: memref<8x32x128xf32, #tpu.memory_space<vmem>>, %arg11: memref<8192xf32, #tpu.memory_space<vmem>>, %arg12: memref<512xf32, #tpu.memory_space<vmem>>, %arg13: memref<!tpu.dma_semaphore, #tpu.memory_space<semaphore_mem>>, %arg14: memref<!tpu.dma_semaphore, #tpu.memory_space<semaphore_mem>>) attributes {dimension_semantics = [#tpu.dimension_semantics<core_parallel>, #tpu.dimension_semantics<subcore_parallel>], iteration_bounds = array<i64: 2, 16>, scalar_prefetch = 0 : i64, scratch_operands = 8 : i64, tpu.core_type = #tpu.core_type<sc_vector_subcore>, window_params = [{transform_indices = #map}, {transform_indices = #map}, {transform_indices = #map1}, {transform_indices = #map1}, {transform_indices = #map}]} {
    %mul3A = arith.constant 2 : i32
    %mul3A_0 = arith.muli %arg1, %mul3A : i32
    %add3A = arith.addi %mul3A_0, %arg0 : i32
    %mul3A_1 = arith.constant 512 : i32
    %mul3A_2 = arith.muli %add3A, %mul3A_1 : i32
    "tpu.region"() ({
      %run_scoped3A = tpu.sem_alloc : memref<!tpu.dma_semaphore, #tpu.memory_space<semaphore_mem>>
      %dma_start3A = tpu.memref_slice %arg2[%mul3A_2] : memref<16384xi32, #tpu.memory_space<hbm>> -> memref<512xi32, #tpu.memory_space<hbm>>
      %dma_start3A_597 = tpu.memref_slice %arg2[%mul3A_2] : memref<16384xi32, #tpu.memory_space<hbm>> -> memref<512xi32, #tpu.memory_space<hbm>>
      tpu.enqueue_dma source(%dma_start3A_597 : memref<512xi32, #tpu.memory_space<hbm>>) target(%arg7 : memref<512xi32, #tpu.memory_space<vmem>>) target_semaphore(%run_scoped3A : memref<!tpu.dma_semaphore, #tpu.memory_space<semaphore_mem>>)
      %dma_wait3A_598 = tpu.memref_slice %arg2[%mul3A_2] : memref<16384xi32, #tpu.memory_space<hbm>> -> memref<512xi32, #tpu.memory_space<hbm>>
      %dma_wait3A_599 = tpu.memref_slice %arg2[%mul3A_2] : memref<16384xi32, #tpu.memory_space<hbm>> -> memref<512xi32, #tpu.memory_space<hbm>>
      tpu.wait_dma2 semaphore(%run_scoped3A : memref<!tpu.dma_semaphore, #tpu.memory_space<semaphore_mem>>) src(%dma_wait3A_599 : memref<512xi32, #tpu.memory_space<hbm>>) dst(%arg7 : memref<512xi32, #tpu.memory_space<vmem>>)
      tpu.yield
    }) : () -> ()
    "tpu.region"() ({
      %run_scoped3A = tpu.sem_alloc : memref<!tpu.dma_semaphore, #tpu.memory_space<semaphore_mem>>
      %dma_start3A = tpu.memref_slice %arg3[%mul3A_2] : memref<16384xi32, #tpu.memory_space<hbm>> -> memref<512xi32, #tpu.memory_space<hbm>>
      %dma_start3A_597 = tpu.memref_slice %arg3[%mul3A_2] : memref<16384xi32, #tpu.memory_space<hbm>> -> memref<512xi32, #tpu.memory_space<hbm>>
      tpu.enqueue_dma source(%dma_start3A_597 : memref<512xi32, #tpu.memory_space<hbm>>) target(%arg8 : memref<512xi32, #tpu.memory_space<vmem>>) target_semaphore(%run_scoped3A : memref<!tpu.dma_semaphore, #tpu.memory_space<semaphore_mem>>)
      %dma_wait3A_598 = tpu.memref_slice %arg3[%mul3A_2] : memref<16384xi32, #tpu.memory_space<hbm>> -> memref<512xi32, #tpu.memory_space<hbm>>
      %dma_wait3A_599 = tpu.memref_slice %arg3[%mul3A_2] : memref<16384xi32, #tpu.memory_space<hbm>> -> memref<512xi32, #tpu.memory_space<hbm>>
      tpu.wait_dma2 semaphore(%run_scoped3A : memref<!tpu.dma_semaphore, #tpu.memory_space<semaphore_mem>>) src(%dma_wait3A_599 : memref<512xi32, #tpu.memory_space<hbm>>) dst(%arg8 : memref<512xi32, #tpu.memory_space<vmem>>)
      tpu.yield
    }) : () -> ()
    %iota3A = tpu.iota {dimensions = array<i32: 0>} : vector<16xi32>
    %broadcast_in_dim3A = arith.constant 0 : i32
    %broadcast_in_dim3A_3 = vector.broadcast %broadcast_in_dim3A : i32 to vector<16xi32>
    %scan3A = arith.constant 0 : i32
    %scan3A_4 = arith.constant 32 : i32
    %scan3A_5 = arith.addi %scan3A, %scan3A_4 : i32
    %scan3A_6 = arith.constant 1 : i32
    %scan3A_7:2 = scf.for %scan3A_597 = %scan3A to %scan3A_5 step %scan3A_6 iter_args(%scan3A_598 = %broadcast_in_dim3A_3, %scan3A_599 = %broadcast_in_dim3A_3) -> (vector<16xi32>, vector<16xi32>)  : i32 {
      %mul3A_600 = arith.constant 16 : i32
      %mul3A_601 = arith.muli %scan3A_597, %mul3A_600 : i32
      %get3A = arith.index_cast %mul3A_601 : i32 to index
      %get3A_602 = tpu.vector_load %arg7[%get3A] {strides = array<i32>} : memref<512xi32, #tpu.memory_space<vmem>>, vector<16xi32>,
      %mul3A_603 = arith.constant 16 : i32
      %mul3A_604 = arith.muli %scan3A_597, %mul3A_603 : i32
      %get3A_605 = arith.index_cast %mul3A_604 : i32 to index
      %get3A_606 = tpu.vector_load %arg8[%get3A_605] {strides = array<i32>} : memref<512xi32, #tpu.memory_space<vmem>>, vector<16xi32>,
      %slice3A_607 = vector.extract_strided_slice %get3A_602 {offsets = [0], sizes = [1], strides = [1]} : vector<16xi32> to vector<1xi32>
      %squeeze3A_608 = vector.extract %slice3A_607[0] : i32 from vector<1xi32>
      %slice3A_609 = vector.extract_strided_slice %get3A_606 {offsets = [0], sizes = [1], strides = [1]} : vector<16xi32> to vector<1xi32>
      %squeeze3A_610 = vector.extract %slice3A_609[0] : i32 from vector<1xi32>
      %shift_right_arithmetic3A = arith.constant 7 : i32
      %shift_right_arithmetic3A_611 = arith.shrsi %squeeze3A_608, %shift_right_arithmetic3A : i32
      %mul3A_612 = arith.constant 128 : i32
      %mul3A_613 = arith.muli %shift_right_arithmetic3A_611, %mul3A_612 : i32
      %dma_start3A = arith.constant 0 : i32
      %dma_start3A_614 = arith.constant 0 : i32
      %dma_start3A_615 = arith.constant 0 : i32
      %dma_start3A_616 = tpu.memref_slice %arg9[%dma_start3A, %dma_start3A_614, %dma_start3A_615] : memref<8x32x128xf32, #tpu.memory_space<vmem>> -> memref<1x32x128xf32, #tpu.memory_space<vmem>>
      %dma_start3A_617 = tpu.memref_squeeze %dma_start3A_616 : memref<1x32x128xf32, #tpu.memory_space<vmem>> -> memref<32x128xf32, #tpu.memory_space<vmem>>
      %dma_start3A_618 = arith.constant 0 : i32
      %dma_start3A_619 = tpu.memref_slice %arg4[%dma_start3A_618, %mul3A_613] : memref<32x1000000xf32, #tpu.memory_space<hbm>> -> memref<32x128xf32, #tpu.memory_space<hbm>>
      %dma_start3A_620 = arith.constant 0 : i32
      %dma_start3A_621 = arith.constant 0 : i32
      %dma_start3A_622 = tpu.memref_slice %arg9[%dma_start3A, %dma_start3A_620, %dma_start3A_621] : memref<8x32x128xf32, #tpu.memory_space<vmem>> -> memref<1x32x128xf32, #tpu.memory_space<vmem>>
      %dma_start3A_623 = tpu.memref_squeeze %dma_start3A_622 : memref<1x32x128xf32, #tpu.memory_space<vmem>> -> memref<32x128xf32, #tpu.memory_space<vmem>>
      %dma_start3A_624 = arith.constant 0 : i32
      %dma_start3A_625 = tpu.memref_slice %arg4[%dma_start3A_624, %mul3A_613] : memref<32x1000000xf32, #tpu.memory_space<hbm>> -> memref<32x128xf32, #tpu.memory_space<hbm>>
      tpu.enqueue_dma source(%dma_start3A_625 : memref<32x128xf32, #tpu.memory_space<hbm>>) target(%dma_start3A_623 : memref<32x128xf32, #tpu.memory_space<vmem>>) target_semaphore(%arg13 : memref<!tpu.dma_semaphore, #tpu.memory_space<semaphore_mem>>)
      %shift_right_arithmetic3A_626 = arith.constant 7 : i32
      %shift_right_arithmetic3A_627 = arith.shrsi %squeeze3A_610, %shift_right_arithmetic3A_626 : i32
      %mul3A_628 = arith.constant 128 : i32
      %mul3A_629 = arith.muli %shift_right_arithmetic3A_627, %mul3A_628 : i32
      %dma_start3A_630 = arith.constant 0 : i32
      %dma_start3A_631 = arith.constant 0 : i32
      %dma_start3A_632 = arith.constant 0 : i32
      %dma_start3A_633 = tpu.memref_slice %arg10[%dma_start3A_630, %dma_start3A_631, %dma_start3A_632] : memref<8x32x128xf32, #tpu.memory_space<vmem>> -> memref<1x32x128xf32, #tpu.memory_space<vmem>>
      %dma_start3A_634 = tpu.memref_squeeze %dma_start3A_633 : memref<1x32x128xf32, #tpu.memory_space<vmem>> -> memref<32x128xf32, #tpu.memory_space<vmem>>
      %dma_start3A_635 = arith.constant 0 : i32
      %dma_start3A_636 = tpu.memref_slice %arg5[%dma_start3A_635, %mul3A_629] : memref<32x1000000xf32, #tpu.memory_space<hbm>> -> memref<32x128xf32, #tpu.memory_space<hbm>>
      %dma_start3A_637 = arith.constant 0 : i32
      %dma_start3A_638 = arith.constant 0 : i32
      %dma_start3A_639 = tpu.memref_slice %arg10[%dma_start3A_630, %dma_start3A_637, %dma_start3A_638] : memref<8x32x128xf32, #tpu.memory_space<vmem>> -> memref<1x32x128xf32, #tpu.memory_space<vmem>>
      %dma_start3A_640 = tpu.memref_squeeze %dma_start3A_639 : memref<1x32x128xf32, #tpu.memory_space<vmem>> -> memref<32x128xf32, #tpu.memory_space<vmem>>
      %dma_start3A_641 = arith.constant 0 : i32
      %dma_start3A_642 = tpu.memref_slice %arg5[%dma_start3A_641, %mul3A_629] : memref<32x1000000xf32, #tpu.memory_space<hbm>> -> memref<32x128xf32, #tpu.memory_space<hbm>>
      tpu.enqueue_dma source(%dma_start3A_642 : memref<32x128xf32, #tpu.memory_space<hbm>>) target(%dma_start3A_640 : memref<32x128xf32, #tpu.memory_space<vmem>>) target_semaphore(%arg14 : memref<!tpu.dma_semaphore, #tpu.memory_space<semaphore_mem>>)
      %gt3A = arith.constant 0 : i32
      %gt3A_643 = arith.cmpi sgt, %scan3A_597, %gt3A : i32
      %convert_element_type3A = arith.extui %gt3A_643 : i1 to i32
      %cond3A = arith.constant 0 : i32
      %cond3A_644 = arith.cmpi ne, %convert_element_type3A, %cond3A : i32
      scf.if %cond3A_644 {
        %sub3A = arith.constant 1 : i32
        %sub3A_2055 = arith.subi %scan3A_597, %sub3A : i32
        %mul3A_2056 = arith.constant 16 : i32
        %mul3A_2057 = arith.muli %sub3A_2055, %mul3A_2056 : i32
        %add3A_2058 = arith.constant 9 : i32
        %add3A_2059 = arith.addi %mul3A_2057, %add3A_2058 : i32
        %slice3A_2060 = vector.extract_strided_slice %scan3A_598 {offsets = [9], sizes = [1], strides = [1]} : vector<16xi32> to vector<1xi32>
        %squeeze3A_2061 = vector.extract %slice3A_2060[0] : i32 from vector<1xi32>
        %slice3A_2062 = vector.extract_strided_slice %scan3A_599 {offsets = [9], sizes = [1], strides = [1]} : vector<16xi32> to vector<1xi32>
        %squeeze3A_2063 = vector.extract %slice3A_2062[0] : i32 from vector<1xi32>
        %dma_wait3A_2064 = arith.constant 1 : i32
        %dma_wait3A_2065 = arith.constant 0 : i32
        %dma_wait3A_2066 = arith.constant 0 : i32
        %dma_wait3A_2067 = tpu.memref_slice %arg9[%dma_wait3A_2064, %dma_wait3A_2065, %dma_wait3A_2066] : memref<8x32x128xf32, #tpu.memory_space<vmem>> -> memref<1x32x128xf32, #tpu.memory_space<vmem>>
        %dma_wait3A_2068 = tpu.memref_squeeze %dma_wait3A_2067 : memref<1x32x128xf32, #tpu.memory_space<vmem>> -> memref<32x128xf32, #tpu.memory_space<vmem>>
        %dma_wait3A_2069 = arith.constant 0 : i32
        %dma_wait3A_2070 = arith.constant 0 : i32
        %dma_wait3A_2071 = tpu.memref_slice %arg4[%dma_wait3A_2069, %dma_wait3A_2070] : memref<32x1000000xf32, #tpu.memory_space<hbm>> -> memref<32x128xf32, #tpu.memory_space<hbm>>
        %dma_wait3A_2072 = arith.constant 0 : i32
        %dma_wait3A_2073 = arith.constant 0 : i32
        %dma_wait3A_2074 = tpu.memref_slice %arg9[%dma_wait3A_2064, %dma_wait3A_2072, %dma_wait3A_2073] : memref<8x32x128xf32, #tpu.memory_space<vmem>> -> memref<1x32x128xf32, #tpu.memory_space<vmem>>
        %dma_wait3A_2075 = tpu.memref_squeeze %dma_wait3A_2074 : memref<1x32x128xf32, #tpu.memory_space<vmem>> -> memref<32x128xf32, #tpu.memory_space<vmem>>
        %dma_wait3A_2076 = arith.constant 0 : i32
        %dma_wait3A_2077 = arith.constant 0 : i32
        %dma_wait3A_2078 = tpu.memref_slice %arg4[%dma_wait3A_2076, %dma_wait3A_2077] : memref<32x1000000xf32, #tpu.memory_space<hbm>> -> memref<32x128xf32, #tpu.memory_space<hbm>>
        tpu.wait_dma2 semaphore(%arg13 : memref<!tpu.dma_semaphore, #tpu.memory_space<semaphore_mem>>) src(%dma_wait3A_2078 : memref<32x128xf32, #tpu.memory_space<hbm>>) dst(%dma_wait3A_2075 : memref<32x128xf32, #tpu.memory_space<vmem>>)
        %dma_wait3A_2079 = arith.constant 1 : i32
        %dma_wait3A_2080 = arith.constant 0 : i32
        %dma_wait3A_2081 = arith.constant 0 : i32
        %dma_wait3A_2082 = tpu.memref_slice %arg10[%dma_wait3A_2079, %dma_wait3A_2080, %dma_wait3A_2081] : memref<8x32x128xf32, #tpu.memory_space<vmem>> -> memref<1x32x128xf32, #tpu.memory_space<vmem>>
        %dma_wait3A_2083 = tpu.memref_squeeze %dma_wait3A_2082 : memref<1x32x128xf32, #tpu.memory_space<vmem>> -> memref<32x128xf32, #tpu.memory_space<vmem>>
        %dma_wait3A_2084 = arith.constant 0 : i32
        %dma_wait3A_2085 = arith.constant 0 : i32
        %dma_wait3A_2086 = tpu.memref_slice %arg5[%dma_wait3A_2084, %dma_wait3A_2085] : memref<32x1000000xf32, #tpu.memory_space<hbm>> -> memref<32x128xf32, #tpu.memory_space<hbm>>
        %dma_wait3A_2087 = arith.constant 0 : i32
        %dma_wait3A_2088 = arith.constant 0 : i32
        %dma_wait3A_2089 = tpu.memref_slice %arg10[%dma_wait3A_2079, %dma_wait3A_2087, %dma_wait3A_2088] : memref<8x32x128xf32, #tpu.memory_space<vmem>> -> memref<1x32x128xf32, #tpu.memory_space<vmem>>
        %dma_wait3A_2090 = tpu.memref_squeeze %dma_wait3A_2089 : memref<1x32x128xf32, #tpu.memory_space<vmem>> -> memref<32x128xf32, #tpu.memory_space<vmem>>
        %dma_wait3A_2091 = arith.constant 0 : i32
        %dma_wait3A_2092 = arith.constant 0 : i32
        %dma_wait3A_2093 = tpu.memref_slice %arg5[%dma_wait3A_2091, %dma_wait3A_2092] : memref<32x1000000xf32, #tpu.memory_space<hbm>> -> memref<32x128xf32, #tpu.memory_space<hbm>>
        tpu.wait_dma2 semaphore(%arg14 : memref<!tpu.dma_semaphore, #tpu.memory_space<semaphore_mem>>) src(%dma_wait3A_2093 : memref<32x128xf32, #tpu.memory_space<hbm>>) dst(%dma_wait3A_2090 : memref<32x128xf32, #tpu.memory_space<vmem>>)
        %broadcast_in_dim3A_2094 = arith.constant 0 : i32
        %broadcast_in_dim3A_2095 = vector.broadcast %broadcast_in_dim3A_2094 : i32 to vector<16xi32>
        %and3A_2096 = arith.constant 127 : i32
        %and3A_2097 = arith.andi %squeeze3A_2061, %and3A_2096 : i32
        %add3A_2098 = vector.broadcast %and3A_2097 : i32 to vector<16xi32>
        %add3A_2099 = arith.addi %broadcast_in_dim3A_2095, %add3A_2098 : vector<16xi32>
        %broadcast_in_dim3A_2100 = arith.constant 0 : i32
        %broadcast_in_dim3A_2101 = vector.broadcast %broadcast_in_dim3A_2100 : i32 to vector<16xi32>
        %and3A_2102 = arith.constant 127 : i32
        %and3A_2103 = arith.andi %squeeze3A_2063, %and3A_2102 : i32
        %add3A_2104 = vector.broadcast %and3A_2103 : i32 to vector<16xi32>
        %add3A_2105 = arith.addi %broadcast_in_dim3A_2101, %add3A_2104 : vector<16xi32>
        %broadcast_in_dim3A_2106 = arith.constant 0.000000e+00 : f32
        %broadcast_in_dim3A_2107 = vector.broadcast %broadcast_in_dim3A_2106 : f32 to vector<16xf32>
        %add3A_2108 = arith.constant 0 : i32
        %add3A_2109 = vector.broadcast %add3A_2108 : i32 to vector<16xi32>
        %add3A_2110 = arith.addi %iota3A, %add3A_2109 : vector<16xi32>
        %gather3A_2111 = arith.constant 1 : i32
        %gather3A_2112 = arith.constant 0 : i32
        %gather3A_2113 = arith.constant 0 : i32
        %gather3A_2114 = tpu.memref_slice %arg9[%gather3A_2111, %gather3A_2112, %gather3A_2113] : memref<8x32x128xf32, #tpu.memory_space<vmem>> -> memref<1x32x128xf32, #tpu.memory_space<vmem>>
        %gather3A_2115 = tpu.memref_squeeze %gather3A_2114 : memref<1x32x128xf32, #tpu.memory_space<vmem>> -> memref<32x128xf32, #tpu.memory_space<vmem>>
        %gather3A_2116 = tpu.vector_load_idx %gather3A_2115[%add3A_2110, %add3A_2099] : memref<32x128xf32, #tpu.memory_space<vmem>>[vector<16xi32>, vector<16xi32>], vector<16xf32>,
        %gather3A_2117 = arith.constant 1 : i32
        %gather3A_2118 = arith.constant 0 : i32
        %gather3A_2119 = arith.constant 0 : i32
        %gather3A_2120 = tpu.memref_slice %arg10[%gather3A_2117, %gather3A_2118, %gather3A_2119] : memref<8x32x128xf32, #tpu.memory_space<vmem>> -> memref<1x32x128xf32, #tpu.memory_space<vmem>>
        %gather3A_2121 = tpu.memref_squeeze %gather3A_2120 : memref<1x32x128xf32, #tpu.memory_space<vmem>> -> memref<32x128xf32, #tpu.memory_space<vmem>>
        %gather3A_2122 = tpu.vector_load_idx %gather3A_2121[%add3A_2110, %add3A_2105] : memref<32x128xf32, #tpu.memory_space<vmem>>[vector<16xi32>, vector<16xi32>], vector<16xf32>,
        %mul3A_2123 = arith.mulf %gather3A_2116, %gather3A_2122 : vector<16xf32>
        %add3A_2124 = arith.addf %broadcast_in_dim3A_2107, %mul3A_2123 : vector<16xf32>
        %add3A_2125 = arith.constant 16 : i32
        %add3A_2126 = vector.broadcast %add3A_2125 : i32 to vector<16xi32>
        %add3A_2127 = arith.addi %iota3A, %add3A_2126 : vector<16xi32>
        %gather3A_2128 = arith.constant 1 : i32
        %gather3A_2129 = arith.constant 0 : i32
        %gather3A_2130 = arith.constant 0 : i32
        %gather3A_2131 = tpu.memref_slice %arg9[%gather3A_2128, %gather3A_2129, %gather3A_2130] : memref<8x32x128xf32, #tpu.memory_space<vmem>> -> memref<1x32x128xf32, #tpu.memory_space<vmem>>
        %gather3A_2132 = tpu.memref_squeeze %gather3A_2131 : memref<1x32x128xf32, #tpu.memory_space<vmem>> -> memref<32x128xf32, #tpu.memory_space<vmem>>
        %gather3A_2133 = tpu.vector_load_idx %gather3A_2132[%add3A_2127, %add3A_2099] : memref<32x128xf32, #tpu.memory_space<vmem>>[vector<16xi32>, vector<16xi32>], vector<16xf32>,
        %gather3A_2134 = arith.constant 1 : i32
        %gather3A_2135 = arith.constant 0 : i32
        %gather3A_2136 = arith.constant 0 : i32
        %gather3A_2137 = tpu.memref_slice %arg10[%gather3A_2134, %gather3A_2135, %gather3A_2136] : memref<8x32x128xf32, #tpu.memory_space<vmem>> -> memref<1x32x128xf32, #tpu.memory_space<vmem>>
        %gather3A_2138 = tpu.memref_squeeze %gather3A_2137 : memref<1x32x128xf32, #tpu.memory_space<vmem>> -> memref<32x128xf32, #tpu.memory_space<vmem>>
        %gather3A_2139 = tpu.vector_load_idx %gather3A_2138[%add3A_2127, %add3A_2105] : memref<32x128xf32, #tpu.memory_space<vmem>>[vector<16xi32>, vector<16xi32>], vector<16xf32>,
        %mul3A_2140 = arith.mulf %gather3A_2133, %gather3A_2139 : vector<16xf32>
        %add3A_2141 = arith.addf %add3A_2124, %mul3A_2140 : vector<16xf32>
        %mul3A_2142 = arith.constant 16 : i32
        %mul3A_2143 = arith.muli %add3A_2059, %mul3A_2142 : i32
        %swap3A_2144 = arith.index_cast %mul3A_2143 : i32 to index
        %swap3A_2145 = tpu.vector_load %arg11[%swap3A_2144] {strides = array<i32>} : memref<8192xf32, #tpu.memory_space<vmem>>, vector<16xf32>,
        tpu.vector_store %arg11[%swap3A_2144], %add3A_2141 {strides = array<i32>} : memref<8192xf32, #tpu.memory_space<vmem>>, vector<16xf32>,
      } else {
      }
      %slice3A_645 = vector.extract_strided_slice %get3A_602 {offsets = [1], sizes = [1], strides = [1]} : vector<16xi32> to vector<1xi32>
      %squeeze3A_646 = vector.extract %slice3A_645[0] : i32 from vector<1xi32>
      %slice3A_647 = vector.extract_strided_slice %get3A_606 {offsets = [1], sizes = [1], strides = [1]} : vector<16xi32> to vector<1xi32>
      %squeeze3A_648 = vector.extract %slice3A_647[0] : i32 from vector<1xi32>
      %shift_right_arithmetic3A_649 = arith.constant 7 : i32
      %shift_right_arithmetic3A_650 = arith.shrsi %squeeze3A_646, %shift_right_arithmetic3A_649 : i32
      %mul3A_651 = arith.constant 128 : i32
      %mul3A_652 = arith.muli %shift_right_arithmetic3A_650, %mul3A_651 : i32
      %dma_start3A_653 = arith.constant 1 : i32
      %dma_start3A_654 = arith.constant 0 : i32
      %dma_start3A_655 = arith.constant 0 : i32
      %dma_start3A_656 = tpu.memref_slice %arg9[%dma_start3A_653, %dma_start3A_654, %dma_start3A_655] : memref<8x32x128xf32, #tpu.memory_space<vmem>> -> memref<1x32x128xf32, #tpu.memory_space<vmem>>
      %dma_start3A_657 = tpu.memref_squeeze %dma_start3A_656 : memref<1x32x128xf32, #tpu.memory_space<vmem>> -> memref<32x128xf32, #tpu.memory_space<vmem>>
      %dma_start3A_658 = arith.constant 0 : i32
      %dma_start3A_659 = tpu.memref_slice %arg4[%dma_start3A_658, %mul3A_652] : memref<32x1000000xf32, #tpu.memory_space<hbm>> -> memref<32x128xf32, #tpu.memory_space<hbm>>
      %dma_start3A_660 = arith.constant 0 : i32
      %dma_start3A_661 = arith.constant 0 : i32
      %dma_start3A_662 = tpu.memref_slice %arg9[%dma_start3A_653, %dma_start3A_660, %dma_start3A_661] : memref<8x32x128xf32, #tpu.memory_space<vmem>> -> memref<1x32x128xf32, #tpu.memory_space<vmem>>
      %dma_start3A_663 = tpu.memref_squeeze %dma_start3A_662 : memref<1x32x128xf32, #tpu.memory_space<vmem>> -> memref<32x128xf32, #tpu.memory_space<vmem>>
      %dma_start3A_664 = arith.constant 0 : i32
      %dma_start3A_665 = tpu.memref_slice %arg4[%dma_start3A_664, %mul3A_652] : memref<32x1000000xf32, #tpu.memory_space<hbm>> -> memref<32x128xf32, #tpu.memory_space<hbm>>
      tpu.enqueue_dma source(%dma_start3A_665 : memref<32x128xf32, #tpu.memory_space<hbm>>) target(%dma_start3A_663 : memref<32x128xf32, #tpu.memory_space<vmem>>) target_semaphore(%arg13 : memref<!tpu.dma_semaphore, #tpu.memory_space<semaphore_mem>>)
      %shift_right_arithmetic3A_666 = arith.constant 7 : i32
      %shift_right_arithmetic3A_667 = arith.shrsi %squeeze3A_648, %shift_right_arithmetic3A_666 : i32
      %mul3A_668 = arith.constant 128 : i32
      %mul3A_669 = arith.muli %shift_right_arithmetic3A_667, %mul3A_668 : i32
      %dma_start3A_670 = arith.constant 1 : i32
      %dma_start3A_671 = arith.constant 0 : i32
      %dma_start3A_672 = arith.constant 0 : i32
      %dma_start3A_673 = tpu.memref_slice %arg10[%dma_start3A_670, %dma_start3A_671, %dma_start3A_672] : memref<8x32x128xf32, #tpu.memory_space<vmem>> -> memref<1x32x128xf32, #tpu.memory_space<vmem>>
      %dma_start3A_674 = tpu.memref_squeeze %dma_start3A_673 : memref<1x32x128xf32, #tpu.memory_space<vmem>> -> memref<32x128xf32, #tpu.memory_space<vmem>>
      %dma_start3A_675 = arith.constant 0 : i32
      %dma_start3A_676 = tpu.memref_slice %arg5[%dma_start3A_675, %mul3A_669] : memref<32x1000000xf32, #tpu.memory_space<hbm>> -> memref<32x128xf32, #tpu.memory_space<hbm>>
      %dma_start3A_677 = arith.constant 0 : i32
      %dma_start3A_678 = arith.constant 0 : i32
      %dma_start3A_679 = tpu.memref_slice %arg10[%dma_start3A_670, %dma_start3A_677, %dma_start3A_678] : memref<8x32x128xf32, #tpu.memory_space<vmem>> -> memref<1x32x128xf32, #tpu.memory_space<vmem>>
      %dma_start3A_680 = tpu.memref_squeeze %dma_start3A_679 : memref<1x32x128xf32, #tpu.memory_space<vmem>> -> memref<32x128xf32, #tpu.memory_space<vmem>>
      %dma_start3A_681 = arith.constant 0 : i32
      %dma_start3A_682 = tpu.memref_slice %arg5[%dma_start3A_681, %mul3A_669] : memref<32x1000000xf32, #tpu.memory_space<hbm>> -> memref<32x128xf32, #tpu.memory_space<hbm>>
      tpu.enqueue_dma source(%dma_start3A_682 : memref<32x128xf32, #tpu.memory_space<hbm>>) target(%dma_start3A_680 : memref<32x128xf32, #tpu.memory_space<vmem>>) target_semaphore(%arg14 : memref<!tpu.dma_semaphore, #tpu.memory_space<semaphore_mem>>)
      %gt3A_683 = arith.constant 0 : i32
      %gt3A_684 = arith.cmpi sgt, %scan3A_597, %gt3A_683 : i32
      %convert_element_type3A_685 = arith.extui %gt3A_684 : i1 to i32
      %cond3A_686 = arith.constant 0 : i32
      %cond3A_687 = arith.cmpi ne, %convert_element_type3A_685, %cond3A_686 : i32
      scf.if %cond3A_687 {
        %sub3A = arith.constant 1 : i32
        %sub3A_2055 = arith.subi %scan3A_597, %sub3A : i32
        %mul3A_2056 = arith.constant 16 : i32
        %mul3A_2057 = arith.muli %sub3A_2055, %mul3A_2056 : i32
        %add3A_2058 = arith.constant 10 : i32
        %add3A_2059 = arith.addi %mul3A_2057, %add3A_2058 : i32
        %slice3A_2060 = vector.extract_strided_slice %scan3A_598 {offsets = [10], sizes = [1], strides = [1]} : vector<16xi32> to vector<1xi32>
        %squeeze3A_2061 = vector.extract %slice3A_2060[0] : i32 from vector<1xi32>
        %slice3A_2062 = vector.extract_strided_slice %scan3A_599 {offsets = [10], sizes = [1], strides = [1]} : vector<16xi32> to vector<1xi32>
        %squeeze3A_2063 = vector.extract %slice3A_2062[0] : i32 from vector<1xi32>
        %dma_wait3A_2064 = arith.constant 2 : i32
        %dma_wait3A_2065 = arith.constant 0 : i32
        %dma_wait3A_2066 = arith.constant 0 : i32
        %dma_wait3A_2067 = tpu.memref_slice %arg9[%dma_wait3A_2064, %dma_wait3A_2065, %dma_wait3A_2066] : memref<8x32x128xf32, #tpu.memory_space<vmem>> -> memref<1x32x128xf32, #tpu.memory_space<vmem>>
        %dma_wait3A_2068 = tpu.memref_squeeze %dma_wait3A_2067 : memref<1x32x128xf32, #tpu.memory_space<vmem>> -> memref<32x128xf32, #tpu.memory_space<vmem>>
        %dma_wait3A_2069 = arith.constant 0 : i32
        %dma_wait3A_2070 = arith.constant 0 : i32
        %dma_wait3A_2071 = tpu.memref_slice %arg4[%dma_wait3A_2069, %dma_wait3A_2070] : memref<32x1000000xf32, #tpu.memory_space<hbm>> -> memref<32x128xf32, #tpu.memory_space<hbm>>
        %dma_wait3A_2072 = arith.constant 0 : i32
        %dma_wait3A_2073 = arith.constant 0 : i32
        %dma_wait3A_2074 = tpu.memref_slice %arg9[%dma_wait3A_2064, %dma_wait3A_2072, %dma_wait3A_2073] : memref<8x32x128xf32, #tpu.memory_space<vmem>> -> memref<1x32x128xf32, #tpu.memory_space<vmem>>
        %dma_wait3A_2075 = tpu.memref_squeeze %dma_wait3A_2074 : memref<1x32x128xf32, #tpu.memory_space<vmem>> -> memref<32x128xf32, #tpu.memory_space<vmem>>
        %dma_wait3A_2076 = arith.constant 0 : i32
        %dma_wait3A_2077 = arith.constant 0 : i32
        %dma_wait3A_2078 = tpu.memref_slice %arg4[%dma_wait3A_2076, %dma_wait3A_2077] : memref<32x1000000xf32, #tpu.memory_space<hbm>> -> memref<32x128xf32, #tpu.memory_space<hbm>>
        tpu.wait_dma2 semaphore(%arg13 : memref<!tpu.dma_semaphore, #tpu.memory_space<semaphore_mem>>) src(%dma_wait3A_2078 : memref<32x128xf32, #tpu.memory_space<hbm>>) dst(%dma_wait3A_2075 : memref<32x128xf32, #tpu.memory_space<vmem>>)
        %dma_wait3A_2079 = arith.constant 2 : i32
        %dma_wait3A_2080 = arith.constant 0 : i32
        %dma_wait3A_2081 = arith.constant 0 : i32
        %dma_wait3A_2082 = tpu.memref_slice %arg10[%dma_wait3A_2079, %dma_wait3A_2080, %dma_wait3A_2081] : memref<8x32x128xf32, #tpu.memory_space<vmem>> -> memref<1x32x128xf32, #tpu.memory_space<vmem>>
        %dma_wait3A_2083 = tpu.memref_squeeze %dma_wait3A_2082 : memref<1x32x128xf32, #tpu.memory_space<vmem>> -> memref<32x128xf32, #tpu.memory_space<vmem>>
        %dma_wait3A_2084 = arith.constant 0 : i32
        %dma_wait3A_2085 = arith.constant 0 : i32
        %dma_wait3A_2086 = tpu.memref_slice %arg5[%dma_wait3A_2084, %dma_wait3A_2085] : memref<32x1000000xf32, #tpu.memory_space<hbm>> -> memref<32x128xf32, #tpu.memory_space<hbm>>
        %dma_wait3A_2087 = arith.constant 0 : i32
        %dma_wait3A_2088 = arith.constant 0 : i32
        %dma_wait3A_2089 = tpu.memref_slice %arg10[%dma_wait3A_2079, %dma_wait3A_2087, %dma_wait3A_2088] : memref<8x32x128xf32, #tpu.memory_space<vmem>> -> memref<1x32x128xf32, #tpu.memory_space<vmem>>
        %dma_wait3A_2090 = tpu.memref_squeeze %dma_wait3A_2089 : memref<1x32x128xf32, #tpu.memory_space<vmem>> -> memref<32x128xf32, #tpu.memory_space<vmem>>
        %dma_wait3A_2091 = arith.constant 0 : i32
        %dma_wait3A_2092 = arith.constant 0 : i32
        %dma_wait3A_2093 = tpu.memref_slice %arg5[%dma_wait3A_2091, %dma_wait3A_2092] : memref<32x1000000xf32, #tpu.memory_space<hbm>> -> memref<32x128xf32, #tpu.memory_space<hbm>>
        tpu.wait_dma2 semaphore(%arg14 : memref<!tpu.dma_semaphore, #tpu.memory_space<semaphore_mem>>) src(%dma_wait3A_2093 : memref<32x128xf32, #tpu.memory_space<hbm>>) dst(%dma_wait3A_2090 : memref<32x128xf32, #tpu.memory_space<vmem>>)
        %broadcast_in_dim3A_2094 = arith.constant 0 : i32
        %broadcast_in_dim3A_2095 = vector.broadcast %broadcast_in_dim3A_2094 : i32 to vector<16xi32>
        %and3A_2096 = arith.constant 127 : i32
        %and3A_2097 = arith.andi %squeeze3A_2061, %and3A_2096 : i32
        %add3A_2098 = vector.broadcast %and3A_2097 : i32 to vector<16xi32>
        %add3A_2099 = arith.addi %broadcast_in_dim3A_2095, %add3A_2098 : vector<16xi32>
        %broadcast_in_dim3A_2100 = arith.constant 0 : i32
        %broadcast_in_dim3A_2101 = vector.broadcast %broadcast_in_dim3A_2100 : i32 to vector<16xi32>
        %and3A_2102 = arith.constant 127 : i32
        %and3A_2103 = arith.andi %squeeze3A_2063, %and3A_2102 : i32
        %add3A_2104 = vector.broadcast %and3A_2103 : i32 to vector<16xi32>
        %add3A_2105 = arith.addi %broadcast_in_dim3A_2101, %add3A_2104 : vector<16xi32>
        %broadcast_in_dim3A_2106 = arith.constant 0.000000e+00 : f32
        %broadcast_in_dim3A_2107 = vector.broadcast %broadcast_in_dim3A_2106 : f32 to vector<16xf32>
        %add3A_2108 = arith.constant 0 : i32
        %add3A_2109 = vector.broadcast %add3A_2108 : i32 to vector<16xi32>
        %add3A_2110 = arith.addi %iota3A, %add3A_2109 : vector<16xi32>
        %gather3A_2111 = arith.constant 2 : i32
        %gather3A_2112 = arith.constant 0 : i32
        %gather3A_2113 = arith.constant 0 : i32
        %gather3A_2114 = tpu.memref_slice %arg9[%gather3A_2111, %gather3A_2112, %gather3A_2113] : memref<8x32x128xf32, #tpu.memory_space<vmem>> -> memref<1x32x128xf32, #tpu.memory_space<vmem>>
        %gather3A_2115 = tpu.memref_squeeze %gather3A_2114 : memref<1x32x128xf32, #tpu.memory_space<vmem>> -> memref<32x128xf32, #tpu.memory_space<vmem>>
        %gather3A_2116 = tpu.vector_load_idx %gather3A_2115[%add3A_2110, %add3A_2099] : memref<32x128xf32, #tpu.memory_space<vmem>>[vector<16xi32>, vector<16xi32>], vector<16xf32>,
        %gather3A_2117 = arith.constant 2 : i32
        %gather3A_2118 = arith.constant 0 : i32
        %gather3A_2119 = arith.constant 0 : i32
        %gather3A_2120 = tpu.memref_slice %arg10[%gather3A_2117, %gather3A_2118, %gather3A_2119] : memref<8x32x128xf32, #tpu.memory_space<vmem>> -> memref<1x32x128xf32, #tpu.memory_space<vmem>>
        %gather3A_2121 = tpu.memref_squeeze %gather3A_2120 : memref<1x32x128xf32, #tpu.memory_space<vmem>> -> memref<32x128xf32, #tpu.memory_space<vmem>>
        %gather3A_2122 = tpu.vector_load_idx %gather3A_2121[%add3A_2110, %add3A_2105] : memref<32x128xf32, #tpu.memory_space<vmem>>[vector<16xi32>, vector<16xi32>], vector<16xf32>,
        %mul3A_2123 = arith.mulf %gather3A_2116, %gather3A_2122 : vector<16xf32>
        %add3A_2124 = arith.addf %broadcast_in_dim3A_2107, %mul3A_2123 : vector<16xf32>
        %add3A_2125 = arith.constant 16 : i32
        %add3A_2126 = vector.broadcast %add3A_2125 : i32 to vector<16xi32>
        %add3A_2127 = arith.addi %iota3A, %add3A_2126 : vector<16xi32>
        %gather3A_2128 = arith.constant 2 : i32
        %gather3A_2129 = arith.constant 0 : i32
        %gather3A_2130 = arith.constant 0 : i32
        %gather3A_2131 = tpu.memref_slice %arg9[%gather3A_2128, %gather3A_2129, %gather3A_2130] : memref<8x32x128xf32, #tpu.memory_space<vmem>> -> memref<1x32x128xf32, #tpu.memory_space<vmem>>
        %gather3A_2132 = tpu.memref_squeeze %gather3A_2131 : memref<1x32x128xf32, #tpu.memory_space<vmem>> -> memref<32x128xf32, #tpu.memory_space<vmem>>
        %gather3A_2133 = tpu.vector_load_idx %gather3A_2132[%add3A_2127, %add3A_2099] : memref<32x128xf32, #tpu.memory_space<vmem>>[vector<16xi32>, vector<16xi32>], vector<16xf32>,
        %gather3A_2134 = arith.constant 2 : i32
        %gather3A_2135 = arith.constant 0 : i32
        %gather3A_2136 = arith.constant 0 : i32
        %gather3A_2137 = tpu.memref_slice %arg10[%gather3A_2134, %gather3A_2135, %gather3A_2136] : memref<8x32x128xf32, #tpu.memory_space<vmem>> -> memref<1x32x128xf32, #tpu.memory_space<vmem>>
        %gather3A_2138 = tpu.memref_squeeze %gather3A_2137 : memref<1x32x128xf32, #tpu.memory_space<vmem>> -> memref<32x128xf32, #tpu.memory_space<vmem>>
        %gather3A_2139 = tpu.vector_load_idx %gather3A_2138[%add3A_2127, %add3A_2105] : memref<32x128xf32, #tpu.memory_space<vmem>>[vector<16xi32>, vector<16xi32>], vector<16xf32>,
        %mul3A_2140 = arith.mulf %gather3A_2133, %gather3A_2139 : vector<16xf32>
        %add3A_2141 = arith.addf %add3A_2124, %mul3A_2140 : vector<16xf32>
        %mul3A_2142 = arith.constant 16 : i32
        %mul3A_2143 = arith.muli %add3A_2059, %mul3A_2142 : i32
        %swap3A_2144 = arith.index_cast %mul3A_2143 : i32 to index
        %swap3A_2145 = tpu.vector_load %arg11[%swap3A_2144] {strides = array<i32>} : memref<8192xf32, #tpu.memory_space<vmem>>, vector<16xf32>,
        tpu.vector_store %arg11[%swap3A_2144], %add3A_2141 {strides = array<i32>} : memref<8192xf32, #tpu.memory_space<vmem>>, vector<16xf32>,
      } else {
      }
      %slice3A_688 = vector.extract_strided_slice %get3A_602 {offsets = [2], sizes = [1], strides = [1]} : vector<16xi32> to vector<1xi32>
      %squeeze3A_689 = vector.extract %slice3A_688[0] : i32 from vector<1xi32>
      %slice3A_690 = vector.extract_strided_slice %get3A_606 {offsets = [2], sizes = [1], strides = [1]} : vector<16xi32> to vector<1xi32>
      %squeeze3A_691 = vector.extract %slice3A_690[0] : i32 from vector<1xi32>
      %shift_right_arithmetic3A_692 = arith.constant 7 : i32
      %shift_right_arithmetic3A_693 = arith.shrsi %squeeze3A_689, %shift_right_arithmetic3A_692 : i32
      %mul3A_694 = arith.constant 128 : i32
      %mul3A_695 = arith.muli %shift_right_arithmetic3A_693, %mul3A_694 : i32
      %dma_start3A_696 = arith.constant 2 : i32
      %dma_start3A_697 = arith.constant 0 : i32
      %dma_start3A_698 = arith.constant 0 : i32
      %dma_start3A_699 = tpu.memref_slice %arg9[%dma_start3A_696, %dma_start3A_697, %dma_start3A_698] : memref<8x32x128xf32, #tpu.memory_space<vmem>> -> memref<1x32x128xf32, #tpu.memory_space<vmem>>
      %dma_start3A_700 = tpu.memref_squeeze %dma_start3A_699 : memref<1x32x128xf32, #tpu.memory_space<vmem>> -> memref<32x128xf32, #tpu.memory_space<vmem>>
      %dma_start3A_701 = arith.constant 0 : i32
      %dma_start3A_702 = tpu.memref_slice %arg4[%dma_start3A_701, %mul3A_695] : memref<32x1000000xf32, #tpu.memory_space<hbm>> -> memref<32x128xf32, #tpu.memory_space<hbm>>
      %dma_start3A_703 = arith.constant 0 : i32
      %dma_start3A_704 = arith.constant 0 : i32
      %dma_start3A_705 = tpu.memref_slice %arg9[%dma_start3A_696, %dma_start3A_703, %dma_start3A_704] : memref<8x32x128xf32, #tpu.memory_space<vmem>> -> memref<1x32x128xf32, #tpu.memory_space<vmem>>
      %dma_start3A_706 = tpu.memref_squeeze %dma_start3A_705 : memref<1x32x128xf32, #tpu.memory_space<vmem>> -> memref<32x128xf32, #tpu.memory_space<vmem>>
      %dma_start3A_707 = arith.constant 0 : i32
      %dma_start3A_708 = tpu.memref_slice %arg4[%dma_start3A_707, %mul3A_695] : memref<32x1000000xf32, #tpu.memory_space<hbm>> -> memref<32x128xf32, #tpu.memory_space<hbm>>
      tpu.enqueue_dma source(%dma_start3A_708 : memref<32x128xf32, #tpu.memory_space<hbm>>) target(%dma_start3A_706 : memref<32x128xf32, #tpu.memory_space<vmem>>) target_semaphore(%arg13 : memref<!tpu.dma_semaphore, #tpu.memory_space<semaphore_mem>>)
      %shift_right_arithmetic3A_709 = arith.constant 7 : i32
      %shift_right_arithmetic3A_710 = arith.shrsi %squeeze3A_691, %shift_right_arithmetic3A_709 : i32
      %mul3A_711 = arith.constant 128 : i32
      %mul3A_712 = arith.muli %shift_right_arithmetic3A_710, %mul3A_711 : i32
      %dma_start3A_713 = arith.constant 2 : i32
      %dma_start3A_714 = arith.constant 0 : i32
      %dma_start3A_715 = arith.constant 0 : i32
      %dma_start3A_716 = tpu.memref_slice %arg10[%dma_start3A_713, %dma_start3A_714, %dma_start3A_715] : memref<8x32x128xf32, #tpu.memory_space<vmem>> -> memref<1x32x128xf32, #tpu.memory_space<vmem>>
      %dma_start3A_717 = tpu.memref_squeeze %dma_start3A_716 : memref<1x32x128xf32, #tpu.memory_space<vmem>> -> memref<32x128xf32, #tpu.memory_space<vmem>>
      %dma_start3A_718 = arith.constant 0 : i32
      %dma_start3A_719 = tpu.memref_slice %arg5[%dma_start3A_718, %mul3A_712] : memref<32x1000000xf32, #tpu.memory_space<hbm>> -> memref<32x128xf32, #tpu.memory_space<hbm>>
      %dma_start3A_720 = arith.constant 0 : i32
      %dma_start3A_721 = arith.constant 0 : i32
      %dma_start3A_722 = tpu.memref_slice %arg10[%dma_start3A_713, %dma_start3A_720, %dma_start3A_721] : memref<8x32x128xf32, #tpu.memory_space<vmem>> -> memref<1x32x128xf32, #tpu.memory_space<vmem>>
      %dma_start3A_723 = tpu.memref_squeeze %dma_start3A_722 : memref<1x32x128xf32, #tpu.memory_space<vmem>> -> memref<32x128xf32, #tpu.memory_space<vmem>>
      %dma_start3A_724 = arith.constant 0 : i32
      %dma_start3A_725 = tpu.memref_slice %arg5[%dma_start3A_724, %mul3A_712] : memref<32x1000000xf32, #tpu.memory_space<hbm>> -> memref<32x128xf32, #tpu.memory_space<hbm>>
      tpu.enqueue_dma source(%dma_start3A_725 : memref<32x128xf32, #tpu.memory_space<hbm>>) target(%dma_start3A_723 : memref<32x128xf32, #tpu.memory_space<vmem>>) target_semaphore(%arg14 : memref<!tpu.dma_semaphore, #tpu.memory_space<semaphore_mem>>)
      %gt3A_726 = arith.constant 0 : i32
      %gt3A_727 = arith.cmpi sgt, %scan3A_597, %gt3A_726 : i32
      %convert_element_type3A_728 = arith.extui %gt3A_727 : i1 to i32
      %cond3A_729 = arith.constant 0 : i32
      %cond3A_730 = arith.cmpi ne, %convert_element_type3A_728, %cond3A_729 : i32
      scf.if %cond3A_730 {
        %sub3A = arith.constant 1 : i32
        %sub3A_2055 = arith.subi %scan3A_597, %sub3A : i32
        %mul3A_2056 = arith.constant 16 : i32
        %mul3A_2057 = arith.muli %sub3A_2055, %mul3A_2056 : i32
        %add3A_2058 = arith.constant 11 : i32
        %add3A_2059 = arith.addi %mul3A_2057, %add3A_2058 : i32
        %slice3A_2060 = vector.extract_strided_slice %scan3A_598 {offsets = [11], sizes = [1], strides = [1]} : vector<16xi32> to vector<1xi32>
        %squeeze3A_2061 = vector.extract %slice3A_2060[0] : i32 from vector<1xi32>
        %slice3A_2062 = vector.extract_strided_slice %scan3A_599 {offsets = [11], sizes = [1], strides = [1]} : vector<16xi32> to vector<1xi32>
        %squeeze3A_2063 = vector.extract %slice3A_2062[0] : i32 from vector<1xi32>
        %dma_wait3A_2064 = arith.constant 3 : i32
        %dma_wait3A_2065 = arith.constant 0 : i32
        %dma_wait3A_2066 = arith.constant 0 : i32
        %dma_wait3A_2067 = tpu.memref_slice %arg9[%dma_wait3A_2064, %dma_wait3A_2065, %dma_wait3A_2066] : memref<8x32x128xf32, #tpu.memory_space<vmem>> -> memref<1x32x128xf32, #tpu.memory_space<vmem>>
        %dma_wait3A_2068 = tpu.memref_squeeze %dma_wait3A_2067 : memref<1x32x128xf32, #tpu.memory_space<vmem>> -> memref<32x128xf32, #tpu.memory_space<vmem>>
        %dma_wait3A_2069 = arith.constant 0 : i32
        %dma_wait3A_2070 = arith.constant 0 : i32
        %dma_wait3A_2071 = tpu.memref_slice %arg4[%dma_wait3A_2069, %dma_wait3A_2070] : memref<32x1000000xf32, #tpu.memory_space<hbm>> -> memref<32x128xf32, #tpu.memory_space<hbm>>
        %dma_wait3A_2072 = arith.constant 0 : i32
        %dma_wait3A_2073 = arith.constant 0 : i32
        %dma_wait3A_2074 = tpu.memref_slice %arg9[%dma_wait3A_2064, %dma_wait3A_2072, %dma_wait3A_2073] : memref<8x32x128xf32, #tpu.memory_space<vmem>> -> memref<1x32x128xf32, #tpu.memory_space<vmem>>
        %dma_wait3A_2075 = tpu.memref_squeeze %dma_wait3A_2074 : memref<1x32x128xf32, #tpu.memory_space<vmem>> -> memref<32x128xf32, #tpu.memory_space<vmem>>
        %dma_wait3A_2076 = arith.constant 0 : i32
        %dma_wait3A_2077 = arith.constant 0 : i32
        %dma_wait3A_2078 = tpu.memref_slice %arg4[%dma_wait3A_2076, %dma_wait3A_2077] : memref<32x1000000xf32, #tpu.memory_space<hbm>> -> memref<32x128xf32, #tpu.memory_space<hbm>>
        tpu.wait_dma2 semaphore(%arg13 : memref<!tpu.dma_semaphore, #tpu.memory_space<semaphore_mem>>) src(%dma_wait3A_2078 : memref<32x128xf32, #tpu.memory_space<hbm>>) dst(%dma_wait3A_2075 : memref<32x128xf32, #tpu.memory_space<vmem>>)
        %dma_wait3A_2079 = arith.constant 3 : i32
        %dma_wait3A_2080 = arith.constant 0 : i32
        %dma_wait3A_2081 = arith.constant 0 : i32
        %dma_wait3A_2082 = tpu.memref_slice %arg10[%dma_wait3A_2079, %dma_wait3A_2080, %dma_wait3A_2081] : memref<8x32x128xf32, #tpu.memory_space<vmem>> -> memref<1x32x128xf32, #tpu.memory_space<vmem>>
        %dma_wait3A_2083 = tpu.memref_squeeze %dma_wait3A_2082 : memref<1x32x128xf32, #tpu.memory_space<vmem>> -> memref<32x128xf32, #tpu.memory_space<vmem>>
        %dma_wait3A_2084 = arith.constant 0 : i32
        %dma_wait3A_2085 = arith.constant 0 : i32
        %dma_wait3A_2086 = tpu.memref_slice %arg5[%dma_wait3A_2084, %dma_wait3A_2085] : memref<32x1000000xf32, #tpu.memory_space<hbm>> -> memref<32x128xf32, #tpu.memory_space<hbm>>
        %dma_wait3A_2087 = arith.constant 0 : i32
        %dma_wait3A_2088 = arith.constant 0 : i32
        %dma_wait3A_2089 = tpu.memref_slice %arg10[%dma_wait3A_2079, %dma_wait3A_2087, %dma_wait3A_2088] : memref<8x32x128xf32, #tpu.memory_space<vmem>> -> memref<1x32x128xf32, #tpu.memory_space<vmem>>
        %dma_wait3A_2090 = tpu.memref_squeeze %dma_wait3A_2089 : memref<1x32x128xf32, #tpu.memory_space<vmem>> -> memref<32x128xf32, #tpu.memory_space<vmem>>
        %dma_wait3A_2091 = arith.constant 0 : i32
        %dma_wait3A_2092 = arith.constant 0 : i32
        %dma_wait3A_2093 = tpu.memref_slice %arg5[%dma_wait3A_2091, %dma_wait3A_2092] : memref<32x1000000xf32, #tpu.memory_space<hbm>> -> memref<32x128xf32, #tpu.memory_space<hbm>>
        tpu.wait_dma2 semaphore(%arg14 : memref<!tpu.dma_semaphore, #tpu.memory_space<semaphore_mem>>) src(%dma_wait3A_2093 : memref<32x128xf32, #tpu.memory_space<hbm>>) dst(%dma_wait3A_2090 : memref<32x128xf32, #tpu.memory_space<vmem>>)
        %broadcast_in_dim3A_2094 = arith.constant 0 : i32
        %broadcast_in_dim3A_2095 = vector.broadcast %broadcast_in_dim3A_2094 : i32 to vector<16xi32>
        %and3A_2096 = arith.constant 127 : i32
        %and3A_2097 = arith.andi %squeeze3A_2061, %and3A_2096 : i32
        %add3A_2098 = vector.broadcast %and3A_2097 : i32 to vector<16xi32>
        %add3A_2099 = arith.addi %broadcast_in_dim3A_2095, %add3A_2098 : vector<16xi32>
        %broadcast_in_dim3A_2100 = arith.constant 0 : i32
        %broadcast_in_dim3A_2101 = vector.broadcast %broadcast_in_dim3A_2100 : i32 to vector<16xi32>
        %and3A_2102 = arith.constant 127 : i32
        %and3A_2103 = arith.andi %squeeze3A_2063, %and3A_2102 : i32
        %add3A_2104 = vector.broadcast %and3A_2103 : i32 to vector<16xi32>
        %add3A_2105 = arith.addi %broadcast_in_dim3A_2101, %add3A_2104 : vector<16xi32>
        %broadcast_in_dim3A_2106 = arith.constant 0.000000e+00 : f32
        %broadcast_in_dim3A_2107 = vector.broadcast %broadcast_in_dim3A_2106 : f32 to vector<16xf32>
        %add3A_2108 = arith.constant 0 : i32
        %add3A_2109 = vector.broadcast %add3A_2108 : i32 to vector<16xi32>
        %add3A_2110 = arith.addi %iota3A, %add3A_2109 : vector<16xi32>
        %gather3A_2111 = arith.constant 3 : i32
        %gather3A_2112 = arith.constant 0 : i32
        %gather3A_2113 = arith.constant 0 : i32
        %gather3A_2114 = tpu.memref_slice %arg9[%gather3A_2111, %gather3A_2112, %gather3A_2113] : memref<8x32x128xf32, #tpu.memory_space<vmem>> -> memref<1x32x128xf32, #tpu.memory_space<vmem>>
        %gather3A_2115 = tpu.memref_squeeze %gather3A_2114 : memref<1x32x128xf32, #tpu.memory_space<vmem>> -> memref<32x128xf32, #tpu.memory_space<vmem>>
        %gather3A_2116 = tpu.vector_load_idx %gather3A_2115[%add3A_2110, %add3A_2099] : memref<32x128xf32, #tpu.memory_space<vmem>>[vector<16xi32>, vector<16xi32>], vector<16xf32>,
        %gather3A_2117 = arith.constant 3 : i32
        %gather3A_2118 = arith.constant 0 : i32
        %gather3A_2119 = arith.constant 0 : i32
        %gather3A_2120 = tpu.memref_slice %arg10[%gather3A_2117, %gather3A_2118, %gather3A_2119] : memref<8x32x128xf32, #tpu.memory_space<vmem>> -> memref<1x32x128xf32, #tpu.memory_space<vmem>>
        %gather3A_2121 = tpu.memref_squeeze %gather3A_2120 : memref<1x32x128xf32, #tpu.memory_space<vmem>> -> memref<32x128xf32, #tpu.memory_space<vmem>>
        %gather3A_2122 = tpu.vector_load_idx %gather3A_2121[%add3A_2110, %add3A_2105] : memref<32x128xf32, #tpu.memory_space<vmem>>[vector<16xi32>, vector<16xi32>], vector<16xf32>,
        %mul3A_2123 = arith.mulf %gather3A_2116, %gather3A_2122 : vector<16xf32>
        %add3A_2124 = arith.addf %broadcast_in_dim3A_2107, %mul3A_2123 : vector<16xf32>
        %add3A_2125 = arith.constant 16 : i32
        %add3A_2126 = vector.broadcast %add3A_2125 : i32 to vector<16xi32>
        %add3A_2127 = arith.addi %iota3A, %add3A_2126 : vector<16xi32>
        %gather3A_2128 = arith.constant 3 : i32
        %gather3A_2129 = arith.constant 0 : i32
        %gather3A_2130 = arith.constant 0 : i32
        %gather3A_2131 = tpu.memref_slice %arg9[%gather3A_2128, %gather3A_2129, %gather3A_2130] : memref<8x32x128xf32, #tpu.memory_space<vmem>> -> memref<1x32x128xf32, #tpu.memory_space<vmem>>
        %gather3A_2132 = tpu.memref_squeeze %gather3A_2131 : memref<1x32x128xf32, #tpu.memory_space<vmem>> -> memref<32x128xf32, #tpu.memory_space<vmem>>
        %gather3A_2133 = tpu.vector_load_idx %gather3A_2132[%add3A_2127, %add3A_2099] : memref<32x128xf32, #tpu.memory_space<vmem>>[vector<16xi32>, vector<16xi32>], vector<16xf32>,
        %gather3A_2134 = arith.constant 3 : i32
        %gather3A_2135 = arith.constant 0 : i32
        %gather3A_2136 = arith.constant 0 : i32
        %gather3A_2137 = tpu.memref_slice %arg10[%gather3A_2134, %gather3A_2135, %gather3A_2136] : memref<8x32x128xf32, #tpu.memory_space<vmem>> -> memref<1x32x128xf32, #tpu.memory_space<vmem>>
        %gather3A_2138 = tpu.memref_squeeze %gather3A_2137 : memref<1x32x128xf32, #tpu.memory_space<vmem>> -> memref<32x128xf32, #tpu.memory_space<vmem>>
        %gather3A_2139 = tpu.vector_load_idx %gather3A_2138[%add3A_2127, %add3A_2105] : memref<32x128xf32, #tpu.memory_space<vmem>>[vector<16xi32>, vector<16xi32>], vector<16xf32>,
        %mul3A_2140 = arith.mulf %gather3A_2133, %gather3A_2139 : vector<16xf32>
        %add3A_2141 = arith.addf %add3A_2124, %mul3A_2140 : vector<16xf32>
        %mul3A_2142 = arith.constant 16 : i32
        %mul3A_2143 = arith.muli %add3A_2059, %mul3A_2142 : i32
        %swap3A_2144 = arith.index_cast %mul3A_2143 : i32 to index
        %swap3A_2145 = tpu.vector_load %arg11[%swap3A_2144] {strides = array<i32>} : memref<8192xf32, #tpu.memory_space<vmem>>, vector<16xf32>,
        tpu.vector_store %arg11[%swap3A_2144], %add3A_2141 {strides = array<i32>} : memref<8192xf32, #tpu.memory_space<vmem>>, vector<16xf32>,
      } else {
      }
      %slice3A_731 = vector.extract_strided_slice %get3A_602 {offsets = [3], sizes = [1], strides = [1]} : vector<16xi32> to vector<1xi32>
      %squeeze3A_732 = vector.extract %slice3A_731[0] : i32 from vector<1xi32>
      %slice3A_733 = vector.extract_strided_slice %get3A_606 {offsets = [3], sizes = [1], strides = [1]} : vector<16xi32> to vector<1xi32>
      %squeeze3A_734 = vector.extract %slice3A_733[0] : i32 from vector<1xi32>
      %shift_right_arithmetic3A_735 = arith.constant 7 : i32
      %shift_right_arithmetic3A_736 = arith.shrsi %squeeze3A_732, %shift_right_arithmetic3A_735 : i32
      %mul3A_737 = arith.constant 128 : i32
      %mul3A_738 = arith.muli %shift_right_arithmetic3A_736, %mul3A_737 : i32
      %dma_start3A_739 = arith.constant 3 : i32
      %dma_start3A_740 = arith.constant 0 : i32
      %dma_start3A_741 = arith.constant 0 : i32
      %dma_start3A_742 = tpu.memref_slice %arg9[%dma_start3A_739, %dma_start3A_740, %dma_start3A_741] : memref<8x32x128xf32, #tpu.memory_space<vmem>> -> memref<1x32x128xf32, #tpu.memory_space<vmem>>
      %dma_start3A_743 = tpu.memref_squeeze %dma_start3A_742 : memref<1x32x128xf32, #tpu.memory_space<vmem>> -> memref<32x128xf32, #tpu.memory_space<vmem>>
      %dma_start3A_744 = arith.constant 0 : i32
      %dma_start3A_745 = tpu.memref_slice %arg4[%dma_start3A_744, %mul3A_738] : memref<32x1000000xf32, #tpu.memory_space<hbm>> -> memref<32x128xf32, #tpu.memory_space<hbm>>
      %dma_start3A_746 = arith.constant 0 : i32
      %dma_start3A_747 = arith.constant 0 : i32
      %dma_start3A_748 = tpu.memref_slice %arg9[%dma_start3A_739, %dma_start3A_746, %dma_start3A_747] : memref<8x32x128xf32, #tpu.memory_space<vmem>> -> memref<1x32x128xf32, #tpu.memory_space<vmem>>
      %dma_start3A_749 = tpu.memref_squeeze %dma_start3A_748 : memref<1x32x128xf32, #tpu.memory_space<vmem>> -> memref<32x128xf32, #tpu.memory_space<vmem>>
      %dma_start3A_750 = arith.constant 0 : i32
      %dma_start3A_751 = tpu.memref_slice %arg4[%dma_start3A_750, %mul3A_738] : memref<32x1000000xf32, #tpu.memory_space<hbm>> -> memref<32x128xf32, #tpu.memory_space<hbm>>
      tpu.enqueue_dma source(%dma_start3A_751 : memref<32x128xf32, #tpu.memory_space<hbm>>) target(%dma_start3A_749 : memref<32x128xf32, #tpu.memory_space<vmem>>) target_semaphore(%arg13 : memref<!tpu.dma_semaphore, #tpu.memory_space<semaphore_mem>>)
      %shift_right_arithmetic3A_752 = arith.constant 7 : i32
      %shift_right_arithmetic3A_753 = arith.shrsi %squeeze3A_734, %shift_right_arithmetic3A_752 : i32
      %mul3A_754 = arith.constant 128 : i32
      %mul3A_755 = arith.muli %shift_right_arithmetic3A_753, %mul3A_754 : i32
      %dma_start3A_756 = arith.constant 3 : i32
      %dma_start3A_757 = arith.constant 0 : i32
      %dma_start3A_758 = arith.constant 0 : i32
      %dma_start3A_759 = tpu.memref_slice %arg10[%dma_start3A_756, %dma_start3A_757, %dma_start3A_758] : memref<8x32x128xf32, #tpu.memory_space<vmem>> -> memref<1x32x128xf32, #tpu.memory_space<vmem>>
      %dma_start3A_760 = tpu.memref_squeeze %dma_start3A_759 : memref<1x32x128xf32, #tpu.memory_space<vmem>> -> memref<32x128xf32, #tpu.memory_space<vmem>>
      %dma_start3A_761 = arith.constant 0 : i32
      %dma_start3A_762 = tpu.memref_slice %arg5[%dma_start3A_761, %mul3A_755] : memref<32x1000000xf32, #tpu.memory_space<hbm>> -> memref<32x128xf32, #tpu.memory_space<hbm>>
      %dma_start3A_763 = arith.constant 0 : i32
      %dma_start3A_764 = arith.constant 0 : i32
      %dma_start3A_765 = tpu.memref_slice %arg10[%dma_start3A_756, %dma_start3A_763, %dma_start3A_764] : memref<8x32x128xf32, #tpu.memory_space<vmem>> -> memref<1x32x128xf32, #tpu.memory_space<vmem>>
      %dma_start3A_766 = tpu.memref_squeeze %dma_start3A_765 : memref<1x32x128xf32, #tpu.memory_space<vmem>> -> memref<32x128xf32, #tpu.memory_space<vmem>>
      %dma_start3A_767 = arith.constant 0 : i32
      %dma_start3A_768 = tpu.memref_slice %arg5[%dma_start3A_767, %mul3A_755] : memref<32x1000000xf32, #tpu.memory_space<hbm>> -> memref<32x128xf32, #tpu.memory_space<hbm>>
      tpu.enqueue_dma source(%dma_start3A_768 : memref<32x128xf32, #tpu.memory_space<hbm>>) target(%dma_start3A_766 : memref<32x128xf32, #tpu.memory_space<vmem>>) target_semaphore(%arg14 : memref<!tpu.dma_semaphore, #tpu.memory_space<semaphore_mem>>)
      %gt3A_769 = arith.constant 0 : i32
      %gt3A_770 = arith.cmpi sgt, %scan3A_597, %gt3A_769 : i32
      %convert_element_type3A_771 = arith.extui %gt3A_770 : i1 to i32
      %cond3A_772 = arith.constant 0 : i32
      %cond3A_773 = arith.cmpi ne, %convert_element_type3A_771, %cond3A_772 : i32
      scf.if %cond3A_773 {
        %sub3A = arith.constant 1 : i32
        %sub3A_2055 = arith.subi %scan3A_597, %sub3A : i32
        %mul3A_2056 = arith.constant 16 : i32
        %mul3A_2057 = arith.muli %sub3A_2055, %mul3A_2056 : i32
        %add3A_2058 = arith.constant 12 : i32
        %add3A_2059 = arith.addi %mul3A_2057, %add3A_2058 : i32
        %slice3A_2060 = vector.extract_strided_slice %scan3A_598 {offsets = [12], sizes = [1], strides = [1]} : vector<16xi32> to vector<1xi32>
        %squeeze3A_2061 = vector.extract %slice3A_2060[0] : i32 from vector<1xi32>
        %slice3A_2062 = vector.extract_strided_slice %scan3A_599 {offsets = [12], sizes = [1], strides = [1]} : vector<16xi32> to vector<1xi32>
        %squeeze3A_2063 = vector.extract %slice3A_2062[0] : i32 from vector<1xi32>
        %dma_wait3A_2064 = arith.constant 4 : i32
        %dma_wait3A_2065 = arith.constant 0 : i32
        %dma_wait3A_2066 = arith.constant 0 : i32
        %dma_wait3A_2067 = tpu.memref_slice %arg9[%dma_wait3A_2064, %dma_wait3A_2065, %dma_wait3A_2066] : memref<8x32x128xf32, #tpu.memory_space<vmem>> -> memref<1x32x128xf32, #tpu.memory_space<vmem>>
        %dma_wait3A_2068 = tpu.memref_squeeze %dma_wait3A_2067 : memref<1x32x128xf32, #tpu.memory_space<vmem>> -> memref<32x128xf32, #tpu.memory_space<vmem>>
        %dma_wait3A_2069 = arith.constant 0 : i32
        %dma_wait3A_2070 = arith.constant 0 : i32
        %dma_wait3A_2071 = tpu.memref_slice %arg4[%dma_wait3A_2069, %dma_wait3A_2070] : memref<32x1000000xf32, #tpu.memory_space<hbm>> -> memref<32x128xf32, #tpu.memory_space<hbm>>
        %dma_wait3A_2072 = arith.constant 0 : i32
        %dma_wait3A_2073 = arith.constant 0 : i32
        %dma_wait3A_2074 = tpu.memref_slice %arg9[%dma_wait3A_2064, %dma_wait3A_2072, %dma_wait3A_2073] : memref<8x32x128xf32, #tpu.memory_space<vmem>> -> memref<1x32x128xf32, #tpu.memory_space<vmem>>
        %dma_wait3A_2075 = tpu.memref_squeeze %dma_wait3A_2074 : memref<1x32x128xf32, #tpu.memory_space<vmem>> -> memref<32x128xf32, #tpu.memory_space<vmem>>
        %dma_wait3A_2076 = arith.constant 0 : i32
        %dma_wait3A_2077 = arith.constant 0 : i32
        %dma_wait3A_2078 = tpu.memref_slice %arg4[%dma_wait3A_2076, %dma_wait3A_2077] : memref<32x1000000xf32, #tpu.memory_space<hbm>> -> memref<32x128xf32, #tpu.memory_space<hbm>>
        tpu.wait_dma2 semaphore(%arg13 : memref<!tpu.dma_semaphore, #tpu.memory_space<semaphore_mem>>) src(%dma_wait3A_2078 : memref<32x128xf32, #tpu.memory_space<hbm>>) dst(%dma_wait3A_2075 : memref<32x128xf32, #tpu.memory_space<vmem>>)
        %dma_wait3A_2079 = arith.constant 4 : i32
        %dma_wait3A_2080 = arith.constant 0 : i32
        %dma_wait3A_2081 = arith.constant 0 : i32
        %dma_wait3A_2082 = tpu.memref_slice %arg10[%dma_wait3A_2079, %dma_wait3A_2080, %dma_wait3A_2081] : memref<8x32x128xf32, #tpu.memory_space<vmem>> -> memref<1x32x128xf32, #tpu.memory_space<vmem>>
        %dma_wait3A_2083 = tpu.memref_squeeze %dma_wait3A_2082 : memref<1x32x128xf32, #tpu.memory_space<vmem>> -> memref<32x128xf32, #tpu.memory_space<vmem>>
        %dma_wait3A_2084 = arith.constant 0 : i32
        %dma_wait3A_2085 = arith.constant 0 : i32
        %dma_wait3A_2086 = tpu.memref_slice %arg5[%dma_wait3A_2084, %dma_wait3A_2085] : memref<32x1000000xf32, #tpu.memory_space<hbm>> -> memref<32x128xf32, #tpu.memory_space<hbm>>
        %dma_wait3A_2087 = arith.constant 0 : i32
        %dma_wait3A_2088 = arith.constant 0 : i32
        %dma_wait3A_2089 = tpu.memref_slice %arg10[%dma_wait3A_2079, %dma_wait3A_2087, %dma_wait3A_2088] : memref<8x32x128xf32, #tpu.memory_space<vmem>> -> memref<1x32x128xf32, #tpu.memory_space<vmem>>
        %dma_wait3A_2090 = tpu.memref_squeeze %dma_wait3A_2089 : memref<1x32x128xf32, #tpu.memory_space<vmem>> -> memref<32x128xf32, #tpu.memory_space<vmem>>
        %dma_wait3A_2091 = arith.constant 0 : i32
        %dma_wait3A_2092 = arith.constant 0 : i32
        %dma_wait3A_2093 = tpu.memref_slice %arg5[%dma_wait3A_2091, %dma_wait3A_2092] : memref<32x1000000xf32, #tpu.memory_space<hbm>> -> memref<32x128xf32, #tpu.memory_space<hbm>>
        tpu.wait_dma2 semaphore(%arg14 : memref<!tpu.dma_semaphore, #tpu.memory_space<semaphore_mem>>) src(%dma_wait3A_2093 : memref<32x128xf32, #tpu.memory_space<hbm>>) dst(%dma_wait3A_2090 : memref<32x128xf32, #tpu.memory_space<vmem>>)
        %broadcast_in_dim3A_2094 = arith.constant 0 : i32
        %broadcast_in_dim3A_2095 = vector.broadcast %broadcast_in_dim3A_2094 : i32 to vector<16xi32>
        %and3A_2096 = arith.constant 127 : i32
        %and3A_2097 = arith.andi %squeeze3A_2061, %and3A_2096 : i32
        %add3A_2098 = vector.broadcast %and3A_2097 : i32 to vector<16xi32>
        %add3A_2099 = arith.addi %broadcast_in_dim3A_2095, %add3A_2098 : vector<16xi32>
        %broadcast_in_dim3A_2100 = arith.constant 0 : i32
        %broadcast_in_dim3A_2101 = vector.broadcast %broadcast_in_dim3A_2100 : i32 to vector<16xi32>
        %and3A_2102 = arith.constant 127 : i32
        %and3A_2103 = arith.andi %squeeze3A_2063, %and3A_2102 : i32
        %add3A_2104 = vector.broadcast %and3A_2103 : i32 to vector<16xi32>
        %add3A_2105 = arith.addi %broadcast_in_dim3A_2101, %add3A_2104 : vector<16xi32>
        %broadcast_in_dim3A_2106 = arith.constant 0.000000e+00 : f32
        %broadcast_in_dim3A_2107 = vector.broadcast %broadcast_in_dim3A_2106 : f32 to vector<16xf32>
        %add3A_2108 = arith.constant 0 : i32
        %add3A_2109 = vector.broadcast %add3A_2108 : i32 to vector<16xi32>
        %add3A_2110 = arith.addi %iota3A, %add3A_2109 : vector<16xi32>
        %gather3A_2111 = arith.constant 4 : i32
        %gather3A_2112 = arith.constant 0 : i32
        %gather3A_2113 = arith.constant 0 : i32
        %gather3A_2114 = tpu.memref_slice %arg9[%gather3A_2111, %gather3A_2112, %gather3A_2113] : memref<8x32x128xf32, #tpu.memory_space<vmem>> -> memref<1x32x128xf32, #tpu.memory_space<vmem>>
        %gather3A_2115 = tpu.memref_squeeze %gather3A_2114 : memref<1x32x128xf32, #tpu.memory_space<vmem>> -> memref<32x128xf32, #tpu.memory_space<vmem>>
        %gather3A_2116 = tpu.vector_load_idx %gather3A_2115[%add3A_2110, %add3A_2099] : memref<32x128xf32, #tpu.memory_space<vmem>>[vector<16xi32>, vector<16xi32>], vector<16xf32>,
        %gather3A_2117 = arith.constant 4 : i32
        %gather3A_2118 = arith.constant 0 : i32
        %gather3A_2119 = arith.constant 0 : i32
        %gather3A_2120 = tpu.memref_slice %arg10[%gather3A_2117, %gather3A_2118, %gather3A_2119] : memref<8x32x128xf32, #tpu.memory_space<vmem>> -> memref<1x32x128xf32, #tpu.memory_space<vmem>>
        %gather3A_2121 = tpu.memref_squeeze %gather3A_2120 : memref<1x32x128xf32, #tpu.memory_space<vmem>> -> memref<32x128xf32, #tpu.memory_space<vmem>>
        %gather3A_2122 = tpu.vector_load_idx %gather3A_2121[%add3A_2110, %add3A_2105] : memref<32x128xf32, #tpu.memory_space<vmem>>[vector<16xi32>, vector<16xi32>], vector<16xf32>,
        %mul3A_2123 = arith.mulf %gather3A_2116, %gather3A_2122 : vector<16xf32>
        %add3A_2124 = arith.addf %broadcast_in_dim3A_2107, %mul3A_2123 : vector<16xf32>
        %add3A_2125 = arith.constant 16 : i32
        %add3A_2126 = vector.broadcast %add3A_2125 : i32 to vector<16xi32>
        %add3A_2127 = arith.addi %iota3A, %add3A_2126 : vector<16xi32>
        %gather3A_2128 = arith.constant 4 : i32
        %gather3A_2129 = arith.constant 0 : i32
        %gather3A_2130 = arith.constant 0 : i32
        %gather3A_2131 = tpu.memref_slice %arg9[%gather3A_2128, %gather3A_2129, %gather3A_2130] : memref<8x32x128xf32, #tpu.memory_space<vmem>> -> memref<1x32x128xf32, #tpu.memory_space<vmem>>
        %gather3A_2132 = tpu.memref_squeeze %gather3A_2131 : memref<1x32x128xf32, #tpu.memory_space<vmem>> -> memref<32x128xf32, #tpu.memory_space<vmem>>
        %gather3A_2133 = tpu.vector_load_idx %gather3A_2132[%add3A_2127, %add3A_2099] : memref<32x128xf32, #tpu.memory_space<vmem>>[vector<16xi32>, vector<16xi32>], vector<16xf32>,
        %gather3A_2134 = arith.constant 4 : i32
        %gather3A_2135 = arith.constant 0 : i32
        %gather3A_2136 = arith.constant 0 : i32
        %gather3A_2137 = tpu.memref_slice %arg10[%gather3A_2134, %gather3A_2135, %gather3A_2136] : memref<8x32x128xf32, #tpu.memory_space<vmem>> -> memref<1x32x128xf32, #tpu.memory_space<vmem>>
        %gather3A_2138 = tpu.memref_squeeze %gather3A_2137 : memref<1x32x128xf32, #tpu.memory_space<vmem>> -> memref<32x128xf32, #tpu.memory_space<vmem>>
        %gather3A_2139 = tpu.vector_load_idx %gather3A_2138[%add3A_2127, %add3A_2105] : memref<32x128xf32, #tpu.memory_space<vmem>>[vector<16xi32>, vector<16xi32>], vector<16xf32>,
        %mul3A_2140 = arith.mulf %gather3A_2133, %gather3A_2139 : vector<16xf32>
        %add3A_2141 = arith.addf %add3A_2124, %mul3A_2140 : vector<16xf32>
        %mul3A_2142 = arith.constant 16 : i32
        %mul3A_2143 = arith.muli %add3A_2059, %mul3A_2142 : i32
        %swap3A_2144 = arith.index_cast %mul3A_2143 : i32 to index
        %swap3A_2145 = tpu.vector_load %arg11[%swap3A_2144] {strides = array<i32>} : memref<8192xf32, #tpu.memory_space<vmem>>, vector<16xf32>,
        tpu.vector_store %arg11[%swap3A_2144], %add3A_2141 {strides = array<i32>} : memref<8192xf32, #tpu.memory_space<vmem>>, vector<16xf32>,
      } else {
      }
      %slice3A_774 = vector.extract_strided_slice %get3A_602 {offsets = [4], sizes = [1], strides = [1]} : vector<16xi32> to vector<1xi32>
      %squeeze3A_775 = vector.extract %slice3A_774[0] : i32 from vector<1xi32>
      %slice3A_776 = vector.extract_strided_slice %get3A_606 {offsets = [4], sizes = [1], strides = [1]} : vector<16xi32> to vector<1xi32>
      %squeeze3A_777 = vector.extract %slice3A_776[0] : i32 from vector<1xi32>
      %shift_right_arithmetic3A_778 = arith.constant 7 : i32
      %shift_right_arithmetic3A_779 = arith.shrsi %squeeze3A_775, %shift_right_arithmetic3A_778 : i32
      %mul3A_780 = arith.constant 128 : i32
      %mul3A_781 = arith.muli %shift_right_arithmetic3A_779, %mul3A_780 : i32
      %dma_start3A_782 = arith.constant 4 : i32
      %dma_start3A_783 = arith.constant 0 : i32
      %dma_start3A_784 = arith.constant 0 : i32
      %dma_start3A_785 = tpu.memref_slice %arg9[%dma_start3A_782, %dma_start3A_783, %dma_start3A_784] : memref<8x32x128xf32, #tpu.memory_space<vmem>> -> memref<1x32x128xf32, #tpu.memory_space<vmem>>
      %dma_start3A_786 = tpu.memref_squeeze %dma_start3A_785 : memref<1x32x128xf32, #tpu.memory_space<vmem>> -> memref<32x128xf32, #tpu.memory_space<vmem>>
      %dma_start3A_787 = arith.constant 0 : i32
      %dma_start3A_788 = tpu.memref_slice %arg4[%dma_start3A_787, %mul3A_781] : memref<32x1000000xf32, #tpu.memory_space<hbm>> -> memref<32x128xf32, #tpu.memory_space<hbm>>
      %dma_start3A_789 = arith.constant 0 : i32
      %dma_start3A_790 = arith.constant 0 : i32
      %dma_start3A_791 = tpu.memref_slice %arg9[%dma_start3A_782, %dma_start3A_789, %dma_start3A_790] : memref<8x32x128xf32, #tpu.memory_space<vmem>> -> memref<1x32x128xf32, #tpu.memory_space<vmem>>
      %dma_start3A_792 = tpu.memref_squeeze %dma_start3A_791 : memref<1x32x128xf32, #tpu.memory_space<vmem>> -> memref<32x128xf32, #tpu.memory_space<vmem>>
      %dma_start3A_793 = arith.constant 0 : i32
      %dma_start3A_794 = tpu.memref_slice %arg4[%dma_start3A_793, %mul3A_781] : memref<32x1000000xf32, #tpu.memory_space<hbm>> -> memref<32x128xf32, #tpu.memory_space<hbm>>
      tpu.enqueue_dma source(%dma_start3A_794 : memref<32x128xf32, #tpu.memory_space<hbm>>) target(%dma_start3A_792 : memref<32x128xf32, #tpu.memory_space<vmem>>) target_semaphore(%arg13 : memref<!tpu.dma_semaphore, #tpu.memory_space<semaphore_mem>>)
      %shift_right_arithmetic3A_795 = arith.constant 7 : i32
      %shift_right_arithmetic3A_796 = arith.shrsi %squeeze3A_777, %shift_right_arithmetic3A_795 : i32
      %mul3A_797 = arith.constant 128 : i32
      %mul3A_798 = arith.muli %shift_right_arithmetic3A_796, %mul3A_797 : i32
      %dma_start3A_799 = arith.constant 4 : i32
      %dma_start3A_800 = arith.constant 0 : i32
      %dma_start3A_801 = arith.constant 0 : i32
      %dma_start3A_802 = tpu.memref_slice %arg10[%dma_start3A_799, %dma_start3A_800, %dma_start3A_801] : memref<8x32x128xf32, #tpu.memory_space<vmem>> -> memref<1x32x128xf32, #tpu.memory_space<vmem>>
      %dma_start3A_803 = tpu.memref_squeeze %dma_start3A_802 : memref<1x32x128xf32, #tpu.memory_space<vmem>> -> memref<32x128xf32, #tpu.memory_space<vmem>>
      %dma_start3A_804 = arith.constant 0 : i32
      %dma_start3A_805 = tpu.memref_slice %arg5[%dma_start3A_804, %mul3A_798] : memref<32x1000000xf32, #tpu.memory_space<hbm>> -> memref<32x128xf32, #tpu.memory_space<hbm>>
      %dma_start3A_806 = arith.constant 0 : i32
      %dma_start3A_807 = arith.constant 0 : i32
      %dma_start3A_808 = tpu.memref_slice %arg10[%dma_start3A_799, %dma_start3A_806, %dma_start3A_807] : memref<8x32x128xf32, #tpu.memory_space<vmem>> -> memref<1x32x128xf32, #tpu.memory_space<vmem>>
      %dma_start3A_809 = tpu.memref_squeeze %dma_start3A_808 : memref<1x32x128xf32, #tpu.memory_space<vmem>> -> memref<32x128xf32, #tpu.memory_space<vmem>>
      %dma_start3A_810 = arith.constant 0 : i32
      %dma_start3A_811 = tpu.memref_slice %arg5[%dma_start3A_810, %mul3A_798] : memref<32x1000000xf32, #tpu.memory_space<hbm>> -> memref<32x128xf32, #tpu.memory_space<hbm>>
      tpu.enqueue_dma source(%dma_start3A_811 : memref<32x128xf32, #tpu.memory_space<hbm>>) target(%dma_start3A_809 : memref<32x128xf32, #tpu.memory_space<vmem>>) target_semaphore(%arg14 : memref<!tpu.dma_semaphore, #tpu.memory_space<semaphore_mem>>)
      %gt3A_812 = arith.constant 0 : i32
      %gt3A_813 = arith.cmpi sgt, %scan3A_597, %gt3A_812 : i32
      %convert_element_type3A_814 = arith.extui %gt3A_813 : i1 to i32
      %cond3A_815 = arith.constant 0 : i32
      %cond3A_816 = arith.cmpi ne, %convert_element_type3A_814, %cond3A_815 : i32
      scf.if %cond3A_816 {
        %sub3A = arith.constant 1 : i32
        %sub3A_2055 = arith.subi %scan3A_597, %sub3A : i32
        %mul3A_2056 = arith.constant 16 : i32
        %mul3A_2057 = arith.muli %sub3A_2055, %mul3A_2056 : i32
        %add3A_2058 = arith.constant 13 : i32
        %add3A_2059 = arith.addi %mul3A_2057, %add3A_2058 : i32
        %slice3A_2060 = vector.extract_strided_slice %scan3A_598 {offsets = [13], sizes = [1], strides = [1]} : vector<16xi32> to vector<1xi32>
        %squeeze3A_2061 = vector.extract %slice3A_2060[0] : i32 from vector<1xi32>
        %slice3A_2062 = vector.extract_strided_slice %scan3A_599 {offsets = [13], sizes = [1], strides = [1]} : vector<16xi32> to vector<1xi32>
        %squeeze3A_2063 = vector.extract %slice3A_2062[0] : i32 from vector<1xi32>
        %dma_wait3A_2064 = arith.constant 5 : i32
        %dma_wait3A_2065 = arith.constant 0 : i32
        %dma_wait3A_2066 = arith.constant 0 : i32
        %dma_wait3A_2067 = tpu.memref_slice %arg9[%dma_wait3A_2064, %dma_wait3A_2065, %dma_wait3A_2066] : memref<8x32x128xf32, #tpu.memory_space<vmem>> -> memref<1x32x128xf32, #tpu.memory_space<vmem>>
        %dma_wait3A_2068 = tpu.memref_squeeze %dma_wait3A_2067 : memref<1x32x128xf32, #tpu.memory_space<vmem>> -> memref<32x128xf32, #tpu.memory_space<vmem>>
        %dma_wait3A_2069 = arith.constant 0 : i32
        %dma_wait3A_2070 = arith.constant 0 : i32
        %dma_wait3A_2071 = tpu.memref_slice %arg4[%dma_wait3A_2069, %dma_wait3A_2070] : memref<32x1000000xf32, #tpu.memory_space<hbm>> -> memref<32x128xf32, #tpu.memory_space<hbm>>
        %dma_wait3A_2072 = arith.constant 0 : i32
        %dma_wait3A_2073 = arith.constant 0 : i32
        %dma_wait3A_2074 = tpu.memref_slice %arg9[%dma_wait3A_2064, %dma_wait3A_2072, %dma_wait3A_2073] : memref<8x32x128xf32, #tpu.memory_space<vmem>> -> memref<1x32x128xf32, #tpu.memory_space<vmem>>
        %dma_wait3A_2075 = tpu.memref_squeeze %dma_wait3A_2074 : memref<1x32x128xf32, #tpu.memory_space<vmem>> -> memref<32x128xf32, #tpu.memory_space<vmem>>
        %dma_wait3A_2076 = arith.constant 0 : i32
        %dma_wait3A_2077 = arith.constant 0 : i32
        %dma_wait3A_2078 = tpu.memref_slice %arg4[%dma_wait3A_2076, %dma_wait3A_2077] : memref<32x1000000xf32, #tpu.memory_space<hbm>> -> memref<32x128xf32, #tpu.memory_space<hbm>>
        tpu.wait_dma2 semaphore(%arg13 : memref<!tpu.dma_semaphore, #tpu.memory_space<semaphore_mem>>) src(%dma_wait3A_2078 : memref<32x128xf32, #tpu.memory_space<hbm>>) dst(%dma_wait3A_2075 : memref<32x128xf32, #tpu.memory_space<vmem>>)
        %dma_wait3A_2079 = arith.constant 5 : i32
        %dma_wait3A_2080 = arith.constant 0 : i32
        %dma_wait3A_2081 = arith.constant 0 : i32
        %dma_wait3A_2082 = tpu.memref_slice %arg10[%dma_wait3A_2079, %dma_wait3A_2080, %dma_wait3A_2081] : memref<8x32x128xf32, #tpu.memory_space<vmem>> -> memref<1x32x128xf32, #tpu.memory_space<vmem>>
        %dma_wait3A_2083 = tpu.memref_squeeze %dma_wait3A_2082 : memref<1x32x128xf32, #tpu.memory_space<vmem>> -> memref<32x128xf32, #tpu.memory_space<vmem>>
        %dma_wait3A_2084 = arith.constant 0 : i32
        %dma_wait3A_2085 = arith.constant 0 : i32
        %dma_wait3A_2086 = tpu.memref_slice %arg5[%dma_wait3A_2084, %dma_wait3A_2085] : memref<32x1000000xf32, #tpu.memory_space<hbm>> -> memref<32x128xf32, #tpu.memory_space<hbm>>
        %dma_wait3A_2087 = arith.constant 0 : i32
        %dma_wait3A_2088 = arith.constant 0 : i32
        %dma_wait3A_2089 = tpu.memref_slice %arg10[%dma_wait3A_2079, %dma_wait3A_2087, %dma_wait3A_2088] : memref<8x32x128xf32, #tpu.memory_space<vmem>> -> memref<1x32x128xf32, #tpu.memory_space<vmem>>
        %dma_wait3A_2090 = tpu.memref_squeeze %dma_wait3A_2089 : memref<1x32x128xf32, #tpu.memory_space<vmem>> -> memref<32x128xf32, #tpu.memory_space<vmem>>
        %dma_wait3A_2091 = arith.constant 0 : i32
        %dma_wait3A_2092 = arith.constant 0 : i32
        %dma_wait3A_2093 = tpu.memref_slice %arg5[%dma_wait3A_2091, %dma_wait3A_2092] : memref<32x1000000xf32, #tpu.memory_space<hbm>> -> memref<32x128xf32, #tpu.memory_space<hbm>>
        tpu.wait_dma2 semaphore(%arg14 : memref<!tpu.dma_semaphore, #tpu.memory_space<semaphore_mem>>) src(%dma_wait3A_2093 : memref<32x128xf32, #tpu.memory_space<hbm>>) dst(%dma_wait3A_2090 : memref<32x128xf32, #tpu.memory_space<vmem>>)
        %broadcast_in_dim3A_2094 = arith.constant 0 : i32
        %broadcast_in_dim3A_2095 = vector.broadcast %broadcast_in_dim3A_2094 : i32 to vector<16xi32>
        %and3A_2096 = arith.constant 127 : i32
        %and3A_2097 = arith.andi %squeeze3A_2061, %and3A_2096 : i32
        %add3A_2098 = vector.broadcast %and3A_2097 : i32 to vector<16xi32>
        %add3A_2099 = arith.addi %broadcast_in_dim3A_2095, %add3A_2098 : vector<16xi32>
        %broadcast_in_dim3A_2100 = arith.constant 0 : i32
        %broadcast_in_dim3A_2101 = vector.broadcast %broadcast_in_dim3A_2100 : i32 to vector<16xi32>
        %and3A_2102 = arith.constant 127 : i32
        %and3A_2103 = arith.andi %squeeze3A_2063, %and3A_2102 : i32
        %add3A_2104 = vector.broadcast %and3A_2103 : i32 to vector<16xi32>
        %add3A_2105 = arith.addi %broadcast_in_dim3A_2101, %add3A_2104 : vector<16xi32>
        %broadcast_in_dim3A_2106 = arith.constant 0.000000e+00 : f32
        %broadcast_in_dim3A_2107 = vector.broadcast %broadcast_in_dim3A_2106 : f32 to vector<16xf32>
        %add3A_2108 = arith.constant 0 : i32
        %add3A_2109 = vector.broadcast %add3A_2108 : i32 to vector<16xi32>
        %add3A_2110 = arith.addi %iota3A, %add3A_2109 : vector<16xi32>
        %gather3A_2111 = arith.constant 5 : i32
        %gather3A_2112 = arith.constant 0 : i32
        %gather3A_2113 = arith.constant 0 : i32
        %gather3A_2114 = tpu.memref_slice %arg9[%gather3A_2111, %gather3A_2112, %gather3A_2113] : memref<8x32x128xf32, #tpu.memory_space<vmem>> -> memref<1x32x128xf32, #tpu.memory_space<vmem>>
        %gather3A_2115 = tpu.memref_squeeze %gather3A_2114 : memref<1x32x128xf32, #tpu.memory_space<vmem>> -> memref<32x128xf32, #tpu.memory_space<vmem>>
        %gather3A_2116 = tpu.vector_load_idx %gather3A_2115[%add3A_2110, %add3A_2099] : memref<32x128xf32, #tpu.memory_space<vmem>>[vector<16xi32>, vector<16xi32>], vector<16xf32>,
        %gather3A_2117 = arith.constant 5 : i32
        %gather3A_2118 = arith.constant 0 : i32
        %gather3A_2119 = arith.constant 0 : i32
        %gather3A_2120 = tpu.memref_slice %arg10[%gather3A_2117, %gather3A_2118, %gather3A_2119] : memref<8x32x128xf32, #tpu.memory_space<vmem>> -> memref<1x32x128xf32, #tpu.memory_space<vmem>>
        %gather3A_2121 = tpu.memref_squeeze %gather3A_2120 : memref<1x32x128xf32, #tpu.memory_space<vmem>> -> memref<32x128xf32, #tpu.memory_space<vmem>>
        %gather3A_2122 = tpu.vector_load_idx %gather3A_2121[%add3A_2110, %add3A_2105] : memref<32x128xf32, #tpu.memory_space<vmem>>[vector<16xi32>, vector<16xi32>], vector<16xf32>,
        %mul3A_2123 = arith.mulf %gather3A_2116, %gather3A_2122 : vector<16xf32>
        %add3A_2124 = arith.addf %broadcast_in_dim3A_2107, %mul3A_2123 : vector<16xf32>
        %add3A_2125 = arith.constant 16 : i32
        %add3A_2126 = vector.broadcast %add3A_2125 : i32 to vector<16xi32>
        %add3A_2127 = arith.addi %iota3A, %add3A_2126 : vector<16xi32>
        %gather3A_2128 = arith.constant 5 : i32
        %gather3A_2129 = arith.constant 0 : i32
        %gather3A_2130 = arith.constant 0 : i32
        %gather3A_2131 = tpu.memref_slice %arg9[%gather3A_2128, %gather3A_2129, %gather3A_2130] : memref<8x32x128xf32, #tpu.memory_space<vmem>> -> memref<1x32x128xf32, #tpu.memory_space<vmem>>
        %gather3A_2132 = tpu.memref_squeeze %gather3A_2131 : memref<1x32x128xf32, #tpu.memory_space<vmem>> -> memref<32x128xf32, #tpu.memory_space<vmem>>
        %gather3A_2133 = tpu.vector_load_idx %gather3A_2132[%add3A_2127, %add3A_2099] : memref<32x128xf32, #tpu.memory_space<vmem>>[vector<16xi32>, vector<16xi32>], vector<16xf32>,
        %gather3A_2134 = arith.constant 5 : i32
        %gather3A_2135 = arith.constant 0 : i32
        %gather3A_2136 = arith.constant 0 : i32
        %gather3A_2137 = tpu.memref_slice %arg10[%gather3A_2134, %gather3A_2135, %gather3A_2136] : memref<8x32x128xf32, #tpu.memory_space<vmem>> -> memref<1x32x128xf32, #tpu.memory_space<vmem>>
        %gather3A_2138 = tpu.memref_squeeze %gather3A_2137 : memref<1x32x128xf32, #tpu.memory_space<vmem>> -> memref<32x128xf32, #tpu.memory_space<vmem>>
        %gather3A_2139 = tpu.vector_load_idx %gather3A_2138[%add3A_2127, %add3A_2105] : memref<32x128xf32, #tpu.memory_space<vmem>>[vector<16xi32>, vector<16xi32>], vector<16xf32>,
        %mul3A_2140 = arith.mulf %gather3A_2133, %gather3A_2139 : vector<16xf32>
        %add3A_2141 = arith.addf %add3A_2124, %mul3A_2140 : vector<16xf32>
        %mul3A_2142 = arith.constant 16 : i32
        %mul3A_2143 = arith.muli %add3A_2059, %mul3A_2142 : i32
        %swap3A_2144 = arith.index_cast %mul3A_2143 : i32 to index
        %swap3A_2145 = tpu.vector_load %arg11[%swap3A_2144] {strides = array<i32>} : memref<8192xf32, #tpu.memory_space<vmem>>, vector<16xf32>,
        tpu.vector_store %arg11[%swap3A_2144], %add3A_2141 {strides = array<i32>} : memref<8192xf32, #tpu.memory_space<vmem>>, vector<16xf32>,
      } else {
      }
      %slice3A_817 = vector.extract_strided_slice %get3A_602 {offsets = [5], sizes = [1], strides = [1]} : vector<16xi32> to vector<1xi32>
      %squeeze3A_818 = vector.extract %slice3A_817[0] : i32 from vector<1xi32>
      %slice3A_819 = vector.extract_strided_slice %get3A_606 {offsets = [5], sizes = [1], strides = [1]} : vector<16xi32> to vector<1xi32>
      %squeeze3A_820 = vector.extract %slice3A_819[0] : i32 from vector<1xi32>
      %shift_right_arithmetic3A_821 = arith.constant 7 : i32
      %shift_right_arithmetic3A_822 = arith.shrsi %squeeze3A_818, %shift_right_arithmetic3A_821 : i32
      %mul3A_823 = arith.constant 128 : i32
      %mul3A_824 = arith.muli %shift_right_arithmetic3A_822, %mul3A_823 : i32
      %dma_start3A_825 = arith.constant 5 : i32
      %dma_start3A_826 = arith.constant 0 : i32
      %dma_start3A_827 = arith.constant 0 : i32
      %dma_start3A_828 = tpu.memref_slice %arg9[%dma_start3A_825, %dma_start3A_826, %dma_start3A_827] : memref<8x32x128xf32, #tpu.memory_space<vmem>> -> memref<1x32x128xf32, #tpu.memory_space<vmem>>
      %dma_start3A_829 = tpu.memref_squeeze %dma_start3A_828 : memref<1x32x128xf32, #tpu.memory_space<vmem>> -> memref<32x128xf32, #tpu.memory_space<vmem>>
      %dma_start3A_830 = arith.constant 0 : i32
      %dma_start3A_831 = tpu.memref_slice %arg4[%dma_start3A_830, %mul3A_824] : memref<32x1000000xf32, #tpu.memory_space<hbm>> -> memref<32x128xf32, #tpu.memory_space<hbm>>
      %dma_start3A_832 = arith.constant 0 : i32
      %dma_start3A_833 = arith.constant 0 : i32
      %dma_start3A_834 = tpu.memref_slice %arg9[%dma_start3A_825, %dma_start3A_832, %dma_start3A_833] : memref<8x32x128xf32, #tpu.memory_space<vmem>> -> memref<1x32x128xf32, #tpu.memory_space<vmem>>
      %dma_start3A_835 = tpu.memref_squeeze %dma_start3A_834 : memref<1x32x128xf32, #tpu.memory_space<vmem>> -> memref<32x128xf32, #tpu.memory_space<vmem>>
      %dma_start3A_836 = arith.constant 0 : i32
      %dma_start3A_837 = tpu.memref_slice %arg4[%dma_start3A_836, %mul3A_824] : memref<32x1000000xf32, #tpu.memory_space<hbm>> -> memref<32x128xf32, #tpu.memory_space<hbm>>
      tpu.enqueue_dma source(%dma_start3A_837 : memref<32x128xf32, #tpu.memory_space<hbm>>) target(%dma_start3A_835 : memref<32x128xf32, #tpu.memory_space<vmem>>) target_semaphore(%arg13 : memref<!tpu.dma_semaphore, #tpu.memory_space<semaphore_mem>>)
      %shift_right_arithmetic3A_838 = arith.constant 7 : i32
      %shift_right_arithmetic3A_839 = arith.shrsi %squeeze3A_820, %shift_right_arithmetic3A_838 : i32
      %mul3A_840 = arith.constant 128 : i32
      %mul3A_841 = arith.muli %shift_right_arithmetic3A_839, %mul3A_840 : i32
      %dma_start3A_842 = arith.constant 5 : i32
      %dma_start3A_843 = arith.constant 0 : i32
      %dma_start3A_844 = arith.constant 0 : i32
      %dma_start3A_845 = tpu.memref_slice %arg10[%dma_start3A_842, %dma_start3A_843, %dma_start3A_844] : memref<8x32x128xf32, #tpu.memory_space<vmem>> -> memref<1x32x128xf32, #tpu.memory_space<vmem>>
      %dma_start3A_846 = tpu.memref_squeeze %dma_start3A_845 : memref<1x32x128xf32, #tpu.memory_space<vmem>> -> memref<32x128xf32, #tpu.memory_space<vmem>>
      %dma_start3A_847 = arith.constant 0 : i32
      %dma_start3A_848 = tpu.memref_slice %arg5[%dma_start3A_847, %mul3A_841] : memref<32x1000000xf32, #tpu.memory_space<hbm>> -> memref<32x128xf32, #tpu.memory_space<hbm>>
      %dma_start3A_849 = arith.constant 0 : i32
      %dma_start3A_850 = arith.constant 0 : i32
      %dma_start3A_851 = tpu.memref_slice %arg10[%dma_start3A_842, %dma_start3A_849, %dma_start3A_850] : memref<8x32x128xf32, #tpu.memory_space<vmem>> -> memref<1x32x128xf32, #tpu.memory_space<vmem>>
      %dma_start3A_852 = tpu.memref_squeeze %dma_start3A_851 : memref<1x32x128xf32, #tpu.memory_space<vmem>> -> memref<32x128xf32, #tpu.memory_space<vmem>>
      %dma_start3A_853 = arith.constant 0 : i32
      %dma_start3A_854 = tpu.memref_slice %arg5[%dma_start3A_853, %mul3A_841] : memref<32x1000000xf32, #tpu.memory_space<hbm>> -> memref<32x128xf32, #tpu.memory_space<hbm>>
      tpu.enqueue_dma source(%dma_start3A_854 : memref<32x128xf32, #tpu.memory_space<hbm>>) target(%dma_start3A_852 : memref<32x128xf32, #tpu.memory_space<vmem>>) target_semaphore(%arg14 : memref<!tpu.dma_semaphore, #tpu.memory_space<semaphore_mem>>)
      %gt3A_855 = arith.constant 0 : i32
      %gt3A_856 = arith.cmpi sgt, %scan3A_597, %gt3A_855 : i32
      %convert_element_type3A_857 = arith.extui %gt3A_856 : i1 to i32
      %cond3A_858 = arith.constant 0 : i32
      %cond3A_859 = arith.cmpi ne, %convert_element_type3A_857, %cond3A_858 : i32
      scf.if %cond3A_859 {
        %sub3A = arith.constant 1 : i32
        %sub3A_2055 = arith.subi %scan3A_597, %sub3A : i32
        %mul3A_2056 = arith.constant 16 : i32
        %mul3A_2057 = arith.muli %sub3A_2055, %mul3A_2056 : i32
        %add3A_2058 = arith.constant 14 : i32
        %add3A_2059 = arith.addi %mul3A_2057, %add3A_2058 : i32
        %slice3A_2060 = vector.extract_strided_slice %scan3A_598 {offsets = [14], sizes = [1], strides = [1]} : vector<16xi32> to vector<1xi32>
        %squeeze3A_2061 = vector.extract %slice3A_2060[0] : i32 from vector<1xi32>
        %slice3A_2062 = vector.extract_strided_slice %scan3A_599 {offsets = [14], sizes = [1], strides = [1]} : vector<16xi32> to vector<1xi32>
        %squeeze3A_2063 = vector.extract %slice3A_2062[0] : i32 from vector<1xi32>
        %dma_wait3A_2064 = arith.constant 6 : i32
        %dma_wait3A_2065 = arith.constant 0 : i32
        %dma_wait3A_2066 = arith.constant 0 : i32
        %dma_wait3A_2067 = tpu.memref_slice %arg9[%dma_wait3A_2064, %dma_wait3A_2065, %dma_wait3A_2066] : memref<8x32x128xf32, #tpu.memory_space<vmem>> -> memref<1x32x128xf32, #tpu.memory_space<vmem>>
        %dma_wait3A_2068 = tpu.memref_squeeze %dma_wait3A_2067 : memref<1x32x128xf32, #tpu.memory_space<vmem>> -> memref<32x128xf32, #tpu.memory_space<vmem>>
        %dma_wait3A_2069 = arith.constant 0 : i32
        %dma_wait3A_2070 = arith.constant 0 : i32
        %dma_wait3A_2071 = tpu.memref_slice %arg4[%dma_wait3A_2069, %dma_wait3A_2070] : memref<32x1000000xf32, #tpu.memory_space<hbm>> -> memref<32x128xf32, #tpu.memory_space<hbm>>
        %dma_wait3A_2072 = arith.constant 0 : i32
        %dma_wait3A_2073 = arith.constant 0 : i32
        %dma_wait3A_2074 = tpu.memref_slice %arg9[%dma_wait3A_2064, %dma_wait3A_2072, %dma_wait3A_2073] : memref<8x32x128xf32, #tpu.memory_space<vmem>> -> memref<1x32x128xf32, #tpu.memory_space<vmem>>
        %dma_wait3A_2075 = tpu.memref_squeeze %dma_wait3A_2074 : memref<1x32x128xf32, #tpu.memory_space<vmem>> -> memref<32x128xf32, #tpu.memory_space<vmem>>
        %dma_wait3A_2076 = arith.constant 0 : i32
        %dma_wait3A_2077 = arith.constant 0 : i32
        %dma_wait3A_2078 = tpu.memref_slice %arg4[%dma_wait3A_2076, %dma_wait3A_2077] : memref<32x1000000xf32, #tpu.memory_space<hbm>> -> memref<32x128xf32, #tpu.memory_space<hbm>>
        tpu.wait_dma2 semaphore(%arg13 : memref<!tpu.dma_semaphore, #tpu.memory_space<semaphore_mem>>) src(%dma_wait3A_2078 : memref<32x128xf32, #tpu.memory_space<hbm>>) dst(%dma_wait3A_2075 : memref<32x128xf32, #tpu.memory_space<vmem>>)
        %dma_wait3A_2079 = arith.constant 6 : i32
        %dma_wait3A_2080 = arith.constant 0 : i32
        %dma_wait3A_2081 = arith.constant 0 : i32
        %dma_wait3A_2082 = tpu.memref_slice %arg10[%dma_wait3A_2079, %dma_wait3A_2080, %dma_wait3A_2081] : memref<8x32x128xf32, #tpu.memory_space<vmem>> -> memref<1x32x128xf32, #tpu.memory_space<vmem>>
        %dma_wait3A_2083 = tpu.memref_squeeze %dma_wait3A_2082 : memref<1x32x128xf32, #tpu.memory_space<vmem>> -> memref<32x128xf32, #tpu.memory_space<vmem>>
        %dma_wait3A_2084 = arith.constant 0 : i32
        %dma_wait3A_2085 = arith.constant 0 : i32
        %dma_wait3A_2086 = tpu.memref_slice %arg5[%dma_wait3A_2084, %dma_wait3A_2085] : memref<32x1000000xf32, #tpu.memory_space<hbm>> -> memref<32x128xf32, #tpu.memory_space<hbm>>
        %dma_wait3A_2087 = arith.constant 0 : i32
        %dma_wait3A_2088 = arith.constant 0 : i32
        %dma_wait3A_2089 = tpu.memref_slice %arg10[%dma_wait3A_2079, %dma_wait3A_2087, %dma_wait3A_2088] : memref<8x32x128xf32, #tpu.memory_space<vmem>> -> memref<1x32x128xf32, #tpu.memory_space<vmem>>
        %dma_wait3A_2090 = tpu.memref_squeeze %dma_wait3A_2089 : memref<1x32x128xf32, #tpu.memory_space<vmem>> -> memref<32x128xf32, #tpu.memory_space<vmem>>
        %dma_wait3A_2091 = arith.constant 0 : i32
        %dma_wait3A_2092 = arith.constant 0 : i32
        %dma_wait3A_2093 = tpu.memref_slice %arg5[%dma_wait3A_2091, %dma_wait3A_2092] : memref<32x1000000xf32, #tpu.memory_space<hbm>> -> memref<32x128xf32, #tpu.memory_space<hbm>>
        tpu.wait_dma2 semaphore(%arg14 : memref<!tpu.dma_semaphore, #tpu.memory_space<semaphore_mem>>) src(%dma_wait3A_2093 : memref<32x128xf32, #tpu.memory_space<hbm>>) dst(%dma_wait3A_2090 : memref<32x128xf32, #tpu.memory_space<vmem>>)
        %broadcast_in_dim3A_2094 = arith.constant 0 : i32
        %broadcast_in_dim3A_2095 = vector.broadcast %broadcast_in_dim3A_2094 : i32 to vector<16xi32>
        %and3A_2096 = arith.constant 127 : i32
        %and3A_2097 = arith.andi %squeeze3A_2061, %and3A_2096 : i32
        %add3A_2098 = vector.broadcast %and3A_2097 : i32 to vector<16xi32>
        %add3A_2099 = arith.addi %broadcast_in_dim3A_2095, %add3A_2098 : vector<16xi32>
        %broadcast_in_dim3A_2100 = arith.constant 0 : i32
        %broadcast_in_dim3A_2101 = vector.broadcast %broadcast_in_dim3A_2100 : i32 to vector<16xi32>
        %and3A_2102 = arith.constant 127 : i32
        %and3A_2103 = arith.andi %squeeze3A_2063, %and3A_2102 : i32
        %add3A_2104 = vector.broadcast %and3A_2103 : i32 to vector<16xi32>
        %add3A_2105 = arith.addi %broadcast_in_dim3A_2101, %add3A_2104 : vector<16xi32>
        %broadcast_in_dim3A_2106 = arith.constant 0.000000e+00 : f32
        %broadcast_in_dim3A_2107 = vector.broadcast %broadcast_in_dim3A_2106 : f32 to vector<16xf32>
        %add3A_2108 = arith.constant 0 : i32
        %add3A_2109 = vector.broadcast %add3A_2108 : i32 to vector<16xi32>
        %add3A_2110 = arith.addi %iota3A, %add3A_2109 : vector<16xi32>
        %gather3A_2111 = arith.constant 6 : i32
        %gather3A_2112 = arith.constant 0 : i32
        %gather3A_2113 = arith.constant 0 : i32
        %gather3A_2114 = tpu.memref_slice %arg9[%gather3A_2111, %gather3A_2112, %gather3A_2113] : memref<8x32x128xf32, #tpu.memory_space<vmem>> -> memref<1x32x128xf32, #tpu.memory_space<vmem>>
        %gather3A_2115 = tpu.memref_squeeze %gather3A_2114 : memref<1x32x128xf32, #tpu.memory_space<vmem>> -> memref<32x128xf32, #tpu.memory_space<vmem>>
        %gather3A_2116 = tpu.vector_load_idx %gather3A_2115[%add3A_2110, %add3A_2099] : memref<32x128xf32, #tpu.memory_space<vmem>>[vector<16xi32>, vector<16xi32>], vector<16xf32>,
        %gather3A_2117 = arith.constant 6 : i32
        %gather3A_2118 = arith.constant 0 : i32
        %gather3A_2119 = arith.constant 0 : i32
        %gather3A_2120 = tpu.memref_slice %arg10[%gather3A_2117, %gather3A_2118, %gather3A_2119] : memref<8x32x128xf32, #tpu.memory_space<vmem>> -> memref<1x32x128xf32, #tpu.memory_space<vmem>>
        %gather3A_2121 = tpu.memref_squeeze %gather3A_2120 : memref<1x32x128xf32, #tpu.memory_space<vmem>> -> memref<32x128xf32, #tpu.memory_space<vmem>>
        %gather3A_2122 = tpu.vector_load_idx %gather3A_2121[%add3A_2110, %add3A_2105] : memref<32x128xf32, #tpu.memory_space<vmem>>[vector<16xi32>, vector<16xi32>], vector<16xf32>,
        %mul3A_2123 = arith.mulf %gather3A_2116, %gather3A_2122 : vector<16xf32>
        %add3A_2124 = arith.addf %broadcast_in_dim3A_2107, %mul3A_2123 : vector<16xf32>
        %add3A_2125 = arith.constant 16 : i32
        %add3A_2126 = vector.broadcast %add3A_2125 : i32 to vector<16xi32>
        %add3A_2127 = arith.addi %iota3A, %add3A_2126 : vector<16xi32>
        %gather3A_2128 = arith.constant 6 : i32
        %gather3A_2129 = arith.constant 0 : i32
        %gather3A_2130 = arith.constant 0 : i32
        %gather3A_2131 = tpu.memref_slice %arg9[%gather3A_2128, %gather3A_2129, %gather3A_2130] : memref<8x32x128xf32, #tpu.memory_space<vmem>> -> memref<1x32x128xf32, #tpu.memory_space<vmem>>
        %gather3A_2132 = tpu.memref_squeeze %gather3A_2131 : memref<1x32x128xf32, #tpu.memory_space<vmem>> -> memref<32x128xf32, #tpu.memory_space<vmem>>
        %gather3A_2133 = tpu.vector_load_idx %gather3A_2132[%add3A_2127, %add3A_2099] : memref<32x128xf32, #tpu.memory_space<vmem>>[vector<16xi32>, vector<16xi32>], vector<16xf32>,
        %gather3A_2134 = arith.constant 6 : i32
        %gather3A_2135 = arith.constant 0 : i32
        %gather3A_2136 = arith.constant 0 : i32
        %gather3A_2137 = tpu.memref_slice %arg10[%gather3A_2134, %gather3A_2135, %gather3A_2136] : memref<8x32x128xf32, #tpu.memory_space<vmem>> -> memref<1x32x128xf32, #tpu.memory_space<vmem>>
        %gather3A_2138 = tpu.memref_squeeze %gather3A_2137 : memref<1x32x128xf32, #tpu.memory_space<vmem>> -> memref<32x128xf32, #tpu.memory_space<vmem>>
        %gather3A_2139 = tpu.vector_load_idx %gather3A_2138[%add3A_2127, %add3A_2105] : memref<32x128xf32, #tpu.memory_space<vmem>>[vector<16xi32>, vector<16xi32>], vector<16xf32>,
        %mul3A_2140 = arith.mulf %gather3A_2133, %gather3A_2139 : vector<16xf32>
        %add3A_2141 = arith.addf %add3A_2124, %mul3A_2140 : vector<16xf32>
        %mul3A_2142 = arith.constant 16 : i32
        %mul3A_2143 = arith.muli %add3A_2059, %mul3A_2142 : i32
        %swap3A_2144 = arith.index_cast %mul3A_2143 : i32 to index
        %swap3A_2145 = tpu.vector_load %arg11[%swap3A_2144] {strides = array<i32>} : memref<8192xf32, #tpu.memory_space<vmem>>, vector<16xf32>,
        tpu.vector_store %arg11[%swap3A_2144], %add3A_2141 {strides = array<i32>} : memref<8192xf32, #tpu.memory_space<vmem>>, vector<16xf32>,
      } else {
      }
      %slice3A_860 = vector.extract_strided_slice %get3A_602 {offsets = [6], sizes = [1], strides = [1]} : vector<16xi32> to vector<1xi32>
      %squeeze3A_861 = vector.extract %slice3A_860[0] : i32 from vector<1xi32>
      %slice3A_862 = vector.extract_strided_slice %get3A_606 {offsets = [6], sizes = [1], strides = [1]} : vector<16xi32> to vector<1xi32>
      %squeeze3A_863 = vector.extract %slice3A_862[0] : i32 from vector<1xi32>
      %shift_right_arithmetic3A_864 = arith.constant 7 : i32
      %shift_right_arithmetic3A_865 = arith.shrsi %squeeze3A_861, %shift_right_arithmetic3A_864 : i32
      %mul3A_866 = arith.constant 128 : i32
      %mul3A_867 = arith.muli %shift_right_arithmetic3A_865, %mul3A_866 : i32
      %dma_start3A_868 = arith.constant 6 : i32
      %dma_start3A_869 = arith.constant 0 : i32
      %dma_start3A_870 = arith.constant 0 : i32
      %dma_start3A_871 = tpu.memref_slice %arg9[%dma_start3A_868, %dma_start3A_869, %dma_start3A_870] : memref<8x32x128xf32, #tpu.memory_space<vmem>> -> memref<1x32x128xf32, #tpu.memory_space<vmem>>
      %dma_start3A_872 = tpu.memref_squeeze %dma_start3A_871 : memref<1x32x128xf32, #tpu.memory_space<vmem>> -> memref<32x128xf32, #tpu.memory_space<vmem>>
      %dma_start3A_873 = arith.constant 0 : i32
      %dma_start3A_874 = tpu.memref_slice %arg4[%dma_start3A_873, %mul3A_867] : memref<32x1000000xf32, #tpu.memory_space<hbm>> -> memref<32x128xf32, #tpu.memory_space<hbm>>
      %dma_start3A_875 = arith.constant 0 : i32
      %dma_start3A_876 = arith.constant 0 : i32
      %dma_start3A_877 = tpu.memref_slice %arg9[%dma_start3A_868, %dma_start3A_875, %dma_start3A_876] : memref<8x32x128xf32, #tpu.memory_space<vmem>> -> memref<1x32x128xf32, #tpu.memory_space<vmem>>
      %dma_start3A_878 = tpu.memref_squeeze %dma_start3A_877 : memref<1x32x128xf32, #tpu.memory_space<vmem>> -> memref<32x128xf32, #tpu.memory_space<vmem>>
      %dma_start3A_879 = arith.constant 0 : i32
      %dma_start3A_880 = tpu.memref_slice %arg4[%dma_start3A_879, %mul3A_867] : memref<32x1000000xf32, #tpu.memory_space<hbm>> -> memref<32x128xf32, #tpu.memory_space<hbm>>
      tpu.enqueue_dma source(%dma_start3A_880 : memref<32x128xf32, #tpu.memory_space<hbm>>) target(%dma_start3A_878 : memref<32x128xf32, #tpu.memory_space<vmem>>) target_semaphore(%arg13 : memref<!tpu.dma_semaphore, #tpu.memory_space<semaphore_mem>>)
      %shift_right_arithmetic3A_881 = arith.constant 7 : i32
      %shift_right_arithmetic3A_882 = arith.shrsi %squeeze3A_863, %shift_right_arithmetic3A_881 : i32
      %mul3A_883 = arith.constant 128 : i32
      %mul3A_884 = arith.muli %shift_right_arithmetic3A_882, %mul3A_883 : i32
      %dma_start3A_885 = arith.constant 6 : i32
      %dma_start3A_886 = arith.constant 0 : i32
      %dma_start3A_887 = arith.constant 0 : i32
      %dma_start3A_888 = tpu.memref_slice %arg10[%dma_start3A_885, %dma_start3A_886, %dma_start3A_887] : memref<8x32x128xf32, #tpu.memory_space<vmem>> -> memref<1x32x128xf32, #tpu.memory_space<vmem>>
      %dma_start3A_889 = tpu.memref_squeeze %dma_start3A_888 : memref<1x32x128xf32, #tpu.memory_space<vmem>> -> memref<32x128xf32, #tpu.memory_space<vmem>>
      %dma_start3A_890 = arith.constant 0 : i32
      %dma_start3A_891 = tpu.memref_slice %arg5[%dma_start3A_890, %mul3A_884] : memref<32x1000000xf32, #tpu.memory_space<hbm>> -> memref<32x128xf32, #tpu.memory_space<hbm>>
      %dma_start3A_892 = arith.constant 0 : i32
      %dma_start3A_893 = arith.constant 0 : i32
      %dma_start3A_894 = tpu.memref_slice %arg10[%dma_start3A_885, %dma_start3A_892, %dma_start3A_893] : memref<8x32x128xf32, #tpu.memory_space<vmem>> -> memref<1x32x128xf32, #tpu.memory_space<vmem>>
      %dma_start3A_895 = tpu.memref_squeeze %dma_start3A_894 : memref<1x32x128xf32, #tpu.memory_space<vmem>> -> memref<32x128xf32, #tpu.memory_space<vmem>>
      %dma_start3A_896 = arith.constant 0 : i32
      %dma_start3A_897 = tpu.memref_slice %arg5[%dma_start3A_896, %mul3A_884] : memref<32x1000000xf32, #tpu.memory_space<hbm>> -> memref<32x128xf32, #tpu.memory_space<hbm>>
      tpu.enqueue_dma source(%dma_start3A_897 : memref<32x128xf32, #tpu.memory_space<hbm>>) target(%dma_start3A_895 : memref<32x128xf32, #tpu.memory_space<vmem>>) target_semaphore(%arg14 : memref<!tpu.dma_semaphore, #tpu.memory_space<semaphore_mem>>)
      %gt3A_898 = arith.constant 0 : i32
      %gt3A_899 = arith.cmpi sgt, %scan3A_597, %gt3A_898 : i32
      %convert_element_type3A_900 = arith.extui %gt3A_899 : i1 to i32
      %cond3A_901 = arith.constant 0 : i32
      %cond3A_902 = arith.cmpi ne, %convert_element_type3A_900, %cond3A_901 : i32
      scf.if %cond3A_902 {
        %sub3A = arith.constant 1 : i32
        %sub3A_2055 = arith.subi %scan3A_597, %sub3A : i32
        %mul3A_2056 = arith.constant 16 : i32
        %mul3A_2057 = arith.muli %sub3A_2055, %mul3A_2056 : i32
        %add3A_2058 = arith.constant 15 : i32
        %add3A_2059 = arith.addi %mul3A_2057, %add3A_2058 : i32
        %slice3A_2060 = vector.extract_strided_slice %scan3A_598 {offsets = [15], sizes = [1], strides = [1]} : vector<16xi32> to vector<1xi32>
        %squeeze3A_2061 = vector.extract %slice3A_2060[0] : i32 from vector<1xi32>
        %slice3A_2062 = vector.extract_strided_slice %scan3A_599 {offsets = [15], sizes = [1], strides = [1]} : vector<16xi32> to vector<1xi32>
        %squeeze3A_2063 = vector.extract %slice3A_2062[0] : i32 from vector<1xi32>
        %dma_wait3A_2064 = arith.constant 7 : i32
        %dma_wait3A_2065 = arith.constant 0 : i32
        %dma_wait3A_2066 = arith.constant 0 : i32
        %dma_wait3A_2067 = tpu.memref_slice %arg9[%dma_wait3A_2064, %dma_wait3A_2065, %dma_wait3A_2066] : memref<8x32x128xf32, #tpu.memory_space<vmem>> -> memref<1x32x128xf32, #tpu.memory_space<vmem>>
        %dma_wait3A_2068 = tpu.memref_squeeze %dma_wait3A_2067 : memref<1x32x128xf32, #tpu.memory_space<vmem>> -> memref<32x128xf32, #tpu.memory_space<vmem>>
        %dma_wait3A_2069 = arith.constant 0 : i32
        %dma_wait3A_2070 = arith.constant 0 : i32
        %dma_wait3A_2071 = tpu.memref_slice %arg4[%dma_wait3A_2069, %dma_wait3A_2070] : memref<32x1000000xf32, #tpu.memory_space<hbm>> -> memref<32x128xf32, #tpu.memory_space<hbm>>
        %dma_wait3A_2072 = arith.constant 0 : i32
        %dma_wait3A_2073 = arith.constant 0 : i32
        %dma_wait3A_2074 = tpu.memref_slice %arg9[%dma_wait3A_2064, %dma_wait3A_2072, %dma_wait3A_2073] : memref<8x32x128xf32, #tpu.memory_space<vmem>> -> memref<1x32x128xf32, #tpu.memory_space<vmem>>
        %dma_wait3A_2075 = tpu.memref_squeeze %dma_wait3A_2074 : memref<1x32x128xf32, #tpu.memory_space<vmem>> -> memref<32x128xf32, #tpu.memory_space<vmem>>
        %dma_wait3A_2076 = arith.constant 0 : i32
        %dma_wait3A_2077 = arith.constant 0 : i32
        %dma_wait3A_2078 = tpu.memref_slice %arg4[%dma_wait3A_2076, %dma_wait3A_2077] : memref<32x1000000xf32, #tpu.memory_space<hbm>> -> memref<32x128xf32, #tpu.memory_space<hbm>>
        tpu.wait_dma2 semaphore(%arg13 : memref<!tpu.dma_semaphore, #tpu.memory_space<semaphore_mem>>) src(%dma_wait3A_2078 : memref<32x128xf32, #tpu.memory_space<hbm>>) dst(%dma_wait3A_2075 : memref<32x128xf32, #tpu.memory_space<vmem>>)
        %dma_wait3A_2079 = arith.constant 7 : i32
        %dma_wait3A_2080 = arith.constant 0 : i32
        %dma_wait3A_2081 = arith.constant 0 : i32
        %dma_wait3A_2082 = tpu.memref_slice %arg10[%dma_wait3A_2079, %dma_wait3A_2080, %dma_wait3A_2081] : memref<8x32x128xf32, #tpu.memory_space<vmem>> -> memref<1x32x128xf32, #tpu.memory_space<vmem>>
        %dma_wait3A_2083 = tpu.memref_squeeze %dma_wait3A_2082 : memref<1x32x128xf32, #tpu.memory_space<vmem>> -> memref<32x128xf32, #tpu.memory_space<vmem>>
        %dma_wait3A_2084 = arith.constant 0 : i32
        %dma_wait3A_2085 = arith.constant 0 : i32
        %dma_wait3A_2086 = tpu.memref_slice %arg5[%dma_wait3A_2084, %dma_wait3A_2085] : memref<32x1000000xf32, #tpu.memory_space<hbm>> -> memref<32x128xf32, #tpu.memory_space<hbm>>
        %dma_wait3A_2087 = arith.constant 0 : i32
        %dma_wait3A_2088 = arith.constant 0 : i32
        %dma_wait3A_2089 = tpu.memref_slice %arg10[%dma_wait3A_2079, %dma_wait3A_2087, %dma_wait3A_2088] : memref<8x32x128xf32, #tpu.memory_space<vmem>> -> memref<1x32x128xf32, #tpu.memory_space<vmem>>
        %dma_wait3A_2090 = tpu.memref_squeeze %dma_wait3A_2089 : memref<1x32x128xf32, #tpu.memory_space<vmem>> -> memref<32x128xf32, #tpu.memory_space<vmem>>
        %dma_wait3A_2091 = arith.constant 0 : i32
        %dma_wait3A_2092 = arith.constant 0 : i32
        %dma_wait3A_2093 = tpu.memref_slice %arg5[%dma_wait3A_2091, %dma_wait3A_2092] : memref<32x1000000xf32, #tpu.memory_space<hbm>> -> memref<32x128xf32, #tpu.memory_space<hbm>>
        tpu.wait_dma2 semaphore(%arg14 : memref<!tpu.dma_semaphore, #tpu.memory_space<semaphore_mem>>) src(%dma_wait3A_2093 : memref<32x128xf32, #tpu.memory_space<hbm>>) dst(%dma_wait3A_2090 : memref<32x128xf32, #tpu.memory_space<vmem>>)
        %broadcast_in_dim3A_2094 = arith.constant 0 : i32
        %broadcast_in_dim3A_2095 = vector.broadcast %broadcast_in_dim3A_2094 : i32 to vector<16xi32>
        %and3A_2096 = arith.constant 127 : i32
        %and3A_2097 = arith.andi %squeeze3A_2061, %and3A_2096 : i32
        %add3A_2098 = vector.broadcast %and3A_2097 : i32 to vector<16xi32>
        %add3A_2099 = arith.addi %broadcast_in_dim3A_2095, %add3A_2098 : vector<16xi32>
        %broadcast_in_dim3A_2100 = arith.constant 0 : i32
        %broadcast_in_dim3A_2101 = vector.broadcast %broadcast_in_dim3A_2100 : i32 to vector<16xi32>
        %and3A_2102 = arith.constant 127 : i32
        %and3A_2103 = arith.andi %squeeze3A_2063, %and3A_2102 : i32
        %add3A_2104 = vector.broadcast %and3A_2103 : i32 to vector<16xi32>
        %add3A_2105 = arith.addi %broadcast_in_dim3A_2101, %add3A_2104 : vector<16xi32>
        %broadcast_in_dim3A_2106 = arith.constant 0.000000e+00 : f32
        %broadcast_in_dim3A_2107 = vector.broadcast %broadcast_in_dim3A_2106 : f32 to vector<16xf32>
        %add3A_2108 = arith.constant 0 : i32
        %add3A_2109 = vector.broadcast %add3A_2108 : i32 to vector<16xi32>
        %add3A_2110 = arith.addi %iota3A, %add3A_2109 : vector<16xi32>
        %gather3A_2111 = arith.constant 7 : i32
        %gather3A_2112 = arith.constant 0 : i32
        %gather3A_2113 = arith.constant 0 : i32
        %gather3A_2114 = tpu.memref_slice %arg9[%gather3A_2111, %gather3A_2112, %gather3A_2113] : memref<8x32x128xf32, #tpu.memory_space<vmem>> -> memref<1x32x128xf32, #tpu.memory_space<vmem>>
        %gather3A_2115 = tpu.memref_squeeze %gather3A_2114 : memref<1x32x128xf32, #tpu.memory_space<vmem>> -> memref<32x128xf32, #tpu.memory_space<vmem>>
        %gather3A_2116 = tpu.vector_load_idx %gather3A_2115[%add3A_2110, %add3A_2099] : memref<32x128xf32, #tpu.memory_space<vmem>>[vector<16xi32>, vector<16xi32>], vector<16xf32>,
        %gather3A_2117 = arith.constant 7 : i32
        %gather3A_2118 = arith.constant 0 : i32
        %gather3A_2119 = arith.constant 0 : i32
        %gather3A_2120 = tpu.memref_slice %arg10[%gather3A_2117, %gather3A_2118, %gather3A_2119] : memref<8x32x128xf32, #tpu.memory_space<vmem>> -> memref<1x32x128xf32, #tpu.memory_space<vmem>>
        %gather3A_2121 = tpu.memref_squeeze %gather3A_2120 : memref<1x32x128xf32, #tpu.memory_space<vmem>> -> memref<32x128xf32, #tpu.memory_space<vmem>>
        %gather3A_2122 = tpu.vector_load_idx %gather3A_2121[%add3A_2110, %add3A_2105] : memref<32x128xf32, #tpu.memory_space<vmem>>[vector<16xi32>, vector<16xi32>], vector<16xf32>,
        %mul3A_2123 = arith.mulf %gather3A_2116, %gather3A_2122 : vector<16xf32>
        %add3A_2124 = arith.addf %broadcast_in_dim3A_2107, %mul3A_2123 : vector<16xf32>
        %add3A_2125 = arith.constant 16 : i32
        %add3A_2126 = vector.broadcast %add3A_2125 : i32 to vector<16xi32>
        %add3A_2127 = arith.addi %iota3A, %add3A_2126 : vector<16xi32>
        %gather3A_2128 = arith.constant 7 : i32
        %gather3A_2129 = arith.constant 0 : i32
        %gather3A_2130 = arith.constant 0 : i32
        %gather3A_2131 = tpu.memref_slice %arg9[%gather3A_2128, %gather3A_2129, %gather3A_2130] : memref<8x32x128xf32, #tpu.memory_space<vmem>> -> memref<1x32x128xf32, #tpu.memory_space<vmem>>
        %gather3A_2132 = tpu.memref_squeeze %gather3A_2131 : memref<1x32x128xf32, #tpu.memory_space<vmem>> -> memref<32x128xf32, #tpu.memory_space<vmem>>
        %gather3A_2133 = tpu.vector_load_idx %gather3A_2132[%add3A_2127, %add3A_2099] : memref<32x128xf32, #tpu.memory_space<vmem>>[vector<16xi32>, vector<16xi32>], vector<16xf32>,
        %gather3A_2134 = arith.constant 7 : i32
        %gather3A_2135 = arith.constant 0 : i32
        %gather3A_2136 = arith.constant 0 : i32
        %gather3A_2137 = tpu.memref_slice %arg10[%gather3A_2134, %gather3A_2135, %gather3A_2136] : memref<8x32x128xf32, #tpu.memory_space<vmem>> -> memref<1x32x128xf32, #tpu.memory_space<vmem>>
        %gather3A_2138 = tpu.memref_squeeze %gather3A_2137 : memref<1x32x128xf32, #tpu.memory_space<vmem>> -> memref<32x128xf32, #tpu.memory_space<vmem>>
        %gather3A_2139 = tpu.vector_load_idx %gather3A_2138[%add3A_2127, %add3A_2105] : memref<32x128xf32, #tpu.memory_space<vmem>>[vector<16xi32>, vector<16xi32>], vector<16xf32>,
        %mul3A_2140 = arith.mulf %gather3A_2133, %gather3A_2139 : vector<16xf32>
        %add3A_2141 = arith.addf %add3A_2124, %mul3A_2140 : vector<16xf32>
        %mul3A_2142 = arith.constant 16 : i32
        %mul3A_2143 = arith.muli %add3A_2059, %mul3A_2142 : i32
        %swap3A_2144 = arith.index_cast %mul3A_2143 : i32 to index
        %swap3A_2145 = tpu.vector_load %arg11[%swap3A_2144] {strides = array<i32>} : memref<8192xf32, #tpu.memory_space<vmem>>, vector<16xf32>,
        tpu.vector_store %arg11[%swap3A_2144], %add3A_2141 {strides = array<i32>} : memref<8192xf32, #tpu.memory_space<vmem>>, vector<16xf32>,
      } else {
      }
      %slice3A_903 = vector.extract_strided_slice %get3A_602 {offsets = [7], sizes = [1], strides = [1]} : vector<16xi32> to vector<1xi32>
      %squeeze3A_904 = vector.extract %slice3A_903[0] : i32 from vector<1xi32>
      %slice3A_905 = vector.extract_strided_slice %get3A_606 {offsets = [7], sizes = [1], strides = [1]} : vector<16xi32> to vector<1xi32>
      %squeeze3A_906 = vector.extract %slice3A_905[0] : i32 from vector<1xi32>
      %shift_right_arithmetic3A_907 = arith.constant 7 : i32
      %shift_right_arithmetic3A_908 = arith.shrsi %squeeze3A_904, %shift_right_arithmetic3A_907 : i32
      %mul3A_909 = arith.constant 128 : i32
      %mul3A_910 = arith.muli %shift_right_arithmetic3A_908, %mul3A_909 : i32
      %dma_start3A_911 = arith.constant 7 : i32
      %dma_start3A_912 = arith.constant 0 : i32
      %dma_start3A_913 = arith.constant 0 : i32
      %dma_start3A_914 = tpu.memref_slice %arg9[%dma_start3A_911, %dma_start3A_912, %dma_start3A_913] : memref<8x32x128xf32, #tpu.memory_space<vmem>> -> memref<1x32x128xf32, #tpu.memory_space<vmem>>
      %dma_start3A_915 = tpu.memref_squeeze %dma_start3A_914 : memref<1x32x128xf32, #tpu.memory_space<vmem>> -> memref<32x128xf32, #tpu.memory_space<vmem>>
      %dma_start3A_916 = arith.constant 0 : i32
      %dma_start3A_917 = tpu.memref_slice %arg4[%dma_start3A_916, %mul3A_910] : memref<32x1000000xf32, #tpu.memory_space<hbm>> -> memref<32x128xf32, #tpu.memory_space<hbm>>
      %dma_start3A_918 = arith.constant 0 : i32
      %dma_start3A_919 = arith.constant 0 : i32
      %dma_start3A_920 = tpu.memref_slice %arg9[%dma_start3A_911, %dma_start3A_918, %dma_start3A_919] : memref<8x32x128xf32, #tpu.memory_space<vmem>> -> memref<1x32x128xf32, #tpu.memory_space<vmem>>
      %dma_start3A_921 = tpu.memref_squeeze %dma_start3A_920 : memref<1x32x128xf32, #tpu.memory_space<vmem>> -> memref<32x128xf32, #tpu.memory_space<vmem>>
      %dma_start3A_922 = arith.constant 0 : i32
      %dma_start3A_923 = tpu.memref_slice %arg4[%dma_start3A_922, %mul3A_910] : memref<32x1000000xf32, #tpu.memory_space<hbm>> -> memref<32x128xf32, #tpu.memory_space<hbm>>
      tpu.enqueue_dma source(%dma_start3A_923 : memref<32x128xf32, #tpu.memory_space<hbm>>) target(%dma_start3A_921 : memref<32x128xf32, #tpu.memory_space<vmem>>) target_semaphore(%arg13 : memref<!tpu.dma_semaphore, #tpu.memory_space<semaphore_mem>>)
      %shift_right_arithmetic3A_924 = arith.constant 7 : i32
      %shift_right_arithmetic3A_925 = arith.shrsi %squeeze3A_906, %shift_right_arithmetic3A_924 : i32
      %mul3A_926 = arith.constant 128 : i32
      %mul3A_927 = arith.muli %shift_right_arithmetic3A_925, %mul3A_926 : i32
      %dma_start3A_928 = arith.constant 7 : i32
      %dma_start3A_929 = arith.constant 0 : i32
      %dma_start3A_930 = arith.constant 0 : i32
      %dma_start3A_931 = tpu.memref_slice %arg10[%dma_start3A_928, %dma_start3A_929, %dma_start3A_930] : memref<8x32x128xf32, #tpu.memory_space<vmem>> -> memref<1x32x128xf32, #tpu.memory_space<vmem>>
      %dma_start3A_932 = tpu.memref_squeeze %dma_start3A_931 : memref<1x32x128xf32, #tpu.memory_space<vmem>> -> memref<32x128xf32, #tpu.memory_space<vmem>>
      %dma_start3A_933 = arith.constant 0 : i32
      %dma_start3A_934 = tpu.memref_slice %arg5[%dma_start3A_933, %mul3A_927] : memref<32x1000000xf32, #tpu.memory_space<hbm>> -> memref<32x128xf32, #tpu.memory_space<hbm>>
      %dma_start3A_935 = arith.constant 0 : i32
      %dma_start3A_936 = arith.constant 0 : i32
      %dma_start3A_937 = tpu.memref_slice %arg10[%dma_start3A_928, %dma_start3A_935, %dma_start3A_936] : memref<8x32x128xf32, #tpu.memory_space<vmem>> -> memref<1x32x128xf32, #tpu.memory_space<vmem>>
      %dma_start3A_938 = tpu.memref_squeeze %dma_start3A_937 : memref<1x32x128xf32, #tpu.memory_space<vmem>> -> memref<32x128xf32, #tpu.memory_space<vmem>>
      %dma_start3A_939 = arith.constant 0 : i32
      %dma_start3A_940 = tpu.memref_slice %arg5[%dma_start3A_939, %mul3A_927] : memref<32x1000000xf32, #tpu.memory_space<hbm>> -> memref<32x128xf32, #tpu.memory_space<hbm>>
      tpu.enqueue_dma source(%dma_start3A_940 : memref<32x128xf32, #tpu.memory_space<hbm>>) target(%dma_start3A_938 : memref<32x128xf32, #tpu.memory_space<vmem>>) target_semaphore(%arg14 : memref<!tpu.dma_semaphore, #tpu.memory_space<semaphore_mem>>)
      %mul3A_941 = arith.constant 16 : i32
      %mul3A_942 = arith.muli %scan3A_597, %mul3A_941 : i32
      %add3A_943 = arith.constant 0 : i32
      %add3A_944 = arith.addi %mul3A_942, %add3A_943 : i32
      %slice3A_945 = vector.extract_strided_slice %get3A_602 {offsets = [0], sizes = [1], strides = [1]} : vector<16xi32> to vector<1xi32>
      %squeeze3A_946 = vector.extract %slice3A_945[0] : i32 from vector<1xi32>
      %slice3A_947 = vector.extract_strided_slice %get3A_606 {offsets = [0], sizes = [1], strides = [1]} : vector<16xi32> to vector<1xi32>
      %squeeze3A_948 = vector.extract %slice3A_947[0] : i32 from vector<1xi32>
      %dma_wait3A_949 = arith.constant 0 : i32
      %dma_wait3A_950 = arith.constant 0 : i32
      %dma_wait3A_951 = arith.constant 0 : i32
      %dma_wait3A_952 = tpu.memref_slice %arg9[%dma_wait3A_949, %dma_wait3A_950, %dma_wait3A_951] : memref<8x32x128xf32, #tpu.memory_space<vmem>> -> memref<1x32x128xf32, #tpu.memory_space<vmem>>
      %dma_wait3A_953 = tpu.memref_squeeze %dma_wait3A_952 : memref<1x32x128xf32, #tpu.memory_space<vmem>> -> memref<32x128xf32, #tpu.memory_space<vmem>>
      %dma_wait3A_954 = arith.constant 0 : i32
      %dma_wait3A_955 = arith.constant 0 : i32
      %dma_wait3A_956 = tpu.memref_slice %arg4[%dma_wait3A_954, %dma_wait3A_955] : memref<32x1000000xf32, #tpu.memory_space<hbm>> -> memref<32x128xf32, #tpu.memory_space<hbm>>
      %dma_wait3A_957 = arith.constant 0 : i32
      %dma_wait3A_958 = arith.constant 0 : i32
      %dma_wait3A_959 = tpu.memref_slice %arg9[%dma_wait3A_949, %dma_wait3A_957, %dma_wait3A_958] : memref<8x32x128xf32, #tpu.memory_space<vmem>> -> memref<1x32x128xf32, #tpu.memory_space<vmem>>
      %dma_wait3A_960 = tpu.memref_squeeze %dma_wait3A_959 : memref<1x32x128xf32, #tpu.memory_space<vmem>> -> memref<32x128xf32, #tpu.memory_space<vmem>>
      %dma_wait3A_961 = arith.constant 0 : i32
      %dma_wait3A_962 = arith.constant 0 : i32
      %dma_wait3A_963 = tpu.memref_slice %arg4[%dma_wait3A_961, %dma_wait3A_962] : memref<32x1000000xf32, #tpu.memory_space<hbm>> -> memref<32x128xf32, #tpu.memory_space<hbm>>
      tpu.wait_dma2 semaphore(%arg13 : memref<!tpu.dma_semaphore, #tpu.memory_space<semaphore_mem>>) src(%dma_wait3A_963 : memref<32x128xf32, #tpu.memory_space<hbm>>) dst(%dma_wait3A_960 : memref<32x128xf32, #tpu.memory_space<vmem>>)
      %dma_wait3A_964 = arith.constant 0 : i32
      %dma_wait3A_965 = arith.constant 0 : i32
      %dma_wait3A_966 = arith.constant 0 : i32
      %dma_wait3A_967 = tpu.memref_slice %arg10[%dma_wait3A_964, %dma_wait3A_965, %dma_wait3A_966] : memref<8x32x128xf32, #tpu.memory_space<vmem>> -> memref<1x32x128xf32, #tpu.memory_space<vmem>>
      %dma_wait3A_968 = tpu.memref_squeeze %dma_wait3A_967 : memref<1x32x128xf32, #tpu.memory_space<vmem>> -> memref<32x128xf32, #tpu.memory_space<vmem>>
      %dma_wait3A_969 = arith.constant 0 : i32
      %dma_wait3A_970 = arith.constant 0 : i32
      %dma_wait3A_971 = tpu.memref_slice %arg5[%dma_wait3A_969, %dma_wait3A_970] : memref<32x1000000xf32, #tpu.memory_space<hbm>> -> memref<32x128xf32, #tpu.memory_space<hbm>>
      %dma_wait3A_972 = arith.constant 0 : i32
      %dma_wait3A_973 = arith.constant 0 : i32
      %dma_wait3A_974 = tpu.memref_slice %arg10[%dma_wait3A_964, %dma_wait3A_972, %dma_wait3A_973] : memref<8x32x128xf32, #tpu.memory_space<vmem>> -> memref<1x32x128xf32, #tpu.memory_space<vmem>>
      %dma_wait3A_975 = tpu.memref_squeeze %dma_wait3A_974 : memref<1x32x128xf32, #tpu.memory_space<vmem>> -> memref<32x128xf32, #tpu.memory_space<vmem>>
      %dma_wait3A_976 = arith.constant 0 : i32
      %dma_wait3A_977 = arith.constant 0 : i32
      %dma_wait3A_978 = tpu.memref_slice %arg5[%dma_wait3A_976, %dma_wait3A_977] : memref<32x1000000xf32, #tpu.memory_space<hbm>> -> memref<32x128xf32, #tpu.memory_space<hbm>>
      tpu.wait_dma2 semaphore(%arg14 : memref<!tpu.dma_semaphore, #tpu.memory_space<semaphore_mem>>) src(%dma_wait3A_978 : memref<32x128xf32, #tpu.memory_space<hbm>>) dst(%dma_wait3A_975 : memref<32x128xf32, #tpu.memory_space<vmem>>)
      %broadcast_in_dim3A_979 = arith.constant 0 : i32
      %broadcast_in_dim3A_980 = vector.broadcast %broadcast_in_dim3A_979 : i32 to vector<16xi32>
      %and3A_981 = arith.constant 127 : i32
      %and3A_982 = arith.andi %squeeze3A_946, %and3A_981 : i32
      %add3A_983 = vector.broadcast %and3A_982 : i32 to vector<16xi32>
      %add3A_984 = arith.addi %broadcast_in_dim3A_980, %add3A_983 : vector<16xi32>
      %broadcast_in_dim3A_985 = arith.constant 0 : i32
      %broadcast_in_dim3A_986 = vector.broadcast %broadcast_in_dim3A_985 : i32 to vector<16xi32>
      %and3A_987 = arith.constant 127 : i32
      %and3A_988 = arith.andi %squeeze3A_948, %and3A_987 : i32
      %add3A_989 = vector.broadcast %and3A_988 : i32 to vector<16xi32>
      %add3A_990 = arith.addi %broadcast_in_dim3A_986, %add3A_989 : vector<16xi32>
      %broadcast_in_dim3A_991 = arith.constant 0.000000e+00 : f32
      %broadcast_in_dim3A_992 = vector.broadcast %broadcast_in_dim3A_991 : f32 to vector<16xf32>
      %add3A_993 = arith.constant 0 : i32
      %add3A_994 = vector.broadcast %add3A_993 : i32 to vector<16xi32>
      %add3A_995 = arith.addi %iota3A, %add3A_994 : vector<16xi32>
      %gather3A_996 = arith.constant 0 : i32
      %gather3A_997 = arith.constant 0 : i32
      %gather3A_998 = arith.constant 0 : i32
      %gather3A_999 = tpu.memref_slice %arg9[%gather3A_996, %gather3A_997, %gather3A_998] : memref<8x32x128xf32, #tpu.memory_space<vmem>> -> memref<1x32x128xf32, #tpu.memory_space<vmem>>
      %gather3A_1000 = tpu.memref_squeeze %gather3A_999 : memref<1x32x128xf32, #tpu.memory_space<vmem>> -> memref<32x128xf32, #tpu.memory_space<vmem>>
      %gather3A_1001 = tpu.vector_load_idx %gather3A_1000[%add3A_995, %add3A_984] : memref<32x128xf32, #tpu.memory_space<vmem>>[vector<16xi32>, vector<16xi32>], vector<16xf32>,
      %gather3A_1002 = arith.constant 0 : i32
      %gather3A_1003 = arith.constant 0 : i32
      %gather3A_1004 = arith.constant 0 : i32
      %gather3A_1005 = tpu.memref_slice %arg10[%gather3A_1002, %gather3A_1003, %gather3A_1004] : memref<8x32x128xf32, #tpu.memory_space<vmem>> -> memref<1x32x128xf32, #tpu.memory_space<vmem>>
      %gather3A_1006 = tpu.memref_squeeze %gather3A_1005 : memref<1x32x128xf32, #tpu.memory_space<vmem>> -> memref<32x128xf32, #tpu.memory_space<vmem>>
      %gather3A_1007 = tpu.vector_load_idx %gather3A_1006[%add3A_995, %add3A_990] : memref<32x128xf32, #tpu.memory_space<vmem>>[vector<16xi32>, vector<16xi32>], vector<16xf32>,
      %mul3A_1008 = arith.mulf %gather3A_1001, %gather3A_1007 : vector<16xf32>
      %add3A_1009 = arith.addf %broadcast_in_dim3A_992, %mul3A_1008 : vector<16xf32>
      %add3A_1010 = arith.constant 16 : i32
      %add3A_1011 = vector.broadcast %add3A_1010 : i32 to vector<16xi32>
      %add3A_1012 = arith.addi %iota3A, %add3A_1011 : vector<16xi32>
      %gather3A_1013 = arith.constant 0 : i32
      %gather3A_1014 = arith.constant 0 : i32
      %gather3A_1015 = arith.constant 0 : i32
      %gather3A_1016 = tpu.memref_slice %arg9[%gather3A_1013, %gather3A_1014, %gather3A_1015] : memref<8x32x128xf32, #tpu.memory_space<vmem>> -> memref<1x32x128xf32, #tpu.memory_space<vmem>>
      %gather3A_1017 = tpu.memref_squeeze %gather3A_1016 : memref<1x32x128xf32, #tpu.memory_space<vmem>> -> memref<32x128xf32, #tpu.memory_space<vmem>>
      %gather3A_1018 = tpu.vector_load_idx %gather3A_1017[%add3A_1012, %add3A_984] : memref<32x128xf32, #tpu.memory_space<vmem>>[vector<16xi32>, vector<16xi32>], vector<16xf32>,
      %gather3A_1019 = arith.constant 0 : i32
      %gather3A_1020 = arith.constant 0 : i32
      %gather3A_1021 = arith.constant 0 : i32
      %gather3A_1022 = tpu.memref_slice %arg10[%gather3A_1019, %gather3A_1020, %gather3A_1021] : memref<8x32x128xf32, #tpu.memory_space<vmem>> -> memref<1x32x128xf32, #tpu.memory_space<vmem>>
      %gather3A_1023 = tpu.memref_squeeze %gather3A_1022 : memref<1x32x128xf32, #tpu.memory_space<vmem>> -> memref<32x128xf32, #tpu.memory_space<vmem>>
      %gather3A_1024 = tpu.vector_load_idx %gather3A_1023[%add3A_1012, %add3A_990] : memref<32x128xf32, #tpu.memory_space<vmem>>[vector<16xi32>, vector<16xi32>], vector<16xf32>,
      %mul3A_1025 = arith.mulf %gather3A_1018, %gather3A_1024 : vector<16xf32>
      %add3A_1026 = arith.addf %add3A_1009, %mul3A_1025 : vector<16xf32>
      %mul3A_1027 = arith.constant 16 : i32
      %mul3A_1028 = arith.muli %add3A_944, %mul3A_1027 : i32
      %swap3A_1029 = arith.index_cast %mul3A_1028 : i32 to index
      %swap3A_1030 = tpu.vector_load %arg11[%swap3A_1029] {strides = array<i32>} : memref<8192xf32, #tpu.memory_space<vmem>>, vector<16xf32>,
      tpu.vector_store %arg11[%swap3A_1029], %add3A_1026 {strides = array<i32>} : memref<8192xf32, #tpu.memory_space<vmem>>, vector<16xf32>,
      %slice3A_1031 = vector.extract_strided_slice %get3A_602 {offsets = [8], sizes = [1], strides = [1]} : vector<16xi32> to vector<1xi32>
      %squeeze3A_1032 = vector.extract %slice3A_1031[0] : i32 from vector<1xi32>
      %slice3A_1033 = vector.extract_strided_slice %get3A_606 {offsets = [8], sizes = [1], strides = [1]} : vector<16xi32> to vector<1xi32>
      %squeeze3A_1034 = vector.extract %slice3A_1033[0] : i32 from vector<1xi32>
      %shift_right_arithmetic3A_1035 = arith.constant 7 : i32
      %shift_right_arithmetic3A_1036 = arith.shrsi %squeeze3A_1032, %shift_right_arithmetic3A_1035 : i32
      %mul3A_1037 = arith.constant 128 : i32
      %mul3A_1038 = arith.muli %shift_right_arithmetic3A_1036, %mul3A_1037 : i32
      %dma_start3A_1039 = arith.constant 0 : i32
      %dma_start3A_1040 = arith.constant 0 : i32
      %dma_start3A_1041 = arith.constant 0 : i32
      %dma_start3A_1042 = tpu.memref_slice %arg9[%dma_start3A_1039, %dma_start3A_1040, %dma_start3A_1041] : memref<8x32x128xf32, #tpu.memory_space<vmem>> -> memref<1x32x128xf32, #tpu.memory_space<vmem>>
      %dma_start3A_1043 = tpu.memref_squeeze %dma_start3A_1042 : memref<1x32x128xf32, #tpu.memory_space<vmem>> -> memref<32x128xf32, #tpu.memory_space<vmem>>
      %dma_start3A_1044 = arith.constant 0 : i32
      %dma_start3A_1045 = tpu.memref_slice %arg4[%dma_start3A_1044, %mul3A_1038] : memref<32x1000000xf32, #tpu.memory_space<hbm>> -> memref<32x128xf32, #tpu.memory_space<hbm>>
      %dma_start3A_1046 = arith.constant 0 : i32
      %dma_start3A_1047 = arith.constant 0 : i32
      %dma_start3A_1048 = tpu.memref_slice %arg9[%dma_start3A_1039, %dma_start3A_1046, %dma_start3A_1047] : memref<8x32x128xf32, #tpu.memory_space<vmem>> -> memref<1x32x128xf32, #tpu.memory_space<vmem>>
      %dma_start3A_1049 = tpu.memref_squeeze %dma_start3A_1048 : memref<1x32x128xf32, #tpu.memory_space<vmem>> -> memref<32x128xf32, #tpu.memory_space<vmem>>
      %dma_start3A_1050 = arith.constant 0 : i32
      %dma_start3A_1051 = tpu.memref_slice %arg4[%dma_start3A_1050, %mul3A_1038] : memref<32x1000000xf32, #tpu.memory_space<hbm>> -> memref<32x128xf32, #tpu.memory_space<hbm>>
      tpu.enqueue_dma source(%dma_start3A_1051 : memref<32x128xf32, #tpu.memory_space<hbm>>) target(%dma_start3A_1049 : memref<32x128xf32, #tpu.memory_space<vmem>>) target_semaphore(%arg13 : memref<!tpu.dma_semaphore, #tpu.memory_space<semaphore_mem>>)
      %shift_right_arithmetic3A_1052 = arith.constant 7 : i32
      %shift_right_arithmetic3A_1053 = arith.shrsi %squeeze3A_1034, %shift_right_arithmetic3A_1052 : i32
      %mul3A_1054 = arith.constant 128 : i32
      %mul3A_1055 = arith.muli %shift_right_arithmetic3A_1053, %mul3A_1054 : i32
      %dma_start3A_1056 = arith.constant 0 : i32
      %dma_start3A_1057 = arith.constant 0 : i32
      %dma_start3A_1058 = arith.constant 0 : i32
      %dma_start3A_1059 = tpu.memref_slice %arg10[%dma_start3A_1056, %dma_start3A_1057, %dma_start3A_1058] : memref<8x32x128xf32, #tpu.memory_space<vmem>> -> memref<1x32x128xf32, #tpu.memory_space<vmem>>
      %dma_start3A_1060 = tpu.memref_squeeze %dma_start3A_1059 : memref<1x32x128xf32, #tpu.memory_space<vmem>> -> memref<32x128xf32, #tpu.memory_space<vmem>>
      %dma_start3A_1061 = arith.constant 0 : i32
      %dma_start3A_1062 = tpu.memref_slice %arg5[%dma_start3A_1061, %mul3A_1055] : memref<32x1000000xf32, #tpu.memory_space<hbm>> -> memref<32x128xf32, #tpu.memory_space<hbm>>
      %dma_start3A_1063 = arith.constant 0 : i32
      %dma_start3A_1064 = arith.constant 0 : i32
      %dma_start3A_1065 = tpu.memref_slice %arg10[%dma_start3A_1056, %dma_start3A_1063, %dma_start3A_1064] : memref<8x32x128xf32, #tpu.memory_space<vmem>> -> memref<1x32x128xf32, #tpu.memory_space<vmem>>
      %dma_start3A_1066 = tpu.memref_squeeze %dma_start3A_1065 : memref<1x32x128xf32, #tpu.memory_space<vmem>> -> memref<32x128xf32, #tpu.memory_space<vmem>>
      %dma_start3A_1067 = arith.constant 0 : i32
      %dma_start3A_1068 = tpu.memref_slice %arg5[%dma_start3A_1067, %mul3A_1055] : memref<32x1000000xf32, #tpu.memory_space<hbm>> -> memref<32x128xf32, #tpu.memory_space<hbm>>
      tpu.enqueue_dma source(%dma_start3A_1068 : memref<32x128xf32, #tpu.memory_space<hbm>>) target(%dma_start3A_1066 : memref<32x128xf32, #tpu.memory_space<vmem>>) target_semaphore(%arg14 : memref<!tpu.dma_semaphore, #tpu.memory_space<semaphore_mem>>)
      %mul3A_1069 = arith.constant 16 : i32
      %mul3A_1070 = arith.muli %scan3A_597, %mul3A_1069 : i32
      %add3A_1071 = arith.constant 1 : i32
      %add3A_1072 = arith.addi %mul3A_1070, %add3A_1071 : i32
      %slice3A_1073 = vector.extract_strided_slice %get3A_602 {offsets = [1], sizes = [1], strides = [1]} : vector<16xi32> to vector<1xi32>
      %squeeze3A_1074 = vector.extract %slice3A_1073[0] : i32 from vector<1xi32>
      %slice3A_1075 = vector.extract_strided_slice %get3A_606 {offsets = [1], sizes = [1], strides = [1]} : vector<16xi32> to vector<1xi32>
      %squeeze3A_1076 = vector.extract %slice3A_1075[0] : i32 from vector<1xi32>
      %dma_wait3A_1077 = arith.constant 1 : i32
      %dma_wait3A_1078 = arith.constant 0 : i32
      %dma_wait3A_1079 = arith.constant 0 : i32
      %dma_wait3A_1080 = tpu.memref_slice %arg9[%dma_wait3A_1077, %dma_wait3A_1078, %dma_wait3A_1079] : memref<8x32x128xf32, #tpu.memory_space<vmem>> -> memref<1x32x128xf32, #tpu.memory_space<vmem>>
      %dma_wait3A_1081 = tpu.memref_squeeze %dma_wait3A_1080 : memref<1x32x128xf32, #tpu.memory_space<vmem>> -> memref<32x128xf32, #tpu.memory_space<vmem>>
      %dma_wait3A_1082 = arith.constant 0 : i32
      %dma_wait3A_1083 = arith.constant 0 : i32
      %dma_wait3A_1084 = tpu.memref_slice %arg4[%dma_wait3A_1082, %dma_wait3A_1083] : memref<32x1000000xf32, #tpu.memory_space<hbm>> -> memref<32x128xf32, #tpu.memory_space<hbm>>
      %dma_wait3A_1085 = arith.constant 0 : i32
      %dma_wait3A_1086 = arith.constant 0 : i32
      %dma_wait3A_1087 = tpu.memref_slice %arg9[%dma_wait3A_1077, %dma_wait3A_1085, %dma_wait3A_1086] : memref<8x32x128xf32, #tpu.memory_space<vmem>> -> memref<1x32x128xf32, #tpu.memory_space<vmem>>
      %dma_wait3A_1088 = tpu.memref_squeeze %dma_wait3A_1087 : memref<1x32x128xf32, #tpu.memory_space<vmem>> -> memref<32x128xf32, #tpu.memory_space<vmem>>
      %dma_wait3A_1089 = arith.constant 0 : i32
      %dma_wait3A_1090 = arith.constant 0 : i32
      %dma_wait3A_1091 = tpu.memref_slice %arg4[%dma_wait3A_1089, %dma_wait3A_1090] : memref<32x1000000xf32, #tpu.memory_space<hbm>> -> memref<32x128xf32, #tpu.memory_space<hbm>>
      tpu.wait_dma2 semaphore(%arg13 : memref<!tpu.dma_semaphore, #tpu.memory_space<semaphore_mem>>) src(%dma_wait3A_1091 : memref<32x128xf32, #tpu.memory_space<hbm>>) dst(%dma_wait3A_1088 : memref<32x128xf32, #tpu.memory_space<vmem>>)
      %dma_wait3A_1092 = arith.constant 1 : i32
      %dma_wait3A_1093 = arith.constant 0 : i32
      %dma_wait3A_1094 = arith.constant 0 : i32
      %dma_wait3A_1095 = tpu.memref_slice %arg10[%dma_wait3A_1092, %dma_wait3A_1093, %dma_wait3A_1094] : memref<8x32x128xf32, #tpu.memory_space<vmem>> -> memref<1x32x128xf32, #tpu.memory_space<vmem>>
      %dma_wait3A_1096 = tpu.memref_squeeze %dma_wait3A_1095 : memref<1x32x128xf32, #tpu.memory_space<vmem>> -> memref<32x128xf32, #tpu.memory_space<vmem>>
      %dma_wait3A_1097 = arith.constant 0 : i32
      %dma_wait3A_1098 = arith.constant 0 : i32
      %dma_wait3A_1099 = tpu.memref_slice %arg5[%dma_wait3A_1097, %dma_wait3A_1098] : memref<32x1000000xf32, #tpu.memory_space<hbm>> -> memref<32x128xf32, #tpu.memory_space<hbm>>
      %dma_wait3A_1100 = arith.constant 0 : i32
      %dma_wait3A_1101 = arith.constant 0 : i32
      %dma_wait3A_1102 = tpu.memref_slice %arg10[%dma_wait3A_1092, %dma_wait3A_1100, %dma_wait3A_1101] : memref<8x32x128xf32, #tpu.memory_space<vmem>> -> memref<1x32x128xf32, #tpu.memory_space<vmem>>
      %dma_wait3A_1103 = tpu.memref_squeeze %dma_wait3A_1102 : memref<1x32x128xf32, #tpu.memory_space<vmem>> -> memref<32x128xf32, #tpu.memory_space<vmem>>
      %dma_wait3A_1104 = arith.constant 0 : i32
      %dma_wait3A_1105 = arith.constant 0 : i32
      %dma_wait3A_1106 = tpu.memref_slice %arg5[%dma_wait3A_1104, %dma_wait3A_1105] : memref<32x1000000xf32, #tpu.memory_space<hbm>> -> memref<32x128xf32, #tpu.memory_space<hbm>>
      tpu.wait_dma2 semaphore(%arg14 : memref<!tpu.dma_semaphore, #tpu.memory_space<semaphore_mem>>) src(%dma_wait3A_1106 : memref<32x128xf32, #tpu.memory_space<hbm>>) dst(%dma_wait3A_1103 : memref<32x128xf32, #tpu.memory_space<vmem>>)
      %broadcast_in_dim3A_1107 = arith.constant 0 : i32
      %broadcast_in_dim3A_1108 = vector.broadcast %broadcast_in_dim3A_1107 : i32 to vector<16xi32>
      %and3A_1109 = arith.constant 127 : i32
      %and3A_1110 = arith.andi %squeeze3A_1074, %and3A_1109 : i32
      %add3A_1111 = vector.broadcast %and3A_1110 : i32 to vector<16xi32>
      %add3A_1112 = arith.addi %broadcast_in_dim3A_1108, %add3A_1111 : vector<16xi32>
      %broadcast_in_dim3A_1113 = arith.constant 0 : i32
      %broadcast_in_dim3A_1114 = vector.broadcast %broadcast_in_dim3A_1113 : i32 to vector<16xi32>
      %and3A_1115 = arith.constant 127 : i32
      %and3A_1116 = arith.andi %squeeze3A_1076, %and3A_1115 : i32
      %add3A_1117 = vector.broadcast %and3A_1116 : i32 to vector<16xi32>
      %add3A_1118 = arith.addi %broadcast_in_dim3A_1114, %add3A_1117 : vector<16xi32>
      %broadcast_in_dim3A_1119 = arith.constant 0.000000e+00 : f32
      %broadcast_in_dim3A_1120 = vector.broadcast %broadcast_in_dim3A_1119 : f32 to vector<16xf32>
      %add3A_1121 = arith.constant 0 : i32
      %add3A_1122 = vector.broadcast %add3A_1121 : i32 to vector<16xi32>
      %add3A_1123 = arith.addi %iota3A, %add3A_1122 : vector<16xi32>
      %gather3A_1124 = arith.constant 1 : i32
      %gather3A_1125 = arith.constant 0 : i32
      %gather3A_1126 = arith.constant 0 : i32
      %gather3A_1127 = tpu.memref_slice %arg9[%gather3A_1124, %gather3A_1125, %gather3A_1126] : memref<8x32x128xf32, #tpu.memory_space<vmem>> -> memref<1x32x128xf32, #tpu.memory_space<vmem>>
      %gather3A_1128 = tpu.memref_squeeze %gather3A_1127 : memref<1x32x128xf32, #tpu.memory_space<vmem>> -> memref<32x128xf32, #tpu.memory_space<vmem>>
      %gather3A_1129 = tpu.vector_load_idx %gather3A_1128[%add3A_1123, %add3A_1112] : memref<32x128xf32, #tpu.memory_space<vmem>>[vector<16xi32>, vector<16xi32>], vector<16xf32>,
      %gather3A_1130 = arith.constant 1 : i32
      %gather3A_1131 = arith.constant 0 : i32
      %gather3A_1132 = arith.constant 0 : i32
      %gather3A_1133 = tpu.memref_slice %arg10[%gather3A_1130, %gather3A_1131, %gather3A_1132] : memref<8x32x128xf32, #tpu.memory_space<vmem>> -> memref<1x32x128xf32, #tpu.memory_space<vmem>>
      %gather3A_1134 = tpu.memref_squeeze %gather3A_1133 : memref<1x32x128xf32, #tpu.memory_space<vmem>> -> memref<32x128xf32, #tpu.memory_space<vmem>>
      %gather3A_1135 = tpu.vector_load_idx %gather3A_1134[%add3A_1123, %add3A_1118] : memref<32x128xf32, #tpu.memory_space<vmem>>[vector<16xi32>, vector<16xi32>], vector<16xf32>,
      %mul3A_1136 = arith.mulf %gather3A_1129, %gather3A_1135 : vector<16xf32>
      %add3A_1137 = arith.addf %broadcast_in_dim3A_1120, %mul3A_1136 : vector<16xf32>
      %add3A_1138 = arith.constant 16 : i32
      %add3A_1139 = vector.broadcast %add3A_1138 : i32 to vector<16xi32>
      %add3A_1140 = arith.addi %iota3A, %add3A_1139 : vector<16xi32>
      %gather3A_1141 = arith.constant 1 : i32
      %gather3A_1142 = arith.constant 0 : i32
      %gather3A_1143 = arith.constant 0 : i32
      %gather3A_1144 = tpu.memref_slice %arg9[%gather3A_1141, %gather3A_1142, %gather3A_1143] : memref<8x32x128xf32, #tpu.memory_space<vmem>> -> memref<1x32x128xf32, #tpu.memory_space<vmem>>
      %gather3A_1145 = tpu.memref_squeeze %gather3A_1144 : memref<1x32x128xf32, #tpu.memory_space<vmem>> -> memref<32x128xf32, #tpu.memory_space<vmem>>
      %gather3A_1146 = tpu.vector_load_idx %gather3A_1145[%add3A_1140, %add3A_1112] : memref<32x128xf32, #tpu.memory_space<vmem>>[vector<16xi32>, vector<16xi32>], vector<16xf32>,
      %gather3A_1147 = arith.constant 1 : i32
      %gather3A_1148 = arith.constant 0 : i32
      %gather3A_1149 = arith.constant 0 : i32
      %gather3A_1150 = tpu.memref_slice %arg10[%gather3A_1147, %gather3A_1148, %gather3A_1149] : memref<8x32x128xf32, #tpu.memory_space<vmem>> -> memref<1x32x128xf32, #tpu.memory_space<vmem>>
      %gather3A_1151 = tpu.memref_squeeze %gather3A_1150 : memref<1x32x128xf32, #tpu.memory_space<vmem>> -> memref<32x128xf32, #tpu.memory_space<vmem>>
      %gather3A_1152 = tpu.vector_load_idx %gather3A_1151[%add3A_1140, %add3A_1118] : memref<32x128xf32, #tpu.memory_space<vmem>>[vector<16xi32>, vector<16xi32>], vector<16xf32>,
      %mul3A_1153 = arith.mulf %gather3A_1146, %gather3A_1152 : vector<16xf32>
      %add3A_1154 = arith.addf %add3A_1137, %mul3A_1153 : vector<16xf32>
      %mul3A_1155 = arith.constant 16 : i32
      %mul3A_1156 = arith.muli %add3A_1072, %mul3A_1155 : i32
      %swap3A_1157 = arith.index_cast %mul3A_1156 : i32 to index
      %swap3A_1158 = tpu.vector_load %arg11[%swap3A_1157] {strides = array<i32>} : memref<8192xf32, #tpu.memory_space<vmem>>, vector<16xf32>,
      tpu.vector_store %arg11[%swap3A_1157], %add3A_1154 {strides = array<i32>} : memref<8192xf32, #tpu.memory_space<vmem>>, vector<16xf32>,
      %slice3A_1159 = vector.extract_strided_slice %get3A_602 {offsets = [9], sizes = [1], strides = [1]} : vector<16xi32> to vector<1xi32>
      %squeeze3A_1160 = vector.extract %slice3A_1159[0] : i32 from vector<1xi32>
      %slice3A_1161 = vector.extract_strided_slice %get3A_606 {offsets = [9], sizes = [1], strides = [1]} : vector<16xi32> to vector<1xi32>
      %squeeze3A_1162 = vector.extract %slice3A_1161[0] : i32 from vector<1xi32>
      %shift_right_arithmetic3A_1163 = arith.constant 7 : i32
      %shift_right_arithmetic3A_1164 = arith.shrsi %squeeze3A_1160, %shift_right_arithmetic3A_1163 : i32
      %mul3A_1165 = arith.constant 128 : i32
      %mul3A_1166 = arith.muli %shift_right_arithmetic3A_1164, %mul3A_1165 : i32
      %dma_start3A_1167 = arith.constant 1 : i32
      %dma_start3A_1168 = arith.constant 0 : i32
      %dma_start3A_1169 = arith.constant 0 : i32
      %dma_start3A_1170 = tpu.memref_slice %arg9[%dma_start3A_1167, %dma_start3A_1168, %dma_start3A_1169] : memref<8x32x128xf32, #tpu.memory_space<vmem>> -> memref<1x32x128xf32, #tpu.memory_space<vmem>>
      %dma_start3A_1171 = tpu.memref_squeeze %dma_start3A_1170 : memref<1x32x128xf32, #tpu.memory_space<vmem>> -> memref<32x128xf32, #tpu.memory_space<vmem>>
      %dma_start3A_1172 = arith.constant 0 : i32
      %dma_start3A_1173 = tpu.memref_slice %arg4[%dma_start3A_1172, %mul3A_1166] : memref<32x1000000xf32, #tpu.memory_space<hbm>> -> memref<32x128xf32, #tpu.memory_space<hbm>>
      %dma_start3A_1174 = arith.constant 0 : i32
      %dma_start3A_1175 = arith.constant 0 : i32
      %dma_start3A_1176 = tpu.memref_slice %arg9[%dma_start3A_1167, %dma_start3A_1174, %dma_start3A_1175] : memref<8x32x128xf32, #tpu.memory_space<vmem>> -> memref<1x32x128xf32, #tpu.memory_space<vmem>>
      %dma_start3A_1177 = tpu.memref_squeeze %dma_start3A_1176 : memref<1x32x128xf32, #tpu.memory_space<vmem>> -> memref<32x128xf32, #tpu.memory_space<vmem>>
      %dma_start3A_1178 = arith.constant 0 : i32
      %dma_start3A_1179 = tpu.memref_slice %arg4[%dma_start3A_1178, %mul3A_1166] : memref<32x1000000xf32, #tpu.memory_space<hbm>> -> memref<32x128xf32, #tpu.memory_space<hbm>>
      tpu.enqueue_dma source(%dma_start3A_1179 : memref<32x128xf32, #tpu.memory_space<hbm>>) target(%dma_start3A_1177 : memref<32x128xf32, #tpu.memory_space<vmem>>) target_semaphore(%arg13 : memref<!tpu.dma_semaphore, #tpu.memory_space<semaphore_mem>>)
      %shift_right_arithmetic3A_1180 = arith.constant 7 : i32
      %shift_right_arithmetic3A_1181 = arith.shrsi %squeeze3A_1162, %shift_right_arithmetic3A_1180 : i32
      %mul3A_1182 = arith.constant 128 : i32
      %mul3A_1183 = arith.muli %shift_right_arithmetic3A_1181, %mul3A_1182 : i32
      %dma_start3A_1184 = arith.constant 1 : i32
      %dma_start3A_1185 = arith.constant 0 : i32
      %dma_start3A_1186 = arith.constant 0 : i32
      %dma_start3A_1187 = tpu.memref_slice %arg10[%dma_start3A_1184, %dma_start3A_1185, %dma_start3A_1186] : memref<8x32x128xf32, #tpu.memory_space<vmem>> -> memref<1x32x128xf32, #tpu.memory_space<vmem>>
      %dma_start3A_1188 = tpu.memref_squeeze %dma_start3A_1187 : memref<1x32x128xf32, #tpu.memory_space<vmem>> -> memref<32x128xf32, #tpu.memory_space<vmem>>
      %dma_start3A_1189 = arith.constant 0 : i32
      %dma_start3A_1190 = tpu.memref_slice %arg5[%dma_start3A_1189, %mul3A_1183] : memref<32x1000000xf32, #tpu.memory_space<hbm>> -> memref<32x128xf32, #tpu.memory_space<hbm>>
      %dma_start3A_1191 = arith.constant 0 : i32
      %dma_start3A_1192 = arith.constant 0 : i32
      %dma_start3A_1193 = tpu.memref_slice %arg10[%dma_start3A_1184, %dma_start3A_1191, %dma_start3A_1192] : memref<8x32x128xf32, #tpu.memory_space<vmem>> -> memref<1x32x128xf32, #tpu.memory_space<vmem>>
      %dma_start3A_1194 = tpu.memref_squeeze %dma_start3A_1193 : memref<1x32x128xf32, #tpu.memory_space<vmem>> -> memref<32x128xf32, #tpu.memory_space<vmem>>
      %dma_start3A_1195 = arith.constant 0 : i32
      %dma_start3A_1196 = tpu.memref_slice %arg5[%dma_start3A_1195, %mul3A_1183] : memref<32x1000000xf32, #tpu.memory_space<hbm>> -> memref<32x128xf32, #tpu.memory_space<hbm>>
      tpu.enqueue_dma source(%dma_start3A_1196 : memref<32x128xf32, #tpu.memory_space<hbm>>) target(%dma_start3A_1194 : memref<32x128xf32, #tpu.memory_space<vmem>>) target_semaphore(%arg14 : memref<!tpu.dma_semaphore, #tpu.memory_space<semaphore_mem>>)
      %mul3A_1197 = arith.constant 16 : i32
      %mul3A_1198 = arith.muli %scan3A_597, %mul3A_1197 : i32
      %add3A_1199 = arith.constant 2 : i32
      %add3A_1200 = arith.addi %mul3A_1198, %add3A_1199 : i32
      %slice3A_1201 = vector.extract_strided_slice %get3A_602 {offsets = [2], sizes = [1], strides = [1]} : vector<16xi32> to vector<1xi32>
      %squeeze3A_1202 = vector.extract %slice3A_1201[0] : i32 from vector<1xi32>
      %slice3A_1203 = vector.extract_strided_slice %get3A_606 {offsets = [2], sizes = [1], strides = [1]} : vector<16xi32> to vector<1xi32>
      %squeeze3A_1204 = vector.extract %slice3A_1203[0] : i32 from vector<1xi32>
      %dma_wait3A_1205 = arith.constant 2 : i32
      %dma_wait3A_1206 = arith.constant 0 : i32
      %dma_wait3A_1207 = arith.constant 0 : i32
      %dma_wait3A_1208 = tpu.memref_slice %arg9[%dma_wait3A_1205, %dma_wait3A_1206, %dma_wait3A_1207] : memref<8x32x128xf32, #tpu.memory_space<vmem>> -> memref<1x32x128xf32, #tpu.memory_space<vmem>>
      %dma_wait3A_1209 = tpu.memref_squeeze %dma_wait3A_1208 : memref<1x32x128xf32, #tpu.memory_space<vmem>> -> memref<32x128xf32, #tpu.memory_space<vmem>>
      %dma_wait3A_1210 = arith.constant 0 : i32
      %dma_wait3A_1211 = arith.constant 0 : i32
      %dma_wait3A_1212 = tpu.memref_slice %arg4[%dma_wait3A_1210, %dma_wait3A_1211] : memref<32x1000000xf32, #tpu.memory_space<hbm>> -> memref<32x128xf32, #tpu.memory_space<hbm>>
      %dma_wait3A_1213 = arith.constant 0 : i32
      %dma_wait3A_1214 = arith.constant 0 : i32
      %dma_wait3A_1215 = tpu.memref_slice %arg9[%dma_wait3A_1205, %dma_wait3A_1213, %dma_wait3A_1214] : memref<8x32x128xf32, #tpu.memory_space<vmem>> -> memref<1x32x128xf32, #tpu.memory_space<vmem>>
      %dma_wait3A_1216 = tpu.memref_squeeze %dma_wait3A_1215 : memref<1x32x128xf32, #tpu.memory_space<vmem>> -> memref<32x128xf32, #tpu.memory_space<vmem>>
      %dma_wait3A_1217 = arith.constant 0 : i32
      %dma_wait3A_1218 = arith.constant 0 : i32
      %dma_wait3A_1219 = tpu.memref_slice %arg4[%dma_wait3A_1217, %dma_wait3A_1218] : memref<32x1000000xf32, #tpu.memory_space<hbm>> -> memref<32x128xf32, #tpu.memory_space<hbm>>
      tpu.wait_dma2 semaphore(%arg13 : memref<!tpu.dma_semaphore, #tpu.memory_space<semaphore_mem>>) src(%dma_wait3A_1219 : memref<32x128xf32, #tpu.memory_space<hbm>>) dst(%dma_wait3A_1216 : memref<32x128xf32, #tpu.memory_space<vmem>>)
      %dma_wait3A_1220 = arith.constant 2 : i32
      %dma_wait3A_1221 = arith.constant 0 : i32
      %dma_wait3A_1222 = arith.constant 0 : i32
      %dma_wait3A_1223 = tpu.memref_slice %arg10[%dma_wait3A_1220, %dma_wait3A_1221, %dma_wait3A_1222] : memref<8x32x128xf32, #tpu.memory_space<vmem>> -> memref<1x32x128xf32, #tpu.memory_space<vmem>>
      %dma_wait3A_1224 = tpu.memref_squeeze %dma_wait3A_1223 : memref<1x32x128xf32, #tpu.memory_space<vmem>> -> memref<32x128xf32, #tpu.memory_space<vmem>>
      %dma_wait3A_1225 = arith.constant 0 : i32
      %dma_wait3A_1226 = arith.constant 0 : i32
      %dma_wait3A_1227 = tpu.memref_slice %arg5[%dma_wait3A_1225, %dma_wait3A_1226] : memref<32x1000000xf32, #tpu.memory_space<hbm>> -> memref<32x128xf32, #tpu.memory_space<hbm>>
      %dma_wait3A_1228 = arith.constant 0 : i32
      %dma_wait3A_1229 = arith.constant 0 : i32
      %dma_wait3A_1230 = tpu.memref_slice %arg10[%dma_wait3A_1220, %dma_wait3A_1228, %dma_wait3A_1229] : memref<8x32x128xf32, #tpu.memory_space<vmem>> -> memref<1x32x128xf32, #tpu.memory_space<vmem>>
      %dma_wait3A_1231 = tpu.memref_squeeze %dma_wait3A_1230 : memref<1x32x128xf32, #tpu.memory_space<vmem>> -> memref<32x128xf32, #tpu.memory_space<vmem>>
      %dma_wait3A_1232 = arith.constant 0 : i32
      %dma_wait3A_1233 = arith.constant 0 : i32
      %dma_wait3A_1234 = tpu.memref_slice %arg5[%dma_wait3A_1232, %dma_wait3A_1233] : memref<32x1000000xf32, #tpu.memory_space<hbm>> -> memref<32x128xf32, #tpu.memory_space<hbm>>
      tpu.wait_dma2 semaphore(%arg14 : memref<!tpu.dma_semaphore, #tpu.memory_space<semaphore_mem>>) src(%dma_wait3A_1234 : memref<32x128xf32, #tpu.memory_space<hbm>>) dst(%dma_wait3A_1231 : memref<32x128xf32, #tpu.memory_space<vmem>>)
      %broadcast_in_dim3A_1235 = arith.constant 0 : i32
      %broadcast_in_dim3A_1236 = vector.broadcast %broadcast_in_dim3A_1235 : i32 to vector<16xi32>
      %and3A_1237 = arith.constant 127 : i32
      %and3A_1238 = arith.andi %squeeze3A_1202, %and3A_1237 : i32
      %add3A_1239 = vector.broadcast %and3A_1238 : i32 to vector<16xi32>
      %add3A_1240 = arith.addi %broadcast_in_dim3A_1236, %add3A_1239 : vector<16xi32>
      %broadcast_in_dim3A_1241 = arith.constant 0 : i32
      %broadcast_in_dim3A_1242 = vector.broadcast %broadcast_in_dim3A_1241 : i32 to vector<16xi32>
      %and3A_1243 = arith.constant 127 : i32
      %and3A_1244 = arith.andi %squeeze3A_1204, %and3A_1243 : i32
      %add3A_1245 = vector.broadcast %and3A_1244 : i32 to vector<16xi32>
      %add3A_1246 = arith.addi %broadcast_in_dim3A_1242, %add3A_1245 : vector<16xi32>
      %broadcast_in_dim3A_1247 = arith.constant 0.000000e+00 : f32
      %broadcast_in_dim3A_1248 = vector.broadcast %broadcast_in_dim3A_1247 : f32 to vector<16xf32>
      %add3A_1249 = arith.constant 0 : i32
      %add3A_1250 = vector.broadcast %add3A_1249 : i32 to vector<16xi32>
      %add3A_1251 = arith.addi %iota3A, %add3A_1250 : vector<16xi32>
      %gather3A_1252 = arith.constant 2 : i32
      %gather3A_1253 = arith.constant 0 : i32
      %gather3A_1254 = arith.constant 0 : i32
      %gather3A_1255 = tpu.memref_slice %arg9[%gather3A_1252, %gather3A_1253, %gather3A_1254] : memref<8x32x128xf32, #tpu.memory_space<vmem>> -> memref<1x32x128xf32, #tpu.memory_space<vmem>>
      %gather3A_1256 = tpu.memref_squeeze %gather3A_1255 : memref<1x32x128xf32, #tpu.memory_space<vmem>> -> memref<32x128xf32, #tpu.memory_space<vmem>>
      %gather3A_1257 = tpu.vector_load_idx %gather3A_1256[%add3A_1251, %add3A_1240] : memref<32x128xf32, #tpu.memory_space<vmem>>[vector<16xi32>, vector<16xi32>], vector<16xf32>,
      %gather3A_1258 = arith.constant 2 : i32
      %gather3A_1259 = arith.constant 0 : i32
      %gather3A_1260 = arith.constant 0 : i32
      %gather3A_1261 = tpu.memref_slice %arg10[%gather3A_1258, %gather3A_1259, %gather3A_1260] : memref<8x32x128xf32, #tpu.memory_space<vmem>> -> memref<1x32x128xf32, #tpu.memory_space<vmem>>
      %gather3A_1262 = tpu.memref_squeeze %gather3A_1261 : memref<1x32x128xf32, #tpu.memory_space<vmem>> -> memref<32x128xf32, #tpu.memory_space<vmem>>
      %gather3A_1263 = tpu.vector_load_idx %gather3A_1262[%add3A_1251, %add3A_1246] : memref<32x128xf32, #tpu.memory_space<vmem>>[vector<16xi32>, vector<16xi32>], vector<16xf32>,
      %mul3A_1264 = arith.mulf %gather3A_1257, %gather3A_1263 : vector<16xf32>
      %add3A_1265 = arith.addf %broadcast_in_dim3A_1248, %mul3A_1264 : vector<16xf32>
      %add3A_1266 = arith.constant 16 : i32
      %add3A_1267 = vector.broadcast %add3A_1266 : i32 to vector<16xi32>
      %add3A_1268 = arith.addi %iota3A, %add3A_1267 : vector<16xi32>
      %gather3A_1269 = arith.constant 2 : i32
      %gather3A_1270 = arith.constant 0 : i32
      %gather3A_1271 = arith.constant 0 : i32
      %gather3A_1272 = tpu.memref_slice %arg9[%gather3A_1269, %gather3A_1270, %gather3A_1271] : memref<8x32x128xf32, #tpu.memory_space<vmem>> -> memref<1x32x128xf32, #tpu.memory_space<vmem>>
      %gather3A_1273 = tpu.memref_squeeze %gather3A_1272 : memref<1x32x128xf32, #tpu.memory_space<vmem>> -> memref<32x128xf32, #tpu.memory_space<vmem>>
      %gather3A_1274 = tpu.vector_load_idx %gather3A_1273[%add3A_1268, %add3A_1240] : memref<32x128xf32, #tpu.memory_space<vmem>>[vector<16xi32>, vector<16xi32>], vector<16xf32>,
      %gather3A_1275 = arith.constant 2 : i32
      %gather3A_1276 = arith.constant 0 : i32
      %gather3A_1277 = arith.constant 0 : i32
      %gather3A_1278 = tpu.memref_slice %arg10[%gather3A_1275, %gather3A_1276, %gather3A_1277] : memref<8x32x128xf32, #tpu.memory_space<vmem>> -> memref<1x32x128xf32, #tpu.memory_space<vmem>>
      %gather3A_1279 = tpu.memref_squeeze %gather3A_1278 : memref<1x32x128xf32, #tpu.memory_space<vmem>> -> memref<32x128xf32, #tpu.memory_space<vmem>>
      %gather3A_1280 = tpu.vector_load_idx %gather3A_1279[%add3A_1268, %add3A_1246] : memref<32x128xf32, #tpu.memory_space<vmem>>[vector<16xi32>, vector<16xi32>], vector<16xf32>,
      %mul3A_1281 = arith.mulf %gather3A_1274, %gather3A_1280 : vector<16xf32>
      %add3A_1282 = arith.addf %add3A_1265, %mul3A_1281 : vector<16xf32>
      %mul3A_1283 = arith.constant 16 : i32
      %mul3A_1284 = arith.muli %add3A_1200, %mul3A_1283 : i32
      %swap3A_1285 = arith.index_cast %mul3A_1284 : i32 to index
      %swap3A_1286 = tpu.vector_load %arg11[%swap3A_1285] {strides = array<i32>} : memref<8192xf32, #tpu.memory_space<vmem>>, vector<16xf32>,
      tpu.vector_store %arg11[%swap3A_1285], %add3A_1282 {strides = array<i32>} : memref<8192xf32, #tpu.memory_space<vmem>>, vector<16xf32>,
      %slice3A_1287 = vector.extract_strided_slice %get3A_602 {offsets = [10], sizes = [1], strides = [1]} : vector<16xi32> to vector<1xi32>
      %squeeze3A_1288 = vector.extract %slice3A_1287[0] : i32 from vector<1xi32>
      %slice3A_1289 = vector.extract_strided_slice %get3A_606 {offsets = [10], sizes = [1], strides = [1]} : vector<16xi32> to vector<1xi32>
      %squeeze3A_1290 = vector.extract %slice3A_1289[0] : i32 from vector<1xi32>
      %shift_right_arithmetic3A_1291 = arith.constant 7 : i32
      %shift_right_arithmetic3A_1292 = arith.shrsi %squeeze3A_1288, %shift_right_arithmetic3A_1291 : i32
      %mul3A_1293 = arith.constant 128 : i32
      %mul3A_1294 = arith.muli %shift_right_arithmetic3A_1292, %mul3A_1293 : i32
      %dma_start3A_1295 = arith.constant 2 : i32
      %dma_start3A_1296 = arith.constant 0 : i32
      %dma_start3A_1297 = arith.constant 0 : i32
      %dma_start3A_1298 = tpu.memref_slice %arg9[%dma_start3A_1295, %dma_start3A_1296, %dma_start3A_1297] : memref<8x32x128xf32, #tpu.memory_space<vmem>> -> memref<1x32x128xf32, #tpu.memory_space<vmem>>
      %dma_start3A_1299 = tpu.memref_squeeze %dma_start3A_1298 : memref<1x32x128xf32, #tpu.memory_space<vmem>> -> memref<32x128xf32, #tpu.memory_space<vmem>>
      %dma_start3A_1300 = arith.constant 0 : i32
      %dma_start3A_1301 = tpu.memref_slice %arg4[%dma_start3A_1300, %mul3A_1294] : memref<32x1000000xf32, #tpu.memory_space<hbm>> -> memref<32x128xf32, #tpu.memory_space<hbm>>
      %dma_start3A_1302 = arith.constant 0 : i32
      %dma_start3A_1303 = arith.constant 0 : i32
      %dma_start3A_1304 = tpu.memref_slice %arg9[%dma_start3A_1295, %dma_start3A_1302, %dma_start3A_1303] : memref<8x32x128xf32, #tpu.memory_space<vmem>> -> memref<1x32x128xf32, #tpu.memory_space<vmem>>
      %dma_start3A_1305 = tpu.memref_squeeze %dma_start3A_1304 : memref<1x32x128xf32, #tpu.memory_space<vmem>> -> memref<32x128xf32, #tpu.memory_space<vmem>>
      %dma_start3A_1306 = arith.constant 0 : i32
      %dma_start3A_1307 = tpu.memref_slice %arg4[%dma_start3A_1306, %mul3A_1294] : memref<32x1000000xf32, #tpu.memory_space<hbm>> -> memref<32x128xf32, #tpu.memory_space<hbm>>
      tpu.enqueue_dma source(%dma_start3A_1307 : memref<32x128xf32, #tpu.memory_space<hbm>>) target(%dma_start3A_1305 : memref<32x128xf32, #tpu.memory_space<vmem>>) target_semaphore(%arg13 : memref<!tpu.dma_semaphore, #tpu.memory_space<semaphore_mem>>)
      %shift_right_arithmetic3A_1308 = arith.constant 7 : i32
      %shift_right_arithmetic3A_1309 = arith.shrsi %squeeze3A_1290, %shift_right_arithmetic3A_1308 : i32
      %mul3A_1310 = arith.constant 128 : i32
      %mul3A_1311 = arith.muli %shift_right_arithmetic3A_1309, %mul3A_1310 : i32
      %dma_start3A_1312 = arith.constant 2 : i32
      %dma_start3A_1313 = arith.constant 0 : i32
      %dma_start3A_1314 = arith.constant 0 : i32
      %dma_start3A_1315 = tpu.memref_slice %arg10[%dma_start3A_1312, %dma_start3A_1313, %dma_start3A_1314] : memref<8x32x128xf32, #tpu.memory_space<vmem>> -> memref<1x32x128xf32, #tpu.memory_space<vmem>>
      %dma_start3A_1316 = tpu.memref_squeeze %dma_start3A_1315 : memref<1x32x128xf32, #tpu.memory_space<vmem>> -> memref<32x128xf32, #tpu.memory_space<vmem>>
      %dma_start3A_1317 = arith.constant 0 : i32
      %dma_start3A_1318 = tpu.memref_slice %arg5[%dma_start3A_1317, %mul3A_1311] : memref<32x1000000xf32, #tpu.memory_space<hbm>> -> memref<32x128xf32, #tpu.memory_space<hbm>>
      %dma_start3A_1319 = arith.constant 0 : i32
      %dma_start3A_1320 = arith.constant 0 : i32
      %dma_start3A_1321 = tpu.memref_slice %arg10[%dma_start3A_1312, %dma_start3A_1319, %dma_start3A_1320] : memref<8x32x128xf32, #tpu.memory_space<vmem>> -> memref<1x32x128xf32, #tpu.memory_space<vmem>>
      %dma_start3A_1322 = tpu.memref_squeeze %dma_start3A_1321 : memref<1x32x128xf32, #tpu.memory_space<vmem>> -> memref<32x128xf32, #tpu.memory_space<vmem>>
      %dma_start3A_1323 = arith.constant 0 : i32
      %dma_start3A_1324 = tpu.memref_slice %arg5[%dma_start3A_1323, %mul3A_1311] : memref<32x1000000xf32, #tpu.memory_space<hbm>> -> memref<32x128xf32, #tpu.memory_space<hbm>>
      tpu.enqueue_dma source(%dma_start3A_1324 : memref<32x128xf32, #tpu.memory_space<hbm>>) target(%dma_start3A_1322 : memref<32x128xf32, #tpu.memory_space<vmem>>) target_semaphore(%arg14 : memref<!tpu.dma_semaphore, #tpu.memory_space<semaphore_mem>>)
      %mul3A_1325 = arith.constant 16 : i32
      %mul3A_1326 = arith.muli %scan3A_597, %mul3A_1325 : i32
      %add3A_1327 = arith.constant 3 : i32
      %add3A_1328 = arith.addi %mul3A_1326, %add3A_1327 : i32
      %slice3A_1329 = vector.extract_strided_slice %get3A_602 {offsets = [3], sizes = [1], strides = [1]} : vector<16xi32> to vector<1xi32>
      %squeeze3A_1330 = vector.extract %slice3A_1329[0] : i32 from vector<1xi32>
      %slice3A_1331 = vector.extract_strided_slice %get3A_606 {offsets = [3], sizes = [1], strides = [1]} : vector<16xi32> to vector<1xi32>
      %squeeze3A_1332 = vector.extract %slice3A_1331[0] : i32 from vector<1xi32>
      %dma_wait3A_1333 = arith.constant 3 : i32
      %dma_wait3A_1334 = arith.constant 0 : i32
      %dma_wait3A_1335 = arith.constant 0 : i32
      %dma_wait3A_1336 = tpu.memref_slice %arg9[%dma_wait3A_1333, %dma_wait3A_1334, %dma_wait3A_1335] : memref<8x32x128xf32, #tpu.memory_space<vmem>> -> memref<1x32x128xf32, #tpu.memory_space<vmem>>
      %dma_wait3A_1337 = tpu.memref_squeeze %dma_wait3A_1336 : memref<1x32x128xf32, #tpu.memory_space<vmem>> -> memref<32x128xf32, #tpu.memory_space<vmem>>
      %dma_wait3A_1338 = arith.constant 0 : i32
      %dma_wait3A_1339 = arith.constant 0 : i32
      %dma_wait3A_1340 = tpu.memref_slice %arg4[%dma_wait3A_1338, %dma_wait3A_1339] : memref<32x1000000xf32, #tpu.memory_space<hbm>> -> memref<32x128xf32, #tpu.memory_space<hbm>>
      %dma_wait3A_1341 = arith.constant 0 : i32
      %dma_wait3A_1342 = arith.constant 0 : i32
      %dma_wait3A_1343 = tpu.memref_slice %arg9[%dma_wait3A_1333, %dma_wait3A_1341, %dma_wait3A_1342] : memref<8x32x128xf32, #tpu.memory_space<vmem>> -> memref<1x32x128xf32, #tpu.memory_space<vmem>>
      %dma_wait3A_1344 = tpu.memref_squeeze %dma_wait3A_1343 : memref<1x32x128xf32, #tpu.memory_space<vmem>> -> memref<32x128xf32, #tpu.memory_space<vmem>>
      %dma_wait3A_1345 = arith.constant 0 : i32
      %dma_wait3A_1346 = arith.constant 0 : i32
      %dma_wait3A_1347 = tpu.memref_slice %arg4[%dma_wait3A_1345, %dma_wait3A_1346] : memref<32x1000000xf32, #tpu.memory_space<hbm>> -> memref<32x128xf32, #tpu.memory_space<hbm>>
      tpu.wait_dma2 semaphore(%arg13 : memref<!tpu.dma_semaphore, #tpu.memory_space<semaphore_mem>>) src(%dma_wait3A_1347 : memref<32x128xf32, #tpu.memory_space<hbm>>) dst(%dma_wait3A_1344 : memref<32x128xf32, #tpu.memory_space<vmem>>)
      %dma_wait3A_1348 = arith.constant 3 : i32
      %dma_wait3A_1349 = arith.constant 0 : i32
      %dma_wait3A_1350 = arith.constant 0 : i32
      %dma_wait3A_1351 = tpu.memref_slice %arg10[%dma_wait3A_1348, %dma_wait3A_1349, %dma_wait3A_1350] : memref<8x32x128xf32, #tpu.memory_space<vmem>> -> memref<1x32x128xf32, #tpu.memory_space<vmem>>
      %dma_wait3A_1352 = tpu.memref_squeeze %dma_wait3A_1351 : memref<1x32x128xf32, #tpu.memory_space<vmem>> -> memref<32x128xf32, #tpu.memory_space<vmem>>
      %dma_wait3A_1353 = arith.constant 0 : i32
      %dma_wait3A_1354 = arith.constant 0 : i32
      %dma_wait3A_1355 = tpu.memref_slice %arg5[%dma_wait3A_1353, %dma_wait3A_1354] : memref<32x1000000xf32, #tpu.memory_space<hbm>> -> memref<32x128xf32, #tpu.memory_space<hbm>>
      %dma_wait3A_1356 = arith.constant 0 : i32
      %dma_wait3A_1357 = arith.constant 0 : i32
      %dma_wait3A_1358 = tpu.memref_slice %arg10[%dma_wait3A_1348, %dma_wait3A_1356, %dma_wait3A_1357] : memref<8x32x128xf32, #tpu.memory_space<vmem>> -> memref<1x32x128xf32, #tpu.memory_space<vmem>>
      %dma_wait3A_1359 = tpu.memref_squeeze %dma_wait3A_1358 : memref<1x32x128xf32, #tpu.memory_space<vmem>> -> memref<32x128xf32, #tpu.memory_space<vmem>>
      %dma_wait3A_1360 = arith.constant 0 : i32
      %dma_wait3A_1361 = arith.constant 0 : i32
      %dma_wait3A_1362 = tpu.memref_slice %arg5[%dma_wait3A_1360, %dma_wait3A_1361] : memref<32x1000000xf32, #tpu.memory_space<hbm>> -> memref<32x128xf32, #tpu.memory_space<hbm>>
      tpu.wait_dma2 semaphore(%arg14 : memref<!tpu.dma_semaphore, #tpu.memory_space<semaphore_mem>>) src(%dma_wait3A_1362 : memref<32x128xf32, #tpu.memory_space<hbm>>) dst(%dma_wait3A_1359 : memref<32x128xf32, #tpu.memory_space<vmem>>)
      %broadcast_in_dim3A_1363 = arith.constant 0 : i32
      %broadcast_in_dim3A_1364 = vector.broadcast %broadcast_in_dim3A_1363 : i32 to vector<16xi32>
      %and3A_1365 = arith.constant 127 : i32
      %and3A_1366 = arith.andi %squeeze3A_1330, %and3A_1365 : i32
      %add3A_1367 = vector.broadcast %and3A_1366 : i32 to vector<16xi32>
      %add3A_1368 = arith.addi %broadcast_in_dim3A_1364, %add3A_1367 : vector<16xi32>
      %broadcast_in_dim3A_1369 = arith.constant 0 : i32
      %broadcast_in_dim3A_1370 = vector.broadcast %broadcast_in_dim3A_1369 : i32 to vector<16xi32>
      %and3A_1371 = arith.constant 127 : i32
      %and3A_1372 = arith.andi %squeeze3A_1332, %and3A_1371 : i32
      %add3A_1373 = vector.broadcast %and3A_1372 : i32 to vector<16xi32>
      %add3A_1374 = arith.addi %broadcast_in_dim3A_1370, %add3A_1373 : vector<16xi32>
      %broadcast_in_dim3A_1375 = arith.constant 0.000000e+00 : f32
      %broadcast_in_dim3A_1376 = vector.broadcast %broadcast_in_dim3A_1375 : f32 to vector<16xf32>
      %add3A_1377 = arith.constant 0 : i32
      %add3A_1378 = vector.broadcast %add3A_1377 : i32 to vector<16xi32>
      %add3A_1379 = arith.addi %iota3A, %add3A_1378 : vector<16xi32>
      %gather3A_1380 = arith.constant 3 : i32
      %gather3A_1381 = arith.constant 0 : i32
      %gather3A_1382 = arith.constant 0 : i32
      %gather3A_1383 = tpu.memref_slice %arg9[%gather3A_1380, %gather3A_1381, %gather3A_1382] : memref<8x32x128xf32, #tpu.memory_space<vmem>> -> memref<1x32x128xf32, #tpu.memory_space<vmem>>
      %gather3A_1384 = tpu.memref_squeeze %gather3A_1383 : memref<1x32x128xf32, #tpu.memory_space<vmem>> -> memref<32x128xf32, #tpu.memory_space<vmem>>
      %gather3A_1385 = tpu.vector_load_idx %gather3A_1384[%add3A_1379, %add3A_1368] : memref<32x128xf32, #tpu.memory_space<vmem>>[vector<16xi32>, vector<16xi32>], vector<16xf32>,
      %gather3A_1386 = arith.constant 3 : i32
      %gather3A_1387 = arith.constant 0 : i32
      %gather3A_1388 = arith.constant 0 : i32
      %gather3A_1389 = tpu.memref_slice %arg10[%gather3A_1386, %gather3A_1387, %gather3A_1388] : memref<8x32x128xf32, #tpu.memory_space<vmem>> -> memref<1x32x128xf32, #tpu.memory_space<vmem>>
      %gather3A_1390 = tpu.memref_squeeze %gather3A_1389 : memref<1x32x128xf32, #tpu.memory_space<vmem>> -> memref<32x128xf32, #tpu.memory_space<vmem>>
      %gather3A_1391 = tpu.vector_load_idx %gather3A_1390[%add3A_1379, %add3A_1374] : memref<32x128xf32, #tpu.memory_space<vmem>>[vector<16xi32>, vector<16xi32>], vector<16xf32>,
      %mul3A_1392 = arith.mulf %gather3A_1385, %gather3A_1391 : vector<16xf32>
      %add3A_1393 = arith.addf %broadcast_in_dim3A_1376, %mul3A_1392 : vector<16xf32>
      %add3A_1394 = arith.constant 16 : i32
      %add3A_1395 = vector.broadcast %add3A_1394 : i32 to vector<16xi32>
      %add3A_1396 = arith.addi %iota3A, %add3A_1395 : vector<16xi32>
      %gather3A_1397 = arith.constant 3 : i32
      %gather3A_1398 = arith.constant 0 : i32
      %gather3A_1399 = arith.constant 0 : i32
      %gather3A_1400 = tpu.memref_slice %arg9[%gather3A_1397, %gather3A_1398, %gather3A_1399] : memref<8x32x128xf32, #tpu.memory_space<vmem>> -> memref<1x32x128xf32, #tpu.memory_space<vmem>>
      %gather3A_1401 = tpu.memref_squeeze %gather3A_1400 : memref<1x32x128xf32, #tpu.memory_space<vmem>> -> memref<32x128xf32, #tpu.memory_space<vmem>>
      %gather3A_1402 = tpu.vector_load_idx %gather3A_1401[%add3A_1396, %add3A_1368] : memref<32x128xf32, #tpu.memory_space<vmem>>[vector<16xi32>, vector<16xi32>], vector<16xf32>,
      %gather3A_1403 = arith.constant 3 : i32
      %gather3A_1404 = arith.constant 0 : i32
      %gather3A_1405 = arith.constant 0 : i32
      %gather3A_1406 = tpu.memref_slice %arg10[%gather3A_1403, %gather3A_1404, %gather3A_1405] : memref<8x32x128xf32, #tpu.memory_space<vmem>> -> memref<1x32x128xf32, #tpu.memory_space<vmem>>
      %gather3A_1407 = tpu.memref_squeeze %gather3A_1406 : memref<1x32x128xf32, #tpu.memory_space<vmem>> -> memref<32x128xf32, #tpu.memory_space<vmem>>
      %gather3A_1408 = tpu.vector_load_idx %gather3A_1407[%add3A_1396, %add3A_1374] : memref<32x128xf32, #tpu.memory_space<vmem>>[vector<16xi32>, vector<16xi32>], vector<16xf32>,
      %mul3A_1409 = arith.mulf %gather3A_1402, %gather3A_1408 : vector<16xf32>
      %add3A_1410 = arith.addf %add3A_1393, %mul3A_1409 : vector<16xf32>
      %mul3A_1411 = arith.constant 16 : i32
      %mul3A_1412 = arith.muli %add3A_1328, %mul3A_1411 : i32
      %swap3A_1413 = arith.index_cast %mul3A_1412 : i32 to index
      %swap3A_1414 = tpu.vector_load %arg11[%swap3A_1413] {strides = array<i32>} : memref<8192xf32, #tpu.memory_space<vmem>>, vector<16xf32>,
      tpu.vector_store %arg11[%swap3A_1413], %add3A_1410 {strides = array<i32>} : memref<8192xf32, #tpu.memory_space<vmem>>, vector<16xf32>,
      %slice3A_1415 = vector.extract_strided_slice %get3A_602 {offsets = [11], sizes = [1], strides = [1]} : vector<16xi32> to vector<1xi32>
      %squeeze3A_1416 = vector.extract %slice3A_1415[0] : i32 from vector<1xi32>
      %slice3A_1417 = vector.extract_strided_slice %get3A_606 {offsets = [11], sizes = [1], strides = [1]} : vector<16xi32> to vector<1xi32>
      %squeeze3A_1418 = vector.extract %slice3A_1417[0] : i32 from vector<1xi32>
      %shift_right_arithmetic3A_1419 = arith.constant 7 : i32
      %shift_right_arithmetic3A_1420 = arith.shrsi %squeeze3A_1416, %shift_right_arithmetic3A_1419 : i32
      %mul3A_1421 = arith.constant 128 : i32
      %mul3A_1422 = arith.muli %shift_right_arithmetic3A_1420, %mul3A_1421 : i32
      %dma_start3A_1423 = arith.constant 3 : i32
      %dma_start3A_1424 = arith.constant 0 : i32
      %dma_start3A_1425 = arith.constant 0 : i32
      %dma_start3A_1426 = tpu.memref_slice %arg9[%dma_start3A_1423, %dma_start3A_1424, %dma_start3A_1425] : memref<8x32x128xf32, #tpu.memory_space<vmem>> -> memref<1x32x128xf32, #tpu.memory_space<vmem>>
      %dma_start3A_1427 = tpu.memref_squeeze %dma_start3A_1426 : memref<1x32x128xf32, #tpu.memory_space<vmem>> -> memref<32x128xf32, #tpu.memory_space<vmem>>
      %dma_start3A_1428 = arith.constant 0 : i32
      %dma_start3A_1429 = tpu.memref_slice %arg4[%dma_start3A_1428, %mul3A_1422] : memref<32x1000000xf32, #tpu.memory_space<hbm>> -> memref<32x128xf32, #tpu.memory_space<hbm>>
      %dma_start3A_1430 = arith.constant 0 : i32
      %dma_start3A_1431 = arith.constant 0 : i32
      %dma_start3A_1432 = tpu.memref_slice %arg9[%dma_start3A_1423, %dma_start3A_1430, %dma_start3A_1431] : memref<8x32x128xf32, #tpu.memory_space<vmem>> -> memref<1x32x128xf32, #tpu.memory_space<vmem>>
      %dma_start3A_1433 = tpu.memref_squeeze %dma_start3A_1432 : memref<1x32x128xf32, #tpu.memory_space<vmem>> -> memref<32x128xf32, #tpu.memory_space<vmem>>
      %dma_start3A_1434 = arith.constant 0 : i32
      %dma_start3A_1435 = tpu.memref_slice %arg4[%dma_start3A_1434, %mul3A_1422] : memref<32x1000000xf32, #tpu.memory_space<hbm>> -> memref<32x128xf32, #tpu.memory_space<hbm>>
      tpu.enqueue_dma source(%dma_start3A_1435 : memref<32x128xf32, #tpu.memory_space<hbm>>) target(%dma_start3A_1433 : memref<32x128xf32, #tpu.memory_space<vmem>>) target_semaphore(%arg13 : memref<!tpu.dma_semaphore, #tpu.memory_space<semaphore_mem>>)
      %shift_right_arithmetic3A_1436 = arith.constant 7 : i32
      %shift_right_arithmetic3A_1437 = arith.shrsi %squeeze3A_1418, %shift_right_arithmetic3A_1436 : i32
      %mul3A_1438 = arith.constant 128 : i32
      %mul3A_1439 = arith.muli %shift_right_arithmetic3A_1437, %mul3A_1438 : i32
      %dma_start3A_1440 = arith.constant 3 : i32
      %dma_start3A_1441 = arith.constant 0 : i32
      %dma_start3A_1442 = arith.constant 0 : i32
      %dma_start3A_1443 = tpu.memref_slice %arg10[%dma_start3A_1440, %dma_start3A_1441, %dma_start3A_1442] : memref<8x32x128xf32, #tpu.memory_space<vmem>> -> memref<1x32x128xf32, #tpu.memory_space<vmem>>
      %dma_start3A_1444 = tpu.memref_squeeze %dma_start3A_1443 : memref<1x32x128xf32, #tpu.memory_space<vmem>> -> memref<32x128xf32, #tpu.memory_space<vmem>>
      %dma_start3A_1445 = arith.constant 0 : i32
      %dma_start3A_1446 = tpu.memref_slice %arg5[%dma_start3A_1445, %mul3A_1439] : memref<32x1000000xf32, #tpu.memory_space<hbm>> -> memref<32x128xf32, #tpu.memory_space<hbm>>
      %dma_start3A_1447 = arith.constant 0 : i32
      %dma_start3A_1448 = arith.constant 0 : i32
      %dma_start3A_1449 = tpu.memref_slice %arg10[%dma_start3A_1440, %dma_start3A_1447, %dma_start3A_1448] : memref<8x32x128xf32, #tpu.memory_space<vmem>> -> memref<1x32x128xf32, #tpu.memory_space<vmem>>
      %dma_start3A_1450 = tpu.memref_squeeze %dma_start3A_1449 : memref<1x32x128xf32, #tpu.memory_space<vmem>> -> memref<32x128xf32, #tpu.memory_space<vmem>>
      %dma_start3A_1451 = arith.constant 0 : i32
      %dma_start3A_1452 = tpu.memref_slice %arg5[%dma_start3A_1451, %mul3A_1439] : memref<32x1000000xf32, #tpu.memory_space<hbm>> -> memref<32x128xf32, #tpu.memory_space<hbm>>
      tpu.enqueue_dma source(%dma_start3A_1452 : memref<32x128xf32, #tpu.memory_space<hbm>>) target(%dma_start3A_1450 : memref<32x128xf32, #tpu.memory_space<vmem>>) target_semaphore(%arg14 : memref<!tpu.dma_semaphore, #tpu.memory_space<semaphore_mem>>)
      %mul3A_1453 = arith.constant 16 : i32
      %mul3A_1454 = arith.muli %scan3A_597, %mul3A_1453 : i32
      %add3A_1455 = arith.constant 4 : i32
      %add3A_1456 = arith.addi %mul3A_1454, %add3A_1455 : i32
      %slice3A_1457 = vector.extract_strided_slice %get3A_602 {offsets = [4], sizes = [1], strides = [1]} : vector<16xi32> to vector<1xi32>
      %squeeze3A_1458 = vector.extract %slice3A_1457[0] : i32 from vector<1xi32>
      %slice3A_1459 = vector.extract_strided_slice %get3A_606 {offsets = [4], sizes = [1], strides = [1]} : vector<16xi32> to vector<1xi32>
      %squeeze3A_1460 = vector.extract %slice3A_1459[0] : i32 from vector<1xi32>
      %dma_wait3A_1461 = arith.constant 4 : i32
      %dma_wait3A_1462 = arith.constant 0 : i32
      %dma_wait3A_1463 = arith.constant 0 : i32
      %dma_wait3A_1464 = tpu.memref_slice %arg9[%dma_wait3A_1461, %dma_wait3A_1462, %dma_wait3A_1463] : memref<8x32x128xf32, #tpu.memory_space<vmem>> -> memref<1x32x128xf32, #tpu.memory_space<vmem>>
      %dma_wait3A_1465 = tpu.memref_squeeze %dma_wait3A_1464 : memref<1x32x128xf32, #tpu.memory_space<vmem>> -> memref<32x128xf32, #tpu.memory_space<vmem>>
      %dma_wait3A_1466 = arith.constant 0 : i32
      %dma_wait3A_1467 = arith.constant 0 : i32
      %dma_wait3A_1468 = tpu.memref_slice %arg4[%dma_wait3A_1466, %dma_wait3A_1467] : memref<32x1000000xf32, #tpu.memory_space<hbm>> -> memref<32x128xf32, #tpu.memory_space<hbm>>
      %dma_wait3A_1469 = arith.constant 0 : i32
      %dma_wait3A_1470 = arith.constant 0 : i32
      %dma_wait3A_1471 = tpu.memref_slice %arg9[%dma_wait3A_1461, %dma_wait3A_1469, %dma_wait3A_1470] : memref<8x32x128xf32, #tpu.memory_space<vmem>> -> memref<1x32x128xf32, #tpu.memory_space<vmem>>
      %dma_wait3A_1472 = tpu.memref_squeeze %dma_wait3A_1471 : memref<1x32x128xf32, #tpu.memory_space<vmem>> -> memref<32x128xf32, #tpu.memory_space<vmem>>
      %dma_wait3A_1473 = arith.constant 0 : i32
      %dma_wait3A_1474 = arith.constant 0 : i32
      %dma_wait3A_1475 = tpu.memref_slice %arg4[%dma_wait3A_1473, %dma_wait3A_1474] : memref<32x1000000xf32, #tpu.memory_space<hbm>> -> memref<32x128xf32, #tpu.memory_space<hbm>>
      tpu.wait_dma2 semaphore(%arg13 : memref<!tpu.dma_semaphore, #tpu.memory_space<semaphore_mem>>) src(%dma_wait3A_1475 : memref<32x128xf32, #tpu.memory_space<hbm>>) dst(%dma_wait3A_1472 : memref<32x128xf32, #tpu.memory_space<vmem>>)
      %dma_wait3A_1476 = arith.constant 4 : i32
      %dma_wait3A_1477 = arith.constant 0 : i32
      %dma_wait3A_1478 = arith.constant 0 : i32
      %dma_wait3A_1479 = tpu.memref_slice %arg10[%dma_wait3A_1476, %dma_wait3A_1477, %dma_wait3A_1478] : memref<8x32x128xf32, #tpu.memory_space<vmem>> -> memref<1x32x128xf32, #tpu.memory_space<vmem>>
      %dma_wait3A_1480 = tpu.memref_squeeze %dma_wait3A_1479 : memref<1x32x128xf32, #tpu.memory_space<vmem>> -> memref<32x128xf32, #tpu.memory_space<vmem>>
      %dma_wait3A_1481 = arith.constant 0 : i32
      %dma_wait3A_1482 = arith.constant 0 : i32
      %dma_wait3A_1483 = tpu.memref_slice %arg5[%dma_wait3A_1481, %dma_wait3A_1482] : memref<32x1000000xf32, #tpu.memory_space<hbm>> -> memref<32x128xf32, #tpu.memory_space<hbm>>
      %dma_wait3A_1484 = arith.constant 0 : i32
      %dma_wait3A_1485 = arith.constant 0 : i32
      %dma_wait3A_1486 = tpu.memref_slice %arg10[%dma_wait3A_1476, %dma_wait3A_1484, %dma_wait3A_1485] : memref<8x32x128xf32, #tpu.memory_space<vmem>> -> memref<1x32x128xf32, #tpu.memory_space<vmem>>
      %dma_wait3A_1487 = tpu.memref_squeeze %dma_wait3A_1486 : memref<1x32x128xf32, #tpu.memory_space<vmem>> -> memref<32x128xf32, #tpu.memory_space<vmem>>
      %dma_wait3A_1488 = arith.constant 0 : i32
      %dma_wait3A_1489 = arith.constant 0 : i32
      %dma_wait3A_1490 = tpu.memref_slice %arg5[%dma_wait3A_1488, %dma_wait3A_1489] : memref<32x1000000xf32, #tpu.memory_space<hbm>> -> memref<32x128xf32, #tpu.memory_space<hbm>>
      tpu.wait_dma2 semaphore(%arg14 : memref<!tpu.dma_semaphore, #tpu.memory_space<semaphore_mem>>) src(%dma_wait3A_1490 : memref<32x128xf32, #tpu.memory_space<hbm>>) dst(%dma_wait3A_1487 : memref<32x128xf32, #tpu.memory_space<vmem>>)
      %broadcast_in_dim3A_1491 = arith.constant 0 : i32
      %broadcast_in_dim3A_1492 = vector.broadcast %broadcast_in_dim3A_1491 : i32 to vector<16xi32>
      %and3A_1493 = arith.constant 127 : i32
      %and3A_1494 = arith.andi %squeeze3A_1458, %and3A_1493 : i32
      %add3A_1495 = vector.broadcast %and3A_1494 : i32 to vector<16xi32>
      %add3A_1496 = arith.addi %broadcast_in_dim3A_1492, %add3A_1495 : vector<16xi32>
      %broadcast_in_dim3A_1497 = arith.constant 0 : i32
      %broadcast_in_dim3A_1498 = vector.broadcast %broadcast_in_dim3A_1497 : i32 to vector<16xi32>
      %and3A_1499 = arith.constant 127 : i32
      %and3A_1500 = arith.andi %squeeze3A_1460, %and3A_1499 : i32
      %add3A_1501 = vector.broadcast %and3A_1500 : i32 to vector<16xi32>
      %add3A_1502 = arith.addi %broadcast_in_dim3A_1498, %add3A_1501 : vector<16xi32>
      %broadcast_in_dim3A_1503 = arith.constant 0.000000e+00 : f32
      %broadcast_in_dim3A_1504 = vector.broadcast %broadcast_in_dim3A_1503 : f32 to vector<16xf32>
      %add3A_1505 = arith.constant 0 : i32
      %add3A_1506 = vector.broadcast %add3A_1505 : i32 to vector<16xi32>
      %add3A_1507 = arith.addi %iota3A, %add3A_1506 : vector<16xi32>
      %gather3A_1508 = arith.constant 4 : i32
      %gather3A_1509 = arith.constant 0 : i32
      %gather3A_1510 = arith.constant 0 : i32
      %gather3A_1511 = tpu.memref_slice %arg9[%gather3A_1508, %gather3A_1509, %gather3A_1510] : memref<8x32x128xf32, #tpu.memory_space<vmem>> -> memref<1x32x128xf32, #tpu.memory_space<vmem>>
      %gather3A_1512 = tpu.memref_squeeze %gather3A_1511 : memref<1x32x128xf32, #tpu.memory_space<vmem>> -> memref<32x128xf32, #tpu.memory_space<vmem>>
      %gather3A_1513 = tpu.vector_load_idx %gather3A_1512[%add3A_1507, %add3A_1496] : memref<32x128xf32, #tpu.memory_space<vmem>>[vector<16xi32>, vector<16xi32>], vector<16xf32>,
      %gather3A_1514 = arith.constant 4 : i32
      %gather3A_1515 = arith.constant 0 : i32
      %gather3A_1516 = arith.constant 0 : i32
      %gather3A_1517 = tpu.memref_slice %arg10[%gather3A_1514, %gather3A_1515, %gather3A_1516] : memref<8x32x128xf32, #tpu.memory_space<vmem>> -> memref<1x32x128xf32, #tpu.memory_space<vmem>>
      %gather3A_1518 = tpu.memref_squeeze %gather3A_1517 : memref<1x32x128xf32, #tpu.memory_space<vmem>> -> memref<32x128xf32, #tpu.memory_space<vmem>>
      %gather3A_1519 = tpu.vector_load_idx %gather3A_1518[%add3A_1507, %add3A_1502] : memref<32x128xf32, #tpu.memory_space<vmem>>[vector<16xi32>, vector<16xi32>], vector<16xf32>,
      %mul3A_1520 = arith.mulf %gather3A_1513, %gather3A_1519 : vector<16xf32>
      %add3A_1521 = arith.addf %broadcast_in_dim3A_1504, %mul3A_1520 : vector<16xf32>
      %add3A_1522 = arith.constant 16 : i32
      %add3A_1523 = vector.broadcast %add3A_1522 : i32 to vector<16xi32>
      %add3A_1524 = arith.addi %iota3A, %add3A_1523 : vector<16xi32>
      %gather3A_1525 = arith.constant 4 : i32
      %gather3A_1526 = arith.constant 0 : i32
      %gather3A_1527 = arith.constant 0 : i32
      %gather3A_1528 = tpu.memref_slice %arg9[%gather3A_1525, %gather3A_1526, %gather3A_1527] : memref<8x32x128xf32, #tpu.memory_space<vmem>> -> memref<1x32x128xf32, #tpu.memory_space<vmem>>
      %gather3A_1529 = tpu.memref_squeeze %gather3A_1528 : memref<1x32x128xf32, #tpu.memory_space<vmem>> -> memref<32x128xf32, #tpu.memory_space<vmem>>
      %gather3A_1530 = tpu.vector_load_idx %gather3A_1529[%add3A_1524, %add3A_1496] : memref<32x128xf32, #tpu.memory_space<vmem>>[vector<16xi32>, vector<16xi32>], vector<16xf32>,
      %gather3A_1531 = arith.constant 4 : i32
      %gather3A_1532 = arith.constant 0 : i32
      %gather3A_1533 = arith.constant 0 : i32
      %gather3A_1534 = tpu.memref_slice %arg10[%gather3A_1531, %gather3A_1532, %gather3A_1533] : memref<8x32x128xf32, #tpu.memory_space<vmem>> -> memref<1x32x128xf32, #tpu.memory_space<vmem>>
      %gather3A_1535 = tpu.memref_squeeze %gather3A_1534 : memref<1x32x128xf32, #tpu.memory_space<vmem>> -> memref<32x128xf32, #tpu.memory_space<vmem>>
      %gather3A_1536 = tpu.vector_load_idx %gather3A_1535[%add3A_1524, %add3A_1502] : memref<32x128xf32, #tpu.memory_space<vmem>>[vector<16xi32>, vector<16xi32>], vector<16xf32>,
      %mul3A_1537 = arith.mulf %gather3A_1530, %gather3A_1536 : vector<16xf32>
      %add3A_1538 = arith.addf %add3A_1521, %mul3A_1537 : vector<16xf32>
      %mul3A_1539 = arith.constant 16 : i32
      %mul3A_1540 = arith.muli %add3A_1456, %mul3A_1539 : i32
      %swap3A_1541 = arith.index_cast %mul3A_1540 : i32 to index
      %swap3A_1542 = tpu.vector_load %arg11[%swap3A_1541] {strides = array<i32>} : memref<8192xf32, #tpu.memory_space<vmem>>, vector<16xf32>,
      tpu.vector_store %arg11[%swap3A_1541], %add3A_1538 {strides = array<i32>} : memref<8192xf32, #tpu.memory_space<vmem>>, vector<16xf32>,
      %slice3A_1543 = vector.extract_strided_slice %get3A_602 {offsets = [12], sizes = [1], strides = [1]} : vector<16xi32> to vector<1xi32>
      %squeeze3A_1544 = vector.extract %slice3A_1543[0] : i32 from vector<1xi32>
      %slice3A_1545 = vector.extract_strided_slice %get3A_606 {offsets = [12], sizes = [1], strides = [1]} : vector<16xi32> to vector<1xi32>
      %squeeze3A_1546 = vector.extract %slice3A_1545[0] : i32 from vector<1xi32>
      %shift_right_arithmetic3A_1547 = arith.constant 7 : i32
      %shift_right_arithmetic3A_1548 = arith.shrsi %squeeze3A_1544, %shift_right_arithmetic3A_1547 : i32
      %mul3A_1549 = arith.constant 128 : i32
      %mul3A_1550 = arith.muli %shift_right_arithmetic3A_1548, %mul3A_1549 : i32
      %dma_start3A_1551 = arith.constant 4 : i32
      %dma_start3A_1552 = arith.constant 0 : i32
      %dma_start3A_1553 = arith.constant 0 : i32
      %dma_start3A_1554 = tpu.memref_slice %arg9[%dma_start3A_1551, %dma_start3A_1552, %dma_start3A_1553] : memref<8x32x128xf32, #tpu.memory_space<vmem>> -> memref<1x32x128xf32, #tpu.memory_space<vmem>>
      %dma_start3A_1555 = tpu.memref_squeeze %dma_start3A_1554 : memref<1x32x128xf32, #tpu.memory_space<vmem>> -> memref<32x128xf32, #tpu.memory_space<vmem>>
      %dma_start3A_1556 = arith.constant 0 : i32
      %dma_start3A_1557 = tpu.memref_slice %arg4[%dma_start3A_1556, %mul3A_1550] : memref<32x1000000xf32, #tpu.memory_space<hbm>> -> memref<32x128xf32, #tpu.memory_space<hbm>>
      %dma_start3A_1558 = arith.constant 0 : i32
      %dma_start3A_1559 = arith.constant 0 : i32
      %dma_start3A_1560 = tpu.memref_slice %arg9[%dma_start3A_1551, %dma_start3A_1558, %dma_start3A_1559] : memref<8x32x128xf32, #tpu.memory_space<vmem>> -> memref<1x32x128xf32, #tpu.memory_space<vmem>>
      %dma_start3A_1561 = tpu.memref_squeeze %dma_start3A_1560 : memref<1x32x128xf32, #tpu.memory_space<vmem>> -> memref<32x128xf32, #tpu.memory_space<vmem>>
      %dma_start3A_1562 = arith.constant 0 : i32
      %dma_start3A_1563 = tpu.memref_slice %arg4[%dma_start3A_1562, %mul3A_1550] : memref<32x1000000xf32, #tpu.memory_space<hbm>> -> memref<32x128xf32, #tpu.memory_space<hbm>>
      tpu.enqueue_dma source(%dma_start3A_1563 : memref<32x128xf32, #tpu.memory_space<hbm>>) target(%dma_start3A_1561 : memref<32x128xf32, #tpu.memory_space<vmem>>) target_semaphore(%arg13 : memref<!tpu.dma_semaphore, #tpu.memory_space<semaphore_mem>>)
      %shift_right_arithmetic3A_1564 = arith.constant 7 : i32
      %shift_right_arithmetic3A_1565 = arith.shrsi %squeeze3A_1546, %shift_right_arithmetic3A_1564 : i32
      %mul3A_1566 = arith.constant 128 : i32
      %mul3A_1567 = arith.muli %shift_right_arithmetic3A_1565, %mul3A_1566 : i32
      %dma_start3A_1568 = arith.constant 4 : i32
      %dma_start3A_1569 = arith.constant 0 : i32
      %dma_start3A_1570 = arith.constant 0 : i32
      %dma_start3A_1571 = tpu.memref_slice %arg10[%dma_start3A_1568, %dma_start3A_1569, %dma_start3A_1570] : memref<8x32x128xf32, #tpu.memory_space<vmem>> -> memref<1x32x128xf32, #tpu.memory_space<vmem>>
      %dma_start3A_1572 = tpu.memref_squeeze %dma_start3A_1571 : memref<1x32x128xf32, #tpu.memory_space<vmem>> -> memref<32x128xf32, #tpu.memory_space<vmem>>
      %dma_start3A_1573 = arith.constant 0 : i32
      %dma_start3A_1574 = tpu.memref_slice %arg5[%dma_start3A_1573, %mul3A_1567] : memref<32x1000000xf32, #tpu.memory_space<hbm>> -> memref<32x128xf32, #tpu.memory_space<hbm>>
      %dma_start3A_1575 = arith.constant 0 : i32
      %dma_start3A_1576 = arith.constant 0 : i32
      %dma_start3A_1577 = tpu.memref_slice %arg10[%dma_start3A_1568, %dma_start3A_1575, %dma_start3A_1576] : memref<8x32x128xf32, #tpu.memory_space<vmem>> -> memref<1x32x128xf32, #tpu.memory_space<vmem>>
      %dma_start3A_1578 = tpu.memref_squeeze %dma_start3A_1577 : memref<1x32x128xf32, #tpu.memory_space<vmem>> -> memref<32x128xf32, #tpu.memory_space<vmem>>
      %dma_start3A_1579 = arith.constant 0 : i32
      %dma_start3A_1580 = tpu.memref_slice %arg5[%dma_start3A_1579, %mul3A_1567] : memref<32x1000000xf32, #tpu.memory_space<hbm>> -> memref<32x128xf32, #tpu.memory_space<hbm>>
      tpu.enqueue_dma source(%dma_start3A_1580 : memref<32x128xf32, #tpu.memory_space<hbm>>) target(%dma_start3A_1578 : memref<32x128xf32, #tpu.memory_space<vmem>>) target_semaphore(%arg14 : memref<!tpu.dma_semaphore, #tpu.memory_space<semaphore_mem>>)
      %mul3A_1581 = arith.constant 16 : i32
      %mul3A_1582 = arith.muli %scan3A_597, %mul3A_1581 : i32
      %add3A_1583 = arith.constant 5 : i32
      %add3A_1584 = arith.addi %mul3A_1582, %add3A_1583 : i32
      %slice3A_1585 = vector.extract_strided_slice %get3A_602 {offsets = [5], sizes = [1], strides = [1]} : vector<16xi32> to vector<1xi32>
      %squeeze3A_1586 = vector.extract %slice3A_1585[0] : i32 from vector<1xi32>
      %slice3A_1587 = vector.extract_strided_slice %get3A_606 {offsets = [5], sizes = [1], strides = [1]} : vector<16xi32> to vector<1xi32>
      %squeeze3A_1588 = vector.extract %slice3A_1587[0] : i32 from vector<1xi32>
      %dma_wait3A_1589 = arith.constant 5 : i32
      %dma_wait3A_1590 = arith.constant 0 : i32
      %dma_wait3A_1591 = arith.constant 0 : i32
      %dma_wait3A_1592 = tpu.memref_slice %arg9[%dma_wait3A_1589, %dma_wait3A_1590, %dma_wait3A_1591] : memref<8x32x128xf32, #tpu.memory_space<vmem>> -> memref<1x32x128xf32, #tpu.memory_space<vmem>>
      %dma_wait3A_1593 = tpu.memref_squeeze %dma_wait3A_1592 : memref<1x32x128xf32, #tpu.memory_space<vmem>> -> memref<32x128xf32, #tpu.memory_space<vmem>>
      %dma_wait3A_1594 = arith.constant 0 : i32
      %dma_wait3A_1595 = arith.constant 0 : i32
      %dma_wait3A_1596 = tpu.memref_slice %arg4[%dma_wait3A_1594, %dma_wait3A_1595] : memref<32x1000000xf32, #tpu.memory_space<hbm>> -> memref<32x128xf32, #tpu.memory_space<hbm>>
      %dma_wait3A_1597 = arith.constant 0 : i32
      %dma_wait3A_1598 = arith.constant 0 : i32
      %dma_wait3A_1599 = tpu.memref_slice %arg9[%dma_wait3A_1589, %dma_wait3A_1597, %dma_wait3A_1598] : memref<8x32x128xf32, #tpu.memory_space<vmem>> -> memref<1x32x128xf32, #tpu.memory_space<vmem>>
      %dma_wait3A_1600 = tpu.memref_squeeze %dma_wait3A_1599 : memref<1x32x128xf32, #tpu.memory_space<vmem>> -> memref<32x128xf32, #tpu.memory_space<vmem>>
      %dma_wait3A_1601 = arith.constant 0 : i32
      %dma_wait3A_1602 = arith.constant 0 : i32
      %dma_wait3A_1603 = tpu.memref_slice %arg4[%dma_wait3A_1601, %dma_wait3A_1602] : memref<32x1000000xf32, #tpu.memory_space<hbm>> -> memref<32x128xf32, #tpu.memory_space<hbm>>
      tpu.wait_dma2 semaphore(%arg13 : memref<!tpu.dma_semaphore, #tpu.memory_space<semaphore_mem>>) src(%dma_wait3A_1603 : memref<32x128xf32, #tpu.memory_space<hbm>>) dst(%dma_wait3A_1600 : memref<32x128xf32, #tpu.memory_space<vmem>>)
      %dma_wait3A_1604 = arith.constant 5 : i32
      %dma_wait3A_1605 = arith.constant 0 : i32
      %dma_wait3A_1606 = arith.constant 0 : i32
      %dma_wait3A_1607 = tpu.memref_slice %arg10[%dma_wait3A_1604, %dma_wait3A_1605, %dma_wait3A_1606] : memref<8x32x128xf32, #tpu.memory_space<vmem>> -> memref<1x32x128xf32, #tpu.memory_space<vmem>>
      %dma_wait3A_1608 = tpu.memref_squeeze %dma_wait3A_1607 : memref<1x32x128xf32, #tpu.memory_space<vmem>> -> memref<32x128xf32, #tpu.memory_space<vmem>>
      %dma_wait3A_1609 = arith.constant 0 : i32
      %dma_wait3A_1610 = arith.constant 0 : i32
      %dma_wait3A_1611 = tpu.memref_slice %arg5[%dma_wait3A_1609, %dma_wait3A_1610] : memref<32x1000000xf32, #tpu.memory_space<hbm>> -> memref<32x128xf32, #tpu.memory_space<hbm>>
      %dma_wait3A_1612 = arith.constant 0 : i32
      %dma_wait3A_1613 = arith.constant 0 : i32
      %dma_wait3A_1614 = tpu.memref_slice %arg10[%dma_wait3A_1604, %dma_wait3A_1612, %dma_wait3A_1613] : memref<8x32x128xf32, #tpu.memory_space<vmem>> -> memref<1x32x128xf32, #tpu.memory_space<vmem>>
      %dma_wait3A_1615 = tpu.memref_squeeze %dma_wait3A_1614 : memref<1x32x128xf32, #tpu.memory_space<vmem>> -> memref<32x128xf32, #tpu.memory_space<vmem>>
      %dma_wait3A_1616 = arith.constant 0 : i32
      %dma_wait3A_1617 = arith.constant 0 : i32
      %dma_wait3A_1618 = tpu.memref_slice %arg5[%dma_wait3A_1616, %dma_wait3A_1617] : memref<32x1000000xf32, #tpu.memory_space<hbm>> -> memref<32x128xf32, #tpu.memory_space<hbm>>
      tpu.wait_dma2 semaphore(%arg14 : memref<!tpu.dma_semaphore, #tpu.memory_space<semaphore_mem>>) src(%dma_wait3A_1618 : memref<32x128xf32, #tpu.memory_space<hbm>>) dst(%dma_wait3A_1615 : memref<32x128xf32, #tpu.memory_space<vmem>>)
      %broadcast_in_dim3A_1619 = arith.constant 0 : i32
      %broadcast_in_dim3A_1620 = vector.broadcast %broadcast_in_dim3A_1619 : i32 to vector<16xi32>
      %and3A_1621 = arith.constant 127 : i32
      %and3A_1622 = arith.andi %squeeze3A_1586, %and3A_1621 : i32
      %add3A_1623 = vector.broadcast %and3A_1622 : i32 to vector<16xi32>
      %add3A_1624 = arith.addi %broadcast_in_dim3A_1620, %add3A_1623 : vector<16xi32>
      %broadcast_in_dim3A_1625 = arith.constant 0 : i32
      %broadcast_in_dim3A_1626 = vector.broadcast %broadcast_in_dim3A_1625 : i32 to vector<16xi32>
      %and3A_1627 = arith.constant 127 : i32
      %and3A_1628 = arith.andi %squeeze3A_1588, %and3A_1627 : i32
      %add3A_1629 = vector.broadcast %and3A_1628 : i32 to vector<16xi32>
      %add3A_1630 = arith.addi %broadcast_in_dim3A_1626, %add3A_1629 : vector<16xi32>
      %broadcast_in_dim3A_1631 = arith.constant 0.000000e+00 : f32
      %broadcast_in_dim3A_1632 = vector.broadcast %broadcast_in_dim3A_1631 : f32 to vector<16xf32>
      %add3A_1633 = arith.constant 0 : i32
      %add3A_1634 = vector.broadcast %add3A_1633 : i32 to vector<16xi32>
      %add3A_1635 = arith.addi %iota3A, %add3A_1634 : vector<16xi32>
      %gather3A_1636 = arith.constant 5 : i32
      %gather3A_1637 = arith.constant 0 : i32
      %gather3A_1638 = arith.constant 0 : i32
      %gather3A_1639 = tpu.memref_slice %arg9[%gather3A_1636, %gather3A_1637, %gather3A_1638] : memref<8x32x128xf32, #tpu.memory_space<vmem>> -> memref<1x32x128xf32, #tpu.memory_space<vmem>>
      %gather3A_1640 = tpu.memref_squeeze %gather3A_1639 : memref<1x32x128xf32, #tpu.memory_space<vmem>> -> memref<32x128xf32, #tpu.memory_space<vmem>>
      %gather3A_1641 = tpu.vector_load_idx %gather3A_1640[%add3A_1635, %add3A_1624] : memref<32x128xf32, #tpu.memory_space<vmem>>[vector<16xi32>, vector<16xi32>], vector<16xf32>,
      %gather3A_1642 = arith.constant 5 : i32
      %gather3A_1643 = arith.constant 0 : i32
      %gather3A_1644 = arith.constant 0 : i32
      %gather3A_1645 = tpu.memref_slice %arg10[%gather3A_1642, %gather3A_1643, %gather3A_1644] : memref<8x32x128xf32, #tpu.memory_space<vmem>> -> memref<1x32x128xf32, #tpu.memory_space<vmem>>
      %gather3A_1646 = tpu.memref_squeeze %gather3A_1645 : memref<1x32x128xf32, #tpu.memory_space<vmem>> -> memref<32x128xf32, #tpu.memory_space<vmem>>
      %gather3A_1647 = tpu.vector_load_idx %gather3A_1646[%add3A_1635, %add3A_1630] : memref<32x128xf32, #tpu.memory_space<vmem>>[vector<16xi32>, vector<16xi32>], vector<16xf32>,
      %mul3A_1648 = arith.mulf %gather3A_1641, %gather3A_1647 : vector<16xf32>
      %add3A_1649 = arith.addf %broadcast_in_dim3A_1632, %mul3A_1648 : vector<16xf32>
      %add3A_1650 = arith.constant 16 : i32
      %add3A_1651 = vector.broadcast %add3A_1650 : i32 to vector<16xi32>
      %add3A_1652 = arith.addi %iota3A, %add3A_1651 : vector<16xi32>
      %gather3A_1653 = arith.constant 5 : i32
      %gather3A_1654 = arith.constant 0 : i32
      %gather3A_1655 = arith.constant 0 : i32
      %gather3A_1656 = tpu.memref_slice %arg9[%gather3A_1653, %gather3A_1654, %gather3A_1655] : memref<8x32x128xf32, #tpu.memory_space<vmem>> -> memref<1x32x128xf32, #tpu.memory_space<vmem>>
      %gather3A_1657 = tpu.memref_squeeze %gather3A_1656 : memref<1x32x128xf32, #tpu.memory_space<vmem>> -> memref<32x128xf32, #tpu.memory_space<vmem>>
      %gather3A_1658 = tpu.vector_load_idx %gather3A_1657[%add3A_1652, %add3A_1624] : memref<32x128xf32, #tpu.memory_space<vmem>>[vector<16xi32>, vector<16xi32>], vector<16xf32>,
      %gather3A_1659 = arith.constant 5 : i32
      %gather3A_1660 = arith.constant 0 : i32
      %gather3A_1661 = arith.constant 0 : i32
      %gather3A_1662 = tpu.memref_slice %arg10[%gather3A_1659, %gather3A_1660, %gather3A_1661] : memref<8x32x128xf32, #tpu.memory_space<vmem>> -> memref<1x32x128xf32, #tpu.memory_space<vmem>>
      %gather3A_1663 = tpu.memref_squeeze %gather3A_1662 : memref<1x32x128xf32, #tpu.memory_space<vmem>> -> memref<32x128xf32, #tpu.memory_space<vmem>>
      %gather3A_1664 = tpu.vector_load_idx %gather3A_1663[%add3A_1652, %add3A_1630] : memref<32x128xf32, #tpu.memory_space<vmem>>[vector<16xi32>, vector<16xi32>], vector<16xf32>,
      %mul3A_1665 = arith.mulf %gather3A_1658, %gather3A_1664 : vector<16xf32>
      %add3A_1666 = arith.addf %add3A_1649, %mul3A_1665 : vector<16xf32>
      %mul3A_1667 = arith.constant 16 : i32
      %mul3A_1668 = arith.muli %add3A_1584, %mul3A_1667 : i32
      %swap3A_1669 = arith.index_cast %mul3A_1668 : i32 to index
      %swap3A_1670 = tpu.vector_load %arg11[%swap3A_1669] {strides = array<i32>} : memref<8192xf32, #tpu.memory_space<vmem>>, vector<16xf32>,
      tpu.vector_store %arg11[%swap3A_1669], %add3A_1666 {strides = array<i32>} : memref<8192xf32, #tpu.memory_space<vmem>>, vector<16xf32>,
      %slice3A_1671 = vector.extract_strided_slice %get3A_602 {offsets = [13], sizes = [1], strides = [1]} : vector<16xi32> to vector<1xi32>
      %squeeze3A_1672 = vector.extract %slice3A_1671[0] : i32 from vector<1xi32>
      %slice3A_1673 = vector.extract_strided_slice %get3A_606 {offsets = [13], sizes = [1], strides = [1]} : vector<16xi32> to vector<1xi32>
      %squeeze3A_1674 = vector.extract %slice3A_1673[0] : i32 from vector<1xi32>
      %shift_right_arithmetic3A_1675 = arith.constant 7 : i32
      %shift_right_arithmetic3A_1676 = arith.shrsi %squeeze3A_1672, %shift_right_arithmetic3A_1675 : i32
      %mul3A_1677 = arith.constant 128 : i32
      %mul3A_1678 = arith.muli %shift_right_arithmetic3A_1676, %mul3A_1677 : i32
      %dma_start3A_1679 = arith.constant 5 : i32
      %dma_start3A_1680 = arith.constant 0 : i32
      %dma_start3A_1681 = arith.constant 0 : i32
      %dma_start3A_1682 = tpu.memref_slice %arg9[%dma_start3A_1679, %dma_start3A_1680, %dma_start3A_1681] : memref<8x32x128xf32, #tpu.memory_space<vmem>> -> memref<1x32x128xf32, #tpu.memory_space<vmem>>
      %dma_start3A_1683 = tpu.memref_squeeze %dma_start3A_1682 : memref<1x32x128xf32, #tpu.memory_space<vmem>> -> memref<32x128xf32, #tpu.memory_space<vmem>>
      %dma_start3A_1684 = arith.constant 0 : i32
      %dma_start3A_1685 = tpu.memref_slice %arg4[%dma_start3A_1684, %mul3A_1678] : memref<32x1000000xf32, #tpu.memory_space<hbm>> -> memref<32x128xf32, #tpu.memory_space<hbm>>
      %dma_start3A_1686 = arith.constant 0 : i32
      %dma_start3A_1687 = arith.constant 0 : i32
      %dma_start3A_1688 = tpu.memref_slice %arg9[%dma_start3A_1679, %dma_start3A_1686, %dma_start3A_1687] : memref<8x32x128xf32, #tpu.memory_space<vmem>> -> memref<1x32x128xf32, #tpu.memory_space<vmem>>
      %dma_start3A_1689 = tpu.memref_squeeze %dma_start3A_1688 : memref<1x32x128xf32, #tpu.memory_space<vmem>> -> memref<32x128xf32, #tpu.memory_space<vmem>>
      %dma_start3A_1690 = arith.constant 0 : i32
      %dma_start3A_1691 = tpu.memref_slice %arg4[%dma_start3A_1690, %mul3A_1678] : memref<32x1000000xf32, #tpu.memory_space<hbm>> -> memref<32x128xf32, #tpu.memory_space<hbm>>
      tpu.enqueue_dma source(%dma_start3A_1691 : memref<32x128xf32, #tpu.memory_space<hbm>>) target(%dma_start3A_1689 : memref<32x128xf32, #tpu.memory_space<vmem>>) target_semaphore(%arg13 : memref<!tpu.dma_semaphore, #tpu.memory_space<semaphore_mem>>)
      %shift_right_arithmetic3A_1692 = arith.constant 7 : i32
      %shift_right_arithmetic3A_1693 = arith.shrsi %squeeze3A_1674, %shift_right_arithmetic3A_1692 : i32
      %mul3A_1694 = arith.constant 128 : i32
      %mul3A_1695 = arith.muli %shift_right_arithmetic3A_1693, %mul3A_1694 : i32
      %dma_start3A_1696 = arith.constant 5 : i32
      %dma_start3A_1697 = arith.constant 0 : i32
      %dma_start3A_1698 = arith.constant 0 : i32
      %dma_start3A_1699 = tpu.memref_slice %arg10[%dma_start3A_1696, %dma_start3A_1697, %dma_start3A_1698] : memref<8x32x128xf32, #tpu.memory_space<vmem>> -> memref<1x32x128xf32, #tpu.memory_space<vmem>>
      %dma_start3A_1700 = tpu.memref_squeeze %dma_start3A_1699 : memref<1x32x128xf32, #tpu.memory_space<vmem>> -> memref<32x128xf32, #tpu.memory_space<vmem>>
      %dma_start3A_1701 = arith.constant 0 : i32
      %dma_start3A_1702 = tpu.memref_slice %arg5[%dma_start3A_1701, %mul3A_1695] : memref<32x1000000xf32, #tpu.memory_space<hbm>> -> memref<32x128xf32, #tpu.memory_space<hbm>>
      %dma_start3A_1703 = arith.constant 0 : i32
      %dma_start3A_1704 = arith.constant 0 : i32
      %dma_start3A_1705 = tpu.memref_slice %arg10[%dma_start3A_1696, %dma_start3A_1703, %dma_start3A_1704] : memref<8x32x128xf32, #tpu.memory_space<vmem>> -> memref<1x32x128xf32, #tpu.memory_space<vmem>>
      %dma_start3A_1706 = tpu.memref_squeeze %dma_start3A_1705 : memref<1x32x128xf32, #tpu.memory_space<vmem>> -> memref<32x128xf32, #tpu.memory_space<vmem>>
      %dma_start3A_1707 = arith.constant 0 : i32
      %dma_start3A_1708 = tpu.memref_slice %arg5[%dma_start3A_1707, %mul3A_1695] : memref<32x1000000xf32, #tpu.memory_space<hbm>> -> memref<32x128xf32, #tpu.memory_space<hbm>>
      tpu.enqueue_dma source(%dma_start3A_1708 : memref<32x128xf32, #tpu.memory_space<hbm>>) target(%dma_start3A_1706 : memref<32x128xf32, #tpu.memory_space<vmem>>) target_semaphore(%arg14 : memref<!tpu.dma_semaphore, #tpu.memory_space<semaphore_mem>>)
      %mul3A_1709 = arith.constant 16 : i32
      %mul3A_1710 = arith.muli %scan3A_597, %mul3A_1709 : i32
      %add3A_1711 = arith.constant 6 : i32
      %add3A_1712 = arith.addi %mul3A_1710, %add3A_1711 : i32
      %slice3A_1713 = vector.extract_strided_slice %get3A_602 {offsets = [6], sizes = [1], strides = [1]} : vector<16xi32> to vector<1xi32>
      %squeeze3A_1714 = vector.extract %slice3A_1713[0] : i32 from vector<1xi32>
      %slice3A_1715 = vector.extract_strided_slice %get3A_606 {offsets = [6], sizes = [1], strides = [1]} : vector<16xi32> to vector<1xi32>
      %squeeze3A_1716 = vector.extract %slice3A_1715[0] : i32 from vector<1xi32>
      %dma_wait3A_1717 = arith.constant 6 : i32
      %dma_wait3A_1718 = arith.constant 0 : i32
      %dma_wait3A_1719 = arith.constant 0 : i32
      %dma_wait3A_1720 = tpu.memref_slice %arg9[%dma_wait3A_1717, %dma_wait3A_1718, %dma_wait3A_1719] : memref<8x32x128xf32, #tpu.memory_space<vmem>> -> memref<1x32x128xf32, #tpu.memory_space<vmem>>
      %dma_wait3A_1721 = tpu.memref_squeeze %dma_wait3A_1720 : memref<1x32x128xf32, #tpu.memory_space<vmem>> -> memref<32x128xf32, #tpu.memory_space<vmem>>
      %dma_wait3A_1722 = arith.constant 0 : i32
      %dma_wait3A_1723 = arith.constant 0 : i32
      %dma_wait3A_1724 = tpu.memref_slice %arg4[%dma_wait3A_1722, %dma_wait3A_1723] : memref<32x1000000xf32, #tpu.memory_space<hbm>> -> memref<32x128xf32, #tpu.memory_space<hbm>>
      %dma_wait3A_1725 = arith.constant 0 : i32
      %dma_wait3A_1726 = arith.constant 0 : i32
      %dma_wait3A_1727 = tpu.memref_slice %arg9[%dma_wait3A_1717, %dma_wait3A_1725, %dma_wait3A_1726] : memref<8x32x128xf32, #tpu.memory_space<vmem>> -> memref<1x32x128xf32, #tpu.memory_space<vmem>>
      %dma_wait3A_1728 = tpu.memref_squeeze %dma_wait3A_1727 : memref<1x32x128xf32, #tpu.memory_space<vmem>> -> memref<32x128xf32, #tpu.memory_space<vmem>>
      %dma_wait3A_1729 = arith.constant 0 : i32
      %dma_wait3A_1730 = arith.constant 0 : i32
      %dma_wait3A_1731 = tpu.memref_slice %arg4[%dma_wait3A_1729, %dma_wait3A_1730] : memref<32x1000000xf32, #tpu.memory_space<hbm>> -> memref<32x128xf32, #tpu.memory_space<hbm>>
      tpu.wait_dma2 semaphore(%arg13 : memref<!tpu.dma_semaphore, #tpu.memory_space<semaphore_mem>>) src(%dma_wait3A_1731 : memref<32x128xf32, #tpu.memory_space<hbm>>) dst(%dma_wait3A_1728 : memref<32x128xf32, #tpu.memory_space<vmem>>)
      %dma_wait3A_1732 = arith.constant 6 : i32
      %dma_wait3A_1733 = arith.constant 0 : i32
      %dma_wait3A_1734 = arith.constant 0 : i32
      %dma_wait3A_1735 = tpu.memref_slice %arg10[%dma_wait3A_1732, %dma_wait3A_1733, %dma_wait3A_1734] : memref<8x32x128xf32, #tpu.memory_space<vmem>> -> memref<1x32x128xf32, #tpu.memory_space<vmem>>
      %dma_wait3A_1736 = tpu.memref_squeeze %dma_wait3A_1735 : memref<1x32x128xf32, #tpu.memory_space<vmem>> -> memref<32x128xf32, #tpu.memory_space<vmem>>
      %dma_wait3A_1737 = arith.constant 0 : i32
      %dma_wait3A_1738 = arith.constant 0 : i32
      %dma_wait3A_1739 = tpu.memref_slice %arg5[%dma_wait3A_1737, %dma_wait3A_1738] : memref<32x1000000xf32, #tpu.memory_space<hbm>> -> memref<32x128xf32, #tpu.memory_space<hbm>>
      %dma_wait3A_1740 = arith.constant 0 : i32
      %dma_wait3A_1741 = arith.constant 0 : i32
      %dma_wait3A_1742 = tpu.memref_slice %arg10[%dma_wait3A_1732, %dma_wait3A_1740, %dma_wait3A_1741] : memref<8x32x128xf32, #tpu.memory_space<vmem>> -> memref<1x32x128xf32, #tpu.memory_space<vmem>>
      %dma_wait3A_1743 = tpu.memref_squeeze %dma_wait3A_1742 : memref<1x32x128xf32, #tpu.memory_space<vmem>> -> memref<32x128xf32, #tpu.memory_space<vmem>>
      %dma_wait3A_1744 = arith.constant 0 : i32
      %dma_wait3A_1745 = arith.constant 0 : i32
      %dma_wait3A_1746 = tpu.memref_slice %arg5[%dma_wait3A_1744, %dma_wait3A_1745] : memref<32x1000000xf32, #tpu.memory_space<hbm>> -> memref<32x128xf32, #tpu.memory_space<hbm>>
      tpu.wait_dma2 semaphore(%arg14 : memref<!tpu.dma_semaphore, #tpu.memory_space<semaphore_mem>>) src(%dma_wait3A_1746 : memref<32x128xf32, #tpu.memory_space<hbm>>) dst(%dma_wait3A_1743 : memref<32x128xf32, #tpu.memory_space<vmem>>)
      %broadcast_in_dim3A_1747 = arith.constant 0 : i32
      %broadcast_in_dim3A_1748 = vector.broadcast %broadcast_in_dim3A_1747 : i32 to vector<16xi32>
      %and3A_1749 = arith.constant 127 : i32
      %and3A_1750 = arith.andi %squeeze3A_1714, %and3A_1749 : i32
      %add3A_1751 = vector.broadcast %and3A_1750 : i32 to vector<16xi32>
      %add3A_1752 = arith.addi %broadcast_in_dim3A_1748, %add3A_1751 : vector<16xi32>
      %broadcast_in_dim3A_1753 = arith.constant 0 : i32
      %broadcast_in_dim3A_1754 = vector.broadcast %broadcast_in_dim3A_1753 : i32 to vector<16xi32>
      %and3A_1755 = arith.constant 127 : i32
      %and3A_1756 = arith.andi %squeeze3A_1716, %and3A_1755 : i32
      %add3A_1757 = vector.broadcast %and3A_1756 : i32 to vector<16xi32>
      %add3A_1758 = arith.addi %broadcast_in_dim3A_1754, %add3A_1757 : vector<16xi32>
      %broadcast_in_dim3A_1759 = arith.constant 0.000000e+00 : f32
      %broadcast_in_dim3A_1760 = vector.broadcast %broadcast_in_dim3A_1759 : f32 to vector<16xf32>
      %add3A_1761 = arith.constant 0 : i32
      %add3A_1762 = vector.broadcast %add3A_1761 : i32 to vector<16xi32>
      %add3A_1763 = arith.addi %iota3A, %add3A_1762 : vector<16xi32>
      %gather3A_1764 = arith.constant 6 : i32
      %gather3A_1765 = arith.constant 0 : i32
      %gather3A_1766 = arith.constant 0 : i32
      %gather3A_1767 = tpu.memref_slice %arg9[%gather3A_1764, %gather3A_1765, %gather3A_1766] : memref<8x32x128xf32, #tpu.memory_space<vmem>> -> memref<1x32x128xf32, #tpu.memory_space<vmem>>
      %gather3A_1768 = tpu.memref_squeeze %gather3A_1767 : memref<1x32x128xf32, #tpu.memory_space<vmem>> -> memref<32x128xf32, #tpu.memory_space<vmem>>
      %gather3A_1769 = tpu.vector_load_idx %gather3A_1768[%add3A_1763, %add3A_1752] : memref<32x128xf32, #tpu.memory_space<vmem>>[vector<16xi32>, vector<16xi32>], vector<16xf32>,
      %gather3A_1770 = arith.constant 6 : i32
      %gather3A_1771 = arith.constant 0 : i32
      %gather3A_1772 = arith.constant 0 : i32
      %gather3A_1773 = tpu.memref_slice %arg10[%gather3A_1770, %gather3A_1771, %gather3A_1772] : memref<8x32x128xf32, #tpu.memory_space<vmem>> -> memref<1x32x128xf32, #tpu.memory_space<vmem>>
      %gather3A_1774 = tpu.memref_squeeze %gather3A_1773 : memref<1x32x128xf32, #tpu.memory_space<vmem>> -> memref<32x128xf32, #tpu.memory_space<vmem>>
      %gather3A_1775 = tpu.vector_load_idx %gather3A_1774[%add3A_1763, %add3A_1758] : memref<32x128xf32, #tpu.memory_space<vmem>>[vector<16xi32>, vector<16xi32>], vector<16xf32>,
      %mul3A_1776 = arith.mulf %gather3A_1769, %gather3A_1775 : vector<16xf32>
      %add3A_1777 = arith.addf %broadcast_in_dim3A_1760, %mul3A_1776 : vector<16xf32>
      %add3A_1778 = arith.constant 16 : i32
      %add3A_1779 = vector.broadcast %add3A_1778 : i32 to vector<16xi32>
      %add3A_1780 = arith.addi %iota3A, %add3A_1779 : vector<16xi32>
      %gather3A_1781 = arith.constant 6 : i32
      %gather3A_1782 = arith.constant 0 : i32
      %gather3A_1783 = arith.constant 0 : i32
      %gather3A_1784 = tpu.memref_slice %arg9[%gather3A_1781, %gather3A_1782, %gather3A_1783] : memref<8x32x128xf32, #tpu.memory_space<vmem>> -> memref<1x32x128xf32, #tpu.memory_space<vmem>>
      %gather3A_1785 = tpu.memref_squeeze %gather3A_1784 : memref<1x32x128xf32, #tpu.memory_space<vmem>> -> memref<32x128xf32, #tpu.memory_space<vmem>>
      %gather3A_1786 = tpu.vector_load_idx %gather3A_1785[%add3A_1780, %add3A_1752] : memref<32x128xf32, #tpu.memory_space<vmem>>[vector<16xi32>, vector<16xi32>], vector<16xf32>,
      %gather3A_1787 = arith.constant 6 : i32
      %gather3A_1788 = arith.constant 0 : i32
      %gather3A_1789 = arith.constant 0 : i32
      %gather3A_1790 = tpu.memref_slice %arg10[%gather3A_1787, %gather3A_1788, %gather3A_1789] : memref<8x32x128xf32, #tpu.memory_space<vmem>> -> memref<1x32x128xf32, #tpu.memory_space<vmem>>
      %gather3A_1791 = tpu.memref_squeeze %gather3A_1790 : memref<1x32x128xf32, #tpu.memory_space<vmem>> -> memref<32x128xf32, #tpu.memory_space<vmem>>
      %gather3A_1792 = tpu.vector_load_idx %gather3A_1791[%add3A_1780, %add3A_1758] : memref<32x128xf32, #tpu.memory_space<vmem>>[vector<16xi32>, vector<16xi32>], vector<16xf32>,
      %mul3A_1793 = arith.mulf %gather3A_1786, %gather3A_1792 : vector<16xf32>
      %add3A_1794 = arith.addf %add3A_1777, %mul3A_1793 : vector<16xf32>
      %mul3A_1795 = arith.constant 16 : i32
      %mul3A_1796 = arith.muli %add3A_1712, %mul3A_1795 : i32
      %swap3A_1797 = arith.index_cast %mul3A_1796 : i32 to index
      %swap3A_1798 = tpu.vector_load %arg11[%swap3A_1797] {strides = array<i32>} : memref<8192xf32, #tpu.memory_space<vmem>>, vector<16xf32>,
      tpu.vector_store %arg11[%swap3A_1797], %add3A_1794 {strides = array<i32>} : memref<8192xf32, #tpu.memory_space<vmem>>, vector<16xf32>,
      %slice3A_1799 = vector.extract_strided_slice %get3A_602 {offsets = [14], sizes = [1], strides = [1]} : vector<16xi32> to vector<1xi32>
      %squeeze3A_1800 = vector.extract %slice3A_1799[0] : i32 from vector<1xi32>
      %slice3A_1801 = vector.extract_strided_slice %get3A_606 {offsets = [14], sizes = [1], strides = [1]} : vector<16xi32> to vector<1xi32>
      %squeeze3A_1802 = vector.extract %slice3A_1801[0] : i32 from vector<1xi32>
      %shift_right_arithmetic3A_1803 = arith.constant 7 : i32
      %shift_right_arithmetic3A_1804 = arith.shrsi %squeeze3A_1800, %shift_right_arithmetic3A_1803 : i32
      %mul3A_1805 = arith.constant 128 : i32
      %mul3A_1806 = arith.muli %shift_right_arithmetic3A_1804, %mul3A_1805 : i32
      %dma_start3A_1807 = arith.constant 6 : i32
      %dma_start3A_1808 = arith.constant 0 : i32
      %dma_start3A_1809 = arith.constant 0 : i32
      %dma_start3A_1810 = tpu.memref_slice %arg9[%dma_start3A_1807, %dma_start3A_1808, %dma_start3A_1809] : memref<8x32x128xf32, #tpu.memory_space<vmem>> -> memref<1x32x128xf32, #tpu.memory_space<vmem>>
      %dma_start3A_1811 = tpu.memref_squeeze %dma_start3A_1810 : memref<1x32x128xf32, #tpu.memory_space<vmem>> -> memref<32x128xf32, #tpu.memory_space<vmem>>
      %dma_start3A_1812 = arith.constant 0 : i32
      %dma_start3A_1813 = tpu.memref_slice %arg4[%dma_start3A_1812, %mul3A_1806] : memref<32x1000000xf32, #tpu.memory_space<hbm>> -> memref<32x128xf32, #tpu.memory_space<hbm>>
      %dma_start3A_1814 = arith.constant 0 : i32
      %dma_start3A_1815 = arith.constant 0 : i32
      %dma_start3A_1816 = tpu.memref_slice %arg9[%dma_start3A_1807, %dma_start3A_1814, %dma_start3A_1815] : memref<8x32x128xf32, #tpu.memory_space<vmem>> -> memref<1x32x128xf32, #tpu.memory_space<vmem>>
      %dma_start3A_1817 = tpu.memref_squeeze %dma_start3A_1816 : memref<1x32x128xf32, #tpu.memory_space<vmem>> -> memref<32x128xf32, #tpu.memory_space<vmem>>
      %dma_start3A_1818 = arith.constant 0 : i32
      %dma_start3A_1819 = tpu.memref_slice %arg4[%dma_start3A_1818, %mul3A_1806] : memref<32x1000000xf32, #tpu.memory_space<hbm>> -> memref<32x128xf32, #tpu.memory_space<hbm>>
      tpu.enqueue_dma source(%dma_start3A_1819 : memref<32x128xf32, #tpu.memory_space<hbm>>) target(%dma_start3A_1817 : memref<32x128xf32, #tpu.memory_space<vmem>>) target_semaphore(%arg13 : memref<!tpu.dma_semaphore, #tpu.memory_space<semaphore_mem>>)
      %shift_right_arithmetic3A_1820 = arith.constant 7 : i32
      %shift_right_arithmetic3A_1821 = arith.shrsi %squeeze3A_1802, %shift_right_arithmetic3A_1820 : i32
      %mul3A_1822 = arith.constant 128 : i32
      %mul3A_1823 = arith.muli %shift_right_arithmetic3A_1821, %mul3A_1822 : i32
      %dma_start3A_1824 = arith.constant 6 : i32
      %dma_start3A_1825 = arith.constant 0 : i32
      %dma_start3A_1826 = arith.constant 0 : i32
      %dma_start3A_1827 = tpu.memref_slice %arg10[%dma_start3A_1824, %dma_start3A_1825, %dma_start3A_1826] : memref<8x32x128xf32, #tpu.memory_space<vmem>> -> memref<1x32x128xf32, #tpu.memory_space<vmem>>
      %dma_start3A_1828 = tpu.memref_squeeze %dma_start3A_1827 : memref<1x32x128xf32, #tpu.memory_space<vmem>> -> memref<32x128xf32, #tpu.memory_space<vmem>>
      %dma_start3A_1829 = arith.constant 0 : i32
      %dma_start3A_1830 = tpu.memref_slice %arg5[%dma_start3A_1829, %mul3A_1823] : memref<32x1000000xf32, #tpu.memory_space<hbm>> -> memref<32x128xf32, #tpu.memory_space<hbm>>
      %dma_start3A_1831 = arith.constant 0 : i32
      %dma_start3A_1832 = arith.constant 0 : i32
      %dma_start3A_1833 = tpu.memref_slice %arg10[%dma_start3A_1824, %dma_start3A_1831, %dma_start3A_1832] : memref<8x32x128xf32, #tpu.memory_space<vmem>> -> memref<1x32x128xf32, #tpu.memory_space<vmem>>
      %dma_start3A_1834 = tpu.memref_squeeze %dma_start3A_1833 : memref<1x32x128xf32, #tpu.memory_space<vmem>> -> memref<32x128xf32, #tpu.memory_space<vmem>>
      %dma_start3A_1835 = arith.constant 0 : i32
      %dma_start3A_1836 = tpu.memref_slice %arg5[%dma_start3A_1835, %mul3A_1823] : memref<32x1000000xf32, #tpu.memory_space<hbm>> -> memref<32x128xf32, #tpu.memory_space<hbm>>
      tpu.enqueue_dma source(%dma_start3A_1836 : memref<32x128xf32, #tpu.memory_space<hbm>>) target(%dma_start3A_1834 : memref<32x128xf32, #tpu.memory_space<vmem>>) target_semaphore(%arg14 : memref<!tpu.dma_semaphore, #tpu.memory_space<semaphore_mem>>)
      %mul3A_1837 = arith.constant 16 : i32
      %mul3A_1838 = arith.muli %scan3A_597, %mul3A_1837 : i32
      %add3A_1839 = arith.constant 7 : i32
      %add3A_1840 = arith.addi %mul3A_1838, %add3A_1839 : i32
      %slice3A_1841 = vector.extract_strided_slice %get3A_602 {offsets = [7], sizes = [1], strides = [1]} : vector<16xi32> to vector<1xi32>
      %squeeze3A_1842 = vector.extract %slice3A_1841[0] : i32 from vector<1xi32>
      %slice3A_1843 = vector.extract_strided_slice %get3A_606 {offsets = [7], sizes = [1], strides = [1]} : vector<16xi32> to vector<1xi32>
      %squeeze3A_1844 = vector.extract %slice3A_1843[0] : i32 from vector<1xi32>
      %dma_wait3A_1845 = arith.constant 7 : i32
      %dma_wait3A_1846 = arith.constant 0 : i32
      %dma_wait3A_1847 = arith.constant 0 : i32
      %dma_wait3A_1848 = tpu.memref_slice %arg9[%dma_wait3A_1845, %dma_wait3A_1846, %dma_wait3A_1847] : memref<8x32x128xf32, #tpu.memory_space<vmem>> -> memref<1x32x128xf32, #tpu.memory_space<vmem>>
      %dma_wait3A_1849 = tpu.memref_squeeze %dma_wait3A_1848 : memref<1x32x128xf32, #tpu.memory_space<vmem>> -> memref<32x128xf32, #tpu.memory_space<vmem>>
      %dma_wait3A_1850 = arith.constant 0 : i32
      %dma_wait3A_1851 = arith.constant 0 : i32
      %dma_wait3A_1852 = tpu.memref_slice %arg4[%dma_wait3A_1850, %dma_wait3A_1851] : memref<32x1000000xf32, #tpu.memory_space<hbm>> -> memref<32x128xf32, #tpu.memory_space<hbm>>
      %dma_wait3A_1853 = arith.constant 0 : i32
      %dma_wait3A_1854 = arith.constant 0 : i32
      %dma_wait3A_1855 = tpu.memref_slice %arg9[%dma_wait3A_1845, %dma_wait3A_1853, %dma_wait3A_1854] : memref<8x32x128xf32, #tpu.memory_space<vmem>> -> memref<1x32x128xf32, #tpu.memory_space<vmem>>
      %dma_wait3A_1856 = tpu.memref_squeeze %dma_wait3A_1855 : memref<1x32x128xf32, #tpu.memory_space<vmem>> -> memref<32x128xf32, #tpu.memory_space<vmem>>
      %dma_wait3A_1857 = arith.constant 0 : i32
      %dma_wait3A_1858 = arith.constant 0 : i32
      %dma_wait3A_1859 = tpu.memref_slice %arg4[%dma_wait3A_1857, %dma_wait3A_1858] : memref<32x1000000xf32, #tpu.memory_space<hbm>> -> memref<32x128xf32, #tpu.memory_space<hbm>>
      tpu.wait_dma2 semaphore(%arg13 : memref<!tpu.dma_semaphore, #tpu.memory_space<semaphore_mem>>) src(%dma_wait3A_1859 : memref<32x128xf32, #tpu.memory_space<hbm>>) dst(%dma_wait3A_1856 : memref<32x128xf32, #tpu.memory_space<vmem>>)
      %dma_wait3A_1860 = arith.constant 7 : i32
      %dma_wait3A_1861 = arith.constant 0 : i32
      %dma_wait3A_1862 = arith.constant 0 : i32
      %dma_wait3A_1863 = tpu.memref_slice %arg10[%dma_wait3A_1860, %dma_wait3A_1861, %dma_wait3A_1862] : memref<8x32x128xf32, #tpu.memory_space<vmem>> -> memref<1x32x128xf32, #tpu.memory_space<vmem>>
      %dma_wait3A_1864 = tpu.memref_squeeze %dma_wait3A_1863 : memref<1x32x128xf32, #tpu.memory_space<vmem>> -> memref<32x128xf32, #tpu.memory_space<vmem>>
      %dma_wait3A_1865 = arith.constant 0 : i32
      %dma_wait3A_1866 = arith.constant 0 : i32
      %dma_wait3A_1867 = tpu.memref_slice %arg5[%dma_wait3A_1865, %dma_wait3A_1866] : memref<32x1000000xf32, #tpu.memory_space<hbm>> -> memref<32x128xf32, #tpu.memory_space<hbm>>
      %dma_wait3A_1868 = arith.constant 0 : i32
      %dma_wait3A_1869 = arith.constant 0 : i32
      %dma_wait3A_1870 = tpu.memref_slice %arg10[%dma_wait3A_1860, %dma_wait3A_1868, %dma_wait3A_1869] : memref<8x32x128xf32, #tpu.memory_space<vmem>> -> memref<1x32x128xf32, #tpu.memory_space<vmem>>
      %dma_wait3A_1871 = tpu.memref_squeeze %dma_wait3A_1870 : memref<1x32x128xf32, #tpu.memory_space<vmem>> -> memref<32x128xf32, #tpu.memory_space<vmem>>
      %dma_wait3A_1872 = arith.constant 0 : i32
      %dma_wait3A_1873 = arith.constant 0 : i32
      %dma_wait3A_1874 = tpu.memref_slice %arg5[%dma_wait3A_1872, %dma_wait3A_1873] : memref<32x1000000xf32, #tpu.memory_space<hbm>> -> memref<32x128xf32, #tpu.memory_space<hbm>>
      tpu.wait_dma2 semaphore(%arg14 : memref<!tpu.dma_semaphore, #tpu.memory_space<semaphore_mem>>) src(%dma_wait3A_1874 : memref<32x128xf32, #tpu.memory_space<hbm>>) dst(%dma_wait3A_1871 : memref<32x128xf32, #tpu.memory_space<vmem>>)
      %broadcast_in_dim3A_1875 = arith.constant 0 : i32
      %broadcast_in_dim3A_1876 = vector.broadcast %broadcast_in_dim3A_1875 : i32 to vector<16xi32>
      %and3A_1877 = arith.constant 127 : i32
      %and3A_1878 = arith.andi %squeeze3A_1842, %and3A_1877 : i32
      %add3A_1879 = vector.broadcast %and3A_1878 : i32 to vector<16xi32>
      %add3A_1880 = arith.addi %broadcast_in_dim3A_1876, %add3A_1879 : vector<16xi32>
      %broadcast_in_dim3A_1881 = arith.constant 0 : i32
      %broadcast_in_dim3A_1882 = vector.broadcast %broadcast_in_dim3A_1881 : i32 to vector<16xi32>
      %and3A_1883 = arith.constant 127 : i32
      %and3A_1884 = arith.andi %squeeze3A_1844, %and3A_1883 : i32
      %add3A_1885 = vector.broadcast %and3A_1884 : i32 to vector<16xi32>
      %add3A_1886 = arith.addi %broadcast_in_dim3A_1882, %add3A_1885 : vector<16xi32>
      %broadcast_in_dim3A_1887 = arith.constant 0.000000e+00 : f32
      %broadcast_in_dim3A_1888 = vector.broadcast %broadcast_in_dim3A_1887 : f32 to vector<16xf32>
      %add3A_1889 = arith.constant 0 : i32
      %add3A_1890 = vector.broadcast %add3A_1889 : i32 to vector<16xi32>
      %add3A_1891 = arith.addi %iota3A, %add3A_1890 : vector<16xi32>
      %gather3A_1892 = arith.constant 7 : i32
      %gather3A_1893 = arith.constant 0 : i32
      %gather3A_1894 = arith.constant 0 : i32
      %gather3A_1895 = tpu.memref_slice %arg9[%gather3A_1892, %gather3A_1893, %gather3A_1894] : memref<8x32x128xf32, #tpu.memory_space<vmem>> -> memref<1x32x128xf32, #tpu.memory_space<vmem>>
      %gather3A_1896 = tpu.memref_squeeze %gather3A_1895 : memref<1x32x128xf32, #tpu.memory_space<vmem>> -> memref<32x128xf32, #tpu.memory_space<vmem>>
      %gather3A_1897 = tpu.vector_load_idx %gather3A_1896[%add3A_1891, %add3A_1880] : memref<32x128xf32, #tpu.memory_space<vmem>>[vector<16xi32>, vector<16xi32>], vector<16xf32>,
      %gather3A_1898 = arith.constant 7 : i32
      %gather3A_1899 = arith.constant 0 : i32
      %gather3A_1900 = arith.constant 0 : i32
      %gather3A_1901 = tpu.memref_slice %arg10[%gather3A_1898, %gather3A_1899, %gather3A_1900] : memref<8x32x128xf32, #tpu.memory_space<vmem>> -> memref<1x32x128xf32, #tpu.memory_space<vmem>>
      %gather3A_1902 = tpu.memref_squeeze %gather3A_1901 : memref<1x32x128xf32, #tpu.memory_space<vmem>> -> memref<32x128xf32, #tpu.memory_space<vmem>>
      %gather3A_1903 = tpu.vector_load_idx %gather3A_1902[%add3A_1891, %add3A_1886] : memref<32x128xf32, #tpu.memory_space<vmem>>[vector<16xi32>, vector<16xi32>], vector<16xf32>,
      %mul3A_1904 = arith.mulf %gather3A_1897, %gather3A_1903 : vector<16xf32>
      %add3A_1905 = arith.addf %broadcast_in_dim3A_1888, %mul3A_1904 : vector<16xf32>
      %add3A_1906 = arith.constant 16 : i32
      %add3A_1907 = vector.broadcast %add3A_1906 : i32 to vector<16xi32>
      %add3A_1908 = arith.addi %iota3A, %add3A_1907 : vector<16xi32>
      %gather3A_1909 = arith.constant 7 : i32
      %gather3A_1910 = arith.constant 0 : i32
      %gather3A_1911 = arith.constant 0 : i32
      %gather3A_1912 = tpu.memref_slice %arg9[%gather3A_1909, %gather3A_1910, %gather3A_1911] : memref<8x32x128xf32, #tpu.memory_space<vmem>> -> memref<1x32x128xf32, #tpu.memory_space<vmem>>
      %gather3A_1913 = tpu.memref_squeeze %gather3A_1912 : memref<1x32x128xf32, #tpu.memory_space<vmem>> -> memref<32x128xf32, #tpu.memory_space<vmem>>
      %gather3A_1914 = tpu.vector_load_idx %gather3A_1913[%add3A_1908, %add3A_1880] : memref<32x128xf32, #tpu.memory_space<vmem>>[vector<16xi32>, vector<16xi32>], vector<16xf32>,
      %gather3A_1915 = arith.constant 7 : i32
      %gather3A_1916 = arith.constant 0 : i32
      %gather3A_1917 = arith.constant 0 : i32
      %gather3A_1918 = tpu.memref_slice %arg10[%gather3A_1915, %gather3A_1916, %gather3A_1917] : memref<8x32x128xf32, #tpu.memory_space<vmem>> -> memref<1x32x128xf32, #tpu.memory_space<vmem>>
      %gather3A_1919 = tpu.memref_squeeze %gather3A_1918 : memref<1x32x128xf32, #tpu.memory_space<vmem>> -> memref<32x128xf32, #tpu.memory_space<vmem>>
      %gather3A_1920 = tpu.vector_load_idx %gather3A_1919[%add3A_1908, %add3A_1886] : memref<32x128xf32, #tpu.memory_space<vmem>>[vector<16xi32>, vector<16xi32>], vector<16xf32>,
      %mul3A_1921 = arith.mulf %gather3A_1914, %gather3A_1920 : vector<16xf32>
      %add3A_1922 = arith.addf %add3A_1905, %mul3A_1921 : vector<16xf32>
      %mul3A_1923 = arith.constant 16 : i32
      %mul3A_1924 = arith.muli %add3A_1840, %mul3A_1923 : i32
      %swap3A_1925 = arith.index_cast %mul3A_1924 : i32 to index
      %swap3A_1926 = tpu.vector_load %arg11[%swap3A_1925] {strides = array<i32>} : memref<8192xf32, #tpu.memory_space<vmem>>, vector<16xf32>,
      tpu.vector_store %arg11[%swap3A_1925], %add3A_1922 {strides = array<i32>} : memref<8192xf32, #tpu.memory_space<vmem>>, vector<16xf32>,
      %slice3A_1927 = vector.extract_strided_slice %get3A_602 {offsets = [15], sizes = [1], strides = [1]} : vector<16xi32> to vector<1xi32>
      %squeeze3A_1928 = vector.extract %slice3A_1927[0] : i32 from vector<1xi32>
      %slice3A_1929 = vector.extract_strided_slice %get3A_606 {offsets = [15], sizes = [1], strides = [1]} : vector<16xi32> to vector<1xi32>
      %squeeze3A_1930 = vector.extract %slice3A_1929[0] : i32 from vector<1xi32>
      %shift_right_arithmetic3A_1931 = arith.constant 7 : i32
      %shift_right_arithmetic3A_1932 = arith.shrsi %squeeze3A_1928, %shift_right_arithmetic3A_1931 : i32
      %mul3A_1933 = arith.constant 128 : i32
      %mul3A_1934 = arith.muli %shift_right_arithmetic3A_1932, %mul3A_1933 : i32
      %dma_start3A_1935 = arith.constant 7 : i32
      %dma_start3A_1936 = arith.constant 0 : i32
      %dma_start3A_1937 = arith.constant 0 : i32
      %dma_start3A_1938 = tpu.memref_slice %arg9[%dma_start3A_1935, %dma_start3A_1936, %dma_start3A_1937] : memref<8x32x128xf32, #tpu.memory_space<vmem>> -> memref<1x32x128xf32, #tpu.memory_space<vmem>>
      %dma_start3A_1939 = tpu.memref_squeeze %dma_start3A_1938 : memref<1x32x128xf32, #tpu.memory_space<vmem>> -> memref<32x128xf32, #tpu.memory_space<vmem>>
      %dma_start3A_1940 = arith.constant 0 : i32
      %dma_start3A_1941 = tpu.memref_slice %arg4[%dma_start3A_1940, %mul3A_1934] : memref<32x1000000xf32, #tpu.memory_space<hbm>> -> memref<32x128xf32, #tpu.memory_space<hbm>>
      %dma_start3A_1942 = arith.constant 0 : i32
      %dma_start3A_1943 = arith.constant 0 : i32
      %dma_start3A_1944 = tpu.memref_slice %arg9[%dma_start3A_1935, %dma_start3A_1942, %dma_start3A_1943] : memref<8x32x128xf32, #tpu.memory_space<vmem>> -> memref<1x32x128xf32, #tpu.memory_space<vmem>>
      %dma_start3A_1945 = tpu.memref_squeeze %dma_start3A_1944 : memref<1x32x128xf32, #tpu.memory_space<vmem>> -> memref<32x128xf32, #tpu.memory_space<vmem>>
      %dma_start3A_1946 = arith.constant 0 : i32
      %dma_start3A_1947 = tpu.memref_slice %arg4[%dma_start3A_1946, %mul3A_1934] : memref<32x1000000xf32, #tpu.memory_space<hbm>> -> memref<32x128xf32, #tpu.memory_space<hbm>>
      tpu.enqueue_dma source(%dma_start3A_1947 : memref<32x128xf32, #tpu.memory_space<hbm>>) target(%dma_start3A_1945 : memref<32x128xf32, #tpu.memory_space<vmem>>) target_semaphore(%arg13 : memref<!tpu.dma_semaphore, #tpu.memory_space<semaphore_mem>>)
      %shift_right_arithmetic3A_1948 = arith.constant 7 : i32
      %shift_right_arithmetic3A_1949 = arith.shrsi %squeeze3A_1930, %shift_right_arithmetic3A_1948 : i32
      %mul3A_1950 = arith.constant 128 : i32
      %mul3A_1951 = arith.muli %shift_right_arithmetic3A_1949, %mul3A_1950 : i32
      %dma_start3A_1952 = arith.constant 7 : i32
      %dma_start3A_1953 = arith.constant 0 : i32
      %dma_start3A_1954 = arith.constant 0 : i32
      %dma_start3A_1955 = tpu.memref_slice %arg10[%dma_start3A_1952, %dma_start3A_1953, %dma_start3A_1954] : memref<8x32x128xf32, #tpu.memory_space<vmem>> -> memref<1x32x128xf32, #tpu.memory_space<vmem>>
      %dma_start3A_1956 = tpu.memref_squeeze %dma_start3A_1955 : memref<1x32x128xf32, #tpu.memory_space<vmem>> -> memref<32x128xf32, #tpu.memory_space<vmem>>
      %dma_start3A_1957 = arith.constant 0 : i32
      %dma_start3A_1958 = tpu.memref_slice %arg5[%dma_start3A_1957, %mul3A_1951] : memref<32x1000000xf32, #tpu.memory_space<hbm>> -> memref<32x128xf32, #tpu.memory_space<hbm>>
      %dma_start3A_1959 = arith.constant 0 : i32
      %dma_start3A_1960 = arith.constant 0 : i32
      %dma_start3A_1961 = tpu.memref_slice %arg10[%dma_start3A_1952, %dma_start3A_1959, %dma_start3A_1960] : memref<8x32x128xf32, #tpu.memory_space<vmem>> -> memref<1x32x128xf32, #tpu.memory_space<vmem>>
      %dma_start3A_1962 = tpu.memref_squeeze %dma_start3A_1961 : memref<1x32x128xf32, #tpu.memory_space<vmem>> -> memref<32x128xf32, #tpu.memory_space<vmem>>
      %dma_start3A_1963 = arith.constant 0 : i32
      %dma_start3A_1964 = tpu.memref_slice %arg5[%dma_start3A_1963, %mul3A_1951] : memref<32x1000000xf32, #tpu.memory_space<hbm>> -> memref<32x128xf32, #tpu.memory_space<hbm>>
      tpu.enqueue_dma source(%dma_start3A_1964 : memref<32x128xf32, #tpu.memory_space<hbm>>) target(%dma_start3A_1962 : memref<32x128xf32, #tpu.memory_space<vmem>>) target_semaphore(%arg14 : memref<!tpu.dma_semaphore, #tpu.memory_space<semaphore_mem>>)
      %mul3A_1965 = arith.constant 16 : i32
      %mul3A_1966 = arith.muli %scan3A_597, %mul3A_1965 : i32
      %add3A_1967 = arith.constant 8 : i32
      %add3A_1968 = arith.addi %mul3A_1966, %add3A_1967 : i32
      %slice3A_1969 = vector.extract_strided_slice %get3A_602 {offsets = [8], sizes = [1], strides = [1]} : vector<16xi32> to vector<1xi32>
      %squeeze3A_1970 = vector.extract %slice3A_1969[0] : i32 from vector<1xi32>
      %slice3A_1971 = vector.extract_strided_slice %get3A_606 {offsets = [8], sizes = [1], strides = [1]} : vector<16xi32> to vector<1xi32>
      %squeeze3A_1972 = vector.extract %slice3A_1971[0] : i32 from vector<1xi32>
      %dma_wait3A_1973 = arith.constant 0 : i32
      %dma_wait3A_1974 = arith.constant 0 : i32
      %dma_wait3A_1975 = arith.constant 0 : i32
      %dma_wait3A_1976 = tpu.memref_slice %arg9[%dma_wait3A_1973, %dma_wait3A_1974, %dma_wait3A_1975] : memref<8x32x128xf32, #tpu.memory_space<vmem>> -> memref<1x32x128xf32, #tpu.memory_space<vmem>>
      %dma_wait3A_1977 = tpu.memref_squeeze %dma_wait3A_1976 : memref<1x32x128xf32, #tpu.memory_space<vmem>> -> memref<32x128xf32, #tpu.memory_space<vmem>>
      %dma_wait3A_1978 = arith.constant 0 : i32
      %dma_wait3A_1979 = arith.constant 0 : i32
      %dma_wait3A_1980 = tpu.memref_slice %arg4[%dma_wait3A_1978, %dma_wait3A_1979] : memref<32x1000000xf32, #tpu.memory_space<hbm>> -> memref<32x128xf32, #tpu.memory_space<hbm>>
      %dma_wait3A_1981 = arith.constant 0 : i32
      %dma_wait3A_1982 = arith.constant 0 : i32
      %dma_wait3A_1983 = tpu.memref_slice %arg9[%dma_wait3A_1973, %dma_wait3A_1981, %dma_wait3A_1982] : memref<8x32x128xf32, #tpu.memory_space<vmem>> -> memref<1x32x128xf32, #tpu.memory_space<vmem>>
      %dma_wait3A_1984 = tpu.memref_squeeze %dma_wait3A_1983 : memref<1x32x128xf32, #tpu.memory_space<vmem>> -> memref<32x128xf32, #tpu.memory_space<vmem>>
      %dma_wait3A_1985 = arith.constant 0 : i32
      %dma_wait3A_1986 = arith.constant 0 : i32
      %dma_wait3A_1987 = tpu.memref_slice %arg4[%dma_wait3A_1985, %dma_wait3A_1986] : memref<32x1000000xf32, #tpu.memory_space<hbm>> -> memref<32x128xf32, #tpu.memory_space<hbm>>
      tpu.wait_dma2 semaphore(%arg13 : memref<!tpu.dma_semaphore, #tpu.memory_space<semaphore_mem>>) src(%dma_wait3A_1987 : memref<32x128xf32, #tpu.memory_space<hbm>>) dst(%dma_wait3A_1984 : memref<32x128xf32, #tpu.memory_space<vmem>>)
      %dma_wait3A_1988 = arith.constant 0 : i32
      %dma_wait3A_1989 = arith.constant 0 : i32
      %dma_wait3A_1990 = arith.constant 0 : i32
      %dma_wait3A_1991 = tpu.memref_slice %arg10[%dma_wait3A_1988, %dma_wait3A_1989, %dma_wait3A_1990] : memref<8x32x128xf32, #tpu.memory_space<vmem>> -> memref<1x32x128xf32, #tpu.memory_space<vmem>>
      %dma_wait3A_1992 = tpu.memref_squeeze %dma_wait3A_1991 : memref<1x32x128xf32, #tpu.memory_space<vmem>> -> memref<32x128xf32, #tpu.memory_space<vmem>>
      %dma_wait3A_1993 = arith.constant 0 : i32
      %dma_wait3A_1994 = arith.constant 0 : i32
      %dma_wait3A_1995 = tpu.memref_slice %arg5[%dma_wait3A_1993, %dma_wait3A_1994] : memref<32x1000000xf32, #tpu.memory_space<hbm>> -> memref<32x128xf32, #tpu.memory_space<hbm>>
      %dma_wait3A_1996 = arith.constant 0 : i32
      %dma_wait3A_1997 = arith.constant 0 : i32
      %dma_wait3A_1998 = tpu.memref_slice %arg10[%dma_wait3A_1988, %dma_wait3A_1996, %dma_wait3A_1997] : memref<8x32x128xf32, #tpu.memory_space<vmem>> -> memref<1x32x128xf32, #tpu.memory_space<vmem>>
      %dma_wait3A_1999 = tpu.memref_squeeze %dma_wait3A_1998 : memref<1x32x128xf32, #tpu.memory_space<vmem>> -> memref<32x128xf32, #tpu.memory_space<vmem>>
      %dma_wait3A_2000 = arith.constant 0 : i32
      %dma_wait3A_2001 = arith.constant 0 : i32
      %dma_wait3A_2002 = tpu.memref_slice %arg5[%dma_wait3A_2000, %dma_wait3A_2001] : memref<32x1000000xf32, #tpu.memory_space<hbm>> -> memref<32x128xf32, #tpu.memory_space<hbm>>
      tpu.wait_dma2 semaphore(%arg14 : memref<!tpu.dma_semaphore, #tpu.memory_space<semaphore_mem>>) src(%dma_wait3A_2002 : memref<32x128xf32, #tpu.memory_space<hbm>>) dst(%dma_wait3A_1999 : memref<32x128xf32, #tpu.memory_space<vmem>>)
      %broadcast_in_dim3A_2003 = arith.constant 0 : i32
      %broadcast_in_dim3A_2004 = vector.broadcast %broadcast_in_dim3A_2003 : i32 to vector<16xi32>
      %and3A_2005 = arith.constant 127 : i32
      %and3A_2006 = arith.andi %squeeze3A_1970, %and3A_2005 : i32
      %add3A_2007 = vector.broadcast %and3A_2006 : i32 to vector<16xi32>
      %add3A_2008 = arith.addi %broadcast_in_dim3A_2004, %add3A_2007 : vector<16xi32>
      %broadcast_in_dim3A_2009 = arith.constant 0 : i32
      %broadcast_in_dim3A_2010 = vector.broadcast %broadcast_in_dim3A_2009 : i32 to vector<16xi32>
      %and3A_2011 = arith.constant 127 : i32
      %and3A_2012 = arith.andi %squeeze3A_1972, %and3A_2011 : i32
      %add3A_2013 = vector.broadcast %and3A_2012 : i32 to vector<16xi32>
      %add3A_2014 = arith.addi %broadcast_in_dim3A_2010, %add3A_2013 : vector<16xi32>
      %broadcast_in_dim3A_2015 = arith.constant 0.000000e+00 : f32
      %broadcast_in_dim3A_2016 = vector.broadcast %broadcast_in_dim3A_2015 : f32 to vector<16xf32>
      %add3A_2017 = arith.constant 0 : i32
      %add3A_2018 = vector.broadcast %add3A_2017 : i32 to vector<16xi32>
      %add3A_2019 = arith.addi %iota3A, %add3A_2018 : vector<16xi32>
      %gather3A_2020 = arith.constant 0 : i32
      %gather3A_2021 = arith.constant 0 : i32
      %gather3A_2022 = arith.constant 0 : i32
      %gather3A_2023 = tpu.memref_slice %arg9[%gather3A_2020, %gather3A_2021, %gather3A_2022] : memref<8x32x128xf32, #tpu.memory_space<vmem>> -> memref<1x32x128xf32, #tpu.memory_space<vmem>>
      %gather3A_2024 = tpu.memref_squeeze %gather3A_2023 : memref<1x32x128xf32, #tpu.memory_space<vmem>> -> memref<32x128xf32, #tpu.memory_space<vmem>>
      %gather3A_2025 = tpu.vector_load_idx %gather3A_2024[%add3A_2019, %add3A_2008] : memref<32x128xf32, #tpu.memory_space<vmem>>[vector<16xi32>, vector<16xi32>], vector<16xf32>,
      %gather3A_2026 = arith.constant 0 : i32
      %gather3A_2027 = arith.constant 0 : i32
      %gather3A_2028 = arith.constant 0 : i32
      %gather3A_2029 = tpu.memref_slice %arg10[%gather3A_2026, %gather3A_2027, %gather3A_2028] : memref<8x32x128xf32, #tpu.memory_space<vmem>> -> memref<1x32x128xf32, #tpu.memory_space<vmem>>
      %gather3A_2030 = tpu.memref_squeeze %gather3A_2029 : memref<1x32x128xf32, #tpu.memory_space<vmem>> -> memref<32x128xf32, #tpu.memory_space<vmem>>
      %gather3A_2031 = tpu.vector_load_idx %gather3A_2030[%add3A_2019, %add3A_2014] : memref<32x128xf32, #tpu.memory_space<vmem>>[vector<16xi32>, vector<16xi32>], vector<16xf32>,
      %mul3A_2032 = arith.mulf %gather3A_2025, %gather3A_2031 : vector<16xf32>
      %add3A_2033 = arith.addf %broadcast_in_dim3A_2016, %mul3A_2032 : vector<16xf32>
      %add3A_2034 = arith.constant 16 : i32
      %add3A_2035 = vector.broadcast %add3A_2034 : i32 to vector<16xi32>
      %add3A_2036 = arith.addi %iota3A, %add3A_2035 : vector<16xi32>
      %gather3A_2037 = arith.constant 0 : i32
      %gather3A_2038 = arith.constant 0 : i32
      %gather3A_2039 = arith.constant 0 : i32
      %gather3A_2040 = tpu.memref_slice %arg9[%gather3A_2037, %gather3A_2038, %gather3A_2039] : memref<8x32x128xf32, #tpu.memory_space<vmem>> -> memref<1x32x128xf32, #tpu.memory_space<vmem>>
      %gather3A_2041 = tpu.memref_squeeze %gather3A_2040 : memref<1x32x128xf32, #tpu.memory_space<vmem>> -> memref<32x128xf32, #tpu.memory_space<vmem>>
      %gather3A_2042 = tpu.vector_load_idx %gather3A_2041[%add3A_2036, %add3A_2008] : memref<32x128xf32, #tpu.memory_space<vmem>>[vector<16xi32>, vector<16xi32>], vector<16xf32>,
      %gather3A_2043 = arith.constant 0 : i32
      %gather3A_2044 = arith.constant 0 : i32
      %gather3A_2045 = arith.constant 0 : i32
      %gather3A_2046 = tpu.memref_slice %arg10[%gather3A_2043, %gather3A_2044, %gather3A_2045] : memref<8x32x128xf32, #tpu.memory_space<vmem>> -> memref<1x32x128xf32, #tpu.memory_space<vmem>>
      %gather3A_2047 = tpu.memref_squeeze %gather3A_2046 : memref<1x32x128xf32, #tpu.memory_space<vmem>> -> memref<32x128xf32, #tpu.memory_space<vmem>>
      %gather3A_2048 = tpu.vector_load_idx %gather3A_2047[%add3A_2036, %add3A_2014] : memref<32x128xf32, #tpu.memory_space<vmem>>[vector<16xi32>, vector<16xi32>], vector<16xf32>,
      %mul3A_2049 = arith.mulf %gather3A_2042, %gather3A_2048 : vector<16xf32>
      %add3A_2050 = arith.addf %add3A_2033, %mul3A_2049 : vector<16xf32>
      %mul3A_2051 = arith.constant 16 : i32
      %mul3A_2052 = arith.muli %add3A_1968, %mul3A_2051 : i32
      %swap3A_2053 = arith.index_cast %mul3A_2052 : i32 to index
      %swap3A_2054 = tpu.vector_load %arg11[%swap3A_2053] {strides = array<i32>} : memref<8192xf32, #tpu.memory_space<vmem>>, vector<16xf32>,
      tpu.vector_store %arg11[%swap3A_2053], %add3A_2050 {strides = array<i32>} : memref<8192xf32, #tpu.memory_space<vmem>>, vector<16xf32>,
      scf.yield %get3A_602, %get3A_606 : vector<16xi32>, vector<16xi32>
    }
    %scan3A_8 = arith.constant 32 : i32
    %slice3A = vector.extract_strided_slice %scan3A_7#0 {offsets = [9], sizes = [1], strides = [1]} : vector<16xi32> to vector<1xi32>
    %squeeze3A = vector.extract %slice3A[0] : i32 from vector<1xi32>
    %slice3A_9 = vector.extract_strided_slice %scan3A_7#1 {offsets = [9], sizes = [1], strides = [1]} : vector<16xi32> to vector<1xi32>
    %squeeze3A_10 = vector.extract %slice3A_9[0] : i32 from vector<1xi32>
    %dma_wait3A = arith.constant 1 : i32
    %dma_wait3A_11 = arith.constant 0 : i32
    %dma_wait3A_12 = arith.constant 0 : i32
    %dma_wait3A_13 = tpu.memref_slice %arg9[%dma_wait3A, %dma_wait3A_11, %dma_wait3A_12] : memref<8x32x128xf32, #tpu.memory_space<vmem>> -> memref<1x32x128xf32, #tpu.memory_space<vmem>>
    %dma_wait3A_14 = tpu.memref_squeeze %dma_wait3A_13 : memref<1x32x128xf32, #tpu.memory_space<vmem>> -> memref<32x128xf32, #tpu.memory_space<vmem>>
    %dma_wait3A_15 = arith.constant 0 : i32
    %dma_wait3A_16 = arith.constant 0 : i32
    %dma_wait3A_17 = tpu.memref_slice %arg4[%dma_wait3A_15, %dma_wait3A_16] : memref<32x1000000xf32, #tpu.memory_space<hbm>> -> memref<32x128xf32, #tpu.memory_space<hbm>>
    %dma_wait3A_18 = arith.constant 0 : i32
    %dma_wait3A_19 = arith.constant 0 : i32
    %dma_wait3A_20 = tpu.memref_slice %arg9[%dma_wait3A, %dma_wait3A_18, %dma_wait3A_19] : memref<8x32x128xf32, #tpu.memory_space<vmem>> -> memref<1x32x128xf32, #tpu.memory_space<vmem>>
    %dma_wait3A_21 = tpu.memref_squeeze %dma_wait3A_20 : memref<1x32x128xf32, #tpu.memory_space<vmem>> -> memref<32x128xf32, #tpu.memory_space<vmem>>
    %dma_wait3A_22 = arith.constant 0 : i32
    %dma_wait3A_23 = arith.constant 0 : i32
    %dma_wait3A_24 = tpu.memref_slice %arg4[%dma_wait3A_22, %dma_wait3A_23] : memref<32x1000000xf32, #tpu.memory_space<hbm>> -> memref<32x128xf32, #tpu.memory_space<hbm>>
    tpu.wait_dma2 semaphore(%arg13 : memref<!tpu.dma_semaphore, #tpu.memory_space<semaphore_mem>>) src(%dma_wait3A_24 : memref<32x128xf32, #tpu.memory_space<hbm>>) dst(%dma_wait3A_21 : memref<32x128xf32, #tpu.memory_space<vmem>>)
    %dma_wait3A_25 = arith.constant 1 : i32
    %dma_wait3A_26 = arith.constant 0 : i32
    %dma_wait3A_27 = arith.constant 0 : i32
    %dma_wait3A_28 = tpu.memref_slice %arg10[%dma_wait3A_25, %dma_wait3A_26, %dma_wait3A_27] : memref<8x32x128xf32, #tpu.memory_space<vmem>> -> memref<1x32x128xf32, #tpu.memory_space<vmem>>
    %dma_wait3A_29 = tpu.memref_squeeze %dma_wait3A_28 : memref<1x32x128xf32, #tpu.memory_space<vmem>> -> memref<32x128xf32, #tpu.memory_space<vmem>>
    %dma_wait3A_30 = arith.constant 0 : i32
    %dma_wait3A_31 = arith.constant 0 : i32
    %dma_wait3A_32 = tpu.memref_slice %arg5[%dma_wait3A_30, %dma_wait3A_31] : memref<32x1000000xf32, #tpu.memory_space<hbm>> -> memref<32x128xf32, #tpu.memory_space<hbm>>
    %dma_wait3A_33 = arith.constant 0 : i32
    %dma_wait3A_34 = arith.constant 0 : i32
    %dma_wait3A_35 = tpu.memref_slice %arg10[%dma_wait3A_25, %dma_wait3A_33, %dma_wait3A_34] : memref<8x32x128xf32, #tpu.memory_space<vmem>> -> memref<1x32x128xf32, #tpu.memory_space<vmem>>
    %dma_wait3A_36 = tpu.memref_squeeze %dma_wait3A_35 : memref<1x32x128xf32, #tpu.memory_space<vmem>> -> memref<32x128xf32, #tpu.memory_space<vmem>>
    %dma_wait3A_37 = arith.constant 0 : i32
    %dma_wait3A_38 = arith.constant 0 : i32
    %dma_wait3A_39 = tpu.memref_slice %arg5[%dma_wait3A_37, %dma_wait3A_38] : memref<32x1000000xf32, #tpu.memory_space<hbm>> -> memref<32x128xf32, #tpu.memory_space<hbm>>
    tpu.wait_dma2 semaphore(%arg14 : memref<!tpu.dma_semaphore, #tpu.memory_space<semaphore_mem>>) src(%dma_wait3A_39 : memref<32x128xf32, #tpu.memory_space<hbm>>) dst(%dma_wait3A_36 : memref<32x128xf32, #tpu.memory_space<vmem>>)
    %broadcast_in_dim3A_40 = arith.constant 0 : i32
    %broadcast_in_dim3A_41 = vector.broadcast %broadcast_in_dim3A_40 : i32 to vector<16xi32>
    %and3A = arith.constant 127 : i32
    %and3A_42 = arith.andi %squeeze3A, %and3A : i32
    %add3A_43 = vector.broadcast %and3A_42 : i32 to vector<16xi32>
    %add3A_44 = arith.addi %broadcast_in_dim3A_41, %add3A_43 : vector<16xi32>
    %broadcast_in_dim3A_45 = arith.constant 0 : i32
    %broadcast_in_dim3A_46 = vector.broadcast %broadcast_in_dim3A_45 : i32 to vector<16xi32>
    %and3A_47 = arith.constant 127 : i32
    %and3A_48 = arith.andi %squeeze3A_10, %and3A_47 : i32
    %add3A_49 = vector.broadcast %and3A_48 : i32 to vector<16xi32>
    %add3A_50 = arith.addi %broadcast_in_dim3A_46, %add3A_49 : vector<16xi32>
    %broadcast_in_dim3A_51 = arith.constant 0.000000e+00 : f32
    %broadcast_in_dim3A_52 = vector.broadcast %broadcast_in_dim3A_51 : f32 to vector<16xf32>
    %add3A_53 = arith.constant 0 : i32
    %add3A_54 = vector.broadcast %add3A_53 : i32 to vector<16xi32>
    %add3A_55 = arith.addi %iota3A, %add3A_54 : vector<16xi32>
    %gather3A = arith.constant 1 : i32
    %gather3A_56 = arith.constant 0 : i32
    %gather3A_57 = arith.constant 0 : i32
    %gather3A_58 = tpu.memref_slice %arg9[%gather3A, %gather3A_56, %gather3A_57] : memref<8x32x128xf32, #tpu.memory_space<vmem>> -> memref<1x32x128xf32, #tpu.memory_space<vmem>>
    %gather3A_59 = tpu.memref_squeeze %gather3A_58 : memref<1x32x128xf32, #tpu.memory_space<vmem>> -> memref<32x128xf32, #tpu.memory_space<vmem>>
    %gather3A_60 = tpu.vector_load_idx %gather3A_59[%add3A_55, %add3A_44] : memref<32x128xf32, #tpu.memory_space<vmem>>[vector<16xi32>, vector<16xi32>], vector<16xf32>,
    %gather3A_61 = arith.constant 1 : i32
    %gather3A_62 = arith.constant 0 : i32
    %gather3A_63 = arith.constant 0 : i32
    %gather3A_64 = tpu.memref_slice %arg10[%gather3A_61, %gather3A_62, %gather3A_63] : memref<8x32x128xf32, #tpu.memory_space<vmem>> -> memref<1x32x128xf32, #tpu.memory_space<vmem>>
    %gather3A_65 = tpu.memref_squeeze %gather3A_64 : memref<1x32x128xf32, #tpu.memory_space<vmem>> -> memref<32x128xf32, #tpu.memory_space<vmem>>
    %gather3A_66 = tpu.vector_load_idx %gather3A_65[%add3A_55, %add3A_50] : memref<32x128xf32, #tpu.memory_space<vmem>>[vector<16xi32>, vector<16xi32>], vector<16xf32>,
    %mul3A_67 = arith.mulf %gather3A_60, %gather3A_66 : vector<16xf32>
    %add3A_68 = arith.addf %broadcast_in_dim3A_52, %mul3A_67 : vector<16xf32>
    %add3A_69 = arith.constant 16 : i32
    %add3A_70 = vector.broadcast %add3A_69 : i32 to vector<16xi32>
    %add3A_71 = arith.addi %iota3A, %add3A_70 : vector<16xi32>
    %gather3A_72 = arith.constant 1 : i32
    %gather3A_73 = arith.constant 0 : i32
    %gather3A_74 = arith.constant 0 : i32
    %gather3A_75 = tpu.memref_slice %arg9[%gather3A_72, %gather3A_73, %gather3A_74] : memref<8x32x128xf32, #tpu.memory_space<vmem>> -> memref<1x32x128xf32, #tpu.memory_space<vmem>>
    %gather3A_76 = tpu.memref_squeeze %gather3A_75 : memref<1x32x128xf32, #tpu.memory_space<vmem>> -> memref<32x128xf32, #tpu.memory_space<vmem>>
    %gather3A_77 = tpu.vector_load_idx %gather3A_76[%add3A_71, %add3A_44] : memref<32x128xf32, #tpu.memory_space<vmem>>[vector<16xi32>, vector<16xi32>], vector<16xf32>,
    %gather3A_78 = arith.constant 1 : i32
    %gather3A_79 = arith.constant 0 : i32
    %gather3A_80 = arith.constant 0 : i32
    %gather3A_81 = tpu.memref_slice %arg10[%gather3A_78, %gather3A_79, %gather3A_80] : memref<8x32x128xf32, #tpu.memory_space<vmem>> -> memref<1x32x128xf32, #tpu.memory_space<vmem>>
    %gather3A_82 = tpu.memref_squeeze %gather3A_81 : memref<1x32x128xf32, #tpu.memory_space<vmem>> -> memref<32x128xf32, #tpu.memory_space<vmem>>
    %gather3A_83 = tpu.vector_load_idx %gather3A_82[%add3A_71, %add3A_50] : memref<32x128xf32, #tpu.memory_space<vmem>>[vector<16xi32>, vector<16xi32>], vector<16xf32>,
    %mul3A_84 = arith.mulf %gather3A_77, %gather3A_83 : vector<16xf32>
    %add3A_85 = arith.addf %add3A_68, %mul3A_84 : vector<16xf32>
    %swap3A = arith.constant 8080 : index
    %swap3A_86 = tpu.vector_load %arg11[%swap3A] {strides = array<i32>} : memref<8192xf32, #tpu.memory_space<vmem>>, vector<16xf32>,
    tpu.vector_store %arg11[%swap3A], %add3A_85 {strides = array<i32>} : memref<8192xf32, #tpu.memory_space<vmem>>, vector<16xf32>,
    %slice3A_87 = vector.extract_strided_slice %scan3A_7#0 {offsets = [10], sizes = [1], strides = [1]} : vector<16xi32> to vector<1xi32>
    %squeeze3A_88 = vector.extract %slice3A_87[0] : i32 from vector<1xi32>
    %slice3A_89 = vector.extract_strided_slice %scan3A_7#1 {offsets = [10], sizes = [1], strides = [1]} : vector<16xi32> to vector<1xi32>
    %squeeze3A_90 = vector.extract %slice3A_89[0] : i32 from vector<1xi32>
    %dma_wait3A_91 = arith.constant 2 : i32
    %dma_wait3A_92 = arith.constant 0 : i32
    %dma_wait3A_93 = arith.constant 0 : i32
    %dma_wait3A_94 = tpu.memref_slice %arg9[%dma_wait3A_91, %dma_wait3A_92, %dma_wait3A_93] : memref<8x32x128xf32, #tpu.memory_space<vmem>> -> memref<1x32x128xf32, #tpu.memory_space<vmem>>
    %dma_wait3A_95 = tpu.memref_squeeze %dma_wait3A_94 : memref<1x32x128xf32, #tpu.memory_space<vmem>> -> memref<32x128xf32, #tpu.memory_space<vmem>>
    %dma_wait3A_96 = arith.constant 0 : i32
    %dma_wait3A_97 = arith.constant 0 : i32
    %dma_wait3A_98 = tpu.memref_slice %arg4[%dma_wait3A_96, %dma_wait3A_97] : memref<32x1000000xf32, #tpu.memory_space<hbm>> -> memref<32x128xf32, #tpu.memory_space<hbm>>
    %dma_wait3A_99 = arith.constant 0 : i32
    %dma_wait3A_100 = arith.constant 0 : i32
    %dma_wait3A_101 = tpu.memref_slice %arg9[%dma_wait3A_91, %dma_wait3A_99, %dma_wait3A_100] : memref<8x32x128xf32, #tpu.memory_space<vmem>> -> memref<1x32x128xf32, #tpu.memory_space<vmem>>
    %dma_wait3A_102 = tpu.memref_squeeze %dma_wait3A_101 : memref<1x32x128xf32, #tpu.memory_space<vmem>> -> memref<32x128xf32, #tpu.memory_space<vmem>>
    %dma_wait3A_103 = arith.constant 0 : i32
    %dma_wait3A_104 = arith.constant 0 : i32
    %dma_wait3A_105 = tpu.memref_slice %arg4[%dma_wait3A_103, %dma_wait3A_104] : memref<32x1000000xf32, #tpu.memory_space<hbm>> -> memref<32x128xf32, #tpu.memory_space<hbm>>
    tpu.wait_dma2 semaphore(%arg13 : memref<!tpu.dma_semaphore, #tpu.memory_space<semaphore_mem>>) src(%dma_wait3A_105 : memref<32x128xf32, #tpu.memory_space<hbm>>) dst(%dma_wait3A_102 : memref<32x128xf32, #tpu.memory_space<vmem>>)
    %dma_wait3A_106 = arith.constant 2 : i32
    %dma_wait3A_107 = arith.constant 0 : i32
    %dma_wait3A_108 = arith.constant 0 : i32
    %dma_wait3A_109 = tpu.memref_slice %arg10[%dma_wait3A_106, %dma_wait3A_107, %dma_wait3A_108] : memref<8x32x128xf32, #tpu.memory_space<vmem>> -> memref<1x32x128xf32, #tpu.memory_space<vmem>>
    %dma_wait3A_110 = tpu.memref_squeeze %dma_wait3A_109 : memref<1x32x128xf32, #tpu.memory_space<vmem>> -> memref<32x128xf32, #tpu.memory_space<vmem>>
    %dma_wait3A_111 = arith.constant 0 : i32
    %dma_wait3A_112 = arith.constant 0 : i32
    %dma_wait3A_113 = tpu.memref_slice %arg5[%dma_wait3A_111, %dma_wait3A_112] : memref<32x1000000xf32, #tpu.memory_space<hbm>> -> memref<32x128xf32, #tpu.memory_space<hbm>>
    %dma_wait3A_114 = arith.constant 0 : i32
    %dma_wait3A_115 = arith.constant 0 : i32
    %dma_wait3A_116 = tpu.memref_slice %arg10[%dma_wait3A_106, %dma_wait3A_114, %dma_wait3A_115] : memref<8x32x128xf32, #tpu.memory_space<vmem>> -> memref<1x32x128xf32, #tpu.memory_space<vmem>>
    %dma_wait3A_117 = tpu.memref_squeeze %dma_wait3A_116 : memref<1x32x128xf32, #tpu.memory_space<vmem>> -> memref<32x128xf32, #tpu.memory_space<vmem>>
    %dma_wait3A_118 = arith.constant 0 : i32
    %dma_wait3A_119 = arith.constant 0 : i32
    %dma_wait3A_120 = tpu.memref_slice %arg5[%dma_wait3A_118, %dma_wait3A_119] : memref<32x1000000xf32, #tpu.memory_space<hbm>> -> memref<32x128xf32, #tpu.memory_space<hbm>>
    tpu.wait_dma2 semaphore(%arg14 : memref<!tpu.dma_semaphore, #tpu.memory_space<semaphore_mem>>) src(%dma_wait3A_120 : memref<32x128xf32, #tpu.memory_space<hbm>>) dst(%dma_wait3A_117 : memref<32x128xf32, #tpu.memory_space<vmem>>)
    %broadcast_in_dim3A_121 = arith.constant 0 : i32
    %broadcast_in_dim3A_122 = vector.broadcast %broadcast_in_dim3A_121 : i32 to vector<16xi32>
    %and3A_123 = arith.constant 127 : i32
    %and3A_124 = arith.andi %squeeze3A_88, %and3A_123 : i32
    %add3A_125 = vector.broadcast %and3A_124 : i32 to vector<16xi32>
    %add3A_126 = arith.addi %broadcast_in_dim3A_122, %add3A_125 : vector<16xi32>
    %broadcast_in_dim3A_127 = arith.constant 0 : i32
    %broadcast_in_dim3A_128 = vector.broadcast %broadcast_in_dim3A_127 : i32 to vector<16xi32>
    %and3A_129 = arith.constant 127 : i32
    %and3A_130 = arith.andi %squeeze3A_90, %and3A_129 : i32
    %add3A_131 = vector.broadcast %and3A_130 : i32 to vector<16xi32>
    %add3A_132 = arith.addi %broadcast_in_dim3A_128, %add3A_131 : vector<16xi32>
    %broadcast_in_dim3A_133 = arith.constant 0.000000e+00 : f32
    %broadcast_in_dim3A_134 = vector.broadcast %broadcast_in_dim3A_133 : f32 to vector<16xf32>
    %add3A_135 = arith.constant 0 : i32
    %add3A_136 = vector.broadcast %add3A_135 : i32 to vector<16xi32>
    %add3A_137 = arith.addi %iota3A, %add3A_136 : vector<16xi32>
    %gather3A_138 = arith.constant 2 : i32
    %gather3A_139 = arith.constant 0 : i32
    %gather3A_140 = arith.constant 0 : i32
    %gather3A_141 = tpu.memref_slice %arg9[%gather3A_138, %gather3A_139, %gather3A_140] : memref<8x32x128xf32, #tpu.memory_space<vmem>> -> memref<1x32x128xf32, #tpu.memory_space<vmem>>
    %gather3A_142 = tpu.memref_squeeze %gather3A_141 : memref<1x32x128xf32, #tpu.memory_space<vmem>> -> memref<32x128xf32, #tpu.memory_space<vmem>>
    %gather3A_143 = tpu.vector_load_idx %gather3A_142[%add3A_137, %add3A_126] : memref<32x128xf32, #tpu.memory_space<vmem>>[vector<16xi32>, vector<16xi32>], vector<16xf32>,
    %gather3A_144 = arith.constant 2 : i32
    %gather3A_145 = arith.constant 0 : i32
    %gather3A_146 = arith.constant 0 : i32
    %gather3A_147 = tpu.memref_slice %arg10[%gather3A_144, %gather3A_145, %gather3A_146] : memref<8x32x128xf32, #tpu.memory_space<vmem>> -> memref<1x32x128xf32, #tpu.memory_space<vmem>>
    %gather3A_148 = tpu.memref_squeeze %gather3A_147 : memref<1x32x128xf32, #tpu.memory_space<vmem>> -> memref<32x128xf32, #tpu.memory_space<vmem>>
    %gather3A_149 = tpu.vector_load_idx %gather3A_148[%add3A_137, %add3A_132] : memref<32x128xf32, #tpu.memory_space<vmem>>[vector<16xi32>, vector<16xi32>], vector<16xf32>,
    %mul3A_150 = arith.mulf %gather3A_143, %gather3A_149 : vector<16xf32>
    %add3A_151 = arith.addf %broadcast_in_dim3A_134, %mul3A_150 : vector<16xf32>
    %add3A_152 = arith.constant 16 : i32
    %add3A_153 = vector.broadcast %add3A_152 : i32 to vector<16xi32>
    %add3A_154 = arith.addi %iota3A, %add3A_153 : vector<16xi32>
    %gather3A_155 = arith.constant 2 : i32
    %gather3A_156 = arith.constant 0 : i32
    %gather3A_157 = arith.constant 0 : i32
    %gather3A_158 = tpu.memref_slice %arg9[%gather3A_155, %gather3A_156, %gather3A_157] : memref<8x32x128xf32, #tpu.memory_space<vmem>> -> memref<1x32x128xf32, #tpu.memory_space<vmem>>
    %gather3A_159 = tpu.memref_squeeze %gather3A_158 : memref<1x32x128xf32, #tpu.memory_space<vmem>> -> memref<32x128xf32, #tpu.memory_space<vmem>>
    %gather3A_160 = tpu.vector_load_idx %gather3A_159[%add3A_154, %add3A_126] : memref<32x128xf32, #tpu.memory_space<vmem>>[vector<16xi32>, vector<16xi32>], vector<16xf32>,
    %gather3A_161 = arith.constant 2 : i32
    %gather3A_162 = arith.constant 0 : i32
    %gather3A_163 = arith.constant 0 : i32
    %gather3A_164 = tpu.memref_slice %arg10[%gather3A_161, %gather3A_162, %gather3A_163] : memref<8x32x128xf32, #tpu.memory_space<vmem>> -> memref<1x32x128xf32, #tpu.memory_space<vmem>>
    %gather3A_165 = tpu.memref_squeeze %gather3A_164 : memref<1x32x128xf32, #tpu.memory_space<vmem>> -> memref<32x128xf32, #tpu.memory_space<vmem>>
    %gather3A_166 = tpu.vector_load_idx %gather3A_165[%add3A_154, %add3A_132] : memref<32x128xf32, #tpu.memory_space<vmem>>[vector<16xi32>, vector<16xi32>], vector<16xf32>,
    %mul3A_167 = arith.mulf %gather3A_160, %gather3A_166 : vector<16xf32>
    %add3A_168 = arith.addf %add3A_151, %mul3A_167 : vector<16xf32>
    %swap3A_169 = arith.constant 8096 : index
    %swap3A_170 = tpu.vector_load %arg11[%swap3A_169] {strides = array<i32>} : memref<8192xf32, #tpu.memory_space<vmem>>, vector<16xf32>,
    tpu.vector_store %arg11[%swap3A_169], %add3A_168 {strides = array<i32>} : memref<8192xf32, #tpu.memory_space<vmem>>, vector<16xf32>,
    %slice3A_171 = vector.extract_strided_slice %scan3A_7#0 {offsets = [11], sizes = [1], strides = [1]} : vector<16xi32> to vector<1xi32>
    %squeeze3A_172 = vector.extract %slice3A_171[0] : i32 from vector<1xi32>
    %slice3A_173 = vector.extract_strided_slice %scan3A_7#1 {offsets = [11], sizes = [1], strides = [1]} : vector<16xi32> to vector<1xi32>
    %squeeze3A_174 = vector.extract %slice3A_173[0] : i32 from vector<1xi32>
    %dma_wait3A_175 = arith.constant 3 : i32
    %dma_wait3A_176 = arith.constant 0 : i32
    %dma_wait3A_177 = arith.constant 0 : i32
    %dma_wait3A_178 = tpu.memref_slice %arg9[%dma_wait3A_175, %dma_wait3A_176, %dma_wait3A_177] : memref<8x32x128xf32, #tpu.memory_space<vmem>> -> memref<1x32x128xf32, #tpu.memory_space<vmem>>
    %dma_wait3A_179 = tpu.memref_squeeze %dma_wait3A_178 : memref<1x32x128xf32, #tpu.memory_space<vmem>> -> memref<32x128xf32, #tpu.memory_space<vmem>>
    %dma_wait3A_180 = arith.constant 0 : i32
    %dma_wait3A_181 = arith.constant 0 : i32
    %dma_wait3A_182 = tpu.memref_slice %arg4[%dma_wait3A_180, %dma_wait3A_181] : memref<32x1000000xf32, #tpu.memory_space<hbm>> -> memref<32x128xf32, #tpu.memory_space<hbm>>
    %dma_wait3A_183 = arith.constant 0 : i32
    %dma_wait3A_184 = arith.constant 0 : i32
    %dma_wait3A_185 = tpu.memref_slice %arg9[%dma_wait3A_175, %dma_wait3A_183, %dma_wait3A_184] : memref<8x32x128xf32, #tpu.memory_space<vmem>> -> memref<1x32x128xf32, #tpu.memory_space<vmem>>
    %dma_wait3A_186 = tpu.memref_squeeze %dma_wait3A_185 : memref<1x32x128xf32, #tpu.memory_space<vmem>> -> memref<32x128xf32, #tpu.memory_space<vmem>>
    %dma_wait3A_187 = arith.constant 0 : i32
    %dma_wait3A_188 = arith.constant 0 : i32
    %dma_wait3A_189 = tpu.memref_slice %arg4[%dma_wait3A_187, %dma_wait3A_188] : memref<32x1000000xf32, #tpu.memory_space<hbm>> -> memref<32x128xf32, #tpu.memory_space<hbm>>
    tpu.wait_dma2 semaphore(%arg13 : memref<!tpu.dma_semaphore, #tpu.memory_space<semaphore_mem>>) src(%dma_wait3A_189 : memref<32x128xf32, #tpu.memory_space<hbm>>) dst(%dma_wait3A_186 : memref<32x128xf32, #tpu.memory_space<vmem>>)
    %dma_wait3A_190 = arith.constant 3 : i32
    %dma_wait3A_191 = arith.constant 0 : i32
    %dma_wait3A_192 = arith.constant 0 : i32
    %dma_wait3A_193 = tpu.memref_slice %arg10[%dma_wait3A_190, %dma_wait3A_191, %dma_wait3A_192] : memref<8x32x128xf32, #tpu.memory_space<vmem>> -> memref<1x32x128xf32, #tpu.memory_space<vmem>>
    %dma_wait3A_194 = tpu.memref_squeeze %dma_wait3A_193 : memref<1x32x128xf32, #tpu.memory_space<vmem>> -> memref<32x128xf32, #tpu.memory_space<vmem>>
    %dma_wait3A_195 = arith.constant 0 : i32
    %dma_wait3A_196 = arith.constant 0 : i32
    %dma_wait3A_197 = tpu.memref_slice %arg5[%dma_wait3A_195, %dma_wait3A_196] : memref<32x1000000xf32, #tpu.memory_space<hbm>> -> memref<32x128xf32, #tpu.memory_space<hbm>>
    %dma_wait3A_198 = arith.constant 0 : i32
    %dma_wait3A_199 = arith.constant 0 : i32
    %dma_wait3A_200 = tpu.memref_slice %arg10[%dma_wait3A_190, %dma_wait3A_198, %dma_wait3A_199] : memref<8x32x128xf32, #tpu.memory_space<vmem>> -> memref<1x32x128xf32, #tpu.memory_space<vmem>>
    %dma_wait3A_201 = tpu.memref_squeeze %dma_wait3A_200 : memref<1x32x128xf32, #tpu.memory_space<vmem>> -> memref<32x128xf32, #tpu.memory_space<vmem>>
    %dma_wait3A_202 = arith.constant 0 : i32
    %dma_wait3A_203 = arith.constant 0 : i32
    %dma_wait3A_204 = tpu.memref_slice %arg5[%dma_wait3A_202, %dma_wait3A_203] : memref<32x1000000xf32, #tpu.memory_space<hbm>> -> memref<32x128xf32, #tpu.memory_space<hbm>>
    tpu.wait_dma2 semaphore(%arg14 : memref<!tpu.dma_semaphore, #tpu.memory_space<semaphore_mem>>) src(%dma_wait3A_204 : memref<32x128xf32, #tpu.memory_space<hbm>>) dst(%dma_wait3A_201 : memref<32x128xf32, #tpu.memory_space<vmem>>)
    %broadcast_in_dim3A_205 = arith.constant 0 : i32
    %broadcast_in_dim3A_206 = vector.broadcast %broadcast_in_dim3A_205 : i32 to vector<16xi32>
    %and3A_207 = arith.constant 127 : i32
    %and3A_208 = arith.andi %squeeze3A_172, %and3A_207 : i32
    %add3A_209 = vector.broadcast %and3A_208 : i32 to vector<16xi32>
    %add3A_210 = arith.addi %broadcast_in_dim3A_206, %add3A_209 : vector<16xi32>
    %broadcast_in_dim3A_211 = arith.constant 0 : i32
    %broadcast_in_dim3A_212 = vector.broadcast %broadcast_in_dim3A_211 : i32 to vector<16xi32>
    %and3A_213 = arith.constant 127 : i32
    %and3A_214 = arith.andi %squeeze3A_174, %and3A_213 : i32
    %add3A_215 = vector.broadcast %and3A_214 : i32 to vector<16xi32>
    %add3A_216 = arith.addi %broadcast_in_dim3A_212, %add3A_215 : vector<16xi32>
    %broadcast_in_dim3A_217 = arith.constant 0.000000e+00 : f32
    %broadcast_in_dim3A_218 = vector.broadcast %broadcast_in_dim3A_217 : f32 to vector<16xf32>
    %add3A_219 = arith.constant 0 : i32
    %add3A_220 = vector.broadcast %add3A_219 : i32 to vector<16xi32>
    %add3A_221 = arith.addi %iota3A, %add3A_220 : vector<16xi32>
    %gather3A_222 = arith.constant 3 : i32
    %gather3A_223 = arith.constant 0 : i32
    %gather3A_224 = arith.constant 0 : i32
    %gather3A_225 = tpu.memref_slice %arg9[%gather3A_222, %gather3A_223, %gather3A_224] : memref<8x32x128xf32, #tpu.memory_space<vmem>> -> memref<1x32x128xf32, #tpu.memory_space<vmem>>
    %gather3A_226 = tpu.memref_squeeze %gather3A_225 : memref<1x32x128xf32, #tpu.memory_space<vmem>> -> memref<32x128xf32, #tpu.memory_space<vmem>>
    %gather3A_227 = tpu.vector_load_idx %gather3A_226[%add3A_221, %add3A_210] : memref<32x128xf32, #tpu.memory_space<vmem>>[vector<16xi32>, vector<16xi32>], vector<16xf32>,
    %gather3A_228 = arith.constant 3 : i32
    %gather3A_229 = arith.constant 0 : i32
    %gather3A_230 = arith.constant 0 : i32
    %gather3A_231 = tpu.memref_slice %arg10[%gather3A_228, %gather3A_229, %gather3A_230] : memref<8x32x128xf32, #tpu.memory_space<vmem>> -> memref<1x32x128xf32, #tpu.memory_space<vmem>>
    %gather3A_232 = tpu.memref_squeeze %gather3A_231 : memref<1x32x128xf32, #tpu.memory_space<vmem>> -> memref<32x128xf32, #tpu.memory_space<vmem>>
    %gather3A_233 = tpu.vector_load_idx %gather3A_232[%add3A_221, %add3A_216] : memref<32x128xf32, #tpu.memory_space<vmem>>[vector<16xi32>, vector<16xi32>], vector<16xf32>,
    %mul3A_234 = arith.mulf %gather3A_227, %gather3A_233 : vector<16xf32>
    %add3A_235 = arith.addf %broadcast_in_dim3A_218, %mul3A_234 : vector<16xf32>
    %add3A_236 = arith.constant 16 : i32
    %add3A_237 = vector.broadcast %add3A_236 : i32 to vector<16xi32>
    %add3A_238 = arith.addi %iota3A, %add3A_237 : vector<16xi32>
    %gather3A_239 = arith.constant 3 : i32
    %gather3A_240 = arith.constant 0 : i32
    %gather3A_241 = arith.constant 0 : i32
    %gather3A_242 = tpu.memref_slice %arg9[%gather3A_239, %gather3A_240, %gather3A_241] : memref<8x32x128xf32, #tpu.memory_space<vmem>> -> memref<1x32x128xf32, #tpu.memory_space<vmem>>
    %gather3A_243 = tpu.memref_squeeze %gather3A_242 : memref<1x32x128xf32, #tpu.memory_space<vmem>> -> memref<32x128xf32, #tpu.memory_space<vmem>>
    %gather3A_244 = tpu.vector_load_idx %gather3A_243[%add3A_238, %add3A_210] : memref<32x128xf32, #tpu.memory_space<vmem>>[vector<16xi32>, vector<16xi32>], vector<16xf32>,
    %gather3A_245 = arith.constant 3 : i32
    %gather3A_246 = arith.constant 0 : i32
    %gather3A_247 = arith.constant 0 : i32
    %gather3A_248 = tpu.memref_slice %arg10[%gather3A_245, %gather3A_246, %gather3A_247] : memref<8x32x128xf32, #tpu.memory_space<vmem>> -> memref<1x32x128xf32, #tpu.memory_space<vmem>>
    %gather3A_249 = tpu.memref_squeeze %gather3A_248 : memref<1x32x128xf32, #tpu.memory_space<vmem>> -> memref<32x128xf32, #tpu.memory_space<vmem>>
    %gather3A_250 = tpu.vector_load_idx %gather3A_249[%add3A_238, %add3A_216] : memref<32x128xf32, #tpu.memory_space<vmem>>[vector<16xi32>, vector<16xi32>], vector<16xf32>,
    %mul3A_251 = arith.mulf %gather3A_244, %gather3A_250 : vector<16xf32>
    %add3A_252 = arith.addf %add3A_235, %mul3A_251 : vector<16xf32>
    %swap3A_253 = arith.constant 8112 : index
    %swap3A_254 = tpu.vector_load %arg11[%swap3A_253] {strides = array<i32>} : memref<8192xf32, #tpu.memory_space<vmem>>, vector<16xf32>,
    tpu.vector_store %arg11[%swap3A_253], %add3A_252 {strides = array<i32>} : memref<8192xf32, #tpu.memory_space<vmem>>, vector<16xf32>,
    %slice3A_255 = vector.extract_strided_slice %scan3A_7#0 {offsets = [12], sizes = [1], strides = [1]} : vector<16xi32> to vector<1xi32>
    %squeeze3A_256 = vector.extract %slice3A_255[0] : i32 from vector<1xi32>
    %slice3A_257 = vector.extract_strided_slice %scan3A_7#1 {offsets = [12], sizes = [1], strides = [1]} : vector<16xi32> to vector<1xi32>
    %squeeze3A_258 = vector.extract %slice3A_257[0] : i32 from vector<1xi32>
    %dma_wait3A_259 = arith.constant 4 : i32
    %dma_wait3A_260 = arith.constant 0 : i32
    %dma_wait3A_261 = arith.constant 0 : i32
    %dma_wait3A_262 = tpu.memref_slice %arg9[%dma_wait3A_259, %dma_wait3A_260, %dma_wait3A_261] : memref<8x32x128xf32, #tpu.memory_space<vmem>> -> memref<1x32x128xf32, #tpu.memory_space<vmem>>
    %dma_wait3A_263 = tpu.memref_squeeze %dma_wait3A_262 : memref<1x32x128xf32, #tpu.memory_space<vmem>> -> memref<32x128xf32, #tpu.memory_space<vmem>>
    %dma_wait3A_264 = arith.constant 0 : i32
    %dma_wait3A_265 = arith.constant 0 : i32
    %dma_wait3A_266 = tpu.memref_slice %arg4[%dma_wait3A_264, %dma_wait3A_265] : memref<32x1000000xf32, #tpu.memory_space<hbm>> -> memref<32x128xf32, #tpu.memory_space<hbm>>
    %dma_wait3A_267 = arith.constant 0 : i32
    %dma_wait3A_268 = arith.constant 0 : i32
    %dma_wait3A_269 = tpu.memref_slice %arg9[%dma_wait3A_259, %dma_wait3A_267, %dma_wait3A_268] : memref<8x32x128xf32, #tpu.memory_space<vmem>> -> memref<1x32x128xf32, #tpu.memory_space<vmem>>
    %dma_wait3A_270 = tpu.memref_squeeze %dma_wait3A_269 : memref<1x32x128xf32, #tpu.memory_space<vmem>> -> memref<32x128xf32, #tpu.memory_space<vmem>>
    %dma_wait3A_271 = arith.constant 0 : i32
    %dma_wait3A_272 = arith.constant 0 : i32
    %dma_wait3A_273 = tpu.memref_slice %arg4[%dma_wait3A_271, %dma_wait3A_272] : memref<32x1000000xf32, #tpu.memory_space<hbm>> -> memref<32x128xf32, #tpu.memory_space<hbm>>
    tpu.wait_dma2 semaphore(%arg13 : memref<!tpu.dma_semaphore, #tpu.memory_space<semaphore_mem>>) src(%dma_wait3A_273 : memref<32x128xf32, #tpu.memory_space<hbm>>) dst(%dma_wait3A_270 : memref<32x128xf32, #tpu.memory_space<vmem>>)
    %dma_wait3A_274 = arith.constant 4 : i32
    %dma_wait3A_275 = arith.constant 0 : i32
    %dma_wait3A_276 = arith.constant 0 : i32
    %dma_wait3A_277 = tpu.memref_slice %arg10[%dma_wait3A_274, %dma_wait3A_275, %dma_wait3A_276] : memref<8x32x128xf32, #tpu.memory_space<vmem>> -> memref<1x32x128xf32, #tpu.memory_space<vmem>>
    %dma_wait3A_278 = tpu.memref_squeeze %dma_wait3A_277 : memref<1x32x128xf32, #tpu.memory_space<vmem>> -> memref<32x128xf32, #tpu.memory_space<vmem>>
    %dma_wait3A_279 = arith.constant 0 : i32
    %dma_wait3A_280 = arith.constant 0 : i32
    %dma_wait3A_281 = tpu.memref_slice %arg5[%dma_wait3A_279, %dma_wait3A_280] : memref<32x1000000xf32, #tpu.memory_space<hbm>> -> memref<32x128xf32, #tpu.memory_space<hbm>>
    %dma_wait3A_282 = arith.constant 0 : i32
    %dma_wait3A_283 = arith.constant 0 : i32
    %dma_wait3A_284 = tpu.memref_slice %arg10[%dma_wait3A_274, %dma_wait3A_282, %dma_wait3A_283] : memref<8x32x128xf32, #tpu.memory_space<vmem>> -> memref<1x32x128xf32, #tpu.memory_space<vmem>>
    %dma_wait3A_285 = tpu.memref_squeeze %dma_wait3A_284 : memref<1x32x128xf32, #tpu.memory_space<vmem>> -> memref<32x128xf32, #tpu.memory_space<vmem>>
    %dma_wait3A_286 = arith.constant 0 : i32
    %dma_wait3A_287 = arith.constant 0 : i32
    %dma_wait3A_288 = tpu.memref_slice %arg5[%dma_wait3A_286, %dma_wait3A_287] : memref<32x1000000xf32, #tpu.memory_space<hbm>> -> memref<32x128xf32, #tpu.memory_space<hbm>>
    tpu.wait_dma2 semaphore(%arg14 : memref<!tpu.dma_semaphore, #tpu.memory_space<semaphore_mem>>) src(%dma_wait3A_288 : memref<32x128xf32, #tpu.memory_space<hbm>>) dst(%dma_wait3A_285 : memref<32x128xf32, #tpu.memory_space<vmem>>)
    %broadcast_in_dim3A_289 = arith.constant 0 : i32
    %broadcast_in_dim3A_290 = vector.broadcast %broadcast_in_dim3A_289 : i32 to vector<16xi32>
    %and3A_291 = arith.constant 127 : i32
    %and3A_292 = arith.andi %squeeze3A_256, %and3A_291 : i32
    %add3A_293 = vector.broadcast %and3A_292 : i32 to vector<16xi32>
    %add3A_294 = arith.addi %broadcast_in_dim3A_290, %add3A_293 : vector<16xi32>
    %broadcast_in_dim3A_295 = arith.constant 0 : i32
    %broadcast_in_dim3A_296 = vector.broadcast %broadcast_in_dim3A_295 : i32 to vector<16xi32>
    %and3A_297 = arith.constant 127 : i32
    %and3A_298 = arith.andi %squeeze3A_258, %and3A_297 : i32
    %add3A_299 = vector.broadcast %and3A_298 : i32 to vector<16xi32>
    %add3A_300 = arith.addi %broadcast_in_dim3A_296, %add3A_299 : vector<16xi32>
    %broadcast_in_dim3A_301 = arith.constant 0.000000e+00 : f32
    %broadcast_in_dim3A_302 = vector.broadcast %broadcast_in_dim3A_301 : f32 to vector<16xf32>
    %add3A_303 = arith.constant 0 : i32
    %add3A_304 = vector.broadcast %add3A_303 : i32 to vector<16xi32>
    %add3A_305 = arith.addi %iota3A, %add3A_304 : vector<16xi32>
    %gather3A_306 = arith.constant 4 : i32
    %gather3A_307 = arith.constant 0 : i32
    %gather3A_308 = arith.constant 0 : i32
    %gather3A_309 = tpu.memref_slice %arg9[%gather3A_306, %gather3A_307, %gather3A_308] : memref<8x32x128xf32, #tpu.memory_space<vmem>> -> memref<1x32x128xf32, #tpu.memory_space<vmem>>
    %gather3A_310 = tpu.memref_squeeze %gather3A_309 : memref<1x32x128xf32, #tpu.memory_space<vmem>> -> memref<32x128xf32, #tpu.memory_space<vmem>>
    %gather3A_311 = tpu.vector_load_idx %gather3A_310[%add3A_305, %add3A_294] : memref<32x128xf32, #tpu.memory_space<vmem>>[vector<16xi32>, vector<16xi32>], vector<16xf32>,
    %gather3A_312 = arith.constant 4 : i32
    %gather3A_313 = arith.constant 0 : i32
    %gather3A_314 = arith.constant 0 : i32
    %gather3A_315 = tpu.memref_slice %arg10[%gather3A_312, %gather3A_313, %gather3A_314] : memref<8x32x128xf32, #tpu.memory_space<vmem>> -> memref<1x32x128xf32, #tpu.memory_space<vmem>>
    %gather3A_316 = tpu.memref_squeeze %gather3A_315 : memref<1x32x128xf32, #tpu.memory_space<vmem>> -> memref<32x128xf32, #tpu.memory_space<vmem>>
    %gather3A_317 = tpu.vector_load_idx %gather3A_316[%add3A_305, %add3A_300] : memref<32x128xf32, #tpu.memory_space<vmem>>[vector<16xi32>, vector<16xi32>], vector<16xf32>,
    %mul3A_318 = arith.mulf %gather3A_311, %gather3A_317 : vector<16xf32>
    %add3A_319 = arith.addf %broadcast_in_dim3A_302, %mul3A_318 : vector<16xf32>
    %add3A_320 = arith.constant 16 : i32
    %add3A_321 = vector.broadcast %add3A_320 : i32 to vector<16xi32>
    %add3A_322 = arith.addi %iota3A, %add3A_321 : vector<16xi32>
    %gather3A_323 = arith.constant 4 : i32
    %gather3A_324 = arith.constant 0 : i32
    %gather3A_325 = arith.constant 0 : i32
    %gather3A_326 = tpu.memref_slice %arg9[%gather3A_323, %gather3A_324, %gather3A_325] : memref<8x32x128xf32, #tpu.memory_space<vmem>> -> memref<1x32x128xf32, #tpu.memory_space<vmem>>
    %gather3A_327 = tpu.memref_squeeze %gather3A_326 : memref<1x32x128xf32, #tpu.memory_space<vmem>> -> memref<32x128xf32, #tpu.memory_space<vmem>>
    %gather3A_328 = tpu.vector_load_idx %gather3A_327[%add3A_322, %add3A_294] : memref<32x128xf32, #tpu.memory_space<vmem>>[vector<16xi32>, vector<16xi32>], vector<16xf32>,
    %gather3A_329 = arith.constant 4 : i32
    %gather3A_330 = arith.constant 0 : i32
    %gather3A_331 = arith.constant 0 : i32
    %gather3A_332 = tpu.memref_slice %arg10[%gather3A_329, %gather3A_330, %gather3A_331] : memref<8x32x128xf32, #tpu.memory_space<vmem>> -> memref<1x32x128xf32, #tpu.memory_space<vmem>>
    %gather3A_333 = tpu.memref_squeeze %gather3A_332 : memref<1x32x128xf32, #tpu.memory_space<vmem>> -> memref<32x128xf32, #tpu.memory_space<vmem>>
    %gather3A_334 = tpu.vector_load_idx %gather3A_333[%add3A_322, %add3A_300] : memref<32x128xf32, #tpu.memory_space<vmem>>[vector<16xi32>, vector<16xi32>], vector<16xf32>,
    %mul3A_335 = arith.mulf %gather3A_328, %gather3A_334 : vector<16xf32>
    %add3A_336 = arith.addf %add3A_319, %mul3A_335 : vector<16xf32>
    %swap3A_337 = arith.constant 8128 : index
    %swap3A_338 = tpu.vector_load %arg11[%swap3A_337] {strides = array<i32>} : memref<8192xf32, #tpu.memory_space<vmem>>, vector<16xf32>,
    tpu.vector_store %arg11[%swap3A_337], %add3A_336 {strides = array<i32>} : memref<8192xf32, #tpu.memory_space<vmem>>, vector<16xf32>,
    %slice3A_339 = vector.extract_strided_slice %scan3A_7#0 {offsets = [13], sizes = [1], strides = [1]} : vector<16xi32> to vector<1xi32>
    %squeeze3A_340 = vector.extract %slice3A_339[0] : i32 from vector<1xi32>
    %slice3A_341 = vector.extract_strided_slice %scan3A_7#1 {offsets = [13], sizes = [1], strides = [1]} : vector<16xi32> to vector<1xi32>
    %squeeze3A_342 = vector.extract %slice3A_341[0] : i32 from vector<1xi32>
    %dma_wait3A_343 = arith.constant 5 : i32
    %dma_wait3A_344 = arith.constant 0 : i32
    %dma_wait3A_345 = arith.constant 0 : i32
    %dma_wait3A_346 = tpu.memref_slice %arg9[%dma_wait3A_343, %dma_wait3A_344, %dma_wait3A_345] : memref<8x32x128xf32, #tpu.memory_space<vmem>> -> memref<1x32x128xf32, #tpu.memory_space<vmem>>
    %dma_wait3A_347 = tpu.memref_squeeze %dma_wait3A_346 : memref<1x32x128xf32, #tpu.memory_space<vmem>> -> memref<32x128xf32, #tpu.memory_space<vmem>>
    %dma_wait3A_348 = arith.constant 0 : i32
    %dma_wait3A_349 = arith.constant 0 : i32
    %dma_wait3A_350 = tpu.memref_slice %arg4[%dma_wait3A_348, %dma_wait3A_349] : memref<32x1000000xf32, #tpu.memory_space<hbm>> -> memref<32x128xf32, #tpu.memory_space<hbm>>
    %dma_wait3A_351 = arith.constant 0 : i32
    %dma_wait3A_352 = arith.constant 0 : i32
    %dma_wait3A_353 = tpu.memref_slice %arg9[%dma_wait3A_343, %dma_wait3A_351, %dma_wait3A_352] : memref<8x32x128xf32, #tpu.memory_space<vmem>> -> memref<1x32x128xf32, #tpu.memory_space<vmem>>
    %dma_wait3A_354 = tpu.memref_squeeze %dma_wait3A_353 : memref<1x32x128xf32, #tpu.memory_space<vmem>> -> memref<32x128xf32, #tpu.memory_space<vmem>>
    %dma_wait3A_355 = arith.constant 0 : i32
    %dma_wait3A_356 = arith.constant 0 : i32
    %dma_wait3A_357 = tpu.memref_slice %arg4[%dma_wait3A_355, %dma_wait3A_356] : memref<32x1000000xf32, #tpu.memory_space<hbm>> -> memref<32x128xf32, #tpu.memory_space<hbm>>
    tpu.wait_dma2 semaphore(%arg13 : memref<!tpu.dma_semaphore, #tpu.memory_space<semaphore_mem>>) src(%dma_wait3A_357 : memref<32x128xf32, #tpu.memory_space<hbm>>) dst(%dma_wait3A_354 : memref<32x128xf32, #tpu.memory_space<vmem>>)
    %dma_wait3A_358 = arith.constant 5 : i32
    %dma_wait3A_359 = arith.constant 0 : i32
    %dma_wait3A_360 = arith.constant 0 : i32
    %dma_wait3A_361 = tpu.memref_slice %arg10[%dma_wait3A_358, %dma_wait3A_359, %dma_wait3A_360] : memref<8x32x128xf32, #tpu.memory_space<vmem>> -> memref<1x32x128xf32, #tpu.memory_space<vmem>>
    %dma_wait3A_362 = tpu.memref_squeeze %dma_wait3A_361 : memref<1x32x128xf32, #tpu.memory_space<vmem>> -> memref<32x128xf32, #tpu.memory_space<vmem>>
    %dma_wait3A_363 = arith.constant 0 : i32
    %dma_wait3A_364 = arith.constant 0 : i32
    %dma_wait3A_365 = tpu.memref_slice %arg5[%dma_wait3A_363, %dma_wait3A_364] : memref<32x1000000xf32, #tpu.memory_space<hbm>> -> memref<32x128xf32, #tpu.memory_space<hbm>>
    %dma_wait3A_366 = arith.constant 0 : i32
    %dma_wait3A_367 = arith.constant 0 : i32
    %dma_wait3A_368 = tpu.memref_slice %arg10[%dma_wait3A_358, %dma_wait3A_366, %dma_wait3A_367] : memref<8x32x128xf32, #tpu.memory_space<vmem>> -> memref<1x32x128xf32, #tpu.memory_space<vmem>>
    %dma_wait3A_369 = tpu.memref_squeeze %dma_wait3A_368 : memref<1x32x128xf32, #tpu.memory_space<vmem>> -> memref<32x128xf32, #tpu.memory_space<vmem>>
    %dma_wait3A_370 = arith.constant 0 : i32
    %dma_wait3A_371 = arith.constant 0 : i32
    %dma_wait3A_372 = tpu.memref_slice %arg5[%dma_wait3A_370, %dma_wait3A_371] : memref<32x1000000xf32, #tpu.memory_space<hbm>> -> memref<32x128xf32, #tpu.memory_space<hbm>>
    tpu.wait_dma2 semaphore(%arg14 : memref<!tpu.dma_semaphore, #tpu.memory_space<semaphore_mem>>) src(%dma_wait3A_372 : memref<32x128xf32, #tpu.memory_space<hbm>>) dst(%dma_wait3A_369 : memref<32x128xf32, #tpu.memory_space<vmem>>)
    %broadcast_in_dim3A_373 = arith.constant 0 : i32
    %broadcast_in_dim3A_374 = vector.broadcast %broadcast_in_dim3A_373 : i32 to vector<16xi32>
    %and3A_375 = arith.constant 127 : i32
    %and3A_376 = arith.andi %squeeze3A_340, %and3A_375 : i32
    %add3A_377 = vector.broadcast %and3A_376 : i32 to vector<16xi32>
    %add3A_378 = arith.addi %broadcast_in_dim3A_374, %add3A_377 : vector<16xi32>
    %broadcast_in_dim3A_379 = arith.constant 0 : i32
    %broadcast_in_dim3A_380 = vector.broadcast %broadcast_in_dim3A_379 : i32 to vector<16xi32>
    %and3A_381 = arith.constant 127 : i32
    %and3A_382 = arith.andi %squeeze3A_342, %and3A_381 : i32
    %add3A_383 = vector.broadcast %and3A_382 : i32 to vector<16xi32>
    %add3A_384 = arith.addi %broadcast_in_dim3A_380, %add3A_383 : vector<16xi32>
    %broadcast_in_dim3A_385 = arith.constant 0.000000e+00 : f32
    %broadcast_in_dim3A_386 = vector.broadcast %broadcast_in_dim3A_385 : f32 to vector<16xf32>
    %add3A_387 = arith.constant 0 : i32
    %add3A_388 = vector.broadcast %add3A_387 : i32 to vector<16xi32>
    %add3A_389 = arith.addi %iota3A, %add3A_388 : vector<16xi32>
    %gather3A_390 = arith.constant 5 : i32
    %gather3A_391 = arith.constant 0 : i32
    %gather3A_392 = arith.constant 0 : i32
    %gather3A_393 = tpu.memref_slice %arg9[%gather3A_390, %gather3A_391, %gather3A_392] : memref<8x32x128xf32, #tpu.memory_space<vmem>> -> memref<1x32x128xf32, #tpu.memory_space<vmem>>
    %gather3A_394 = tpu.memref_squeeze %gather3A_393 : memref<1x32x128xf32, #tpu.memory_space<vmem>> -> memref<32x128xf32, #tpu.memory_space<vmem>>
    %gather3A_395 = tpu.vector_load_idx %gather3A_394[%add3A_389, %add3A_378] : memref<32x128xf32, #tpu.memory_space<vmem>>[vector<16xi32>, vector<16xi32>], vector<16xf32>,
    %gather3A_396 = arith.constant 5 : i32
    %gather3A_397 = arith.constant 0 : i32
    %gather3A_398 = arith.constant 0 : i32
    %gather3A_399 = tpu.memref_slice %arg10[%gather3A_396, %gather3A_397, %gather3A_398] : memref<8x32x128xf32, #tpu.memory_space<vmem>> -> memref<1x32x128xf32, #tpu.memory_space<vmem>>
    %gather3A_400 = tpu.memref_squeeze %gather3A_399 : memref<1x32x128xf32, #tpu.memory_space<vmem>> -> memref<32x128xf32, #tpu.memory_space<vmem>>
    %gather3A_401 = tpu.vector_load_idx %gather3A_400[%add3A_389, %add3A_384] : memref<32x128xf32, #tpu.memory_space<vmem>>[vector<16xi32>, vector<16xi32>], vector<16xf32>,
    %mul3A_402 = arith.mulf %gather3A_395, %gather3A_401 : vector<16xf32>
    %add3A_403 = arith.addf %broadcast_in_dim3A_386, %mul3A_402 : vector<16xf32>
    %add3A_404 = arith.constant 16 : i32
    %add3A_405 = vector.broadcast %add3A_404 : i32 to vector<16xi32>
    %add3A_406 = arith.addi %iota3A, %add3A_405 : vector<16xi32>
    %gather3A_407 = arith.constant 5 : i32
    %gather3A_408 = arith.constant 0 : i32
    %gather3A_409 = arith.constant 0 : i32
    %gather3A_410 = tpu.memref_slice %arg9[%gather3A_407, %gather3A_408, %gather3A_409] : memref<8x32x128xf32, #tpu.memory_space<vmem>> -> memref<1x32x128xf32, #tpu.memory_space<vmem>>
    %gather3A_411 = tpu.memref_squeeze %gather3A_410 : memref<1x32x128xf32, #tpu.memory_space<vmem>> -> memref<32x128xf32, #tpu.memory_space<vmem>>
    %gather3A_412 = tpu.vector_load_idx %gather3A_411[%add3A_406, %add3A_378] : memref<32x128xf32, #tpu.memory_space<vmem>>[vector<16xi32>, vector<16xi32>], vector<16xf32>,
    %gather3A_413 = arith.constant 5 : i32
    %gather3A_414 = arith.constant 0 : i32
    %gather3A_415 = arith.constant 0 : i32
    %gather3A_416 = tpu.memref_slice %arg10[%gather3A_413, %gather3A_414, %gather3A_415] : memref<8x32x128xf32, #tpu.memory_space<vmem>> -> memref<1x32x128xf32, #tpu.memory_space<vmem>>
    %gather3A_417 = tpu.memref_squeeze %gather3A_416 : memref<1x32x128xf32, #tpu.memory_space<vmem>> -> memref<32x128xf32, #tpu.memory_space<vmem>>
    %gather3A_418 = tpu.vector_load_idx %gather3A_417[%add3A_406, %add3A_384] : memref<32x128xf32, #tpu.memory_space<vmem>>[vector<16xi32>, vector<16xi32>], vector<16xf32>,
    %mul3A_419 = arith.mulf %gather3A_412, %gather3A_418 : vector<16xf32>
    %add3A_420 = arith.addf %add3A_403, %mul3A_419 : vector<16xf32>
    %swap3A_421 = arith.constant 8144 : index
    %swap3A_422 = tpu.vector_load %arg11[%swap3A_421] {strides = array<i32>} : memref<8192xf32, #tpu.memory_space<vmem>>, vector<16xf32>,
    tpu.vector_store %arg11[%swap3A_421], %add3A_420 {strides = array<i32>} : memref<8192xf32, #tpu.memory_space<vmem>>, vector<16xf32>,
    %slice3A_423 = vector.extract_strided_slice %scan3A_7#0 {offsets = [14], sizes = [1], strides = [1]} : vector<16xi32> to vector<1xi32>
    %squeeze3A_424 = vector.extract %slice3A_423[0] : i32 from vector<1xi32>
    %slice3A_425 = vector.extract_strided_slice %scan3A_7#1 {offsets = [14], sizes = [1], strides = [1]} : vector<16xi32> to vector<1xi32>
    %squeeze3A_426 = vector.extract %slice3A_425[0] : i32 from vector<1xi32>
    %dma_wait3A_427 = arith.constant 6 : i32
    %dma_wait3A_428 = arith.constant 0 : i32
    %dma_wait3A_429 = arith.constant 0 : i32
    %dma_wait3A_430 = tpu.memref_slice %arg9[%dma_wait3A_427, %dma_wait3A_428, %dma_wait3A_429] : memref<8x32x128xf32, #tpu.memory_space<vmem>> -> memref<1x32x128xf32, #tpu.memory_space<vmem>>
    %dma_wait3A_431 = tpu.memref_squeeze %dma_wait3A_430 : memref<1x32x128xf32, #tpu.memory_space<vmem>> -> memref<32x128xf32, #tpu.memory_space<vmem>>
    %dma_wait3A_432 = arith.constant 0 : i32
    %dma_wait3A_433 = arith.constant 0 : i32
    %dma_wait3A_434 = tpu.memref_slice %arg4[%dma_wait3A_432, %dma_wait3A_433] : memref<32x1000000xf32, #tpu.memory_space<hbm>> -> memref<32x128xf32, #tpu.memory_space<hbm>>
    %dma_wait3A_435 = arith.constant 0 : i32
    %dma_wait3A_436 = arith.constant 0 : i32
    %dma_wait3A_437 = tpu.memref_slice %arg9[%dma_wait3A_427, %dma_wait3A_435, %dma_wait3A_436] : memref<8x32x128xf32, #tpu.memory_space<vmem>> -> memref<1x32x128xf32, #tpu.memory_space<vmem>>
    %dma_wait3A_438 = tpu.memref_squeeze %dma_wait3A_437 : memref<1x32x128xf32, #tpu.memory_space<vmem>> -> memref<32x128xf32, #tpu.memory_space<vmem>>
    %dma_wait3A_439 = arith.constant 0 : i32
    %dma_wait3A_440 = arith.constant 0 : i32
    %dma_wait3A_441 = tpu.memref_slice %arg4[%dma_wait3A_439, %dma_wait3A_440] : memref<32x1000000xf32, #tpu.memory_space<hbm>> -> memref<32x128xf32, #tpu.memory_space<hbm>>
    tpu.wait_dma2 semaphore(%arg13 : memref<!tpu.dma_semaphore, #tpu.memory_space<semaphore_mem>>) src(%dma_wait3A_441 : memref<32x128xf32, #tpu.memory_space<hbm>>) dst(%dma_wait3A_438 : memref<32x128xf32, #tpu.memory_space<vmem>>)
    %dma_wait3A_442 = arith.constant 6 : i32
    %dma_wait3A_443 = arith.constant 0 : i32
    %dma_wait3A_444 = arith.constant 0 : i32
    %dma_wait3A_445 = tpu.memref_slice %arg10[%dma_wait3A_442, %dma_wait3A_443, %dma_wait3A_444] : memref<8x32x128xf32, #tpu.memory_space<vmem>> -> memref<1x32x128xf32, #tpu.memory_space<vmem>>
    %dma_wait3A_446 = tpu.memref_squeeze %dma_wait3A_445 : memref<1x32x128xf32, #tpu.memory_space<vmem>> -> memref<32x128xf32, #tpu.memory_space<vmem>>
    %dma_wait3A_447 = arith.constant 0 : i32
    %dma_wait3A_448 = arith.constant 0 : i32
    %dma_wait3A_449 = tpu.memref_slice %arg5[%dma_wait3A_447, %dma_wait3A_448] : memref<32x1000000xf32, #tpu.memory_space<hbm>> -> memref<32x128xf32, #tpu.memory_space<hbm>>
    %dma_wait3A_450 = arith.constant 0 : i32
    %dma_wait3A_451 = arith.constant 0 : i32
    %dma_wait3A_452 = tpu.memref_slice %arg10[%dma_wait3A_442, %dma_wait3A_450, %dma_wait3A_451] : memref<8x32x128xf32, #tpu.memory_space<vmem>> -> memref<1x32x128xf32, #tpu.memory_space<vmem>>
    %dma_wait3A_453 = tpu.memref_squeeze %dma_wait3A_452 : memref<1x32x128xf32, #tpu.memory_space<vmem>> -> memref<32x128xf32, #tpu.memory_space<vmem>>
    %dma_wait3A_454 = arith.constant 0 : i32
    %dma_wait3A_455 = arith.constant 0 : i32
    %dma_wait3A_456 = tpu.memref_slice %arg5[%dma_wait3A_454, %dma_wait3A_455] : memref<32x1000000xf32, #tpu.memory_space<hbm>> -> memref<32x128xf32, #tpu.memory_space<hbm>>
    tpu.wait_dma2 semaphore(%arg14 : memref<!tpu.dma_semaphore, #tpu.memory_space<semaphore_mem>>) src(%dma_wait3A_456 : memref<32x128xf32, #tpu.memory_space<hbm>>) dst(%dma_wait3A_453 : memref<32x128xf32, #tpu.memory_space<vmem>>)
    %broadcast_in_dim3A_457 = arith.constant 0 : i32
    %broadcast_in_dim3A_458 = vector.broadcast %broadcast_in_dim3A_457 : i32 to vector<16xi32>
    %and3A_459 = arith.constant 127 : i32
    %and3A_460 = arith.andi %squeeze3A_424, %and3A_459 : i32
    %add3A_461 = vector.broadcast %and3A_460 : i32 to vector<16xi32>
    %add3A_462 = arith.addi %broadcast_in_dim3A_458, %add3A_461 : vector<16xi32>
    %broadcast_in_dim3A_463 = arith.constant 0 : i32
    %broadcast_in_dim3A_464 = vector.broadcast %broadcast_in_dim3A_463 : i32 to vector<16xi32>
    %and3A_465 = arith.constant 127 : i32
    %and3A_466 = arith.andi %squeeze3A_426, %and3A_465 : i32
    %add3A_467 = vector.broadcast %and3A_466 : i32 to vector<16xi32>
    %add3A_468 = arith.addi %broadcast_in_dim3A_464, %add3A_467 : vector<16xi32>
    %broadcast_in_dim3A_469 = arith.constant 0.000000e+00 : f32
    %broadcast_in_dim3A_470 = vector.broadcast %broadcast_in_dim3A_469 : f32 to vector<16xf32>
    %add3A_471 = arith.constant 0 : i32
    %add3A_472 = vector.broadcast %add3A_471 : i32 to vector<16xi32>
    %add3A_473 = arith.addi %iota3A, %add3A_472 : vector<16xi32>
    %gather3A_474 = arith.constant 6 : i32
    %gather3A_475 = arith.constant 0 : i32
    %gather3A_476 = arith.constant 0 : i32
    %gather3A_477 = tpu.memref_slice %arg9[%gather3A_474, %gather3A_475, %gather3A_476] : memref<8x32x128xf32, #tpu.memory_space<vmem>> -> memref<1x32x128xf32, #tpu.memory_space<vmem>>
    %gather3A_478 = tpu.memref_squeeze %gather3A_477 : memref<1x32x128xf32, #tpu.memory_space<vmem>> -> memref<32x128xf32, #tpu.memory_space<vmem>>
    %gather3A_479 = tpu.vector_load_idx %gather3A_478[%add3A_473, %add3A_462] : memref<32x128xf32, #tpu.memory_space<vmem>>[vector<16xi32>, vector<16xi32>], vector<16xf32>,
    %gather3A_480 = arith.constant 6 : i32
    %gather3A_481 = arith.constant 0 : i32
    %gather3A_482 = arith.constant 0 : i32
    %gather3A_483 = tpu.memref_slice %arg10[%gather3A_480, %gather3A_481, %gather3A_482] : memref<8x32x128xf32, #tpu.memory_space<vmem>> -> memref<1x32x128xf32, #tpu.memory_space<vmem>>
    %gather3A_484 = tpu.memref_squeeze %gather3A_483 : memref<1x32x128xf32, #tpu.memory_space<vmem>> -> memref<32x128xf32, #tpu.memory_space<vmem>>
    %gather3A_485 = tpu.vector_load_idx %gather3A_484[%add3A_473, %add3A_468] : memref<32x128xf32, #tpu.memory_space<vmem>>[vector<16xi32>, vector<16xi32>], vector<16xf32>,
    %mul3A_486 = arith.mulf %gather3A_479, %gather3A_485 : vector<16xf32>
    %add3A_487 = arith.addf %broadcast_in_dim3A_470, %mul3A_486 : vector<16xf32>
    %add3A_488 = arith.constant 16 : i32
    %add3A_489 = vector.broadcast %add3A_488 : i32 to vector<16xi32>
    %add3A_490 = arith.addi %iota3A, %add3A_489 : vector<16xi32>
    %gather3A_491 = arith.constant 6 : i32
    %gather3A_492 = arith.constant 0 : i32
    %gather3A_493 = arith.constant 0 : i32
    %gather3A_494 = tpu.memref_slice %arg9[%gather3A_491, %gather3A_492, %gather3A_493] : memref<8x32x128xf32, #tpu.memory_space<vmem>> -> memref<1x32x128xf32, #tpu.memory_space<vmem>>
    %gather3A_495 = tpu.memref_squeeze %gather3A_494 : memref<1x32x128xf32, #tpu.memory_space<vmem>> -> memref<32x128xf32, #tpu.memory_space<vmem>>
    %gather3A_496 = tpu.vector_load_idx %gather3A_495[%add3A_490, %add3A_462] : memref<32x128xf32, #tpu.memory_space<vmem>>[vector<16xi32>, vector<16xi32>], vector<16xf32>,
    %gather3A_497 = arith.constant 6 : i32
    %gather3A_498 = arith.constant 0 : i32
    %gather3A_499 = arith.constant 0 : i32
    %gather3A_500 = tpu.memref_slice %arg10[%gather3A_497, %gather3A_498, %gather3A_499] : memref<8x32x128xf32, #tpu.memory_space<vmem>> -> memref<1x32x128xf32, #tpu.memory_space<vmem>>
    %gather3A_501 = tpu.memref_squeeze %gather3A_500 : memref<1x32x128xf32, #tpu.memory_space<vmem>> -> memref<32x128xf32, #tpu.memory_space<vmem>>
    %gather3A_502 = tpu.vector_load_idx %gather3A_501[%add3A_490, %add3A_468] : memref<32x128xf32, #tpu.memory_space<vmem>>[vector<16xi32>, vector<16xi32>], vector<16xf32>,
    %mul3A_503 = arith.mulf %gather3A_496, %gather3A_502 : vector<16xf32>
    %add3A_504 = arith.addf %add3A_487, %mul3A_503 : vector<16xf32>
    %swap3A_505 = arith.constant 8160 : index
    %swap3A_506 = tpu.vector_load %arg11[%swap3A_505] {strides = array<i32>} : memref<8192xf32, #tpu.memory_space<vmem>>, vector<16xf32>,
    tpu.vector_store %arg11[%swap3A_505], %add3A_504 {strides = array<i32>} : memref<8192xf32, #tpu.memory_space<vmem>>, vector<16xf32>,
    %slice3A_507 = vector.extract_strided_slice %scan3A_7#0 {offsets = [15], sizes = [1], strides = [1]} : vector<16xi32> to vector<1xi32>
    %squeeze3A_508 = vector.extract %slice3A_507[0] : i32 from vector<1xi32>
    %slice3A_509 = vector.extract_strided_slice %scan3A_7#1 {offsets = [15], sizes = [1], strides = [1]} : vector<16xi32> to vector<1xi32>
    %squeeze3A_510 = vector.extract %slice3A_509[0] : i32 from vector<1xi32>
    %dma_wait3A_511 = arith.constant 7 : i32
    %dma_wait3A_512 = arith.constant 0 : i32
    %dma_wait3A_513 = arith.constant 0 : i32
    %dma_wait3A_514 = tpu.memref_slice %arg9[%dma_wait3A_511, %dma_wait3A_512, %dma_wait3A_513] : memref<8x32x128xf32, #tpu.memory_space<vmem>> -> memref<1x32x128xf32, #tpu.memory_space<vmem>>
    %dma_wait3A_515 = tpu.memref_squeeze %dma_wait3A_514 : memref<1x32x128xf32, #tpu.memory_space<vmem>> -> memref<32x128xf32, #tpu.memory_space<vmem>>
    %dma_wait3A_516 = arith.constant 0 : i32
    %dma_wait3A_517 = arith.constant 0 : i32
    %dma_wait3A_518 = tpu.memref_slice %arg4[%dma_wait3A_516, %dma_wait3A_517] : memref<32x1000000xf32, #tpu.memory_space<hbm>> -> memref<32x128xf32, #tpu.memory_space<hbm>>
    %dma_wait3A_519 = arith.constant 0 : i32
    %dma_wait3A_520 = arith.constant 0 : i32
    %dma_wait3A_521 = tpu.memref_slice %arg9[%dma_wait3A_511, %dma_wait3A_519, %dma_wait3A_520] : memref<8x32x128xf32, #tpu.memory_space<vmem>> -> memref<1x32x128xf32, #tpu.memory_space<vmem>>
    %dma_wait3A_522 = tpu.memref_squeeze %dma_wait3A_521 : memref<1x32x128xf32, #tpu.memory_space<vmem>> -> memref<32x128xf32, #tpu.memory_space<vmem>>
    %dma_wait3A_523 = arith.constant 0 : i32
    %dma_wait3A_524 = arith.constant 0 : i32
    %dma_wait3A_525 = tpu.memref_slice %arg4[%dma_wait3A_523, %dma_wait3A_524] : memref<32x1000000xf32, #tpu.memory_space<hbm>> -> memref<32x128xf32, #tpu.memory_space<hbm>>
    tpu.wait_dma2 semaphore(%arg13 : memref<!tpu.dma_semaphore, #tpu.memory_space<semaphore_mem>>) src(%dma_wait3A_525 : memref<32x128xf32, #tpu.memory_space<hbm>>) dst(%dma_wait3A_522 : memref<32x128xf32, #tpu.memory_space<vmem>>)
    %dma_wait3A_526 = arith.constant 7 : i32
    %dma_wait3A_527 = arith.constant 0 : i32
    %dma_wait3A_528 = arith.constant 0 : i32
    %dma_wait3A_529 = tpu.memref_slice %arg10[%dma_wait3A_526, %dma_wait3A_527, %dma_wait3A_528] : memref<8x32x128xf32, #tpu.memory_space<vmem>> -> memref<1x32x128xf32, #tpu.memory_space<vmem>>
    %dma_wait3A_530 = tpu.memref_squeeze %dma_wait3A_529 : memref<1x32x128xf32, #tpu.memory_space<vmem>> -> memref<32x128xf32, #tpu.memory_space<vmem>>
    %dma_wait3A_531 = arith.constant 0 : i32
    %dma_wait3A_532 = arith.constant 0 : i32
    %dma_wait3A_533 = tpu.memref_slice %arg5[%dma_wait3A_531, %dma_wait3A_532] : memref<32x1000000xf32, #tpu.memory_space<hbm>> -> memref<32x128xf32, #tpu.memory_space<hbm>>
    %dma_wait3A_534 = arith.constant 0 : i32
    %dma_wait3A_535 = arith.constant 0 : i32
    %dma_wait3A_536 = tpu.memref_slice %arg10[%dma_wait3A_526, %dma_wait3A_534, %dma_wait3A_535] : memref<8x32x128xf32, #tpu.memory_space<vmem>> -> memref<1x32x128xf32, #tpu.memory_space<vmem>>
    %dma_wait3A_537 = tpu.memref_squeeze %dma_wait3A_536 : memref<1x32x128xf32, #tpu.memory_space<vmem>> -> memref<32x128xf32, #tpu.memory_space<vmem>>
    %dma_wait3A_538 = arith.constant 0 : i32
    %dma_wait3A_539 = arith.constant 0 : i32
    %dma_wait3A_540 = tpu.memref_slice %arg5[%dma_wait3A_538, %dma_wait3A_539] : memref<32x1000000xf32, #tpu.memory_space<hbm>> -> memref<32x128xf32, #tpu.memory_space<hbm>>
    tpu.wait_dma2 semaphore(%arg14 : memref<!tpu.dma_semaphore, #tpu.memory_space<semaphore_mem>>) src(%dma_wait3A_540 : memref<32x128xf32, #tpu.memory_space<hbm>>) dst(%dma_wait3A_537 : memref<32x128xf32, #tpu.memory_space<vmem>>)
    %broadcast_in_dim3A_541 = arith.constant 0 : i32
    %broadcast_in_dim3A_542 = vector.broadcast %broadcast_in_dim3A_541 : i32 to vector<16xi32>
    %and3A_543 = arith.constant 127 : i32
    %and3A_544 = arith.andi %squeeze3A_508, %and3A_543 : i32
    %add3A_545 = vector.broadcast %and3A_544 : i32 to vector<16xi32>
    %add3A_546 = arith.addi %broadcast_in_dim3A_542, %add3A_545 : vector<16xi32>
    %broadcast_in_dim3A_547 = arith.constant 0 : i32
    %broadcast_in_dim3A_548 = vector.broadcast %broadcast_in_dim3A_547 : i32 to vector<16xi32>
    %and3A_549 = arith.constant 127 : i32
    %and3A_550 = arith.andi %squeeze3A_510, %and3A_549 : i32
    %add3A_551 = vector.broadcast %and3A_550 : i32 to vector<16xi32>
    %add3A_552 = arith.addi %broadcast_in_dim3A_548, %add3A_551 : vector<16xi32>
    %broadcast_in_dim3A_553 = arith.constant 0.000000e+00 : f32
    %broadcast_in_dim3A_554 = vector.broadcast %broadcast_in_dim3A_553 : f32 to vector<16xf32>
    %add3A_555 = arith.constant 0 : i32
    %add3A_556 = vector.broadcast %add3A_555 : i32 to vector<16xi32>
    %add3A_557 = arith.addi %iota3A, %add3A_556 : vector<16xi32>
    %gather3A_558 = arith.constant 7 : i32
    %gather3A_559 = arith.constant 0 : i32
    %gather3A_560 = arith.constant 0 : i32
    %gather3A_561 = tpu.memref_slice %arg9[%gather3A_558, %gather3A_559, %gather3A_560] : memref<8x32x128xf32, #tpu.memory_space<vmem>> -> memref<1x32x128xf32, #tpu.memory_space<vmem>>
    %gather3A_562 = tpu.memref_squeeze %gather3A_561 : memref<1x32x128xf32, #tpu.memory_space<vmem>> -> memref<32x128xf32, #tpu.memory_space<vmem>>
    %gather3A_563 = tpu.vector_load_idx %gather3A_562[%add3A_557, %add3A_546] : memref<32x128xf32, #tpu.memory_space<vmem>>[vector<16xi32>, vector<16xi32>], vector<16xf32>,
    %gather3A_564 = arith.constant 7 : i32
    %gather3A_565 = arith.constant 0 : i32
    %gather3A_566 = arith.constant 0 : i32
    %gather3A_567 = tpu.memref_slice %arg10[%gather3A_564, %gather3A_565, %gather3A_566] : memref<8x32x128xf32, #tpu.memory_space<vmem>> -> memref<1x32x128xf32, #tpu.memory_space<vmem>>
    %gather3A_568 = tpu.memref_squeeze %gather3A_567 : memref<1x32x128xf32, #tpu.memory_space<vmem>> -> memref<32x128xf32, #tpu.memory_space<vmem>>
    %gather3A_569 = tpu.vector_load_idx %gather3A_568[%add3A_557, %add3A_552] : memref<32x128xf32, #tpu.memory_space<vmem>>[vector<16xi32>, vector<16xi32>], vector<16xf32>,
    %mul3A_570 = arith.mulf %gather3A_563, %gather3A_569 : vector<16xf32>
    %add3A_571 = arith.addf %broadcast_in_dim3A_554, %mul3A_570 : vector<16xf32>
    %add3A_572 = arith.constant 16 : i32
    %add3A_573 = vector.broadcast %add3A_572 : i32 to vector<16xi32>
    %add3A_574 = arith.addi %iota3A, %add3A_573 : vector<16xi32>
    %gather3A_575 = arith.constant 7 : i32
    %gather3A_576 = arith.constant 0 : i32
    %gather3A_577 = arith.constant 0 : i32
    %gather3A_578 = tpu.memref_slice %arg9[%gather3A_575, %gather3A_576, %gather3A_577] : memref<8x32x128xf32, #tpu.memory_space<vmem>> -> memref<1x32x128xf32, #tpu.memory_space<vmem>>
    %gather3A_579 = tpu.memref_squeeze %gather3A_578 : memref<1x32x128xf32, #tpu.memory_space<vmem>> -> memref<32x128xf32, #tpu.memory_space<vmem>>
    %gather3A_580 = tpu.vector_load_idx %gather3A_579[%add3A_574, %add3A_546] : memref<32x128xf32, #tpu.memory_space<vmem>>[vector<16xi32>, vector<16xi32>], vector<16xf32>,
    %gather3A_581 = arith.constant 7 : i32
    %gather3A_582 = arith.constant 0 : i32
    %gather3A_583 = arith.constant 0 : i32
    %gather3A_584 = tpu.memref_slice %arg10[%gather3A_581, %gather3A_582, %gather3A_583] : memref<8x32x128xf32, #tpu.memory_space<vmem>> -> memref<1x32x128xf32, #tpu.memory_space<vmem>>
    %gather3A_585 = tpu.memref_squeeze %gather3A_584 : memref<1x32x128xf32, #tpu.memory_space<vmem>> -> memref<32x128xf32, #tpu.memory_space<vmem>>
    %gather3A_586 = tpu.vector_load_idx %gather3A_585[%add3A_574, %add3A_552] : memref<32x128xf32, #tpu.memory_space<vmem>>[vector<16xi32>, vector<16xi32>], vector<16xf32>,
    %mul3A_587 = arith.mulf %gather3A_580, %gather3A_586 : vector<16xf32>
    %add3A_588 = arith.addf %add3A_571, %mul3A_587 : vector<16xf32>
    %swap3A_589 = arith.constant 8176 : index
    %swap3A_590 = tpu.vector_load %arg11[%swap3A_589] {strides = array<i32>} : memref<8192xf32, #tpu.memory_space<vmem>>, vector<16xf32>,
    tpu.vector_store %arg11[%swap3A_589], %add3A_588 {strides = array<i32>} : memref<8192xf32, #tpu.memory_space<vmem>>, vector<16xf32>,
    %scan3A_591 = arith.constant 0 : i32
    %scan3A_592 = arith.constant 0 : i32
    %scan3A_593 = arith.constant 32 : i32
    %scan3A_594 = arith.addi %scan3A_592, %scan3A_593 : i32
    %scan3A_595 = arith.constant 1 : i32
    scf.for %scan3A_597 = %scan3A_592 to %scan3A_594 step %scan3A_595  : i32 {
      %broadcast_in_dim3A_598 = arith.constant 0.000000e+00 : f32
      %broadcast_in_dim3A_599 = vector.broadcast %broadcast_in_dim3A_598 : f32 to vector<16xf32>
      %mul3A_600 = arith.constant 16 : i32
      %mul3A_601 = arith.muli %scan3A_597, %mul3A_600 : i32
      %add3A_602 = vector.broadcast %mul3A_601 : i32 to vector<16xi32>
      %add3A_603 = arith.addi %add3A_602, %iota3A : vector<16xi32>
      %mul3A_604 = arith.constant 16 : i32
      %mul3A_605 = vector.broadcast %mul3A_604 : i32 to vector<16xi32>
      %mul3A_606 = arith.muli %add3A_603, %mul3A_605 : vector<16xi32>
      %add3A_607 = arith.constant 0 : i32
      %add3A_608 = vector.broadcast %add3A_607 : i32 to vector<16xi32>
      %add3A_609 = arith.addi %mul3A_606, %add3A_608 : vector<16xi32>
      %gather3A_610 = tpu.vector_load_idx %arg11[%add3A_609] : memref<8192xf32, #tpu.memory_space<vmem>>[vector<16xi32>], vector<16xf32>,
      %add3A_611 = arith.addf %broadcast_in_dim3A_599, %gather3A_610 : vector<16xf32>
      %add3A_612 = arith.constant 1 : i32
      %add3A_613 = vector.broadcast %add3A_612 : i32 to vector<16xi32>
      %add3A_614 = arith.addi %mul3A_606, %add3A_613 : vector<16xi32>
      %gather3A_615 = tpu.vector_load_idx %arg11[%add3A_614] : memref<8192xf32, #tpu.memory_space<vmem>>[vector<16xi32>], vector<16xf32>,
      %add3A_616 = arith.addf %add3A_611, %gather3A_615 : vector<16xf32>
      %add3A_617 = arith.constant 2 : i32
      %add3A_618 = vector.broadcast %add3A_617 : i32 to vector<16xi32>
      %add3A_619 = arith.addi %mul3A_606, %add3A_618 : vector<16xi32>
      %gather3A_620 = tpu.vector_load_idx %arg11[%add3A_619] : memref<8192xf32, #tpu.memory_space<vmem>>[vector<16xi32>], vector<16xf32>,
      %add3A_621 = arith.addf %add3A_616, %gather3A_620 : vector<16xf32>
      %add3A_622 = arith.constant 3 : i32
      %add3A_623 = vector.broadcast %add3A_622 : i32 to vector<16xi32>
      %add3A_624 = arith.addi %mul3A_606, %add3A_623 : vector<16xi32>
      %gather3A_625 = tpu.vector_load_idx %arg11[%add3A_624] : memref<8192xf32, #tpu.memory_space<vmem>>[vector<16xi32>], vector<16xf32>,
      %add3A_626 = arith.addf %add3A_621, %gather3A_625 : vector<16xf32>
      %add3A_627 = arith.constant 4 : i32
      %add3A_628 = vector.broadcast %add3A_627 : i32 to vector<16xi32>
      %add3A_629 = arith.addi %mul3A_606, %add3A_628 : vector<16xi32>
      %gather3A_630 = tpu.vector_load_idx %arg11[%add3A_629] : memref<8192xf32, #tpu.memory_space<vmem>>[vector<16xi32>], vector<16xf32>,
      %add3A_631 = arith.addf %add3A_626, %gather3A_630 : vector<16xf32>
      %add3A_632 = arith.constant 5 : i32
      %add3A_633 = vector.broadcast %add3A_632 : i32 to vector<16xi32>
      %add3A_634 = arith.addi %mul3A_606, %add3A_633 : vector<16xi32>
      %gather3A_635 = tpu.vector_load_idx %arg11[%add3A_634] : memref<8192xf32, #tpu.memory_space<vmem>>[vector<16xi32>], vector<16xf32>,
      %add3A_636 = arith.addf %add3A_631, %gather3A_635 : vector<16xf32>
      %add3A_637 = arith.constant 6 : i32
      %add3A_638 = vector.broadcast %add3A_637 : i32 to vector<16xi32>
      %add3A_639 = arith.addi %mul3A_606, %add3A_638 : vector<16xi32>
      %gather3A_640 = tpu.vector_load_idx %arg11[%add3A_639] : memref<8192xf32, #tpu.memory_space<vmem>>[vector<16xi32>], vector<16xf32>,
      %add3A_641 = arith.addf %add3A_636, %gather3A_640 : vector<16xf32>
      %add3A_642 = arith.constant 7 : i32
      %add3A_643 = vector.broadcast %add3A_642 : i32 to vector<16xi32>
      %add3A_644 = arith.addi %mul3A_606, %add3A_643 : vector<16xi32>
      %gather3A_645 = tpu.vector_load_idx %arg11[%add3A_644] : memref<8192xf32, #tpu.memory_space<vmem>>[vector<16xi32>], vector<16xf32>,
      %add3A_646 = arith.addf %add3A_641, %gather3A_645 : vector<16xf32>
      %add3A_647 = arith.constant 8 : i32
      %add3A_648 = vector.broadcast %add3A_647 : i32 to vector<16xi32>
      %add3A_649 = arith.addi %mul3A_606, %add3A_648 : vector<16xi32>
      %gather3A_650 = tpu.vector_load_idx %arg11[%add3A_649] : memref<8192xf32, #tpu.memory_space<vmem>>[vector<16xi32>], vector<16xf32>,
      %add3A_651 = arith.addf %add3A_646, %gather3A_650 : vector<16xf32>
      %add3A_652 = arith.constant 9 : i32
      %add3A_653 = vector.broadcast %add3A_652 : i32 to vector<16xi32>
      %add3A_654 = arith.addi %mul3A_606, %add3A_653 : vector<16xi32>
      %gather3A_655 = tpu.vector_load_idx %arg11[%add3A_654] : memref<8192xf32, #tpu.memory_space<vmem>>[vector<16xi32>], vector<16xf32>,
      %add3A_656 = arith.addf %add3A_651, %gather3A_655 : vector<16xf32>
      %add3A_657 = arith.constant 10 : i32
      %add3A_658 = vector.broadcast %add3A_657 : i32 to vector<16xi32>
      %add3A_659 = arith.addi %mul3A_606, %add3A_658 : vector<16xi32>
      %gather3A_660 = tpu.vector_load_idx %arg11[%add3A_659] : memref<8192xf32, #tpu.memory_space<vmem>>[vector<16xi32>], vector<16xf32>,
      %add3A_661 = arith.addf %add3A_656, %gather3A_660 : vector<16xf32>
      %add3A_662 = arith.constant 11 : i32
      %add3A_663 = vector.broadcast %add3A_662 : i32 to vector<16xi32>
      %add3A_664 = arith.addi %mul3A_606, %add3A_663 : vector<16xi32>
      %gather3A_665 = tpu.vector_load_idx %arg11[%add3A_664] : memref<8192xf32, #tpu.memory_space<vmem>>[vector<16xi32>], vector<16xf32>,
      %add3A_666 = arith.addf %add3A_661, %gather3A_665 : vector<16xf32>
      %add3A_667 = arith.constant 12 : i32
      %add3A_668 = vector.broadcast %add3A_667 : i32 to vector<16xi32>
      %add3A_669 = arith.addi %mul3A_606, %add3A_668 : vector<16xi32>
      %gather3A_670 = tpu.vector_load_idx %arg11[%add3A_669] : memref<8192xf32, #tpu.memory_space<vmem>>[vector<16xi32>], vector<16xf32>,
      %add3A_671 = arith.addf %add3A_666, %gather3A_670 : vector<16xf32>
      %add3A_672 = arith.constant 13 : i32
      %add3A_673 = vector.broadcast %add3A_672 : i32 to vector<16xi32>
      %add3A_674 = arith.addi %mul3A_606, %add3A_673 : vector<16xi32>
      %gather3A_675 = tpu.vector_load_idx %arg11[%add3A_674] : memref<8192xf32, #tpu.memory_space<vmem>>[vector<16xi32>], vector<16xf32>,
      %add3A_676 = arith.addf %add3A_671, %gather3A_675 : vector<16xf32>
      %add3A_677 = arith.constant 14 : i32
      %add3A_678 = vector.broadcast %add3A_677 : i32 to vector<16xi32>
      %add3A_679 = arith.addi %mul3A_606, %add3A_678 : vector<16xi32>
      %gather3A_680 = tpu.vector_load_idx %arg11[%add3A_679] : memref<8192xf32, #tpu.memory_space<vmem>>[vector<16xi32>], vector<16xf32>,
      %add3A_681 = arith.addf %add3A_676, %gather3A_680 : vector<16xf32>
      %add3A_682 = arith.constant 15 : i32
      %add3A_683 = vector.broadcast %add3A_682 : i32 to vector<16xi32>
      %add3A_684 = arith.addi %mul3A_606, %add3A_683 : vector<16xi32>
      %gather3A_685 = tpu.vector_load_idx %arg11[%add3A_684] : memref<8192xf32, #tpu.memory_space<vmem>>[vector<16xi32>], vector<16xf32>,
      %add3A_686 = arith.addf %add3A_681, %gather3A_685 : vector<16xf32>
      %mul3A_687 = arith.constant 16 : i32
      %mul3A_688 = arith.muli %scan3A_597, %mul3A_687 : i32
      %swap3A_689 = arith.index_cast %mul3A_688 : i32 to index
      %swap3A_690 = tpu.vector_load %arg12[%swap3A_689] {strides = array<i32>} : memref<512xf32, #tpu.memory_space<vmem>>, vector<16xf32>,
      tpu.vector_store %arg12[%swap3A_689], %add3A_686 {strides = array<i32>} : memref<512xf32, #tpu.memory_space<vmem>>, vector<16xf32>,
    }
    %scan3A_596 = arith.constant 32 : i32
    "tpu.region"() ({
      %run_scoped3A = tpu.sem_alloc : memref<!tpu.dma_semaphore, #tpu.memory_space<semaphore_mem>>
      %dma_start3A = tpu.memref_slice %arg6[%mul3A_2] : memref<16384xf32, #tpu.memory_space<hbm>> -> memref<512xf32, #tpu.memory_space<hbm>>
      %dma_start3A_597 = tpu.memref_slice %arg6[%mul3A_2] : memref<16384xf32, #tpu.memory_space<hbm>> -> memref<512xf32, #tpu.memory_space<hbm>>
      tpu.enqueue_dma source(%arg12 : memref<512xf32, #tpu.memory_space<vmem>>) target(%dma_start3A_597 : memref<512xf32, #tpu.memory_space<hbm>>) target_semaphore(%run_scoped3A : memref<!tpu.dma_semaphore, #tpu.memory_space<semaphore_mem>>)
      %dma_wait3A_598 = tpu.memref_slice %arg6[%mul3A_2] : memref<16384xf32, #tpu.memory_space<hbm>> -> memref<512xf32, #tpu.memory_space<hbm>>
      %dma_wait3A_599 = tpu.memref_slice %arg6[%mul3A_2] : memref<16384xf32, #tpu.memory_space<hbm>> -> memref<512xf32, #tpu.memory_space<hbm>>
      tpu.wait_dma2 semaphore(%run_scoped3A : memref<!tpu.dma_semaphore, #tpu.memory_space<semaphore_mem>>) src(%arg12 : memref<512xf32, #tpu.memory_space<vmem>>) dst(%dma_wait3A_599 : memref<512xf32, #tpu.memory_space<hbm>>)
      tpu.yield
    }) : () -> ()
    return
  }
}

#map = affine_map<(d0, d1) -> (0)>
#map1 = affine_map<(d0, d1) -> (0, 0, 0)>
module attributes {stable_mosaic.version = 14 : i64} {
  func.func @_bias_body(%arg0: i32, %arg1: i32, %arg2: memref<16384xf32, #tpu.memory_space<hbm>>, %arg3: memref<32x4x128xi32, #tpu.memory_space<hbm>>, %arg4: memref<32x4x128xi32, #tpu.memory_space<hbm>>, %arg5: memref<1000000xf32, #tpu.memory_space<hbm>>, %arg6: memref<1000000xf32, #tpu.memory_space<hbm>>, %arg7: memref<16384xf32, #tpu.memory_space<hbm>>, %arg8: memref<4x128xi32, #tpu.memory_space<vmem>>, %arg9: memref<4x128xi32, #tpu.memory_space<vmem>>, %arg10: memref<512xf32, #tpu.memory_space<vmem>>, %arg11: memref<512xf32, #tpu.memory_space<vmem>>, %arg12: memref<512xf32, #tpu.memory_space<vmem>>, %arg13: memref<512xf32, #tpu.memory_space<vmem>>, %arg14: memref<!tpu.dma_semaphore, #tpu.memory_space<semaphore_mem>>) attributes {dimension_semantics = [#tpu.dimension_semantics<core_parallel>, #tpu.dimension_semantics<subcore_parallel>], iteration_bounds = array<i64: 2, 16>, scalar_prefetch = 0 : i64, scratch_operands = 7 : i64, tpu.core_type = #tpu.core_type<sc_vector_subcore>, window_params = [{transform_indices = #map}, {transform_indices = #map1}, {transform_indices = #map1}, {transform_indices = #map}, {transform_indices = #map}, {transform_indices = #map}]} {
    %mul3A = arith.constant 2 : i32
    %mul3A_0 = arith.muli %arg1, %mul3A : i32
    %add3A = arith.addi %mul3A_0, %arg0 : i32
    %mul3A_1 = arith.constant 512 : i32
    %mul3A_2 = arith.muli %add3A, %mul3A_1 : i32
    "tpu.region"() ({
      %run_scoped3A = tpu.sem_alloc : memref<!tpu.dma_semaphore, #tpu.memory_space<semaphore_mem>>
      %dma_start3A_134 = arith.constant 0 : i32
      %dma_start3A_135 = arith.constant 0 : i32
      %dma_start3A_136 = tpu.memref_slice %arg3[%add3A, %dma_start3A_134, %dma_start3A_135] : memref<32x4x128xi32, #tpu.memory_space<hbm>> -> memref<1x4x128xi32, #tpu.memory_space<hbm>>
      %dma_start3A_137 = tpu.memref_squeeze %dma_start3A_136 : memref<1x4x128xi32, #tpu.memory_space<hbm>> -> memref<4x128xi32, #tpu.memory_space<hbm>>
      %dma_start3A_138 = arith.constant 0 : i32
      %dma_start3A_139 = arith.constant 0 : i32
      %dma_start3A_140 = tpu.memref_slice %arg3[%add3A, %dma_start3A_138, %dma_start3A_139] : memref<32x4x128xi32, #tpu.memory_space<hbm>> -> memref<1x4x128xi32, #tpu.memory_space<hbm>>
      %dma_start3A_141 = tpu.memref_squeeze %dma_start3A_140 : memref<1x4x128xi32, #tpu.memory_space<hbm>> -> memref<4x128xi32, #tpu.memory_space<hbm>>
      tpu.enqueue_dma source(%dma_start3A_141 : memref<4x128xi32, #tpu.memory_space<hbm>>) target(%arg8 : memref<4x128xi32, #tpu.memory_space<vmem>>) target_semaphore(%run_scoped3A : memref<!tpu.dma_semaphore, #tpu.memory_space<semaphore_mem>>)
      %dma_wait3A_142 = arith.constant 0 : i32
      %dma_wait3A_143 = arith.constant 0 : i32
      %dma_wait3A_144 = tpu.memref_slice %arg3[%add3A, %dma_wait3A_142, %dma_wait3A_143] : memref<32x4x128xi32, #tpu.memory_space<hbm>> -> memref<1x4x128xi32, #tpu.memory_space<hbm>>
      %dma_wait3A_145 = tpu.memref_squeeze %dma_wait3A_144 : memref<1x4x128xi32, #tpu.memory_space<hbm>> -> memref<4x128xi32, #tpu.memory_space<hbm>>
      %dma_wait3A_146 = arith.constant 0 : i32
      %dma_wait3A_147 = arith.constant 0 : i32
      %dma_wait3A_148 = tpu.memref_slice %arg3[%add3A, %dma_wait3A_146, %dma_wait3A_147] : memref<32x4x128xi32, #tpu.memory_space<hbm>> -> memref<1x4x128xi32, #tpu.memory_space<hbm>>
      %dma_wait3A_149 = tpu.memref_squeeze %dma_wait3A_148 : memref<1x4x128xi32, #tpu.memory_space<hbm>> -> memref<4x128xi32, #tpu.memory_space<hbm>>
      tpu.wait_dma2 semaphore(%run_scoped3A : memref<!tpu.dma_semaphore, #tpu.memory_space<semaphore_mem>>) src(%dma_wait3A_149 : memref<4x128xi32, #tpu.memory_space<hbm>>) dst(%arg8 : memref<4x128xi32, #tpu.memory_space<vmem>>)
      tpu.yield
    }) : () -> ()
    "tpu.region"() ({
      %run_scoped3A = tpu.sem_alloc : memref<!tpu.dma_semaphore, #tpu.memory_space<semaphore_mem>>
      %dma_start3A_134 = arith.constant 0 : i32
      %dma_start3A_135 = arith.constant 0 : i32
      %dma_start3A_136 = tpu.memref_slice %arg4[%add3A, %dma_start3A_134, %dma_start3A_135] : memref<32x4x128xi32, #tpu.memory_space<hbm>> -> memref<1x4x128xi32, #tpu.memory_space<hbm>>
      %dma_start3A_137 = tpu.memref_squeeze %dma_start3A_136 : memref<1x4x128xi32, #tpu.memory_space<hbm>> -> memref<4x128xi32, #tpu.memory_space<hbm>>
      %dma_start3A_138 = arith.constant 0 : i32
      %dma_start3A_139 = arith.constant 0 : i32
      %dma_start3A_140 = tpu.memref_slice %arg4[%add3A, %dma_start3A_138, %dma_start3A_139] : memref<32x4x128xi32, #tpu.memory_space<hbm>> -> memref<1x4x128xi32, #tpu.memory_space<hbm>>
      %dma_start3A_141 = tpu.memref_squeeze %dma_start3A_140 : memref<1x4x128xi32, #tpu.memory_space<hbm>> -> memref<4x128xi32, #tpu.memory_space<hbm>>
      tpu.enqueue_dma source(%dma_start3A_141 : memref<4x128xi32, #tpu.memory_space<hbm>>) target(%arg9 : memref<4x128xi32, #tpu.memory_space<vmem>>) target_semaphore(%run_scoped3A : memref<!tpu.dma_semaphore, #tpu.memory_space<semaphore_mem>>)
      %dma_wait3A_142 = arith.constant 0 : i32
      %dma_wait3A_143 = arith.constant 0 : i32
      %dma_wait3A_144 = tpu.memref_slice %arg4[%add3A, %dma_wait3A_142, %dma_wait3A_143] : memref<32x4x128xi32, #tpu.memory_space<hbm>> -> memref<1x4x128xi32, #tpu.memory_space<hbm>>
      %dma_wait3A_145 = tpu.memref_squeeze %dma_wait3A_144 : memref<1x4x128xi32, #tpu.memory_space<hbm>> -> memref<4x128xi32, #tpu.memory_space<hbm>>
      %dma_wait3A_146 = arith.constant 0 : i32
      %dma_wait3A_147 = arith.constant 0 : i32
      %dma_wait3A_148 = tpu.memref_slice %arg4[%add3A, %dma_wait3A_146, %dma_wait3A_147] : memref<32x4x128xi32, #tpu.memory_space<hbm>> -> memref<1x4x128xi32, #tpu.memory_space<hbm>>
      %dma_wait3A_149 = tpu.memref_squeeze %dma_wait3A_148 : memref<1x4x128xi32, #tpu.memory_space<hbm>> -> memref<4x128xi32, #tpu.memory_space<hbm>>
      tpu.wait_dma2 semaphore(%run_scoped3A : memref<!tpu.dma_semaphore, #tpu.memory_space<semaphore_mem>>) src(%dma_wait3A_149 : memref<4x128xi32, #tpu.memory_space<hbm>>) dst(%arg9 : memref<4x128xi32, #tpu.memory_space<vmem>>)
      tpu.yield
    }) : () -> ()
    "tpu.region"() ({
      %run_scoped3A = tpu.sem_alloc : memref<!tpu.dma_semaphore, #tpu.memory_space<semaphore_mem>>
      %dma_start3A_134 = tpu.memref_slice %arg2[%mul3A_2] : memref<16384xf32, #tpu.memory_space<hbm>> -> memref<512xf32, #tpu.memory_space<hbm>>
      %dma_start3A_135 = tpu.memref_slice %arg2[%mul3A_2] : memref<16384xf32, #tpu.memory_space<hbm>> -> memref<512xf32, #tpu.memory_space<hbm>>
      tpu.enqueue_dma source(%dma_start3A_135 : memref<512xf32, #tpu.memory_space<hbm>>) target(%arg10 : memref<512xf32, #tpu.memory_space<vmem>>) target_semaphore(%run_scoped3A : memref<!tpu.dma_semaphore, #tpu.memory_space<semaphore_mem>>)
      %dma_wait3A_136 = tpu.memref_slice %arg2[%mul3A_2] : memref<16384xf32, #tpu.memory_space<hbm>> -> memref<512xf32, #tpu.memory_space<hbm>>
      %dma_wait3A_137 = tpu.memref_slice %arg2[%mul3A_2] : memref<16384xf32, #tpu.memory_space<hbm>> -> memref<512xf32, #tpu.memory_space<hbm>>
      tpu.wait_dma2 semaphore(%run_scoped3A : memref<!tpu.dma_semaphore, #tpu.memory_space<semaphore_mem>>) src(%dma_wait3A_137 : memref<512xf32, #tpu.memory_space<hbm>>) dst(%arg10 : memref<512xf32, #tpu.memory_space<vmem>>)
      tpu.yield
    }) : () -> ()
    %dma_start3A = arith.constant 0 : i32
    %dma_start3A_3 = arith.constant 0 : i32
    %dma_start3A_4 = tpu.memref_slice %arg11[%dma_start3A_3] : memref<512xf32, #tpu.memory_space<vmem>> -> memref<128xf32, #tpu.memory_space<vmem>>
    %dma_start3A_5 = arith.constant 0 : i32
    %dma_start3A_6 = tpu.memref_slice %arg8[%dma_start3A, %dma_start3A_5] : memref<4x128xi32, #tpu.memory_space<vmem>> -> memref<1x128xi32, #tpu.memory_space<vmem>>
    %dma_start3A_7 = tpu.memref_squeeze %dma_start3A_6 : memref<1x128xi32, #tpu.memory_space<vmem>> -> memref<128xi32, #tpu.memory_space<vmem>>
    %dma_start3A_8 = arith.constant 0 : i32
    %dma_start3A_9 = tpu.memref_slice %arg5[%dma_start3A_8] : memref<1000000xf32, #tpu.memory_space<hbm>> -> memref<1000000xf32, #tpu.memory_space<hbm>>
    tpu.enqueue_indirect_dma source(%dma_start3A_9 : memref<1000000xf32, #tpu.memory_space<hbm>>) target(%dma_start3A_4 : memref<128xf32, #tpu.memory_space<vmem>>) offsets(%dma_start3A_7 : memref<128xi32, #tpu.memory_space<vmem>>) semaphore(%arg14 : memref<!tpu.dma_semaphore, #tpu.memory_space<semaphore_mem>>)
    %dma_start3A_10 = arith.constant 0 : i32
    %dma_start3A_11 = arith.constant 0 : i32
    %dma_start3A_12 = tpu.memref_slice %arg12[%dma_start3A_11] : memref<512xf32, #tpu.memory_space<vmem>> -> memref<128xf32, #tpu.memory_space<vmem>>
    %dma_start3A_13 = arith.constant 0 : i32
    %dma_start3A_14 = tpu.memref_slice %arg9[%dma_start3A_10, %dma_start3A_13] : memref<4x128xi32, #tpu.memory_space<vmem>> -> memref<1x128xi32, #tpu.memory_space<vmem>>
    %dma_start3A_15 = tpu.memref_squeeze %dma_start3A_14 : memref<1x128xi32, #tpu.memory_space<vmem>> -> memref<128xi32, #tpu.memory_space<vmem>>
    %dma_start3A_16 = arith.constant 0 : i32
    %dma_start3A_17 = tpu.memref_slice %arg6[%dma_start3A_16] : memref<1000000xf32, #tpu.memory_space<hbm>> -> memref<1000000xf32, #tpu.memory_space<hbm>>
    tpu.enqueue_indirect_dma source(%dma_start3A_17 : memref<1000000xf32, #tpu.memory_space<hbm>>) target(%dma_start3A_12 : memref<128xf32, #tpu.memory_space<vmem>>) offsets(%dma_start3A_15 : memref<128xi32, #tpu.memory_space<vmem>>) semaphore(%arg14 : memref<!tpu.dma_semaphore, #tpu.memory_space<semaphore_mem>>)
    %dma_start3A_18 = arith.constant 1 : i32
    %dma_start3A_19 = arith.constant 128 : i32
    %dma_start3A_20 = tpu.memref_slice %arg11[%dma_start3A_19] : memref<512xf32, #tpu.memory_space<vmem>> -> memref<128xf32, #tpu.memory_space<vmem>>
    %dma_start3A_21 = arith.constant 0 : i32
    %dma_start3A_22 = tpu.memref_slice %arg8[%dma_start3A_18, %dma_start3A_21] : memref<4x128xi32, #tpu.memory_space<vmem>> -> memref<1x128xi32, #tpu.memory_space<vmem>>
    %dma_start3A_23 = tpu.memref_squeeze %dma_start3A_22 : memref<1x128xi32, #tpu.memory_space<vmem>> -> memref<128xi32, #tpu.memory_space<vmem>>
    %dma_start3A_24 = arith.constant 0 : i32
    %dma_start3A_25 = tpu.memref_slice %arg5[%dma_start3A_24] : memref<1000000xf32, #tpu.memory_space<hbm>> -> memref<1000000xf32, #tpu.memory_space<hbm>>
    tpu.enqueue_indirect_dma source(%dma_start3A_25 : memref<1000000xf32, #tpu.memory_space<hbm>>) target(%dma_start3A_20 : memref<128xf32, #tpu.memory_space<vmem>>) offsets(%dma_start3A_23 : memref<128xi32, #tpu.memory_space<vmem>>) semaphore(%arg14 : memref<!tpu.dma_semaphore, #tpu.memory_space<semaphore_mem>>)
    %dma_start3A_26 = arith.constant 1 : i32
    %dma_start3A_27 = arith.constant 128 : i32
    %dma_start3A_28 = tpu.memref_slice %arg12[%dma_start3A_27] : memref<512xf32, #tpu.memory_space<vmem>> -> memref<128xf32, #tpu.memory_space<vmem>>
    %dma_start3A_29 = arith.constant 0 : i32
    %dma_start3A_30 = tpu.memref_slice %arg9[%dma_start3A_26, %dma_start3A_29] : memref<4x128xi32, #tpu.memory_space<vmem>> -> memref<1x128xi32, #tpu.memory_space<vmem>>
    %dma_start3A_31 = tpu.memref_squeeze %dma_start3A_30 : memref<1x128xi32, #tpu.memory_space<vmem>> -> memref<128xi32, #tpu.memory_space<vmem>>
    %dma_start3A_32 = arith.constant 0 : i32
    %dma_start3A_33 = tpu.memref_slice %arg6[%dma_start3A_32] : memref<1000000xf32, #tpu.memory_space<hbm>> -> memref<1000000xf32, #tpu.memory_space<hbm>>
    tpu.enqueue_indirect_dma source(%dma_start3A_33 : memref<1000000xf32, #tpu.memory_space<hbm>>) target(%dma_start3A_28 : memref<128xf32, #tpu.memory_space<vmem>>) offsets(%dma_start3A_31 : memref<128xi32, #tpu.memory_space<vmem>>) semaphore(%arg14 : memref<!tpu.dma_semaphore, #tpu.memory_space<semaphore_mem>>)
    %dma_start3A_34 = arith.constant 2 : i32
    %dma_start3A_35 = arith.constant 256 : i32
    %dma_start3A_36 = tpu.memref_slice %arg11[%dma_start3A_35] : memref<512xf32, #tpu.memory_space<vmem>> -> memref<128xf32, #tpu.memory_space<vmem>>
    %dma_start3A_37 = arith.constant 0 : i32
    %dma_start3A_38 = tpu.memref_slice %arg8[%dma_start3A_34, %dma_start3A_37] : memref<4x128xi32, #tpu.memory_space<vmem>> -> memref<1x128xi32, #tpu.memory_space<vmem>>
    %dma_start3A_39 = tpu.memref_squeeze %dma_start3A_38 : memref<1x128xi32, #tpu.memory_space<vmem>> -> memref<128xi32, #tpu.memory_space<vmem>>
    %dma_start3A_40 = arith.constant 0 : i32
    %dma_start3A_41 = tpu.memref_slice %arg5[%dma_start3A_40] : memref<1000000xf32, #tpu.memory_space<hbm>> -> memref<1000000xf32, #tpu.memory_space<hbm>>
    tpu.enqueue_indirect_dma source(%dma_start3A_41 : memref<1000000xf32, #tpu.memory_space<hbm>>) target(%dma_start3A_36 : memref<128xf32, #tpu.memory_space<vmem>>) offsets(%dma_start3A_39 : memref<128xi32, #tpu.memory_space<vmem>>) semaphore(%arg14 : memref<!tpu.dma_semaphore, #tpu.memory_space<semaphore_mem>>)
    %dma_start3A_42 = arith.constant 2 : i32
    %dma_start3A_43 = arith.constant 256 : i32
    %dma_start3A_44 = tpu.memref_slice %arg12[%dma_start3A_43] : memref<512xf32, #tpu.memory_space<vmem>> -> memref<128xf32, #tpu.memory_space<vmem>>
    %dma_start3A_45 = arith.constant 0 : i32
    %dma_start3A_46 = tpu.memref_slice %arg9[%dma_start3A_42, %dma_start3A_45] : memref<4x128xi32, #tpu.memory_space<vmem>> -> memref<1x128xi32, #tpu.memory_space<vmem>>
    %dma_start3A_47 = tpu.memref_squeeze %dma_start3A_46 : memref<1x128xi32, #tpu.memory_space<vmem>> -> memref<128xi32, #tpu.memory_space<vmem>>
    %dma_start3A_48 = arith.constant 0 : i32
    %dma_start3A_49 = tpu.memref_slice %arg6[%dma_start3A_48] : memref<1000000xf32, #tpu.memory_space<hbm>> -> memref<1000000xf32, #tpu.memory_space<hbm>>
    tpu.enqueue_indirect_dma source(%dma_start3A_49 : memref<1000000xf32, #tpu.memory_space<hbm>>) target(%dma_start3A_44 : memref<128xf32, #tpu.memory_space<vmem>>) offsets(%dma_start3A_47 : memref<128xi32, #tpu.memory_space<vmem>>) semaphore(%arg14 : memref<!tpu.dma_semaphore, #tpu.memory_space<semaphore_mem>>)
    %dma_start3A_50 = arith.constant 3 : i32
    %dma_start3A_51 = arith.constant 384 : i32
    %dma_start3A_52 = tpu.memref_slice %arg11[%dma_start3A_51] : memref<512xf32, #tpu.memory_space<vmem>> -> memref<128xf32, #tpu.memory_space<vmem>>
    %dma_start3A_53 = arith.constant 0 : i32
    %dma_start3A_54 = tpu.memref_slice %arg8[%dma_start3A_50, %dma_start3A_53] : memref<4x128xi32, #tpu.memory_space<vmem>> -> memref<1x128xi32, #tpu.memory_space<vmem>>
    %dma_start3A_55 = tpu.memref_squeeze %dma_start3A_54 : memref<1x128xi32, #tpu.memory_space<vmem>> -> memref<128xi32, #tpu.memory_space<vmem>>
    %dma_start3A_56 = arith.constant 0 : i32
    %dma_start3A_57 = tpu.memref_slice %arg5[%dma_start3A_56] : memref<1000000xf32, #tpu.memory_space<hbm>> -> memref<1000000xf32, #tpu.memory_space<hbm>>
    tpu.enqueue_indirect_dma source(%dma_start3A_57 : memref<1000000xf32, #tpu.memory_space<hbm>>) target(%dma_start3A_52 : memref<128xf32, #tpu.memory_space<vmem>>) offsets(%dma_start3A_55 : memref<128xi32, #tpu.memory_space<vmem>>) semaphore(%arg14 : memref<!tpu.dma_semaphore, #tpu.memory_space<semaphore_mem>>)
    %dma_start3A_58 = arith.constant 3 : i32
    %dma_start3A_59 = arith.constant 384 : i32
    %dma_start3A_60 = tpu.memref_slice %arg12[%dma_start3A_59] : memref<512xf32, #tpu.memory_space<vmem>> -> memref<128xf32, #tpu.memory_space<vmem>>
    %dma_start3A_61 = arith.constant 0 : i32
    %dma_start3A_62 = tpu.memref_slice %arg9[%dma_start3A_58, %dma_start3A_61] : memref<4x128xi32, #tpu.memory_space<vmem>> -> memref<1x128xi32, #tpu.memory_space<vmem>>
    %dma_start3A_63 = tpu.memref_squeeze %dma_start3A_62 : memref<1x128xi32, #tpu.memory_space<vmem>> -> memref<128xi32, #tpu.memory_space<vmem>>
    %dma_start3A_64 = arith.constant 0 : i32
    %dma_start3A_65 = tpu.memref_slice %arg6[%dma_start3A_64] : memref<1000000xf32, #tpu.memory_space<hbm>> -> memref<1000000xf32, #tpu.memory_space<hbm>>
    tpu.enqueue_indirect_dma source(%dma_start3A_65 : memref<1000000xf32, #tpu.memory_space<hbm>>) target(%dma_start3A_60 : memref<128xf32, #tpu.memory_space<vmem>>) offsets(%dma_start3A_63 : memref<128xi32, #tpu.memory_space<vmem>>) semaphore(%arg14 : memref<!tpu.dma_semaphore, #tpu.memory_space<semaphore_mem>>)
    %dma_wait3A = arith.constant 0 : i32
    %dma_wait3A_66 = arith.constant 0 : i32
    %dma_wait3A_67 = tpu.memref_slice %arg11[%dma_wait3A_66] : memref<512xf32, #tpu.memory_space<vmem>> -> memref<128xf32, #tpu.memory_space<vmem>>
    %dma_wait3A_68 = arith.constant 0 : i32
    %dma_wait3A_69 = tpu.memref_slice %arg8[%dma_wait3A, %dma_wait3A_68] : memref<4x128xi32, #tpu.memory_space<vmem>> -> memref<1x128xi32, #tpu.memory_space<vmem>>
    %dma_wait3A_70 = tpu.memref_squeeze %dma_wait3A_69 : memref<1x128xi32, #tpu.memory_space<vmem>> -> memref<128xi32, #tpu.memory_space<vmem>>
    %dma_wait3A_71 = arith.constant 0 : i32
    %dma_wait3A_72 = tpu.memref_slice %arg5[%dma_wait3A_71] : memref<1000000xf32, #tpu.memory_space<hbm>> -> memref<1000000xf32, #tpu.memory_space<hbm>>
    tpu.wait_indirect_dma semaphore(%arg14 : memref<!tpu.dma_semaphore, #tpu.memory_space<semaphore_mem>>) src(%dma_wait3A_72 : memref<1000000xf32, #tpu.memory_space<hbm>>) dst(%dma_wait3A_67 : memref<128xf32, #tpu.memory_space<vmem>>)
    %dma_wait3A_73 = arith.constant 0 : i32
    %dma_wait3A_74 = arith.constant 0 : i32
    %dma_wait3A_75 = tpu.memref_slice %arg12[%dma_wait3A_74] : memref<512xf32, #tpu.memory_space<vmem>> -> memref<128xf32, #tpu.memory_space<vmem>>
    %dma_wait3A_76 = arith.constant 0 : i32
    %dma_wait3A_77 = tpu.memref_slice %arg9[%dma_wait3A_73, %dma_wait3A_76] : memref<4x128xi32, #tpu.memory_space<vmem>> -> memref<1x128xi32, #tpu.memory_space<vmem>>
    %dma_wait3A_78 = tpu.memref_squeeze %dma_wait3A_77 : memref<1x128xi32, #tpu.memory_space<vmem>> -> memref<128xi32, #tpu.memory_space<vmem>>
    %dma_wait3A_79 = arith.constant 0 : i32
    %dma_wait3A_80 = tpu.memref_slice %arg6[%dma_wait3A_79] : memref<1000000xf32, #tpu.memory_space<hbm>> -> memref<1000000xf32, #tpu.memory_space<hbm>>
    tpu.wait_indirect_dma semaphore(%arg14 : memref<!tpu.dma_semaphore, #tpu.memory_space<semaphore_mem>>) src(%dma_wait3A_80 : memref<1000000xf32, #tpu.memory_space<hbm>>) dst(%dma_wait3A_75 : memref<128xf32, #tpu.memory_space<vmem>>)
    %dma_wait3A_81 = arith.constant 1 : i32
    %dma_wait3A_82 = arith.constant 128 : i32
    %dma_wait3A_83 = tpu.memref_slice %arg11[%dma_wait3A_82] : memref<512xf32, #tpu.memory_space<vmem>> -> memref<128xf32, #tpu.memory_space<vmem>>
    %dma_wait3A_84 = arith.constant 0 : i32
    %dma_wait3A_85 = tpu.memref_slice %arg8[%dma_wait3A_81, %dma_wait3A_84] : memref<4x128xi32, #tpu.memory_space<vmem>> -> memref<1x128xi32, #tpu.memory_space<vmem>>
    %dma_wait3A_86 = tpu.memref_squeeze %dma_wait3A_85 : memref<1x128xi32, #tpu.memory_space<vmem>> -> memref<128xi32, #tpu.memory_space<vmem>>
    %dma_wait3A_87 = arith.constant 0 : i32
    %dma_wait3A_88 = tpu.memref_slice %arg5[%dma_wait3A_87] : memref<1000000xf32, #tpu.memory_space<hbm>> -> memref<1000000xf32, #tpu.memory_space<hbm>>
    tpu.wait_indirect_dma semaphore(%arg14 : memref<!tpu.dma_semaphore, #tpu.memory_space<semaphore_mem>>) src(%dma_wait3A_88 : memref<1000000xf32, #tpu.memory_space<hbm>>) dst(%dma_wait3A_83 : memref<128xf32, #tpu.memory_space<vmem>>)
    %dma_wait3A_89 = arith.constant 1 : i32
    %dma_wait3A_90 = arith.constant 128 : i32
    %dma_wait3A_91 = tpu.memref_slice %arg12[%dma_wait3A_90] : memref<512xf32, #tpu.memory_space<vmem>> -> memref<128xf32, #tpu.memory_space<vmem>>
    %dma_wait3A_92 = arith.constant 0 : i32
    %dma_wait3A_93 = tpu.memref_slice %arg9[%dma_wait3A_89, %dma_wait3A_92] : memref<4x128xi32, #tpu.memory_space<vmem>> -> memref<1x128xi32, #tpu.memory_space<vmem>>
    %dma_wait3A_94 = tpu.memref_squeeze %dma_wait3A_93 : memref<1x128xi32, #tpu.memory_space<vmem>> -> memref<128xi32, #tpu.memory_space<vmem>>
    %dma_wait3A_95 = arith.constant 0 : i32
    %dma_wait3A_96 = tpu.memref_slice %arg6[%dma_wait3A_95] : memref<1000000xf32, #tpu.memory_space<hbm>> -> memref<1000000xf32, #tpu.memory_space<hbm>>
    tpu.wait_indirect_dma semaphore(%arg14 : memref<!tpu.dma_semaphore, #tpu.memory_space<semaphore_mem>>) src(%dma_wait3A_96 : memref<1000000xf32, #tpu.memory_space<hbm>>) dst(%dma_wait3A_91 : memref<128xf32, #tpu.memory_space<vmem>>)
    %dma_wait3A_97 = arith.constant 2 : i32
    %dma_wait3A_98 = arith.constant 256 : i32
    %dma_wait3A_99 = tpu.memref_slice %arg11[%dma_wait3A_98] : memref<512xf32, #tpu.memory_space<vmem>> -> memref<128xf32, #tpu.memory_space<vmem>>
    %dma_wait3A_100 = arith.constant 0 : i32
    %dma_wait3A_101 = tpu.memref_slice %arg8[%dma_wait3A_97, %dma_wait3A_100] : memref<4x128xi32, #tpu.memory_space<vmem>> -> memref<1x128xi32, #tpu.memory_space<vmem>>
    %dma_wait3A_102 = tpu.memref_squeeze %dma_wait3A_101 : memref<1x128xi32, #tpu.memory_space<vmem>> -> memref<128xi32, #tpu.memory_space<vmem>>
    %dma_wait3A_103 = arith.constant 0 : i32
    %dma_wait3A_104 = tpu.memref_slice %arg5[%dma_wait3A_103] : memref<1000000xf32, #tpu.memory_space<hbm>> -> memref<1000000xf32, #tpu.memory_space<hbm>>
    tpu.wait_indirect_dma semaphore(%arg14 : memref<!tpu.dma_semaphore, #tpu.memory_space<semaphore_mem>>) src(%dma_wait3A_104 : memref<1000000xf32, #tpu.memory_space<hbm>>) dst(%dma_wait3A_99 : memref<128xf32, #tpu.memory_space<vmem>>)
    %dma_wait3A_105 = arith.constant 2 : i32
    %dma_wait3A_106 = arith.constant 256 : i32
    %dma_wait3A_107 = tpu.memref_slice %arg12[%dma_wait3A_106] : memref<512xf32, #tpu.memory_space<vmem>> -> memref<128xf32, #tpu.memory_space<vmem>>
    %dma_wait3A_108 = arith.constant 0 : i32
    %dma_wait3A_109 = tpu.memref_slice %arg9[%dma_wait3A_105, %dma_wait3A_108] : memref<4x128xi32, #tpu.memory_space<vmem>> -> memref<1x128xi32, #tpu.memory_space<vmem>>
    %dma_wait3A_110 = tpu.memref_squeeze %dma_wait3A_109 : memref<1x128xi32, #tpu.memory_space<vmem>> -> memref<128xi32, #tpu.memory_space<vmem>>
    %dma_wait3A_111 = arith.constant 0 : i32
    %dma_wait3A_112 = tpu.memref_slice %arg6[%dma_wait3A_111] : memref<1000000xf32, #tpu.memory_space<hbm>> -> memref<1000000xf32, #tpu.memory_space<hbm>>
    tpu.wait_indirect_dma semaphore(%arg14 : memref<!tpu.dma_semaphore, #tpu.memory_space<semaphore_mem>>) src(%dma_wait3A_112 : memref<1000000xf32, #tpu.memory_space<hbm>>) dst(%dma_wait3A_107 : memref<128xf32, #tpu.memory_space<vmem>>)
    %dma_wait3A_113 = arith.constant 3 : i32
    %dma_wait3A_114 = arith.constant 384 : i32
    %dma_wait3A_115 = tpu.memref_slice %arg11[%dma_wait3A_114] : memref<512xf32, #tpu.memory_space<vmem>> -> memref<128xf32, #tpu.memory_space<vmem>>
    %dma_wait3A_116 = arith.constant 0 : i32
    %dma_wait3A_117 = tpu.memref_slice %arg8[%dma_wait3A_113, %dma_wait3A_116] : memref<4x128xi32, #tpu.memory_space<vmem>> -> memref<1x128xi32, #tpu.memory_space<vmem>>
    %dma_wait3A_118 = tpu.memref_squeeze %dma_wait3A_117 : memref<1x128xi32, #tpu.memory_space<vmem>> -> memref<128xi32, #tpu.memory_space<vmem>>
    %dma_wait3A_119 = arith.constant 0 : i32
    %dma_wait3A_120 = tpu.memref_slice %arg5[%dma_wait3A_119] : memref<1000000xf32, #tpu.memory_space<hbm>> -> memref<1000000xf32, #tpu.memory_space<hbm>>
    tpu.wait_indirect_dma semaphore(%arg14 : memref<!tpu.dma_semaphore, #tpu.memory_space<semaphore_mem>>) src(%dma_wait3A_120 : memref<1000000xf32, #tpu.memory_space<hbm>>) dst(%dma_wait3A_115 : memref<128xf32, #tpu.memory_space<vmem>>)
    %dma_wait3A_121 = arith.constant 3 : i32
    %dma_wait3A_122 = arith.constant 384 : i32
    %dma_wait3A_123 = tpu.memref_slice %arg12[%dma_wait3A_122] : memref<512xf32, #tpu.memory_space<vmem>> -> memref<128xf32, #tpu.memory_space<vmem>>
    %dma_wait3A_124 = arith.constant 0 : i32
    %dma_wait3A_125 = tpu.memref_slice %arg9[%dma_wait3A_121, %dma_wait3A_124] : memref<4x128xi32, #tpu.memory_space<vmem>> -> memref<1x128xi32, #tpu.memory_space<vmem>>
    %dma_wait3A_126 = tpu.memref_squeeze %dma_wait3A_125 : memref<1x128xi32, #tpu.memory_space<vmem>> -> memref<128xi32, #tpu.memory_space<vmem>>
    %dma_wait3A_127 = arith.constant 0 : i32
    %dma_wait3A_128 = tpu.memref_slice %arg6[%dma_wait3A_127] : memref<1000000xf32, #tpu.memory_space<hbm>> -> memref<1000000xf32, #tpu.memory_space<hbm>>
    tpu.wait_indirect_dma semaphore(%arg14 : memref<!tpu.dma_semaphore, #tpu.memory_space<semaphore_mem>>) src(%dma_wait3A_128 : memref<1000000xf32, #tpu.memory_space<hbm>>) dst(%dma_wait3A_123 : memref<128xf32, #tpu.memory_space<vmem>>)
    %scan3A = arith.constant 0 : i32
    %scan3A_129 = arith.constant 0 : i32
    %scan3A_130 = arith.constant 32 : i32
    %scan3A_131 = arith.addi %scan3A_129, %scan3A_130 : i32
    %scan3A_132 = arith.constant 1 : i32
    scf.for %scan3A_134 = %scan3A_129 to %scan3A_131 step %scan3A_132  : i32 {
      %mul3A_135 = arith.constant 16 : i32
      %mul3A_136 = arith.muli %scan3A_134, %mul3A_135 : i32
      %get3A = arith.index_cast %mul3A_136 : i32 to index
      %get3A_137 = tpu.vector_load %arg10[%get3A] {strides = array<i32>} : memref<512xf32, #tpu.memory_space<vmem>>, vector<16xf32>,
      %get3A_138 = arith.index_cast %mul3A_136 : i32 to index
      %get3A_139 = tpu.vector_load %arg11[%get3A_138] {strides = array<i32>} : memref<512xf32, #tpu.memory_space<vmem>>, vector<16xf32>,
      %add3A_140 = arith.addf %get3A_137, %get3A_139 : vector<16xf32>
      %get3A_141 = arith.index_cast %mul3A_136 : i32 to index
      %get3A_142 = tpu.vector_load %arg12[%get3A_141] {strides = array<i32>} : memref<512xf32, #tpu.memory_space<vmem>>, vector<16xf32>,
      %add3A_143 = arith.addf %add3A_140, %get3A_142 : vector<16xf32>
      %swap3A = arith.index_cast %mul3A_136 : i32 to index
      %swap3A_144 = tpu.vector_load %arg13[%swap3A] {strides = array<i32>} : memref<512xf32, #tpu.memory_space<vmem>>, vector<16xf32>,
      tpu.vector_store %arg13[%swap3A], %add3A_143 {strides = array<i32>} : memref<512xf32, #tpu.memory_space<vmem>>, vector<16xf32>,
    }
    %scan3A_133 = arith.constant 32 : i32
    "tpu.region"() ({
      %run_scoped3A = tpu.sem_alloc : memref<!tpu.dma_semaphore, #tpu.memory_space<semaphore_mem>>
      %dma_start3A_134 = tpu.memref_slice %arg7[%mul3A_2] : memref<16384xf32, #tpu.memory_space<hbm>> -> memref<512xf32, #tpu.memory_space<hbm>>
      %dma_start3A_135 = tpu.memref_slice %arg7[%mul3A_2] : memref<16384xf32, #tpu.memory_space<hbm>> -> memref<512xf32, #tpu.memory_space<hbm>>
      tpu.enqueue_dma source(%arg13 : memref<512xf32, #tpu.memory_space<vmem>>) target(%dma_start3A_135 : memref<512xf32, #tpu.memory_space<hbm>>) target_semaphore(%run_scoped3A : memref<!tpu.dma_semaphore, #tpu.memory_space<semaphore_mem>>)
      %dma_wait3A_136 = tpu.memref_slice %arg7[%mul3A_2] : memref<16384xf32, #tpu.memory_space<hbm>> -> memref<512xf32, #tpu.memory_space<hbm>>
      %dma_wait3A_137 = tpu.memref_slice %arg7[%mul3A_2] : memref<16384xf32, #tpu.memory_space<hbm>> -> memref<512xf32, #tpu.memory_space<hbm>>
      tpu.wait_dma2 semaphore(%run_scoped3A : memref<!tpu.dma_semaphore, #tpu.memory_space<semaphore_mem>>) src(%arg13 : memref<512xf32, #tpu.memory_space<vmem>>) dst(%dma_wait3A_137 : memref<512xf32, #tpu.memory_space<hbm>>)
      tpu.yield
    }) : () -> ()
    return
  }
}

</mosaic_0001>

<sc_bundles>
// kernel: _mf.4.cloned.1.call-start
scs
__scs_entry_jumppad:
0x0: {  	(pc) =	sbr.rel $0x88, $3  }
0x1: {  	(tag) =	ssettag $0x0;
	lr =	simm.s32 $0x1  }
0x2: {  	[smem:$0x3F9B] =	sst lr;
	_ =	strace $0xD0000000  }
0x3: {  	_ = 	snop  }
0x4: {  	_ = 	snop  }
0x5: {  	_ = 	snop  }
0x6: {  	_ = 	snop  }
0x7: {  	_ = 	snop  }
__scs_overlays_trampoline_lowered:
0x8: {  	[smem:$0x3FAA] =	sst s0  }
0x9: {  	[smem:$0x3FAB] =	sst s1  }
0xa: {  	[smem:$0x3FAC] =	sst s2  }
0xb: {  	[smem:$0x3FAD] =	sst s3  }
0xc: {  	[smem:$0x3FAE] =	sst s4  }
0xd: {  	[smem:$0x3FAF] =	sst s5  }
0xe: {  	[smem:$0x3FB0] =	sst s6  }
0xf: {  	[smem:$0x3FB1] =	sst s7  }
0x10: {  	[smem:$0x3FB2] =	sst s8  }
0x11: {  	[smem:$0x3FB3] =	sst s9;
	s0 =	simm.s32 @!p0 $0x0  }
0x12: {  	s1 =	sld [smem:$0x3F99];
	s0 =	simm.s32 @p0 $0x1  }
0x13: {  	[smem:$0x3FB4] =	sst s0;
	s0 =	simm.s32 @!p1 $0x0  }
0x14: {  	s2 =	sld [smem:$0x3F98];
	s0 =	simm.s32 @p1 $0x1  }
0x15: {  	[smem:$0x3FB5] =	sst s0;
	s0 =	simm.s32 @!p2 $0x0  }
0x16: {  	s3 =	sld [smem:$0x3FDB];
	s0 =	simm.s32 @p2 $0x1  }
0x17: {  	s4 =	simm.s32 $0x1BF5;
	[smem:$0x3FB7] =	sst s0  }
0x18: {  	s0 =	sld [smem:$0x3F9A];
	_ =	swait.ge [sflag:s4], $0x0  }
0x19: {  	s7 =	sld [smem:$0x3F9B]  }
0x1a: {  	s8 =	sadd.s32 $0xFFFFE003, lr  }
0x1b: {  	s9 =	sadd.s32 $0xFFFFFEF7, lr;
	s5 =	simm.s32 $0xFFFFFFFF;
	p2 =	slt.u32 s8, $0xFFFFF086  }
0x1c: {  	p1 =	slt.u32 s9, $0xF7A;
	s5 =	simm.s32 @!p2 $0x0  }
0x1d: {  	s5 =	simm.s32 @p1 $0x1;
	p0 =	seq.s32 s7, s2  }
0x1e: {  	s7 =	smul.u32 @!p0 $0xF7A, s2;
	p2 =	seq.s32 @!p0 s5, $0x0  }
0x1f: {  	s9 =	smul.u32 $0xF7A, s1;
	s8 =	simm.s32 @!p0 $0x1BF5;
	p2 =	por !p2, p0  }
0x20: {  	[sflag:s8] =	ssyncset.s32 @!p0 $0xFFFFF086;
	s6 =	sadd.s32 @!p0 s3, s7;
	s7 =	simm.s32 @!p0 $0x108  }
0x21: {  	s3 =	sadd.s32 s3, s9;
	s6 =	sadd.s32 @!p0 $0x88, s6;
	s7 =	simm.s32 @p2 $0x1082  }
0x22: {  	[simem:s7], [sflag:s8] =	dma.local @!p0 [hbm:s6], $0xF7A  }
0x23: {  	s9 =	sor.u32 $0xD0000000, s2;
	s6 =	simm.s32 $0x108;
	_ =	swait.ge @!p0 [sflag:s8], $0x0  }
0x24: {  	s3 =	sadd.s32 $0x88, s3;
	s6 =	simm.s32 @!p1 $0x1082;
	[sflag:s4] =	ssyncset.s32 $0xFFFFF086  }
0x25: {  	[simem:s6], [sflag:s4] =	dma.local [hbm:s3], $0xF7A  }
0x26: {  	[smem:$0x3F9B] =	sst s1;
	(tag) =	ssettag s2;
	_ =	strace s9  }
0x27: {  	s1 =	sld [smem:$0x3FAB]  }
0x28: {  	s2 =	sld [smem:$0x3FAC]  }
0x29: {  	s4 =	sld [smem:$0x3FAE]  }
0x2a: {  	p0 =	seq.s32 s5, $0x0;
	s5 =	sld [smem:$0x3FAF]  }
0x2b: {  	s6 =	sld [smem:$0x3FB0]  }
0x2c: {  	s7 =	sld [smem:$0x3FB1]  }
0x2d: {  	s3 =	simm.s32 $0x108;
	s8 =	sld [smem:$0x3FB2]  }
0x2e: {  	s3 =	simm.s32 @!p0 $0x1082;
	s9 =	sld [smem:$0x3FB3]  }
0x2f: {  	lr =	sadd.s32 s0, s3;
	s0 =	sld [smem:$0x3FAA]  }
0x30: {  	s3 =	sld [smem:$0x3FAD]  }
0x31: {  	[smem:$0x3FB6] =	sst s10  }
0x32: {  	s10 =	sld [smem:$0x3FB4];
	_ =	sdelay $0x3  }
0x33: {  	p0 =	seq.s32 s10, $0x1;
	s10 =	sld [smem:$0x3FB6];
	_ =	sdelay $0x3  }
0x34: {  	[smem:$0x3FB6] =	sst s10  }
0x35: {  	s10 =	sld [smem:$0x3FB5];
	_ =	sdelay $0x3  }
0x36: {  	p1 =	seq.s32 s10, $0x1;
	s10 =	sld [smem:$0x3FB6];
	_ =	sdelay $0x3  }
0x37: {  	[smem:$0x3FB6] =	sst s10  }
0x38: {  	s10 =	sld [smem:$0x3FB7]  }
0x39: {  	_ = 	snop;
	(pc) =	sbr.ind lr, $3  }
0x3a: {  	_ = 	snop  }
0x3b: {  	_ = 	snop  }
0x3c: {  	p2 =	seq.s32 s10, $0x1;
	s10 =	sld [smem:$0x3FB6]  }
0x3d: {  	_ =	shalt  }
0x3e: {  	_ =	shalt  }
0x3f: {  	_ =	shalt  }
0x40: {  	_ =	shalt  }
0x41: {  	_ =	shalt  }
0x42: {  	_ =	shalt  }
0x43: {  	_ =	shalt  }
0x44: {  	_ =	shalt  }
0x45: {  	_ =	shalt  }
0x46: {  	_ =	shalt  }
0x47: {  	_ =	shalt  }
0x48: {  	_ =	shalt  }
0x49: {  	_ =	shalt  }
0x4a: {  	_ =	shalt  }
0x4b: {  	_ =	shalt  }
0x4c: {  	_ =	shalt  }
0x4d: {  	_ =	shalt  }
0x4e: {  	_ =	shalt  }
0x4f: {  	_ =	shalt  }
0x50: {  	_ =	shalt  }
0x51: {  	_ =	shalt  }
0x52: {  	_ =	shalt  }
0x53: {  	_ =	shalt  }
0x54: {  	_ =	shalt  }
0x55: {  	_ =	shalt  }
0x56: {  	_ =	shalt  }
0x57: {  	_ =	shalt  }
0x58: {  	_ =	shalt  }
0x59: {  	_ =	shalt  }
0x5a: {  	_ =	shalt  }
0x5b: {  	_ =	shalt  }
0x5c: {  	_ =	shalt  }
0x5d: {  	_ =	shalt  }
0x5e: {  	_ =	shalt  }
0x5f: {  	_ =	shalt  }
0x60: {  	_ =	shalt  }
0x61: {  	_ =	shalt  }
0x62: {  	_ =	shalt  }
0x63: {  	_ =	shalt  }
0x64: {  	_ =	shalt  }
0x65: {  	_ =	shalt  }
0x66: {  	_ =	shalt  }
0x67: {  	_ =	shalt  }
0x68: {  	_ =	shalt  }
0x69: {  	_ =	shalt  }
0x6a: {  	_ =	shalt  }
0x6b: {  	_ =	shalt  }
0x6c: {  	_ =	shalt  }
0x6d: {  	_ =	shalt  }
0x6e: {  	_ =	shalt  }
0x6f: {  	_ =	shalt  }
0x70: {  	_ =	shalt  }
0x71: {  	_ =	shalt  }
0x72: {  	_ =	shalt  }
0x73: {  	_ =	shalt  }
0x74: {  	_ =	shalt  }
0x75: {  	_ =	shalt  }
0x76: {  	_ =	shalt  }
0x77: {  	_ =	shalt  }
0x78: {  	_ =	shalt  }
0x79: {  	_ =	shalt  }
0x7a: {  	_ =	shalt  }
0x7b: {  	_ =	shalt  }
0x7c: {  	_ =	shalt  }
0x7d: {  	_ =	shalt  }
0x7e: {  	_ =	shalt  }
0x7f: {  	_ =	shalt  }
0x80: {  	_ =	shalt  }
0x81: {  	_ =	shalt  }
0x82: {  	_ =	shalt  }
0x83: {  	_ =	shalt  }
0x84: {  	_ =	shalt  }
0x85: {  	_ =	shalt  }
0x86: {  	_ =	shalt  }
0x87: {  	_ =	shalt  }
.Lfunc_end0:
.L_simem_size_0:
called_computation_lowered:
.L_overlay_start_0:
0x88: {  	s2 =	sld [smem:$0x3FD9]  }
0x89: {  	s3 =	sld [smem:$0x3FFE];
	_ =	sdelay $0x1  }
0x8a: {  	s1 =	srdreg.scid  }
0x8b: {  	s0 =	sand.u32 $0x1, s1  }
0x8c: {  	s17 =	sshll.u32 s0, $0xA;
	s2 =	sadd.s32 s3, s2  }
0x8d: {  	s2 =	sadd.s32 s2, s17  }
0x8e: {  	[smem:$0x3FC2] =	sst s2  }
0x8f: {  	_ = 	snop  }
0x90: {  	s2 =	sld [smem:$0x3FC9]  }
0x91: {  	s18 =	sld [smem:$0x3FC8]  }
0x92: {  	s4 =	sld [smem:$0x3FC7]  }
0x93: {  	s5 =	sld [smem:$0x3FC6];
	(tm) =	ssettm $0x1  }
0x94: {  	s6 =	sld [smem:$0x3FFB];
	_ =	sdelay $0x3  }
0x95: {  	_ =	strace s6  }
0x96: {  	s6 =	sld [smem:$0x3FFC];
	_ =	sdelay $0x3  }
0x97: {  	_ =	strace s6  }
0x98: {  	s6 =	sld [smem:$0x3FFD];
	_ =	sdelay $0x3  }
0x99: {  	_ =	strace s6  }
0x9a: {  	_ =	strace $0x8FFFFFFF  }
0x9b: {  	s19 =	sld [smem:$0x3FDB];
	_ =	sdelay $0x1  }
0x9c: {  	s7 =	simm.s32 $_scs_section_size  }
0x9d: {  	s8 =	simm.s32 $_size__tile_overlayer_lowered;
	s9 =	simm.s32 $_tile_overlayer_lowered  }
0x9e: {  	s22 =	simm.s32 $0x1BFF;
	s21 =	sshll.u32 s9, $0x1;
	s6 =	sadd.s32 s7, s19  }
0x9f: {  	s10 =	simm.s32 $0x0;
	s20 =	sshll.u32 s8, $0x1;
	s8 =	sadd.s32 s21, s6  }
0xa0: {  	[timem:s10], [sflag:s22] =	dma.local [hbm:s8], s20  }
0xa1: {  	_ =	swait.ge [sflag:s22], s20  }
0xa2: {  	s7 =	ssub.s32 $0x0, s20;
	[sflag:s22] =	ssyncset.done $0x0  }
0xa3: {  	[sflag:s22] =	ssyncadd.s32 s7;
	_ =	sdelay $0x1  }
0xa4: {  	s23 =	simm.s32 $0x1B8B  }
0xa5: {  	_ =	swait.ge [sflag:s23], $0x1  }
0xa6: {  	[sflag:s23] =	ssyncset.done $0x0  }
0xa7: {  	s25 =	simm.s32 $0x1B8E;
	s24 =	sld [smem:$0x3FFE];
	[sflag:s23] =	ssyncadd.s32 $0xFFFFFFFF  }
0xa8: {  	s26 =	simm.s32 $execute0_lowered;
	[smem:$0x3FD2] =	sst s25  }
0xa9: {  	s8 =	sshll.u32 s26, $0x1;
	_ =	strace $0x80000046;
	[dreg:$0x1] =	wrdreg $0xFFFFFFFF  }
0xaa: {  	s28 =	simm.s32 $_size_execute0_lowered;
	s6 =	sadd.s32 s6, s8;
	[dreg:$0x0] =	wrdreg $0x0  }
0xab: {  	s8 =	sshll.u32 s28, $0x1;
	[dreg:$0x2] =	wrdreg s6  }
0xac: {  	[dreg:$0x3] =	wrdreg s8  }
0xad: {  	[dreg:$0x4] =	wrdreg $0xC0  }
0xae: {  	_ =	task [dreg:s10], $0x5FFFF  }
0xaf: {  	[dreg:$0x1] =	wrdreg $0xFFFFFFFF  }
0xb0: {  	[dreg:$0x0] =	wrdreg $0x60  }
0xb1: {  	[dreg:$0x2] =	wrdreg s2  }
0xb2: {  	[dreg:$0x3] =	wrdreg s18  }
0xb3: {  	[dreg:$0x4] =	wrdreg s4  }
0xb4: {  	[dreg:$0x5] =	wrdreg s5  }
0xb5: {  	[dreg:$0x6] =	wrdreg s24  }
0xb6: {  	[dreg:$0x7] =	wrdreg $0x9  }
0xb7: {  	_ =	task.clear_ibuf [dreg:s10], $0x8FFFF;
	_ =	strace $0x90000046  }
0xb8: {  	s29 =	simm.s32 $0x9;
	_ =	strace $0x80000048  }
0xb9: {  	_ =	swait.ge [sflag:s29], $0x1  }
0xba: {  	[sflag:s29] =	ssyncadd.s32 $0xFFFFFFFF  }
0xbb: {  	_ =	strace $0x90000048  }
0xbc: {  	_ =	sfence  }
0xbd: {  	s30 =	sld [smem:$0x0];
	_ =	sdelay $0x2  }
0xbe: {  	s31 =	sshll.u32 s1, $0xD;
	s1 =	sshrl.u32 s1, $0x2  }
0xbf: {  	s3 =	sand.u32 $0x4000, s31;
	s1 =	sadd.s32 s1, s30  }
0xc0: {  	s0 =	sor.u32 s3, s0;
	s1 =	sshll.u32 s1, $0x11  }
0xc1: {  	s0 =	sor.u32 s1, s0  }
0xc2: {  	s0 =	sadd.s32 $0x8F2B, s0  }
0xc3: {  	[sflag:s0] =	ssyncadd.remote.s32 $0x1  }
0xc4: {  	_ =	sfence.sel $0xFFFF  }
0xc5: {  	[dreg:$0x0] =	wrdreg $0xFFFFFFFF;
	(pc) =	sbr.abs _section_cstart, $3  }
0xc6: {  	[dreg:$0x1] =	wrdreg $0xFFFFFFFF  }
0xc7: {  	_ =	task.clear_ibuf [dreg:s10], $0x2FFFF;
	_ =	strace $0x9FFFFFFF  }
0xc8: {  	(tm) =	ssettm $0x7FFFFFFF  }
0xc9: {  	_ =	shalt  }
tec
execute0_lowered:
.L_overlay_start_1:
0x0: {  	(tag) =	ssettag $0x1  }
0x1: {  	s0 =	rddreg [dreg:$0x0]  }
0x2: {  	s3 =	rddreg [dreg:$0x1]  }
0x3: {  	s12 =	rddreg [dreg:$0x2]  }
0x4: {  	s2 =	rddreg [dreg:$0x3]  }
0x5: {  	s4 =	rddreg [dreg:$0x4]  }
0x6: {  	s5 =	srdreg.scid;
	s8 =	simm.s32 $0x0;
	s6 =	stileid.u32  }
0x7: {  	s10 =	simm.s32 $0x7A1400;
	s11 =	simm.s32 $0x400;
	s23 =	simm.s32 $0x8400  }
0x8: {  	s28 =	simm.s32 $0x1;
	s29 =	simm.s32 $0x2;
	s5 =	sand.u32 $0x1, s5  }
0x9: {  	s30 =	simm.s32 $0x10400;
	s6 =	sshll.u32 s6, $0x7;
	s7 =	sshll.u32 s5, $0x6  }
0xa: {  	[smem:$0x7FF] =	sst s8;
	s5 =	ssub.s32 $0x2, s5;
	s6 =	sor.u32 s7, s6  }
0xb: {  	_ =	strace $0x80000047;
	s24 =	sshrl.u32 s5, $0x1;
	s0 =	sadd.s32 s0, s6  }
0xc: {  	v2 =	vlaneseq.u32;
	s4 =	sadd.s32 s6, s4;
	s25 =	sadd.s32 s3, s6;
	[dreg:$0x6] =	wrdreg s0  }
0xd: {  	v0 =	vmul.u32 $0x80, v2;
	s5 =	ssub.s32 s5, s24;
	[dreg:$0x7] =	wrdreg s25;
	s26 =	sadd.s32 $0x800, s4  }
0xe: {  	s3 =	simm.s32 $0x0;
	s31 =	smax.u32 s5, $0x1;
	[dreg:$0x8] =	wrdreg s26  }
0xf: {  	v2 =	vmul.u32 $0x10, v2;
	v1 =	vor.u32 $0x800, v0;
	s4 =	simm.s32 $0x3;
	[dreg:$0x9] =	wrdreg s31;
	s26 =	simm.s32 $0x7400  }
.LBB2_1:
0x10: {  	[dreg:$0xa] =	wrdreg s3  }
0x11: {  	s0 =	rddreg [dreg:$0x6]  }
0x12: {  	[tilespmem:s8], [sflag:$0x3] =	stream.linear.gather [hbm4b:s0+s8], $0x200, $0x38;
	[tilespmem:$0x12600] =	vst v63  }
0x13: {  	_ =	swait.ge [sflag:s4], $0x200  }
0x14: {  	[sflag:s4] =	ssyncset.done $0x0  }
0x15: {  	s3 =	simm.s32 $0x200;
	s25 =	rddreg [dreg:$0x7];
	[sflag:s4] =	ssyncadd.s32 $0xFFFFFE00  }
0x16: {  	[tilespmem:s3], [sflag:$0x3] =	stream.linear.gather [hbm4b:s25+s8], $0x200, $0x38;
	[tilespmem:$0x12600] =	vst v63  }
0x17: {  	_ =	swait.ge [sflag:s4], $0x200  }
0x18: {  	[sflag:s4] =	ssyncset.done $0x0  }
0x19: {  	v5 =	vimm.s32 $0x0;
	s31 =	simm.s32 $0x0;
	s5 =	simm.s32 $0x0;
	v6 =	vimm.s32 $0x0;
	[sflag:s4] =	ssyncadd.s32 $0xFFFFFE00  }
.LBB2_2:
0x1a: {  	v3 =	vld [tilespmem:s31+$0x0]  }
0x1b: {  	v4 =	vld [tilespmem:s3+$0x0];
	_ =	sdelay $0x3  }
0x1c: {  	(v2sf) =	vpush v3, $0x0  }
0x1d: {  	(v2sf) =	vpush v4, $0x0;
	_ =	sdelay $0x3  }
0x1e: {  	p0 =	seq.s32 s5, $0x0  }
0x1f: {  	(v2sf) =	vpush @!p0 v6, $0x9  }
0x20: {  	(v2sf) =	vpush @!p0 v5, $0x9;
	_ =	sdelay $0x7  }
0x21: {  	s6 =	spop (v2sf)  }
0x22: {  	s0 =	sand.u32 $0xFFFFF80, s6;
	s7 =	spop (v2sf)  }
0x23: {  	s0 =	sadd.s32 s12, s0;
	s18 =	sand.u32 $0xFFFFF80, s7  }
0x24: {  	[tilespmem:s11], [sflag:$0x1] =	stream.strided.gather [hbm4b:s0+s11], $0x1000, s10, s11, $0x38;
	[tilespmem:$0x12600] =	vst v63  }
0x25: {  	s0 =	sadd.s32 s2, s18  }
0x26: {  	[tilespmem:s23], [sflag:$0x2] =	stream.strided.gather [hbm4b:s0+s11], $0x1000, s10, s11, $0x38;
	[tilespmem:$0x12600] =	vst v63  }
0x27: {  	s0 =	spop @!p0 (v2sf)  }
0x28: {  	s22 =	simm.s32 @!p0 $0x1;
	s4 =	spop @!p0 (v2sf)  }
0x29: {  	_ =	swait.ge @!p0 [sflag:s22], $0x1000  }
0x2a: {  	v7 =	vlaneseq.u32 @!p0;
	[sflag:s22] =	ssyncset.done @!p0 $0x0  }
0x2b: {  	s21 =	simm.s32 @!p0 $0x2;
	v7 =	vmul.u32 @!p0 $0x80, v7;
	[sflag:s22] =	ssyncadd.s32 @!p0 $0xFFFFF000  }
0x2c: {  	s0 =	sand.u32 @!p0 $0x7F, s0;
	_ =	swait.ge @!p0 [sflag:s21], $0x1000  }
0x2d: {  	s4 =	sand.u32 @!p0 $0x7F, s4;
	v9 =	vor.u32 @!p0 s0, v7;
	(v2sf) =	vpush v3, $0x1  }
0x2e: {  	v8 =	vor.u32 @!p0 $0x800, v7;
	v10 =	vor.u32 @!p0 s4, v7;
	(v2sf) =	vpush v4, $0x1  }
0x2f: {  	v11 =	vor.u32 @!p0 s0, v8  }
0x30: {  	v12 =	vor.u32 @!p0 s4, v8;
	[sflag:s21] =	ssyncset.done @!p0 $0x0  }
0x31: {  	s0 =	simm.s32 @!p0 $0x1400;
	[sflag:s21] =	ssyncadd.s32 @!p0 $0xFFFFF000  }
0x32: {  	s4 =	simm.s32 @!p0 $0x9400;
	v9 =	vld.idx.msk @!p0 [tilespmem:v9+s0+$0x0], $0xffff  }
0x33: {  	v10 =	vld.idx.msk @!p0 [tilespmem:v10+s4+$0x0], $0xffff;
	(v2sf) =	vpush @!p0 v6, $0xA  }
0x34: {  	v11 =	vld.idx.msk @!p0 [tilespmem:v11+s0+$0x0], $0xffff;
	(v2sf) =	vpush @!p0 v5, $0xA  }
0x35: {  	v12 =	vld.idx.msk @!p0 [tilespmem:v12+s4+$0x0], $0xffff;
	_ =	sdelay $0x2  }
0x36: {  	v9 =	vmul.f32 @!p0 v10, v9;
	_ =	sdelay $0x1  }
0x37: {  	v10 =	vmul.f32 @!p0 v12, v11;
	v9 =	vadd.f32 @!p0 $0.0e+00, v9;
	_ =	sdelay $0x1  }
0x38: {  	v9 =	vadd.f32 @!p0 v10, v9;
	s8 =	spop (v2sf)  }
0x39: {  	s23 =	sshra.s32 @!p0 s5, $0x2;
	s19 =	sand.u32 $0xFFFFF80, s8;
	s4 =	spop (v2sf)  }
0x3a: {  	s1 =	simm.s32 $0x1400;
	[tilespmem:s23+$0x10390] =	vst @!p0 v9;
	s0 =	sadd.s32 s12, s19;
	s20 =	sand.u32 $0xFFFFF80, s4  }
0x3b: {  	[tilespmem:s1], [sflag:$0x1] =	stream.strided.gather [hbm4b:s0+s11], $0x1000, s10, s11, $0x38;
	[tilespmem:$0x12600] =	vst v63  }
0x3c: {  	s24 =	simm.s32 $0x9400;
	s0 =	sadd.s32 s2, s20  }
0x3d: {  	[tilespmem:s24], [sflag:$0x2] =	stream.strided.gather [hbm4b:s0+s11], $0x1000, s10, s11, $0x38;
	[tilespmem:$0x12600] =	vst v63  }
0x3e: {  	s0 =	spop @!p0 (v2sf)  }
0x3f: {  	s9 =	spop @!p0 (v2sf)  }
0x40: {  	_ =	swait.ge @!p0 [sflag:s22], $0x1000  }
0x41: {  	[sflag:s22] =	ssyncset.done @!p0 $0x0  }
0x42: {  	[sflag:s22] =	ssyncadd.s32 @!p0 $0xFFFFF000  }
0x43: {  	s0 =	sand.u32 @!p0 $0x7F, s0;
	_ =	swait.ge @!p0 [sflag:s21], $0x1000  }
0x44: {  	s9 =	sand.u32 @!p0 $0x7F, s9;
	v9 =	vor.u32 @!p0 s0, v7;
	(v2sf) =	vpush v3, $0x2  }
0x45: {  	v10 =	vor.u32 @!p0 s9, v7;
	(v2sf) =	vpush v4, $0x2  }
0x46: {  	v11 =	vor.u32 @!p0 s0, v8  }
0x47: {  	v12 =	vor.u32 @!p0 s9, v8;
	[sflag:s21] =	ssyncset.done @!p0 $0x0  }
0x48: {  	s0 =	simm.s32 @!p0 $0x2400;
	[sflag:s21] =	ssyncadd.s32 @!p0 $0xFFFFF000  }
0x49: {  	s9 =	simm.s32 @!p0 $0xA400;
	v9 =	vld.idx.msk @!p0 [tilespmem:v9+s0+$0x0], $0xffff  }
0x4a: {  	v10 =	vld.idx.msk @!p0 [tilespmem:v10+s9+$0x0], $0xffff;
	(v2sf) =	vpush @!p0 v6, $0xB  }
0x4b: {  	v11 =	vld.idx.msk @!p0 [tilespmem:v11+s0+$0x0], $0xffff;
	(v2sf) =	vpush @!p0 v5, $0xB  }
0x4c: {  	v12 =	vld.idx.msk @!p0 [tilespmem:v12+s9+$0x0], $0xffff;
	_ =	sdelay $0x2  }
0x4d: {  	v9 =	vmul.f32 @!p0 v10, v9;
	_ =	sdelay $0x1  }
0x4e: {  	v10 =	vmul.f32 @!p0 v12, v11;
	v9 =	vadd.f32 @!p0 $0.0e+00, v9;
	_ =	sdelay $0x1  }
0x4f: {  	v9 =	vadd.f32 @!p0 v10, v9;
	s9 =	spop (v2sf)  }
0x50: {  	s13 =	sand.u32 $0xFFFFF80, s9;
	s1 =	spop (v2sf)  }
0x51: {  	s25 =	simm.s32 $0x2400;
	[tilespmem:s23+$0x103A0] =	vst @!p0 v9;
	s13 =	sadd.s32 s12, s13;
	s14 =	sand.u32 $0xFFFFF80, s1  }
0x52: {  	[tilespmem:s25], [sflag:$0x1] =	stream.strided.gather [hbm4b:s13+s11], $0x1000, s10, s11, $0x38;
	[tilespmem:$0x12600] =	vst v63  }
0x53: {  	s15 =	simm.s32 $0xA400;
	s13 =	sadd.s32 s2, s14  }
0x54: {  	[tilespmem:s15], [sflag:$0x2] =	stream.strided.gather [hbm4b:s13+s11], $0x1000, s10, s11, $0x38;
	[tilespmem:$0x12600] =	vst v63  }
0x55: {  	s13 =	spop @!p0 (v2sf)  }
0x56: {  	s14 =	spop @!p0 (v2sf)  }
0x57: {  	_ =	swait.ge @!p0 [sflag:s22], $0x1000  }
0x58: {  	[sflag:s22] =	ssyncset.done @!p0 $0x0  }
0x59: {  	[sflag:s22] =	ssyncadd.s32 @!p0 $0xFFFFF000  }
0x5a: {  	s13 =	sand.u32 @!p0 $0x7F, s13;
	_ =	swait.ge @!p0 [sflag:s21], $0x1000  }
0x5b: {  	s14 =	sand.u32 @!p0 $0x7F, s14;
	v9 =	vor.u32 @!p0 s13, v7;
	(v2sf) =	vpush v3, $0x3  }
0x5c: {  	v10 =	vor.u32 @!p0 s14, v7;
	(v2sf) =	vpush v4, $0x3  }
0x5d: {  	v11 =	vor.u32 @!p0 s13, v8  }
0x5e: {  	v12 =	vor.u32 @!p0 s14, v8;
	[sflag:s21] =	ssyncset.done @!p0 $0x0  }
0x5f: {  	s13 =	simm.s32 @!p0 $0x3400;
	[sflag:s21] =	ssyncadd.s32 @!p0 $0xFFFFF000  }
0x60: {  	s14 =	simm.s32 @!p0 $0xB400;
	v9 =	vld.idx.msk @!p0 [tilespmem:v9+s13+$0x0], $0xffff  }
0x61: {  	v10 =	vld.idx.msk @!p0 [tilespmem:v10+s14+$0x0], $0xffff;
	(v2sf) =	vpush @!p0 v6, $0xC  }
0x62: {  	v11 =	vld.idx.msk @!p0 [tilespmem:v11+s13+$0x0], $0xffff;
	(v2sf) =	vpush @!p0 v5, $0xC  }
0x63: {  	v12 =	vld.idx.msk @!p0 [tilespmem:v12+s14+$0x0], $0xffff;
	_ =	sdelay $0x2  }
0x64: {  	v9 =	vmul.f32 @!p0 v10, v9;
	_ =	sdelay $0x1  }
0x65: {  	v10 =	vmul.f32 @!p0 v12, v11;
	v9 =	vadd.f32 @!p0 $0.0e+00, v9;
	_ =	sdelay $0x1  }
0x66: {  	v9 =	vadd.f32 @!p0 v10, v9;
	s13 =	spop (v2sf)  }
0x67: {  	s15 =	sand.u32 $0xFFFFF80, s13;
	s14 =	spop (v2sf)  }
0x68: {  	s16 =	simm.s32 $0x3400;
	[tilespmem:s23+$0x103B0] =	vst @!p0 v9;
	s15 =	sadd.s32 s12, s15;
	s17 =	sand.u32 $0xFFFFF80, s14  }
0x69: {  	[tilespmem:s16], [sflag:$0x1] =	stream.strided.gather [hbm4b:s15+s11], $0x1000, s10, s11, $0x38;
	[tilespmem:$0x12600] =	vst v63  }
0x6a: {  	s18 =	simm.s32 $0xB400;
	s15 =	sadd.s32 s2, s17  }
0x6b: {  	[tilespmem:s18], [sflag:$0x2] =	stream.strided.gather [hbm4b:s15+s11], $0x1000, s10, s11, $0x38;
	[tilespmem:$0x12600] =	vst v63  }
0x6c: {  	s15 =	spop @!p0 (v2sf)  }
0x6d: {  	s16 =	spop @!p0 (v2sf)  }
0x6e: {  	_ =	swait.ge @!p0 [sflag:s22], $0x1000  }
0x6f: {  	[sflag:s22] =	ssyncset.done @!p0 $0x0  }
0x70: {  	[sflag:s22] =	ssyncadd.s32 @!p0 $0xFFFFF000  }
0x71: {  	s15 =	sand.u32 @!p0 $0x7F, s15;
	_ =	swait.ge @!p0 [sflag:s21], $0x1000  }
0x72: {  	s16 =	sand.u32 @!p0 $0x7F, s16;
	v9 =	vor.u32 @!p0 s15, v7;
	(v2sf) =	vpush v3, $0x4  }
0x73: {  	v10 =	vor.u32 @!p0 s16, v7;
	(v2sf) =	vpush v4, $0x4  }
0x74: {  	v11 =	vor.u32 @!p0 s15, v8  }
0x75: {  	v12 =	vor.u32 @!p0 s16, v8;
	[sflag:s21] =	ssyncset.done @!p0 $0x0  }
0x76: {  	s15 =	simm.s32 @!p0 $0x4400;
	[sflag:s21] =	ssyncadd.s32 @!p0 $0xFFFFF000  }
0x77: {  	s16 =	simm.s32 @!p0 $0xC400;
	v9 =	vld.idx.msk @!p0 [tilespmem:v9+s15+$0x0], $0xffff  }
0x78: {  	v10 =	vld.idx.msk @!p0 [tilespmem:v10+s16+$0x0], $0xffff;
	(v2sf) =	vpush @!p0 v6, $0xD  }
0x79: {  	v11 =	vld.idx.msk @!p0 [tilespmem:v11+s15+$0x0], $0xffff;
	(v2sf) =	vpush @!p0 v5, $0xD  }
0x7a: {  	v12 =	vld.idx.msk @!p0 [tilespmem:v12+s16+$0x0], $0xffff;
	_ =	sdelay $0x2  }
0x7b: {  	v9 =	vmul.f32 @!p0 v10, v9;
	_ =	sdelay $0x1  }
0x7c: {  	v10 =	vmul.f32 @!p0 v12, v11;
	v9 =	vadd.f32 @!p0 $0.0e+00, v9;
	_ =	sdelay $0x1  }
0x7d: {  	v9 =	vadd.f32 @!p0 v10, v9;
	s15 =	spop (v2sf)  }
0x7e: {  	s17 =	sand.u32 $0xFFFFF80, s15;
	s16 =	spop (v2sf)  }
0x7f: {  	s19 =	simm.s32 $0x4400;
	[tilespmem:s23+$0x103C0] =	vst @!p0 v9;
	s17 =	sadd.s32 s12, s17;
	s20 =	sand.u32 $0xFFFFF80, s16  }
0x80: {  	[tilespmem:s19], [sflag:$0x1] =	stream.strided.gather [hbm4b:s17+s11], $0x1000, s10, s11, $0x38;
	[tilespmem:$0x12600] =	vst v63  }
0x81: {  	s24 =	simm.s32 $0xC400;
	s17 =	sadd.s32 s2, s20  }
0x82: {  	[tilespmem:s24], [sflag:$0x2] =	stream.strided.gather [hbm4b:s17+s11], $0x1000, s10, s11, $0x38;
	[tilespmem:$0x12600] =	vst v63  }
0x83: {  	s17 =	spop @!p0 (v2sf)  }
0x84: {  	s18 =	spop @!p0 (v2sf)  }
0x85: {  	_ =	swait.ge @!p0 [sflag:s22], $0x1000  }
0x86: {  	[sflag:s22] =	ssyncset.done @!p0 $0x0  }
0x87: {  	[sflag:s22] =	ssyncadd.s32 @!p0 $0xFFFFF000  }
0x88: {  	s17 =	sand.u32 @!p0 $0x7F, s17;
	_ =	swait.ge @!p0 [sflag:s21], $0x1000  }
0x89: {  	s18 =	sand.u32 @!p0 $0x7F, s18;
	v9 =	vor.u32 @!p0 s17, v7;
	(v2sf) =	vpush v3, $0x5  }
0x8a: {  	v10 =	vor.u32 @!p0 s18, v7;
	(v2sf) =	vpush v4, $0x5  }
0x8b: {  	v11 =	vor.u32 @!p0 s17, v8  }
0x8c: {  	v12 =	vor.u32 @!p0 s18, v8;
	[sflag:s21] =	ssyncset.done @!p0 $0x0  }
0x8d: {  	s17 =	simm.s32 @!p0 $0x5400;
	[sflag:s21] =	ssyncadd.s32 @!p0 $0xFFFFF000  }
0x8e: {  	s18 =	simm.s32 @!p0 $0xD400;
	v9 =	vld.idx.msk @!p0 [tilespmem:v9+s17+$0x0], $0xffff  }
0x8f: {  	v10 =	vld.idx.msk @!p0 [tilespmem:v10+s18+$0x0], $0xffff;
	(v2sf) =	vpush @!p0 v6, $0xE  }
0x90: {  	v11 =	vld.idx.msk @!p0 [tilespmem:v11+s17+$0x0], $0xffff;
	(v2sf) =	vpush @!p0 v5, $0xE  }
0x91: {  	v12 =	vld.idx.msk @!p0 [tilespmem:v12+s18+$0x0], $0xffff;
	_ =	sdelay $0x2  }
0x92: {  	v9 =	vmul.f32 @!p0 v10, v9;
	_ =	sdelay $0x1  }
0x93: {  	v10 =	vmul.f32 @!p0 v12, v11;
	v9 =	vadd.f32 @!p0 $0.0e+00, v9;
	_ =	sdelay $0x1  }
0x94: {  	v9 =	vadd.f32 @!p0 v10, v9;
	s17 =	spop (v2sf)  }
0x95: {  	s19 =	sand.u32 $0xFFFFF80, s17;
	s18 =	spop (v2sf)  }
0x96: {  	s25 =	simm.s32 $0x5400;
	[tilespmem:s23+$0x103D0] =	vst @!p0 v9;
	s19 =	sadd.s32 s12, s19;
	s20 =	sand.u32 $0xFFFFF80, s18  }
0x97: {  	[tilespmem:s25], [sflag:$0x1] =	stream.strided.gather [hbm4b:s19+s11], $0x1000, s10, s11, $0x38;
	[tilespmem:$0x12600] =	vst v63  }
0x98: {  	s24 =	simm.s32 $0xD400;
	s19 =	sadd.s32 s2, s20  }
0x99: {  	[tilespmem:s24], [sflag:$0x2] =	stream.strided.gather [hbm4b:s19+s11], $0x1000, s10, s11, $0x38;
	[tilespmem:$0x12600] =	vst v63  }
0x9a: {  	s19 =	spop @!p0 (v2sf)  }
0x9b: {  	s20 =	spop @!p0 (v2sf)  }
0x9c: {  	_ =	swait.ge @!p0 [sflag:s22], $0x1000  }
0x9d: {  	[sflag:s22] =	ssyncset.done @!p0 $0x0  }
0x9e: {  	[sflag:s22] =	ssyncadd.s32 @!p0 $0xFFFFF000  }
0x9f: {  	s19 =	sand.u32 @!p0 $0x7F, s19;
	_ =	swait.ge @!p0 [sflag:s21], $0x1000  }
0xa0: {  	s20 =	sand.u32 @!p0 $0x7F, s20;
	v9 =	vor.u32 @!p0 s19, v7;
	(v2sf) =	vpush v3, $0x6  }
0xa1: {  	v10 =	vor.u32 @!p0 s20, v7;
	(v2sf) =	vpush v4, $0x6  }
0xa2: {  	v11 =	vor.u32 @!p0 s19, v8  }
0xa3: {  	v12 =	vor.u32 @!p0 s20, v8;
	[sflag:s21] =	ssyncset.done @!p0 $0x0  }
0xa4: {  	s19 =	simm.s32 @!p0 $0x6400;
	[sflag:s21] =	ssyncadd.s32 @!p0 $0xFFFFF000  }
0xa5: {  	s20 =	simm.s32 @!p0 $0xE400;
	v9 =	vld.idx.msk @!p0 [tilespmem:v9+s19+$0x0], $0xffff  }
0xa6: {  	v10 =	vld.idx.msk @!p0 [tilespmem:v10+s20+$0x0], $0xffff;
	(v2sf) =	vpush @!p0 v6, $0xF  }
0xa7: {  	v6 =	vld.idx.msk @!p0 [tilespmem:v11+s19+$0x0], $0xffff;
	(v2sf) =	vpush @!p0 v5, $0xF  }
0xa8: {  	v11 =	vld.idx.msk @!p0 [tilespmem:v12+s20+$0x0], $0xffff;
	_ =	sdelay $0x2  }
0xa9: {  	v5 =	vmul.f32 @!p0 v10, v9;
	_ =	sdelay $0x1  }
0xaa: {  	v6 =	vmul.f32 @!p0 v11, v6;
	v5 =	vadd.f32 @!p0 $0.0e+00, v5;
	_ =	sdelay $0x1  }
0xab: {  	v5 =	vadd.f32 @!p0 v6, v5;
	s19 =	spop (v2sf)  }
0xac: {  	s24 =	sand.u32 $0xFFFFF80, s19;
	s20 =	spop (v2sf)  }
0xad: {  	s25 =	simm.s32 $0x6400;
	[tilespmem:s23+$0x103E0] =	vst @!p0 v5;
	s24 =	sadd.s32 s12, s24;
	s0 =	sand.u32 $0xFFFFF80, s20  }
0xae: {  	[tilespmem:s25], [sflag:$0x1] =	stream.strided.gather [hbm4b:s24+s11], $0x1000, s10, s11, $0x38;
	[tilespmem:$0x12600] =	vst v63  }
0xaf: {  	s24 =	sadd.s32 s2, s0;
	s25 =	simm.s32 $0xE400  }
0xb0: {  	[tilespmem:s25], [sflag:$0x2] =	stream.strided.gather [hbm4b:s24+s11], $0x1000, s10, s11, $0x38;
	[tilespmem:$0x12600] =	vst v63  }
0xb1: {  	s24 =	spop @!p0 (v2sf)  }
0xb2: {  	s25 =	spop @!p0 (v2sf)  }
0xb3: {  	_ =	swait.ge @!p0 [sflag:s22], $0x1000  }
0xb4: {  	[sflag:s22] =	ssyncset.done @!p0 $0x0  }
0xb5: {  	[sflag:s22] =	ssyncadd.s32 @!p0 $0xFFFFF000  }
0xb6: {  	s22 =	sand.u32 @!p0 $0x7F, s24;
	_ =	swait.ge @!p0 [sflag:s21], $0x1000  }
0xb7: {  	s24 =	sand.u32 @!p0 $0x7F, s25;
	v5 =	vor.u32 @!p0 s22, v7;
	(v2sf) =	vpush v3, $0x7  }
0xb8: {  	v6 =	vor.u32 @!p0 s24, v7;
	(v2sf) =	vpush v4, $0x7  }
0xb9: {  	v7 =	vor.u32 @!p0 s22, v8  }
0xba: {  	v8 =	vor.u32 @!p0 s24, v8;
	[sflag:s21] =	ssyncset.done @!p0 $0x0  }
0xbb: {  	[sflag:s21] =	ssyncadd.s32 @!p0 $0xFFFFF000;
	s21 =	simm.s32 @!p0 $0x7400  }
0xbc: {  	s22 =	simm.s32 @!p0 $0xF400;
	v5 =	vld.idx.msk @!p0 [tilespmem:v5+s21+$0x0], $0xffff  }
0xbd: {  	v6 =	vld.idx.msk @!p0 [tilespmem:v6+s22+$0x0], $0xffff  }
0xbe: {  	v7 =	vld.idx.msk @!p0 [tilespmem:v7+s21+$0x0], $0xffff  }
0xbf: {  	v8 =	vld.idx.msk @!p0 [tilespmem:v8+s22+$0x0], $0xffff;
	_ =	sdelay $0x2  }
0xc0: {  	v5 =	vmul.f32 @!p0 v6, v5;
	_ =	sdelay $0x1  }
0xc1: {  	v6 =	vmul.f32 @!p0 v8, v7;
	v5 =	vadd.f32 @!p0 $0.0e+00, v5;
	_ =	sdelay $0x1  }
0xc2: {  	v5 =	vadd.f32 @!p0 v6, v5;
	s21 =	spop (v2sf)  }
0xc3: {  	s25 =	sand.u32 $0xFFFFF80, s21;
	s22 =	spop (v2sf)  }
0xc4: {  	[tilespmem:s23+$0x103F0] =	vst @!p0 v5;
	s25 =	sadd.s32 s12, s25;
	s24 =	sand.u32 $0xFFFFF80, s22  }
0xc5: {  	[tilespmem:s26], [sflag:$0x1] =	stream.strided.gather [hbm4b:s25+s11], $0x1000, s10, s11, $0x38;
	[tilespmem:$0x12600] =	vst v63  }
0xc6: {  	s23 =	sadd.s32 s2, s24;
	s25 =	simm.s32 $0xF400  }
0xc7: {  	[tilespmem:s25], [sflag:$0x2] =	stream.strided.gather [hbm4b:s23+s11], $0x1000, s10, s11, $0x38;
	[tilespmem:$0x12600] =	vst v63  }
0xc8: {  	_ =	swait.ge [sflag:s28], $0x1000  }
0xc9: {  	[sflag:s28] =	ssyncset.done $0x0  }
0xca: {  	[sflag:s28] =	ssyncadd.s32 $0xFFFFF000  }
0xcb: {  	s6 =	sand.u32 $0x7F, s6;
	_ =	swait.ge [sflag:s29], $0x1000  }
0xcc: {  	s7 =	sand.u32 $0x7F, s7;
	v5 =	vor.u32 s6, v0;
	(v2sf) =	vpush v3, $0x8  }
0xcd: {  	v6 =	vor.u32 s7, v0;
	(v2sf) =	vpush v4, $0x8  }
0xce: {  	v7 =	vor.u32 s6, v1  }
0xcf: {  	v8 =	vor.u32 s7, v1;
	[sflag:s29] =	ssyncset.done $0x0  }
0xd0: {  	[sflag:s29] =	ssyncadd.s32 $0xFFFFF000  }
0xd1: {  	s23 =	simm.s32 $0x8400;
	v5 =	vld.idx.msk [tilespmem:v5+s11+$0x0], $0xffff  }
0xd2: {  	v6 =	vld.idx.msk [tilespmem:v6+s23+$0x0], $0xffff  }
0xd3: {  	s24 =	simm.s32 $0x8400;
	v7 =	vld.idx.msk [tilespmem:v7+s11+$0x0], $0xffff  }
0xd4: {  	v8 =	vld.idx.msk [tilespmem:v8+s24+$0x0], $0xffff;
	_ =	sdelay $0x2  }
0xd5: {  	v5 =	vmul.f32 v6, v5;
	_ =	sdelay $0x1  }
0xd6: {  	v6 =	vmul.f32 v8, v7;
	v5 =	vadd.f32 $0.0e+00, v5  }
0xd7: {  	s6 =	smov.u32 s5  }
0xd8: {  	s6 =	simm.s32 @p0 $0x0;
	v5 =	vadd.f32 v6, v5;
	s7 =	spop (v2sf)  }
0xd9: {  	s6 =	sshra.s32 s6, $0x2;
	s25 =	sand.u32 $0xFFFFF80, s7;
	s23 =	spop (v2sf)  }
0xda: {  	[tilespmem:s6+$0x10400] =	vst v5;
	s24 =	sadd.s32 s12, s25;
	s25 =	sand.u32 $0xFFFFF80, s23  }
0xdb: {  	[tilespmem:s11], [sflag:$0x1] =	stream.strided.gather [hbm4b:s24+s11], $0x1000, s10, s11, $0x38;
	[tilespmem:$0x12600] =	vst v63  }
0xdc: {  	s24 =	sadd.s32 s2, s25  }
0xdd: {  	s25 =	smov.u32 s2;
	s2 =	smov.u32 s12;
	s12 =	simm.s32 $0x8400  }
0xde: {  	[tilespmem:s12], [sflag:$0x2] =	stream.strided.gather [hbm4b:s24+s11], $0x1000, s10, s11, $0x38;
	[tilespmem:$0x12600] =	vst v63  }
0xdf: {  	_ =	swait.ge [sflag:s28], $0x1000  }
0xe0: {  	[sflag:s28] =	ssyncset.done $0x0  }
0xe1: {  	[sflag:s28] =	ssyncadd.s32 $0xFFFFF000  }
0xe2: {  	s8 =	sand.u32 $0x7F, s8;
	_ =	swait.ge [sflag:s29], $0x1000  }
0xe3: {  	s4 =	sand.u32 $0x7F, s4;
	v5 =	vor.u32 s8, v0;
	(v2sf) =	vpush v3, $0x9  }
0xe4: {  	v6 =	vor.u32 s4, v0  }
0xe5: {  	v7 =	vor.u32 s8, v1  }
0xe6: {  	v8 =	vor.u32 s4, v1;
	[sflag:s29] =	ssyncset.done $0x0  }
0xe7: {  	s0 =	simm.s32 $0x1400;
	[sflag:s29] =	ssyncadd.s32 $0xFFFFF000;
	(v2sf) =	vpush v4, $0x9  }
0xe8: {  	s8 =	simm.s32 $0x9400;
	v5 =	vld.idx.msk [tilespmem:v5+s0+$0x0], $0xffff  }
0xe9: {  	v6 =	vld.idx.msk [tilespmem:v6+s8+$0x0], $0xffff  }
0xea: {  	v7 =	vld.idx.msk [tilespmem:v7+s0+$0x0], $0xffff  }
0xeb: {  	v8 =	vld.idx.msk [tilespmem:v8+s8+$0x0], $0xffff;
	_ =	sdelay $0x2  }
0xec: {  	v5 =	vmul.f32 v6, v5;
	_ =	sdelay $0x1  }
0xed: {  	v6 =	vmul.f32 v8, v7;
	v5 =	vadd.f32 $0.0e+00, v5;
	_ =	sdelay $0x1  }
0xee: {  	v5 =	vadd.f32 v6, v5;
	s4 =	spop (v2sf)  }
0xef: {  	s12 =	smov.u32 s2;
	s24 =	sand.u32 $0xFFFFF80, s4  }
0xf0: {  	[tilespmem:s6+$0x10410] =	vst v5;
	s8 =	sadd.s32 s12, s24  }
0xf1: {  	[tilespmem:s0], [sflag:$0x1] =	stream.strided.gather [hbm4b:s8+s11], $0x1000, s10, s11, $0x38;
	[tilespmem:$0x12600] =	vst v63  }
0xf2: {  	s8 =	spop (v2sf)  }
0xf3: {  	s2 =	smov.u32 s25;
	s0 =	sand.u32 $0xFFFFF80, s8  }
0xf4: {  	s25 =	simm.s32 $0x9400;
	s24 =	sadd.s32 s2, s0  }
0xf5: {  	[tilespmem:s25], [sflag:$0x2] =	stream.strided.gather [hbm4b:s24+s11], $0x1000, s10, s11, $0x38;
	[tilespmem:$0x12600] =	vst v63  }
0xf6: {  	_ =	swait.ge [sflag:s28], $0x1000  }
0xf7: {  	[sflag:s28] =	ssyncset.done $0x0  }
0xf8: {  	[sflag:s28] =	ssyncadd.s32 $0xFFFFF000  }
0xf9: {  	s9 =	sand.u32 $0x7F, s9;
	_ =	swait.ge [sflag:s29], $0x1000  }
0xfa: {  	v5 =	vor.u32 s9, v0;
	s25 =	sand.u32 $0x7F, s1;
	(v2sf) =	vpush v3, $0xA  }
0xfb: {  	v6 =	vor.u32 s25, v0  }
0xfc: {  	v7 =	vor.u32 s9, v1  }
0xfd: {  	v8 =	vor.u32 s25, v1;
	[sflag:s29] =	ssyncset.done $0x0  }
0xfe: {  	s0 =	simm.s32 $0x2400;
	[sflag:s29] =	ssyncadd.s32 $0xFFFFF000;
	(v2sf) =	vpush v4, $0xA  }
0xff: {  	s9 =	simm.s32 $0xA400;
	v5 =	vld.idx.msk [tilespmem:v5+s0+$0x0], $0xffff  }
0x100: {  	v6 =	vld.idx.msk [tilespmem:v6+s9+$0x0], $0xffff  }
0x101: {  	v7 =	vld.idx.msk [tilespmem:v7+s0+$0x0], $0xffff  }
0x102: {  	v8 =	vld.idx.msk [tilespmem:v8+s9+$0x0], $0xffff;
	_ =	sdelay $0x2  }
0x103: {  	v5 =	vmul.f32 v6, v5;
	_ =	sdelay $0x1  }
0x104: {  	v6 =	vmul.f32 v8, v7;
	v5 =	vadd.f32 $0.0e+00, v5;
	_ =	sdelay $0x1  }
0x105: {  	v5 =	vadd.f32 v6, v5;
	s0 =	spop (v2sf)  }
0x106: {  	s25 =	sand.u32 $0xFFFFF80, s0  }
0x107: {  	s24 =	simm.s32 $0x2400;
	[tilespmem:s6+$0x10420] =	vst v5;
	s9 =	sadd.s32 s12, s25  }
0x108: {  	[tilespmem:s24], [sflag:$0x1] =	stream.strided.gather [hbm4b:s9+s11], $0x1000, s10, s11, $0x38;
	[tilespmem:$0x12600] =	vst v63  }
0x109: {  	s9 =	spop (v2sf)  }
0x10a: {  	s25 =	sand.u32 $0xFFFFF80, s9  }
0x10b: {  	s1 =	simm.s32 $0xA400;
	s24 =	sadd.s32 s2, s25  }
0x10c: {  	[tilespmem:s1], [sflag:$0x2] =	stream.strided.gather [hbm4b:s24+s11], $0x1000, s10, s11, $0x38;
	[tilespmem:$0x12600] =	vst v63  }
0x10d: {  	_ =	swait.ge [sflag:s28], $0x1000  }
0x10e: {  	[sflag:s28] =	ssyncset.done $0x0  }
0x10f: {  	[sflag:s28] =	ssyncadd.s32 $0xFFFFF000  }
0x110: {  	s13 =	sand.u32 $0x7F, s13;
	_ =	swait.ge [sflag:s29], $0x1000  }
0x111: {  	s14 =	sand.u32 $0x7F, s14;
	v5 =	vor.u32 s13, v0;
	(v2sf) =	vpush v3, $0xB  }
0x112: {  	v6 =	vor.u32 s14, v0  }
0x113: {  	v7 =	vor.u32 s13, v1  }
0x114: {  	v8 =	vor.u32 s14, v1;
	[sflag:s29] =	ssyncset.done $0x0  }
0x115: {  	s1 =	simm.s32 $0x3400;
	[sflag:s29] =	ssyncadd.s32 $0xFFFFF000;
	(v2sf) =	vpush v4, $0xB  }
0x116: {  	s14 =	simm.s32 $0xB400;
	v5 =	vld.idx.msk [tilespmem:v5+s1+$0x0], $0xffff  }
0x117: {  	v6 =	vld.idx.msk [tilespmem:v6+s14+$0x0], $0xffff  }
0x118: {  	v7 =	vld.idx.msk [tilespmem:v7+s1+$0x0], $0xffff  }
0x119: {  	v8 =	vld.idx.msk [tilespmem:v8+s14+$0x0], $0xffff;
	_ =	sdelay $0x2  }
0x11a: {  	v5 =	vmul.f32 v6, v5;
	_ =	sdelay $0x1  }
0x11b: {  	v6 =	vmul.f32 v8, v7;
	v5 =	vadd.f32 $0.0e+00, v5;
	_ =	sdelay $0x1  }
0x11c: {  	v5 =	vadd.f32 v6, v5;
	s13 =	spop (v2sf)  }
0x11d: {  	s25 =	sand.u32 $0xFFFFF80, s13  }
0x11e: {  	s24 =	simm.s32 $0x3400;
	[tilespmem:s6+$0x10430] =	vst v5;
	s14 =	sadd.s32 s12, s25  }
0x11f: {  	[tilespmem:s24], [sflag:$0x1] =	stream.strided.gather [hbm4b:s14+s11], $0x1000, s10, s11, $0x38;
	[tilespmem:$0x12600] =	vst v63  }
0x120: {  	s14 =	spop (v2sf)  }
0x121: {  	s25 =	sand.u32 $0xFFFFF80, s14  }
0x122: {  	s1 =	simm.s32 $0xB400;
	s24 =	sadd.s32 s2, s25  }
0x123: {  	[tilespmem:s1], [sflag:$0x2] =	stream.strided.gather [hbm4b:s24+s11], $0x1000, s10, s11, $0x38;
	[tilespmem:$0x12600] =	vst v63  }
0x124: {  	_ =	swait.ge [sflag:s28], $0x1000  }
0x125: {  	[sflag:s28] =	ssyncset.done $0x0  }
0x126: {  	[sflag:s28] =	ssyncadd.s32 $0xFFFFF000  }
0x127: {  	s15 =	sand.u32 $0x7F, s15;
	_ =	swait.ge [sflag:s29], $0x1000  }
0x128: {  	s16 =	sand.u32 $0x7F, s16;
	v5 =	vor.u32 s15, v0;
	(v2sf) =	vpush v3, $0xC  }
0x129: {  	v6 =	vor.u32 s16, v0  }
0x12a: {  	v7 =	vor.u32 s15, v1  }
0x12b: {  	v8 =	vor.u32 s16, v1;
	[sflag:s29] =	ssyncset.done $0x0  }
0x12c: {  	s1 =	simm.s32 $0x4400;
	[sflag:s29] =	ssyncadd.s32 $0xFFFFF000;
	(v2sf) =	vpush v4, $0xC  }
0x12d: {  	s16 =	simm.s32 $0xC400;
	v5 =	vld.idx.msk [tilespmem:v5+s1+$0x0], $0xffff  }
0x12e: {  	v6 =	vld.idx.msk [tilespmem:v6+s16+$0x0], $0xffff  }
0x12f: {  	v7 =	vld.idx.msk [tilespmem:v7+s1+$0x0], $0xffff  }
0x130: {  	v8 =	vld.idx.msk [tilespmem:v8+s16+$0x0], $0xffff;
	_ =	sdelay $0x2  }
0x131: {  	v5 =	vmul.f32 v6, v5;
	_ =	sdelay $0x1  }
0x132: {  	v6 =	vmul.f32 v8, v7;
	v5 =	vadd.f32 $0.0e+00, v5;
	_ =	sdelay $0x1  }
0x133: {  	v5 =	vadd.f32 v6, v5;
	s15 =	spop (v2sf)  }
0x134: {  	s25 =	sand.u32 $0xFFFFF80, s15  }
0x135: {  	s24 =	simm.s32 $0x4400;
	[tilespmem:s6+$0x10440] =	vst v5;
	s16 =	sadd.s32 s12, s25  }
0x136: {  	[tilespmem:s24], [sflag:$0x1] =	stream.strided.gather [hbm4b:s16+s11], $0x1000, s10, s11, $0x38;
	[tilespmem:$0x12600] =	vst v63  }
0x137: {  	s16 =	spop (v2sf)  }
0x138: {  	s25 =	sand.u32 $0xFFFFF80, s16  }
0x139: {  	s1 =	simm.s32 $0xC400;
	s24 =	sadd.s32 s2, s25  }
0x13a: {  	[tilespmem:s1], [sflag:$0x2] =	stream.strided.gather [hbm4b:s24+s11], $0x1000, s10, s11, $0x38;
	[tilespmem:$0x12600] =	vst v63  }
0x13b: {  	_ =	swait.ge [sflag:s28], $0x1000  }
0x13c: {  	[sflag:s28] =	ssyncset.done $0x0  }
0x13d: {  	[sflag:s28] =	ssyncadd.s32 $0xFFFFF000  }
0x13e: {  	s17 =	sand.u32 $0x7F, s17;
	_ =	swait.ge [sflag:s29], $0x1000  }
0x13f: {  	s18 =	sand.u32 $0x7F, s18;
	v5 =	vor.u32 s17, v0;
	(v2sf) =	vpush v3, $0xD  }
0x140: {  	v6 =	vor.u32 s18, v0  }
0x141: {  	v7 =	vor.u32 s17, v1  }
0x142: {  	v8 =	vor.u32 s18, v1;
	[sflag:s29] =	ssyncset.done $0x0  }
0x143: {  	s1 =	simm.s32 $0x5400;
	[sflag:s29] =	ssyncadd.s32 $0xFFFFF000;
	(v2sf) =	vpush v4, $0xD  }
0x144: {  	s18 =	simm.s32 $0xD400;
	v5 =	vld.idx.msk [tilespmem:v5+s1+$0x0], $0xffff  }
0x145: {  	v6 =	vld.idx.msk [tilespmem:v6+s18+$0x0], $0xffff  }
0x146: {  	v7 =	vld.idx.msk [tilespmem:v7+s1+$0x0], $0xffff  }
0x147: {  	v8 =	vld.idx.msk [tilespmem:v8+s18+$0x0], $0xffff;
	_ =	sdelay $0x2  }
0x148: {  	v5 =	vmul.f32 v6, v5;
	_ =	sdelay $0x1  }
0x149: {  	v6 =	vmul.f32 v8, v7;
	v5 =	vadd.f32 $0.0e+00, v5;
	_ =	sdelay $0x1  }
0x14a: {  	v5 =	vadd.f32 v6, v5;
	s17 =	spop (v2sf)  }
0x14b: {  	s25 =	sand.u32 $0xFFFFF80, s17  }
0x14c: {  	s24 =	simm.s32 $0x5400;
	[tilespmem:s6+$0x10450] =	vst v5;
	s18 =	sadd.s32 s12, s25  }
0x14d: {  	[tilespmem:s24], [sflag:$0x1] =	stream.strided.gather [hbm4b:s18+s11], $0x1000, s10, s11, $0x38;
	[tilespmem:$0x12600] =	vst v63  }
0x14e: {  	s18 =	spop (v2sf)  }
0x14f: {  	s25 =	sand.u32 $0xFFFFF80, s18  }
0x150: {  	s1 =	simm.s32 $0xD400;
	s24 =	sadd.s32 s2, s25  }
0x151: {  	[tilespmem:s1], [sflag:$0x2] =	stream.strided.gather [hbm4b:s24+s11], $0x1000, s10, s11, $0x38;
	[tilespmem:$0x12600] =	vst v63  }
0x152: {  	_ =	swait.ge [sflag:s28], $0x1000  }
0x153: {  	[sflag:s28] =	ssyncset.done $0x0  }
0x154: {  	[sflag:s28] =	ssyncadd.s32 $0xFFFFF000  }
0x155: {  	s19 =	sand.u32 $0x7F, s19;
	_ =	swait.ge [sflag:s29], $0x1000  }
0x156: {  	s20 =	sand.u32 $0x7F, s20;
	v5 =	vor.u32 s19, v0;
	(v2sf) =	vpush v3, $0xE  }
0x157: {  	v6 =	vor.u32 s20, v0  }
0x158: {  	v7 =	vor.u32 s19, v1  }
0x159: {  	v8 =	vor.u32 s20, v1;
	[sflag:s29] =	ssyncset.done $0x0  }
0x15a: {  	s1 =	simm.s32 $0x6400;
	[sflag:s29] =	ssyncadd.s32 $0xFFFFF000;
	(v2sf) =	vpush v4, $0xE  }
0x15b: {  	s20 =	simm.s32 $0xE400;
	v5 =	vld.idx.msk [tilespmem:v5+s1+$0x0], $0xffff  }
0x15c: {  	v6 =	vld.idx.msk [tilespmem:v6+s20+$0x0], $0xffff  }
0x15d: {  	v7 =	vld.idx.msk [tilespmem:v7+s1+$0x0], $0xffff  }
0x15e: {  	v8 =	vld.idx.msk [tilespmem:v8+s20+$0x0], $0xffff;
	_ =	sdelay $0x2  }
0x15f: {  	v5 =	vmul.f32 v6, v5;
	_ =	sdelay $0x1  }
0x160: {  	v6 =	vmul.f32 v8, v7;
	v5 =	vadd.f32 $0.0e+00, v5;
	_ =	sdelay $0x1  }
0x161: {  	v5 =	vadd.f32 v6, v5;
	s19 =	spop (v2sf)  }
0x162: {  	s25 =	sand.u32 $0xFFFFF80, s19  }
0x163: {  	s24 =	simm.s32 $0x6400;
	[tilespmem:s6+$0x10460] =	vst v5;
	s20 =	sadd.s32 s12, s25  }
0x164: {  	[tilespmem:s24], [sflag:$0x1] =	stream.strided.gather [hbm4b:s20+s11], $0x1000, s10, s11, $0x38;
	[tilespmem:$0x12600] =	vst v63  }
0x165: {  	s20 =	spop (v2sf)  }
0x166: {  	s25 =	sand.u32 $0xFFFFF80, s20  }
0x167: {  	s1 =	simm.s32 $0xE400;
	s24 =	sadd.s32 s2, s25  }
0x168: {  	[tilespmem:s1], [sflag:$0x2] =	stream.strided.gather [hbm4b:s24+s11], $0x1000, s10, s11, $0x38;
	[tilespmem:$0x12600] =	vst v63  }
0x169: {  	_ =	swait.ge [sflag:s28], $0x1000  }
0x16a: {  	[sflag:s28] =	ssyncset.done $0x0  }
0x16b: {  	[sflag:s28] =	ssyncadd.s32 $0xFFFFF000  }
0x16c: {  	s21 =	sand.u32 $0x7F, s21;
	_ =	swait.ge [sflag:s29], $0x1000  }
0x16d: {  	s22 =	sand.u32 $0x7F, s22;
	v5 =	vor.u32 s21, v0;
	(v2sf) =	vpush v3, $0xF  }
0x16e: {  	v6 =	vor.u32 s22, v0  }
0x16f: {  	v7 =	vor.u32 s21, v1  }
0x170: {  	v8 =	vor.u32 s22, v1;
	[sflag:s29] =	ssyncset.done $0x0  }
0x171: {  	[sflag:s29] =	ssyncadd.s32 $0xFFFFF000;
	(v2sf) =	vpush v4, $0xF  }
0x172: {  	s22 =	simm.s32 $0xF400;
	v5 =	vld.idx.msk [tilespmem:v5+s26+$0x0], $0xffff  }
0x173: {  	v6 =	vld.idx.msk [tilespmem:v6+s22+$0x0], $0xffff  }
0x174: {  	v7 =	vld.idx.msk [tilespmem:v7+s26+$0x0], $0xffff  }
0x175: {  	v8 =	vld.idx.msk [tilespmem:v8+s22+$0x0], $0xffff;
	_ =	sdelay $0x2  }
0x176: {  	v5 =	vmul.f32 v6, v5;
	_ =	sdelay $0x1  }
0x177: {  	v6 =	vmul.f32 v8, v7;
	v5 =	vadd.f32 $0.0e+00, v5;
	_ =	sdelay $0x1  }
0x178: {  	v5 =	vadd.f32 v6, v5;
	s21 =	spop (v2sf)  }
0x179: {  	s24 =	sand.u32 $0xFFFFF80, s21  }
0x17a: {  	[tilespmem:s6+$0x10470] =	vst v5;
	s22 =	sadd.s32 s12, s24  }
0x17b: {  	[tilespmem:s26], [sflag:$0x1] =	stream.strided.gather [hbm4b:s22+s11], $0x1000, s10, s11, $0x38;
	[tilespmem:$0x12600] =	vst v63  }
0x17c: {  	s22 =	spop (v2sf)  }
0x17d: {  	s25 =	sand.u32 $0xFFFFF80, s22  }
0x17e: {  	s1 =	simm.s32 $0xF400;
	s24 =	sadd.s32 s2, s25  }
0x17f: {  	[tilespmem:s1], [sflag:$0x2] =	stream.strided.gather [hbm4b:s24+s11], $0x1000, s10, s11, $0x38;
	[tilespmem:$0x12600] =	vst v63  }
0x180: {  	s7 =	sand.u32 $0x7F, s7;
	_ =	swait.ge [sflag:s28], $0x1000  }
0x181: {  	s23 =	sand.u32 $0x7F, s23;
	v5 =	vor.u32 s7, v0;
	[sflag:s28] =	ssyncset.done $0x0  }
0x182: {  	v6 =	vor.u32 s23, v0;
	[sflag:s28] =	ssyncadd.s32 $0xFFFFF000  }
0x183: {  	v7 =	vor.u32 s7, v1;
	_ =	swait.ge [sflag:s29], $0x1000  }
0x184: {  	v8 =	vor.u32 s23, v1;
	[sflag:s29] =	ssyncset.done $0x0  }
0x185: {  	[sflag:s29] =	ssyncadd.s32 $0xFFFFF000  }
0x186: {  	s23 =	simm.s32 $0x8400;
	v5 =	vld.idx.msk [tilespmem:v5+s11+$0x0], $0xffff  }
0x187: {  	v6 =	vld.idx.msk [tilespmem:v6+s23+$0x0], $0xffff  }
0x188: {  	v7 =	vld.idx.msk [tilespmem:v7+s11+$0x0], $0xffff  }
0x189: {  	v8 =	vld.idx.msk [tilespmem:v8+s23+$0x0], $0xffff;
	_ =	sdelay $0x2  }
0x18a: {  	v5 =	vmul.f32 v6, v5;
	_ =	sdelay $0x1  }
0x18b: {  	s5 =	sadd.s32 $0x400, s5;
	v6 =	vmul.f32 v8, v7;
	v5 =	vadd.f32 $0.0e+00, v5  }
0x18c: {  	p0 =	sne.s32 s5, $0x8000  }
.Ltmp0:
0x18d: {  	v5 =	vadd.f32 v6, v5;
	(pc) =	sbr.rel @p0 .LBB2_2-.Ltmp0, $2  }
0x18e: {  	_ =	sdelay $0x2  }
0x18f: {  	s3 =	sadd.s32 $0x10, s3;
	s31 =	sadd.s32 $0x10, s31;
	v6 =	vmov v3;
	[tilespmem:s6+$0x10480] =	vst v5;
	v5 =	vmov v4  }
0x190: {  	_ =	swait.ge [sflag:s28], $0x1000;
	s3 =	sand.u32 $0x7F, s4  }
0x191: {  	s6 =	sand.u32 $0x7F, s8;
	[sflag:s28] =	ssyncset.done $0x0;
	v3 =	vor.u32 s3, v0  }
0x192: {  	v4 =	vor.u32 s6, v0;
	[sflag:s28] =	ssyncadd.s32 $0xFFFFF000  }
0x193: {  	v5 =	vor.u32 s3, v1;
	_ =	swait.ge [sflag:s29], $0x1000  }
0x194: {  	v6 =	vor.u32 s6, v1;
	[sflag:s29] =	ssyncset.done $0x0  }
0x195: {  	s1 =	simm.s32 $0x1400;
	[sflag:s29] =	ssyncadd.s32 $0xFFFFF000  }
0x196: {  	s7 =	simm.s32 $0x9400;
	v3 =	vld.idx.msk [tilespmem:v3+s1+$0x0], $0xffff  }
0x197: {  	v4 =	vld.idx.msk [tilespmem:v4+s7+$0x0], $0xffff  }
0x198: {  	v5 =	vld.idx.msk [tilespmem:v5+s1+$0x0], $0xffff  }
0x199: {  	v6 =	vld.idx.msk [tilespmem:v6+s7+$0x0], $0xffff;
	_ =	sdelay $0x2  }
0x19a: {  	v3 =	vmul.f32 v4, v3;
	_ =	sdelay $0x1  }
0x19b: {  	v4 =	vmul.f32 v6, v5;
	v3 =	vadd.f32 $0.0e+00, v3;
	_ =	sdelay $0x1  }
0x19c: {  	v3 =	vadd.f32 v4, v3;
	_ =	sdelay $0x1  }
0x19d: {  	[tilespmem:$0x12390] =	vst v3  }
0x19e: {  	s0 =	sand.u32 $0x7F, s0;
	_ =	swait.ge [sflag:s28], $0x1000  }
0x19f: {  	s8 =	sand.u32 $0x7F, s9;
	v3 =	vor.u32 s0, v0;
	[sflag:s28] =	ssyncset.done $0x0  }
0x1a0: {  	v4 =	vor.u32 s8, v0;
	[sflag:s28] =	ssyncadd.s32 $0xFFFFF000  }
0x1a1: {  	v5 =	vor.u32 s0, v1;
	_ =	swait.ge [sflag:s29], $0x1000  }
0x1a2: {  	v6 =	vor.u32 s8, v1;
	[sflag:s29] =	ssyncset.done $0x0  }
0x1a3: {  	s9 =	simm.s32 $0x2400;
	[sflag:s29] =	ssyncadd.s32 $0xFFFFF000  }
0x1a4: {  	s24 =	simm.s32 $0xA400;
	v3 =	vld.idx.msk [tilespmem:v3+s9+$0x0], $0xffff  }
0x1a5: {  	v4 =	vld.idx.msk [tilespmem:v4+s24+$0x0], $0xffff  }
0x1a6: {  	v5 =	vld.idx.msk [tilespmem:v5+s9+$0x0], $0xffff  }
0x1a7: {  	v6 =	vld.idx.msk [tilespmem:v6+s24+$0x0], $0xffff;
	_ =	sdelay $0x2  }
0x1a8: {  	v3 =	vmul.f32 v4, v3;
	_ =	sdelay $0x1  }
0x1a9: {  	v4 =	vmul.f32 v6, v5;
	v3 =	vadd.f32 $0.0e+00, v3;
	_ =	sdelay $0x1  }
0x1aa: {  	v3 =	vadd.f32 v4, v3;
	_ =	sdelay $0x1  }
0x1ab: {  	[tilespmem:$0x123A0] =	vst v3  }
0x1ac: {  	s25 =	sand.u32 $0x7F, s13;
	_ =	swait.ge [sflag:s28], $0x1000  }
0x1ad: {  	s31 =	sand.u32 $0x7F, s14;
	v3 =	vor.u32 s25, v0;
	[sflag:s28] =	ssyncset.done $0x0  }
0x1ae: {  	v4 =	vor.u32 s31, v0;
	[sflag:s28] =	ssyncadd.s32 $0xFFFFF000  }
0x1af: {  	v5 =	vor.u32 s25, v1;
	_ =	swait.ge [sflag:s29], $0x1000  }
0x1b0: {  	v6 =	vor.u32 s31, v1;
	[sflag:s29] =	ssyncset.done $0x0  }
0x1b1: {  	s0 =	simm.s32 $0x3400;
	[sflag:s29] =	ssyncadd.s32 $0xFFFFF000  }
0x1b2: {  	s3 =	simm.s32 $0xB400;
	v3 =	vld.idx.msk [tilespmem:v3+s0+$0x0], $0xffff  }
0x1b3: {  	v4 =	vld.idx.msk [tilespmem:v4+s3+$0x0], $0xffff  }
0x1b4: {  	v5 =	vld.idx.msk [tilespmem:v5+s0+$0x0], $0xffff  }
0x1b5: {  	v6 =	vld.idx.msk [tilespmem:v6+s3+$0x0], $0xffff;
	_ =	sdelay $0x2  }
0x1b6: {  	v3 =	vmul.f32 v4, v3;
	_ =	sdelay $0x1  }
0x1b7: {  	v4 =	vmul.f32 v6, v5;
	v3 =	vadd.f32 $0.0e+00, v3;
	_ =	sdelay $0x1  }
0x1b8: {  	v3 =	vadd.f32 v4, v3;
	_ =	sdelay $0x1  }
0x1b9: {  	[tilespmem:$0x123B0] =	vst v3  }
0x1ba: {  	s4 =	sand.u32 $0x7F, s15;
	_ =	swait.ge [sflag:s28], $0x1000  }
0x1bb: {  	s5 =	sand.u32 $0x7F, s16;
	v3 =	vor.u32 s4, v0;
	[sflag:s28] =	ssyncset.done $0x0  }
0x1bc: {  	v4 =	vor.u32 s5, v0;
	[sflag:s28] =	ssyncadd.s32 $0xFFFFF000  }
0x1bd: {  	v5 =	vor.u32 s4, v1;
	_ =	swait.ge [sflag:s29], $0x1000  }
0x1be: {  	v6 =	vor.u32 s5, v1;
	[sflag:s29] =	ssyncset.done $0x0  }
0x1bf: {  	s6 =	simm.s32 $0x4400;
	[sflag:s29] =	ssyncadd.s32 $0xFFFFF000  }
0x1c0: {  	s7 =	simm.s32 $0xC400;
	v3 =	vld.idx.msk [tilespmem:v3+s6+$0x0], $0xffff  }
0x1c1: {  	v4 =	vld.idx.msk [tilespmem:v4+s7+$0x0], $0xffff  }
0x1c2: {  	v5 =	vld.idx.msk [tilespmem:v5+s6+$0x0], $0xffff  }
0x1c3: {  	v6 =	vld.idx.msk [tilespmem:v6+s7+$0x0], $0xffff;
	_ =	sdelay $0x2  }
0x1c4: {  	v3 =	vmul.f32 v4, v3;
	_ =	sdelay $0x1  }
0x1c5: {  	v4 =	vmul.f32 v6, v5;
	v3 =	vadd.f32 $0.0e+00, v3;
	_ =	sdelay $0x1  }
0x1c6: {  	v3 =	vadd.f32 v4, v3;
	_ =	sdelay $0x1  }
0x1c7: {  	[tilespmem:$0x123C0] =	vst v3  }
0x1c8: {  	s8 =	sand.u32 $0x7F, s17;
	_ =	swait.ge [sflag:s28], $0x1000  }
0x1c9: {  	s9 =	sand.u32 $0x7F, s18;
	v3 =	vor.u32 s8, v0;
	[sflag:s28] =	ssyncset.done $0x0  }
0x1ca: {  	v4 =	vor.u32 s9, v0;
	[sflag:s28] =	ssyncadd.s32 $0xFFFFF000  }
0x1cb: {  	v5 =	vor.u32 s8, v1;
	_ =	swait.ge [sflag:s29], $0x1000  }
0x1cc: {  	v6 =	vor.u32 s9, v1;
	[sflag:s29] =	ssyncset.done $0x0  }
0x1cd: {  	s13 =	simm.s32 $0x5400;
	[sflag:s29] =	ssyncadd.s32 $0xFFFFF000  }
0x1ce: {  	s14 =	simm.s32 $0xD400;
	v3 =	vld.idx.msk [tilespmem:v3+s13+$0x0], $0xffff  }
0x1cf: {  	v4 =	vld.idx.msk [tilespmem:v4+s14+$0x0], $0xffff  }
0x1d0: {  	v5 =	vld.idx.msk [tilespmem:v5+s13+$0x0], $0xffff  }
0x1d1: {  	v6 =	vld.idx.msk [tilespmem:v6+s14+$0x0], $0xffff;
	_ =	sdelay $0x2  }
0x1d2: {  	v3 =	vmul.f32 v4, v3;
	_ =	sdelay $0x1  }
0x1d3: {  	v4 =	vmul.f32 v6, v5;
	v3 =	vadd.f32 $0.0e+00, v3;
	_ =	sdelay $0x1  }
0x1d4: {  	v3 =	vadd.f32 v4, v3;
	_ =	sdelay $0x1  }
0x1d5: {  	[tilespmem:$0x123D0] =	vst v3  }
0x1d6: {  	s15 =	sand.u32 $0x7F, s19;
	_ =	swait.ge [sflag:s28], $0x1000  }
0x1d7: {  	s16 =	sand.u32 $0x7F, s20;
	v3 =	vor.u32 s15, v0;
	[sflag:s28] =	ssyncset.done $0x0  }
0x1d8: {  	v4 =	vor.u32 s16, v0;
	[sflag:s28] =	ssyncadd.s32 $0xFFFFF000  }
0x1d9: {  	v5 =	vor.u32 s15, v1;
	_ =	swait.ge [sflag:s29], $0x1000  }
0x1da: {  	v6 =	vor.u32 s16, v1;
	[sflag:s29] =	ssyncset.done $0x0  }
0x1db: {  	s17 =	simm.s32 $0x6400;
	[sflag:s29] =	ssyncadd.s32 $0xFFFFF000  }
0x1dc: {  	s18 =	simm.s32 $0xE400;
	v3 =	vld.idx.msk [tilespmem:v3+s17+$0x0], $0xffff  }
0x1dd: {  	v4 =	vld.idx.msk [tilespmem:v4+s18+$0x0], $0xffff  }
0x1de: {  	v5 =	vld.idx.msk [tilespmem:v5+s17+$0x0], $0xffff  }
0x1df: {  	v6 =	vld.idx.msk [tilespmem:v6+s18+$0x0], $0xffff;
	_ =	sdelay $0x2  }
0x1e0: {  	v3 =	vmul.f32 v4, v3;
	_ =	sdelay $0x1  }
0x1e1: {  	v4 =	vmul.f32 v6, v5;
	v3 =	vadd.f32 $0.0e+00, v3;
	_ =	sdelay $0x1  }
0x1e2: {  	v3 =	vadd.f32 v4, v3;
	_ =	sdelay $0x1  }
0x1e3: {  	[tilespmem:$0x123E0] =	vst v3  }
0x1e4: {  	s19 =	sand.u32 $0x7F, s21;
	_ =	swait.ge [sflag:s28], $0x1000  }
0x1e5: {  	s20 =	sand.u32 $0x7F, s22;
	v3 =	vor.u32 s19, v0;
	[sflag:s28] =	ssyncset.done $0x0  }
0x1e6: {  	v4 =	vor.u32 s20, v0;
	[sflag:s28] =	ssyncadd.s32 $0xFFFFF000  }
0x1e7: {  	v5 =	vor.u32 s19, v1;
	_ =	swait.ge [sflag:s29], $0x1000  }
0x1e8: {  	v6 =	vor.u32 s20, v1;
	[sflag:s29] =	ssyncset.done $0x0  }
0x1e9: {  	s21 =	simm.s32 $0x7400;
	[sflag:s29] =	ssyncadd.s32 $0xFFFFF000  }
0x1ea: {  	s22 =	simm.s32 $0xF400;
	v3 =	vld.idx.msk [tilespmem:v3+s21+$0x0], $0xffff  }
0x1eb: {  	v4 =	vld.idx.msk [tilespmem:v4+s22+$0x0], $0xffff  }
0x1ec: {  	v5 =	vld.idx.msk [tilespmem:v5+s21+$0x0], $0xffff  }
0x1ed: {  	v6 =	vld.idx.msk [tilespmem:v6+s22+$0x0], $0xffff;
	_ =	sdelay $0x1  }
0x1ee: {  	s24 =	simm.s32 $0x0  }
0x1ef: {  	v3 =	vmul.f32 v4, v3;
	v4 =	vmov s24  }
0x1f0: {  	v4 =	vshll.u32 v4, $0x4  }
0x1f1: {  	v5 =	vmul.f32 v6, v5;
	v3 =	vadd.f32 $0.0e+00, v3;
	v4 =	vor.u32 v2, v4;
	_ =	sdelay $0x1  }
0x1f2: {  	v3 =	vadd.f32 v5, v3;
	v5 =	vor.u32 $0x1, v4;
	_ =	sdelay $0x1  }
0x1f3: {  	[tilespmem:$0x123F0] =	vst v3;
	v3 =	vor.u32 $0x2, v4  }
0x1f4: {  	v6 =	vld.idx.msk [tilespmem:v4+s30+$0x0], $0xffff  }
0x1f5: {  	v7 =	vor.u32 $0x3, v4  }
0x1f6: {  	v5 =	vld.idx.msk [tilespmem:v5+s30+$0x0], $0xffff  }
0x1f7: {  	v8 =	vor.u32 $0x4, v4  }
0x1f8: {  	v3 =	vld.idx.msk [tilespmem:v3+s30+$0x0], $0xffff  }
0x1f9: {  	v9 =	vor.u32 $0x5, v4;
	v6 =	vadd.f32 $0.0e+00, v6  }
0x1fa: {  	v7 =	vld.idx.msk [tilespmem:v7+s30+$0x0], $0xffff  }
0x1fb: {  	v10 =	vor.u32 $0x6, v4;
	v5 =	vadd.f32 v5, v6  }
0x1fc: {  	v6 =	vld.idx.msk [tilespmem:v8+s30+$0x0], $0xffff  }
0x1fd: {  	v8 =	vor.u32 $0x7, v4;
	v3 =	vadd.f32 v3, v5  }
0x1fe: {  	v5 =	vld.idx.msk [tilespmem:v9+s30+$0x0], $0xffff  }
0x1ff: {  	v52 =	vor.u32 $0x8, v4;
	v3 =	vadd.f32 v7, v3  }
0x200: {  	v7 =	vld.idx.msk [tilespmem:v10+s30+$0x0], $0xffff  }
0x201: {  	v53 =	vor.u32 $0x9, v4;
	v3 =	vadd.f32 v6, v3  }
0x202: {  	v6 =	vld.idx.msk [tilespmem:v8+s30+$0x0], $0xffff  }
0x203: {  	v8 =	vor.u32 $0xA, v4;
	v3 =	vadd.f32 v5, v3  }
0x204: {  	v5 =	vld.idx.msk [tilespmem:v52+s30+$0x0], $0xffff  }
0x205: {  	v54 =	vor.u32 $0xB, v4;
	v3 =	vadd.f32 v7, v3  }
0x206: {  	v7 =	vld.idx.msk [tilespmem:v53+s30+$0x0], $0xffff  }
0x207: {  	v55 =	vor.u32 $0xC, v4;
	v3 =	vadd.f32 v6, v3  }
0x208: {  	v6 =	vld.idx.msk [tilespmem:v8+s30+$0x0], $0xffff  }
0x209: {  	v8 =	vor.u32 $0xD, v4;
	v3 =	vadd.f32 v5, v3  }
0x20a: {  	v5 =	vld.idx.msk [tilespmem:v54+s30+$0x0], $0xffff  }
0x20b: {  	v56 =	vor.u32 $0xE, v4;
	v3 =	vadd.f32 v7, v3  }
0x20c: {  	v7 =	vld.idx.msk [tilespmem:v55+s30+$0x0], $0xffff  }
0x20d: {  	v4 =	vor.u32 $0xF, v4;
	v3 =	vadd.f32 v6, v3  }
0x20e: {  	v6 =	vld.idx.msk [tilespmem:v8+s30+$0x0], $0xffff  }
0x20f: {  	v3 =	vadd.f32 v5, v3  }
0x210: {  	v5 =	vld.idx.msk [tilespmem:v56+s30+$0x0], $0xffff  }
0x211: {  	v3 =	vadd.f32 v7, v3  }
0x212: {  	s25 =	simm.s32 $0x10;
	v4 =	vld.idx.msk [tilespmem:v4+s30+$0x0], $0xffff  }
0x213: {  	v7 =	vmov s25;
	v3 =	vadd.f32 v6, v3  }
0x214: {  	v6 =	vshll.u32 v7, $0x4  }
0x215: {  	v6 =	vor.u32 v2, v6;
	v3 =	vadd.f32 v5, v3;
	_ =	sdelay $0x1  }
0x216: {  	v5 =	vor.u32 $0x1, v6;
	v3 =	vadd.f32 v4, v3  }
0x217: {  	s0 =	simm.s32 $0x12400  }
0x218: {  	v4 =	vor.u32 $0x2, v6;
	[tilespmem:s0+$0x0] =	vst v3  }
0x219: {  	v3 =	vld.idx.msk [tilespmem:v6+s30+$0x0], $0xffff  }
0x21a: {  	v7 =	vor.u32 $0x3, v6  }
0x21b: {  	v5 =	vld.idx.msk [tilespmem:v5+s30+$0x0], $0xffff  }
0x21c: {  	v8 =	vor.u32 $0x4, v6  }
0x21d: {  	v4 =	vld.idx.msk [tilespmem:v4+s30+$0x0], $0xffff  }
0x21e: {  	v57 =	vor.u32 $0x5, v6;
	v3 =	vadd.f32 $0.0e+00, v3  }
0x21f: {  	v7 =	vld.idx.msk [tilespmem:v7+s30+$0x0], $0xffff  }
0x220: {  	v58 =	vor.u32 $0x6, v6;
	v3 =	vadd.f32 v5, v3  }
0x221: {  	v5 =	vld.idx.msk [tilespmem:v8+s30+$0x0], $0xffff  }
0x222: {  	v8 =	vor.u32 $0x7, v6;
	v3 =	vadd.f32 v4, v3  }
0x223: {  	v4 =	vld.idx.msk [tilespmem:v57+s30+$0x0], $0xffff  }
0x224: {  	v59 =	vor.u32 $0x8, v6;
	v3 =	vadd.f32 v7, v3  }
0x225: {  	v7 =	vld.idx.msk [tilespmem:v58+s30+$0x0], $0xffff  }
0x226: {  	v60 =	vor.u32 $0x9, v6;
	v3 =	vadd.f32 v5, v3  }
0x227: {  	v5 =	vld.idx.msk [tilespmem:v8+s30+$0x0], $0xffff  }
0x228: {  	v8 =	vor.u32 $0xA, v6;
	v3 =	vadd.f32 v4, v3  }
0x229: {  	v4 =	vld.idx.msk [tilespmem:v59+s30+$0x0], $0xffff  }
0x22a: {  	v61 =	vor.u32 $0xB, v6;
	v3 =	vadd.f32 v7, v3  }
0x22b: {  	v7 =	vld.idx.msk [tilespmem:v60+s30+$0x0], $0xffff  }
0x22c: {  	v62 =	vor.u32 $0xC, v6;
	v3 =	vadd.f32 v5, v3  }
0x22d: {  	v5 =	vld.idx.msk [tilespmem:v8+s30+$0x0], $0xffff  }
0x22e: {  	v8 =	vor.u32 $0xD, v6;
	v3 =	vadd.f32 v4, v3  }
0x22f: {  	v4 =	vld.idx.msk [tilespmem:v61+s30+$0x0], $0xffff  }
0x230: {  	v63 =	vor.u32 $0xE, v6;
	v3 =	vadd.f32 v7, v3  }
0x231: {  	v7 =	vld.idx.msk [tilespmem:v62+s30+$0x0], $0xffff  }
0x232: {  	v3 =	vadd.f32 v5, v3;
	v5 =	vor.u32 $0xF, v6  }
0x233: {  	v8 =	vld.idx.msk [tilespmem:v8+s30+$0x0], $0xffff  }
0x234: {  	v3 =	vadd.f32 v4, v3  }
0x235: {  	v4 =	vld.idx.msk [tilespmem:v63+s30+$0x0], $0xffff  }
0x236: {  	v7 =	vadd.f32 v7, v3  }
0x237: {  	s31 =	simm.s32 $0x20;
	v3 =	vld.idx.msk [tilespmem:v5+s30+$0x0], $0xffff  }
0x238: {  	s3 =	simm.s32 $0x30;
	v6 =	vmov s31;
	v5 =	vadd.f32 v8, v7  }
.LBB2_4:
0x239: {  	p0 =	sne.s32 s3, $0x1F0;
	v6 =	vshll.u32 v6, $0x4  }
0x23a: {  	v6 =	vor.u32 v2, v6;
	v4 =	vadd.f32 v4, v5;
	_ =	sdelay $0x1  }
0x23b: {  	v5 =	vor.u32 $0x1, v6;
	v3 =	vadd.f32 v3, v4  }
0x23c: {  	s0 =	sadd.s32 $0x10, s0  }
0x23d: {  	v4 =	vor.u32 $0x2, v6;
	[tilespmem:s0+$0x0] =	vst v3  }
0x23e: {  	v3 =	vld.idx.msk [tilespmem:v6+s30+$0x0], $0xffff  }
0x23f: {  	v7 =	vor.u32 $0x3, v6  }
0x240: {  	v5 =	vld.idx.msk [tilespmem:v5+s30+$0x0], $0xffff  }
0x241: {  	v8 =	vor.u32 $0x4, v6  }
0x242: {  	v4 =	vld.idx.msk [tilespmem:v4+s30+$0x0], $0xffff  }
0x243: {  	v9 =	vor.u32 $0x5, v6  }
0x244: {  	v3 =	vadd.f32 $0.0e+00, v3;
	v7 =	vld.idx.msk [tilespmem:v7+s30+$0x0], $0xffff  }
0x245: {  	v10 =	vor.u32 $0x6, v6  }
0x246: {  	v3 =	vadd.f32 v5, v3;
	v5 =	vld.idx.msk [tilespmem:v8+s30+$0x0], $0xffff  }
0x247: {  	v8 =	vor.u32 $0x7, v6  }
0x248: {  	v3 =	vadd.f32 v4, v3;
	v4 =	vld.idx.msk [tilespmem:v9+s30+$0x0], $0xffff  }
0x249: {  	v9 =	vor.u32 $0x8, v6  }
0x24a: {  	v3 =	vadd.f32 v7, v3;
	v7 =	vld.idx.msk [tilespmem:v10+s30+$0x0], $0xffff  }
0x24b: {  	v10 =	vor.u32 $0x9, v6  }
0x24c: {  	v3 =	vadd.f32 v5, v3;
	v5 =	vld.idx.msk [tilespmem:v8+s30+$0x0], $0xffff  }
0x24d: {  	v8 =	vor.u32 $0xA, v6  }
0x24e: {  	v3 =	vadd.f32 v4, v3;
	v4 =	vld.idx.msk [tilespmem:v9+s30+$0x0], $0xffff  }
0x24f: {  	v9 =	vor.u32 $0xB, v6  }
0x250: {  	v3 =	vadd.f32 v7, v3;
	v7 =	vld.idx.msk [tilespmem:v10+s30+$0x0], $0xffff  }
0x251: {  	v10 =	vor.u32 $0xC, v6  }
0x252: {  	v3 =	vadd.f32 v5, v3;
	v5 =	vld.idx.msk [tilespmem:v8+s30+$0x0], $0xffff  }
0x253: {  	v8 =	vor.u32 $0xD, v6  }
0x254: {  	v3 =	vadd.f32 v4, v3;
	v4 =	vld.idx.msk [tilespmem:v9+s30+$0x0], $0xffff  }
0x255: {  	v9 =	vor.u32 $0xE, v6  }
0x256: {  	v3 =	vadd.f32 v7, v3;
	v7 =	vld.idx.msk [tilespmem:v10+s30+$0x0], $0xffff  }
0x257: {  	v6 =	vor.u32 $0xF, v6  }
0x258: {  	v3 =	vadd.f32 v5, v3;
	v5 =	vld.idx.msk [tilespmem:v8+s30+$0x0], $0xffff;
	_ =	sdelay $0x1  }
.Ltmp1:
0x259: {  	v3 =	vadd.f32 v4, v3;
	v4 =	vld.idx.msk [tilespmem:v9+s30+$0x0], $0xffff;
	(pc) =	sbr.rel @p0 .LBB2_4-.Ltmp1, $3  }
0x25a: {  	_ = 	snop  }
0x25b: {  	v7 =	vadd.f32 v7, v3;
	v3 =	vld.idx.msk [tilespmem:v6+s30+$0x0], $0xffff;
	_ =	sdelay $0x1  }
0x25c: {  	v6 =	vmov s3;
	s3 =	sadd.s32 $0x10, s3;
	v5 =	vadd.f32 v5, v7  }
0x25d: {  	v6 =	vshll.u32 v6, $0x4  }
0x25e: {  	v6 =	vor.u32 v2, v6;
	v4 =	vadd.f32 v4, v5;
	_ =	sdelay $0x1  }
0x25f: {  	v43 =	vor.u32 $0x1, v6;
	v3 =	vadd.f32 v3, v4  }
0x260: {  	s0 =	sadd.s32 $0x10, s0  }
0x261: {  	v44 =	vor.u32 $0x2, v6;
	[tilespmem:s0+$0x0] =	vst v3  }
0x262: {  	v3 =	vld.idx.msk [tilespmem:v6+s30+$0x0], $0xffff  }
0x263: {  	v7 =	vor.u32 $0x3, v6  }
0x264: {  	v5 =	vld.idx.msk [tilespmem:v43+s30+$0x0], $0xffff  }
0x265: {  	v8 =	vor.u32 $0x4, v6  }
0x266: {  	v4 =	vld.idx.msk [tilespmem:v44+s30+$0x0], $0xffff  }
0x267: {  	v9 =	vor.u32 $0x5, v6;
	v3 =	vadd.f32 $0.0e+00, v3  }
0x268: {  	v7 =	vld.idx.msk [tilespmem:v7+s30+$0x0], $0xffff  }
0x269: {  	v10 =	vor.u32 $0x6, v6;
	v3 =	vadd.f32 v5, v3  }
0x26a: {  	v45 =	vld.idx.msk [tilespmem:v8+s30+$0x0], $0xffff  }
0x26b: {  	v46 =	vor.u32 $0x7, v6;
	v3 =	vadd.f32 v4, v3  }
0x26c: {  	v47 =	vld.idx.msk [tilespmem:v9+s30+$0x0], $0xffff  }
0x26d: {  	v48 =	vor.u32 $0x8, v6;
	v3 =	vadd.f32 v7, v3  }
0x26e: {  	v49 =	vld.idx.msk [tilespmem:v10+s30+$0x0], $0xffff  }
0x26f: {  	v50 =	vor.u32 $0x9, v6;
	v3 =	vadd.f32 v45, v3  }
0x270: {  	v51 =	vld.idx.msk [tilespmem:v46+s30+$0x0], $0xffff  }
0x271: {  	v52 =	vor.u32 $0xA, v6;
	v3 =	vadd.f32 v47, v3  }
0x272: {  	v53 =	vld.idx.msk [tilespmem:v48+s30+$0x0], $0xffff  }
0x273: {  	v54 =	vor.u32 $0xB, v6;
	v3 =	vadd.f32 v49, v3  }
0x274: {  	v55 =	vld.idx.msk [tilespmem:v50+s30+$0x0], $0xffff  }
0x275: {  	v56 =	vor.u32 $0xC, v6;
	v3 =	vadd.f32 v51, v3  }
0x276: {  	v57 =	vld.idx.msk [tilespmem:v52+s30+$0x0], $0xffff  }
0x277: {  	v58 =	vor.u32 $0xD, v6;
	v3 =	vadd.f32 v53, v3  }
0x278: {  	v59 =	vld.idx.msk [tilespmem:v54+s30+$0x0], $0xffff  }
0x279: {  	v60 =	vor.u32 $0xE, v6;
	v3 =	vadd.f32 v55, v3  }
0x27a: {  	v61 =	vld.idx.msk [tilespmem:v56+s30+$0x0], $0xffff  }
0x27b: {  	v6 =	vor.u32 $0xF, v6;
	v3 =	vadd.f32 v57, v3  }
0x27c: {  	v62 =	vld.idx.msk [tilespmem:v58+s30+$0x0], $0xffff  }
0x27d: {  	v3 =	vadd.f32 v59, v3  }
0x27e: {  	v63 =	vld.idx.msk [tilespmem:v60+s30+$0x0], $0xffff  }
0x27f: {  	v3 =	vadd.f32 v61, v3  }
0x280: {  	v6 =	vld.idx.msk [tilespmem:v6+s30+$0x0], $0xffff  }
0x281: {  	v3 =	vadd.f32 v62, v3;
	_ =	sdelay $0x1  }
0x282: {  	v3 =	vadd.f32 v63, v3;
	_ =	sdelay $0x1  }
0x283: {  	v3 =	vadd.f32 v6, v3  }
0x284: {  	s8 =	simm.s32 $0x0;
	s0 =	sadd.s32 $0x10, s0  }
0x285: {  	s24 =	rddreg [dreg:$0x8];
	s3 =	simm.s32 $0x12400;
	s4 =	simm.s32 $0x3;
	[tilespmem:s0+$0x0] =	vst v3  }
0x286: {  	[hbm4b:s24+s8] =	stream.linear.scatter [tilespmem:s3], [sflag:$0x3], $0x200, $0x38;
	[tilespmem:$0x12600] =	vst v63  }
0x287: {  	_ =	swait.ge [sflag:s4], $0x200  }
0x288: {  	s25 =	rddreg [dreg:$0xa]  }
0x289: {  	s31 =	rddreg [dreg:$0x9];
	s3 =	sadd.s32 $0x1, s25  }
0x28a: {  	p0 =	sne.s32 s3, s31  }
.Ltmp2:
0x28b: {  	_ = 	snop;
	(pc) =	sbr.rel @p0 .LBB2_1-.Ltmp2, $3  }
0x28c: {  	_ =	sdelay $0x1  }
0x28d: {  	[sflag:s4] =	ssyncset.done $0x0  }
0x28e: {  	[sflag:s4] =	ssyncadd.s32 $0xFFFFFE00  }
0x28f: {  	_ =	sfence.sel $0x180000  }
0x290: {  	[bflag:$0x0] =	sbarrier.arrive $0xFFFF  }
0x291: {  	_ =	strace $0x90000047  }
0x292: {  	s0 =	stileid.u32;
	[bflag:$0x2] =	sbarrier.arrive $0xFFFF  }
0x293: {  	p0 =	sne.s32 s0, $0x0;
	s0 =	rddreg [dreg:$0x5]  }
0x294: {  	s0 =	sadd.s32 @!p0 $0x100000, s0  }
0x295: {  	[sflag:s0] =	ssyncadd.tile.s32 @!p0 $0x1;
	_ =	shalt  }
.Lfunc_end2:
_tile_overlayer_lowered:
.L_overlay_start_2:
0x296: {  	(tag) =	ssettag $0x2  }
0x297: {  	s0 =	rddreg [dreg:$0x0];
	s2 =	stileid.u32  }
0x298: {  	s1 =	rddreg [dreg:$0x1];
	p0 =	sne.s32 s2, $0x0  }
0x299: {  	s3 =	rddreg [dreg:$0x2];
	[bflag:$0x3] =	sbarrier.arrive $0xFFFF;
	s2 =	simm.s32 @!p0 $0x1C03  }
0x29a: {  	[timem:s3], [sflag:s2] =	dma.local @!p0 [hbm:s0], s1  }
0x29b: {  	s0 =	simm.s32 @!p0 $0x3  }
0x29c: {  	_ =	swait.ge @!p0 [sflag:s0], s1  }
0x29d: {  	s1 =	ssub.s32 @!p0 $0x0, s1;
	[sflag:s0] =	ssyncset.done @!p0 $0x0  }
0x29e: {  	[sflag:s0] =	ssyncadd.s32 @!p0 s1  }
0x29f: {  	[bflag:$0x3] =	sbarrier.arrive $0xFFFF  }
0x2a0: {  	_ =	shalt  }

// kernel: _mf.7.cloned.1.call-start
scs
__scs_entry_jumppad:
0x0: {  	(pc) =	sbr.rel $0x88, $3  }
0x1: {  	(tag) =	ssettag $0x0;
	lr =	simm.s32 $0x1  }
0x2: {  	[smem:$0x3F9B] =	sst lr;
	_ =	strace $0xD0000000  }
0x3: {  	_ = 	snop  }
0x4: {  	_ = 	snop  }
0x5: {  	_ = 	snop  }
0x6: {  	_ = 	snop  }
0x7: {  	_ = 	snop  }
__scs_overlays_trampoline_lowered:
0x8: {  	[smem:$0x3FAA] =	sst s0  }
0x9: {  	[smem:$0x3FAB] =	sst s1  }
0xa: {  	[smem:$0x3FAC] =	sst s2  }
0xb: {  	[smem:$0x3FAD] =	sst s3  }
0xc: {  	[smem:$0x3FAE] =	sst s4  }
0xd: {  	[smem:$0x3FAF] =	sst s5  }
0xe: {  	[smem:$0x3FB0] =	sst s6  }
0xf: {  	[smem:$0x3FB1] =	sst s7  }
0x10: {  	[smem:$0x3FB2] =	sst s8  }
0x11: {  	[smem:$0x3FB3] =	sst s9;
	s0 =	simm.s32 @!p0 $0x0  }
0x12: {  	s1 =	sld [smem:$0x3F99];
	s0 =	simm.s32 @p0 $0x1  }
0x13: {  	[smem:$0x3FB4] =	sst s0;
	s0 =	simm.s32 @!p1 $0x0  }
0x14: {  	s2 =	sld [smem:$0x3F98];
	s0 =	simm.s32 @p1 $0x1  }
0x15: {  	[smem:$0x3FB5] =	sst s0;
	s0 =	simm.s32 @!p2 $0x0  }
0x16: {  	s3 =	sld [smem:$0x3FDB];
	s0 =	simm.s32 @p2 $0x1  }
0x17: {  	s4 =	simm.s32 $0x1BF5;
	[smem:$0x3FB7] =	sst s0  }
0x18: {  	s0 =	sld [smem:$0x3F9A];
	_ =	swait.ge [sflag:s4], $0x0  }
0x19: {  	s7 =	sld [smem:$0x3F9B]  }
0x1a: {  	s8 =	sadd.s32 $0xFFFFE003, lr  }
0x1b: {  	s9 =	sadd.s32 $0xFFFFFEF7, lr;
	s5 =	simm.s32 $0xFFFFFFFF;
	p2 =	slt.u32 s8, $0xFFFFF086  }
0x1c: {  	p1 =	slt.u32 s9, $0xF7A;
	s5 =	simm.s32 @!p2 $0x0  }
0x1d: {  	s5 =	simm.s32 @p1 $0x1;
	p0 =	seq.s32 s7, s2  }
0x1e: {  	s7 =	smul.u32 @!p0 $0xF7A, s2;
	p2 =	seq.s32 @!p0 s5, $0x0  }
0x1f: {  	s9 =	smul.u32 $0xF7A, s1;
	s8 =	simm.s32 @!p0 $0x1BF5;
	p2 =	por !p2, p0  }
0x20: {  	[sflag:s8] =	ssyncset.s32 @!p0 $0xFFFFF086;
	s6 =	sadd.s32 @!p0 s3, s7;
	s7 =	simm.s32 @!p0 $0x108  }
0x21: {  	s3 =	sadd.s32 s3, s9;
	s6 =	sadd.s32 @!p0 $0x88, s6;
	s7 =	simm.s32 @p2 $0x1082  }
0x22: {  	[simem:s7], [sflag:s8] =	dma.local @!p0 [hbm:s6], $0xF7A  }
0x23: {  	s9 =	sor.u32 $0xD0000000, s2;
	s6 =	simm.s32 $0x108;
	_ =	swait.ge @!p0 [sflag:s8], $0x0  }
0x24: {  	s3 =	sadd.s32 $0x88, s3;
	s6 =	simm.s32 @!p1 $0x1082;
	[sflag:s4] =	ssyncset.s32 $0xFFFFF086  }
0x25: {  	[simem:s6], [sflag:s4] =	dma.local [hbm:s3], $0xF7A  }
0x26: {  	[smem:$0x3F9B] =	sst s1;
	(tag) =	ssettag s2;
	_ =	strace s9  }
0x27: {  	s1 =	sld [smem:$0x3FAB]  }
0x28: {  	s2 =	sld [smem:$0x3FAC]  }
0x29: {  	s4 =	sld [smem:$0x3FAE]  }
0x2a: {  	p0 =	seq.s32 s5, $0x0;
	s5 =	sld [smem:$0x3FAF]  }
0x2b: {  	s6 =	sld [smem:$0x3FB0]  }
0x2c: {  	s7 =	sld [smem:$0x3FB1]  }
0x2d: {  	s3 =	simm.s32 $0x108;
	s8 =	sld [smem:$0x3FB2]  }
0x2e: {  	s3 =	simm.s32 @!p0 $0x1082;
	s9 =	sld [smem:$0x3FB3]  }
0x2f: {  	lr =	sadd.s32 s0, s3;
	s0 =	sld [smem:$0x3FAA]  }
0x30: {  	s3 =	sld [smem:$0x3FAD]  }
0x31: {  	[smem:$0x3FB6] =	sst s10  }
0x32: {  	s10 =	sld [smem:$0x3FB4];
	_ =	sdelay $0x3  }
0x33: {  	p0 =	seq.s32 s10, $0x1;
	s10 =	sld [smem:$0x3FB6];
	_ =	sdelay $0x3  }
0x34: {  	[smem:$0x3FB6] =	sst s10  }
0x35: {  	s10 =	sld [smem:$0x3FB5];
	_ =	sdelay $0x3  }
0x36: {  	p1 =	seq.s32 s10, $0x1;
	s10 =	sld [smem:$0x3FB6];
	_ =	sdelay $0x3  }
0x37: {  	[smem:$0x3FB6] =	sst s10  }
0x38: {  	s10 =	sld [smem:$0x3FB7]  }
0x39: {  	_ = 	snop;
	(pc) =	sbr.ind lr, $3  }
0x3a: {  	_ = 	snop  }
0x3b: {  	_ = 	snop  }
0x3c: {  	p2 =	seq.s32 s10, $0x1;
	s10 =	sld [smem:$0x3FB6]  }
0x3d: {  	_ =	shalt  }
0x3e: {  	_ =	shalt  }
0x3f: {  	_ =	shalt  }
0x40: {  	_ =	shalt  }
0x41: {  	_ =	shalt  }
0x42: {  	_ =	shalt  }
0x43: {  	_ =	shalt  }
0x44: {  	_ =	shalt  }
0x45: {  	_ =	shalt  }
0x46: {  	_ =	shalt  }
0x47: {  	_ =	shalt  }
0x48: {  	_ =	shalt  }
0x49: {  	_ =	shalt  }
0x4a: {  	_ =	shalt  }
0x4b: {  	_ =	shalt  }
0x4c: {  	_ =	shalt  }
0x4d: {  	_ =	shalt  }
0x4e: {  	_ =	shalt  }
0x4f: {  	_ =	shalt  }
0x50: {  	_ =	shalt  }
0x51: {  	_ =	shalt  }
0x52: {  	_ =	shalt  }
0x53: {  	_ =	shalt  }
0x54: {  	_ =	shalt  }
0x55: {  	_ =	shalt  }
0x56: {  	_ =	shalt  }
0x57: {  	_ =	shalt  }
0x58: {  	_ =	shalt  }
0x59: {  	_ =	shalt  }
0x5a: {  	_ =	shalt  }
0x5b: {  	_ =	shalt  }
0x5c: {  	_ =	shalt  }
0x5d: {  	_ =	shalt  }
0x5e: {  	_ =	shalt  }
0x5f: {  	_ =	shalt  }
0x60: {  	_ =	shalt  }
0x61: {  	_ =	shalt  }
0x62: {  	_ =	shalt  }
0x63: {  	_ =	shalt  }
0x64: {  	_ =	shalt  }
0x65: {  	_ =	shalt  }
0x66: {  	_ =	shalt  }
0x67: {  	_ =	shalt  }
0x68: {  	_ =	shalt  }
0x69: {  	_ =	shalt  }
0x6a: {  	_ =	shalt  }
0x6b: {  	_ =	shalt  }
0x6c: {  	_ =	shalt  }
0x6d: {  	_ =	shalt  }
0x6e: {  	_ =	shalt  }
0x6f: {  	_ =	shalt  }
0x70: {  	_ =	shalt  }
0x71: {  	_ =	shalt  }
0x72: {  	_ =	shalt  }
0x73: {  	_ =	shalt  }
0x74: {  	_ =	shalt  }
0x75: {  	_ =	shalt  }
0x76: {  	_ =	shalt  }
0x77: {  	_ =	shalt  }
0x78: {  	_ =	shalt  }
0x79: {  	_ =	shalt  }
0x7a: {  	_ =	shalt  }
0x7b: {  	_ =	shalt  }
0x7c: {  	_ =	shalt  }
0x7d: {  	_ =	shalt  }
0x7e: {  	_ =	shalt  }
0x7f: {  	_ =	shalt  }
0x80: {  	_ =	shalt  }
0x81: {  	_ =	shalt  }
0x82: {  	_ =	shalt  }
0x83: {  	_ =	shalt  }
0x84: {  	_ =	shalt  }
0x85: {  	_ =	shalt  }
0x86: {  	_ =	shalt  }
0x87: {  	_ =	shalt  }
.Lfunc_end0:
.L_simem_size_0:
called_computation.1_lowered:
.L_overlay_start_0:
0x88: {  	s2 =	sld [smem:$0x3FD9]  }
0x89: {  	s3 =	sld [smem:$0x3FFE];
	_ =	sdelay $0x1  }
0x8a: {  	s1 =	srdreg.scid  }
0x8b: {  	s0 =	sand.u32 $0x1, s1  }
0x8c: {  	s17 =	sshll.u32 s0, $0xA;
	s2 =	sadd.s32 s3, s2  }
0x8d: {  	s2 =	sadd.s32 s2, s17  }
0x8e: {  	[smem:$0x3FC2] =	sst s2  }
0x8f: {  	_ = 	snop  }
0x90: {  	s2 =	sld [smem:$0x3FC9]  }
0x91: {  	s18 =	sld [smem:$0x3FC8]  }
0x92: {  	s4 =	sld [smem:$0x3FC5]  }
0x93: {  	s5 =	sld [smem:$0x3FC4]  }
0x94: {  	s6 =	sld [smem:$0x3FD0];
	(tm) =	ssettm $0x1  }
0x95: {  	s7 =	sld [smem:$0x3FFB];
	_ =	sdelay $0x3  }
0x96: {  	_ =	strace s7  }
0x97: {  	s7 =	sld [smem:$0x3FFC];
	_ =	sdelay $0x3  }
0x98: {  	_ =	strace s7  }
0x99: {  	s7 =	sld [smem:$0x3FFD];
	_ =	sdelay $0x3  }
0x9a: {  	_ =	strace s7  }
0x9b: {  	_ =	strace $0x8FFFFFFF  }
0x9c: {  	s19 =	sld [smem:$0x3FDB];
	_ =	sdelay $0x1  }
0x9d: {  	s8 =	simm.s32 $_scs_section_size  }
0x9e: {  	s9 =	simm.s32 $_size__tile_overlayer_lowered;
	s10 =	simm.s32 $_tile_overlayer_lowered  }
0x9f: {  	s22 =	simm.s32 $0x1BFF;
	s21 =	sshll.u32 s10, $0x1;
	s7 =	sadd.s32 s8, s19  }
0xa0: {  	s11 =	simm.s32 $0x0;
	s20 =	sshll.u32 s9, $0x1;
	s9 =	sadd.s32 s21, s7  }
0xa1: {  	[timem:s11], [sflag:s22] =	dma.local [hbm:s9], s20  }
0xa2: {  	_ =	swait.ge [sflag:s22], s20  }
0xa3: {  	s8 =	ssub.s32 $0x0, s20;
	[sflag:s22] =	ssyncset.done $0x0  }
0xa4: {  	[sflag:s22] =	ssyncadd.s32 s8;
	_ =	sdelay $0x1  }
0xa5: {  	s23 =	simm.s32 $0x1B8B  }
0xa6: {  	_ =	swait.ge [sflag:s23], $0x1  }
0xa7: {  	[sflag:s23] =	ssyncset.done $0x0  }
0xa8: {  	s25 =	simm.s32 $0x1B8E;
	s24 =	sld [smem:$0x3FFE];
	[sflag:s23] =	ssyncadd.s32 $0xFFFFFFFF  }
0xa9: {  	s26 =	simm.s32 $execute0_lowered;
	[smem:$0x3FD2] =	sst s25  }
0xaa: {  	s9 =	sshll.u32 s26, $0x1;
	_ =	strace $0x80000049;
	[dreg:$0x1] =	wrdreg $0xFFFFFFFF  }
0xab: {  	s28 =	simm.s32 $_size_execute0_lowered;
	s7 =	sadd.s32 s7, s9;
	[dreg:$0x0] =	wrdreg $0x0  }
0xac: {  	s9 =	sshll.u32 s28, $0x1;
	[dreg:$0x2] =	wrdreg s7  }
0xad: {  	[dreg:$0x3] =	wrdreg s9  }
0xae: {  	[dreg:$0x4] =	wrdreg $0xC0  }
0xaf: {  	_ =	task [dreg:s11], $0x5FFFF  }
0xb0: {  	[dreg:$0x1] =	wrdreg $0xFFFFFFFF  }
0xb1: {  	[dreg:$0x0] =	wrdreg $0x60  }
0xb2: {  	[dreg:$0x2] =	wrdreg s24  }
0xb3: {  	[dreg:$0x3] =	wrdreg s2  }
0xb4: {  	[dreg:$0x4] =	wrdreg s18  }
0xb5: {  	[dreg:$0x5] =	wrdreg s4  }
0xb6: {  	[dreg:$0x6] =	wrdreg s5  }
0xb7: {  	[dreg:$0x7] =	wrdreg s6  }
0xb8: {  	[dreg:$0x8] =	wrdreg $0x9  }
0xb9: {  	_ =	task.clear_ibuf [dreg:s11], $0x9FFFF;
	_ =	strace $0x90000049  }
0xba: {  	s29 =	simm.s32 $0x9;
	_ =	strace $0x8000004B  }
0xbb: {  	_ =	swait.ge [sflag:s29], $0x1  }
0xbc: {  	[sflag:s29] =	ssyncadd.s32 $0xFFFFFFFF  }
0xbd: {  	_ =	strace $0x9000004B  }
0xbe: {  	_ =	sfence  }
0xbf: {  	s30 =	sld [smem:$0x0];
	_ =	sdelay $0x2  }
0xc0: {  	s31 =	sshll.u32 s1, $0xD;
	s1 =	sshrl.u32 s1, $0x2  }
0xc1: {  	s3 =	sand.u32 $0x4000, s31;
	s1 =	sadd.s32 s1, s30  }
0xc2: {  	s0 =	sor.u32 s3, s0;
	s1 =	sshll.u32 s1, $0x11  }
0xc3: {  	s0 =	sor.u32 s1, s0  }
0xc4: {  	s0 =	sadd.s32 $0x8F2B, s0  }
0xc5: {  	[sflag:s0] =	ssyncadd.remote.s32 $0x1  }
0xc6: {  	_ =	sfence.sel $0xFFFF  }
0xc7: {  	[dreg:$0x0] =	wrdreg $0xFFFFFFFF;
	(pc) =	sbr.abs _section_cstart, $3  }
0xc8: {  	[dreg:$0x1] =	wrdreg $0xFFFFFFFF  }
0xc9: {  	_ =	task.clear_ibuf [dreg:s11], $0x2FFFF;
	_ =	strace $0x9FFFFFFF  }
0xca: {  	(tm) =	ssettm $0x7FFFFFFF  }
0xcb: {  	_ =	shalt  }
tec
execute0_lowered:
.L_overlay_start_1:
0x0: {  	(tag) =	ssettag $0x1  }
0x1: {  	s0 =	rddreg [dreg:$0x0]  }
0x2: {  	s5 =	rddreg [dreg:$0x1]  }
0x3: {  	s6 =	rddreg [dreg:$0x2]  }
0x4: {  	s1 =	rddreg [dreg:$0x3]  }
0x5: {  	s2 =	rddreg [dreg:$0x4]  }
0x6: {  	s8 =	rddreg [dreg:$0x5];
	s4 =	simm.s32 $0x0;
	s7 =	srdreg.scid  }
0x7: {  	s3 =	stileid.u32;
	s11 =	simm.s32 $0x200;
	s12 =	simm.s32 $0x400  }
0x8: {  	s13 =	simm.s32 $0x80;
	s14 =	simm.s32 $0x600;
	s15 =	simm.s32 $0x800  }
0x9: {  	s16 =	simm.s32 $0x680;
	s17 =	simm.s32 $0x280;
	s18 =	simm.s32 $0x880  }
0xa: {  	s19 =	simm.s32 $0x100;
	s20 =	simm.s32 $0x700;
	s21 =	simm.s32 $0x300  }
0xb: {  	s22 =	simm.s32 $0x900;
	s23 =	simm.s32 $0x180;
	s24 =	simm.s32 $0x780  }
0xc: {  	s25 =	simm.s32 $0x380;
	s26 =	simm.s32 $0x980;
	s28 =	simm.s32 $0x1  }
0xd: {  	s29 =	simm.s32 $0xA00;
	s30 =	simm.s32 $0x0;
	s7 =	sand.u32 $0x1, s7  }
0xe: {  	s9 =	sshll.u32 s3, $0x7;
	s10 =	sshll.u32 s7, $0x6;
	s7 =	ssub.s32 $0x2, s7  }
0xf: {  	[smem:$0x7FF] =	sst s4;
	s9 =	sor.u32 s10, s9;
	s31 =	sshrl.u32 s7, $0x1  }
0x10: {  	_ =	strace $0x8000004A;
	s0 =	sadd.s32 s9, s0;
	s10 =	ssub.s32 s7, s31  }
0x11: {  	s5 =	sadd.s32 s5, s9;
	s6 =	sadd.s32 s6, s9;
	s8 =	sadd.s32 s8, s9  }
0x12: {  	s7 =	sadd.s32 $0x800, s0;
	s9 =	smax.u32 s10, $0x1;
	s10 =	simm.s32 $0x2  }
.LBB2_1:
0x13: {  	[tilespmem:s4], [sflag:$0x2] =	stream.linear.gather [hbm4b:s5+s4], $0x200, $0x38;
	[tilespmem:$0xC00] =	vst v63  }
0x14: {  	_ =	swait.ge [sflag:s10], $0x200  }
0x15: {  	[sflag:s10] =	ssyncset.done $0x0  }
0x16: {  	[sflag:s10] =	ssyncadd.s32 $0xFFFFFE00  }
0x17: {  	[tilespmem:s11], [sflag:$0x2] =	stream.linear.gather [hbm4b:s6+s4], $0x200, $0x38;
	[tilespmem:$0xC00] =	vst v63  }
0x18: {  	_ =	swait.ge [sflag:s10], $0x200  }
0x19: {  	[sflag:s10] =	ssyncset.done $0x0  }
0x1a: {  	[sflag:s10] =	ssyncadd.s32 $0xFFFFFE00  }
0x1b: {  	[tilespmem:s12], [sflag:$0x2] =	stream.linear.gather [hbm4b:s7+s4], $0x200, $0x38;
	[tilespmem:$0xC00] =	vst v63  }
0x1c: {  	_ =	swait.ge [sflag:s10], $0x200  }
0x1d: {  	[sflag:s10] =	ssyncset.done $0x0  }
0x1e: {  	[sflag:s10] =	ssyncadd.s32 $0xFFFFFE00  }
0x1f: {  	[tilespmem:s14], [sflag:$0x1] =	stream.indirect.gather [hbm4b:s1+s13], $0x1, s4, s13, $0xb8;
	[tilespmem:$0xC00] =	vst v63  }
0x20: {  	_ = 	snop  }
0x21: {  	[tilespmem:s15], [sflag:$0x1] =	stream.indirect.gather [hbm4b:s2+s13], $0x1, s11, s13, $0xb8;
	[tilespmem:$0xC00] =	vst v63  }
0x22: {  	_ = 	snop  }
0x23: {  	[tilespmem:s16], [sflag:$0x1] =	stream.indirect.gather [hbm4b:s1+s13], $0x1, s13, s13, $0xb8;
	[tilespmem:$0xC00] =	vst v63  }
0x24: {  	_ = 	snop  }
0x25: {  	[tilespmem:s18], [sflag:$0x1] =	stream.indirect.gather [hbm4b:s2+s13], $0x1, s17, s13, $0xb8;
	[tilespmem:$0xC00] =	vst v63  }
0x26: {  	_ = 	snop  }
0x27: {  	[tilespmem:s20], [sflag:$0x1] =	stream.indirect.gather [hbm4b:s1+s13], $0x1, s19, s13, $0xb8;
	[tilespmem:$0xC00] =	vst v63  }
0x28: {  	_ = 	snop  }
0x29: {  	[tilespmem:s22], [sflag:$0x1] =	stream.indirect.gather [hbm4b:s2+s13], $0x1, s21, s13, $0xb8;
	[tilespmem:$0xC00] =	vst v63  }
0x2a: {  	_ = 	snop  }
0x2b: {  	[tilespmem:s24], [sflag:$0x1] =	stream.indirect.gather [hbm4b:s1+s13], $0x1, s23, s13, $0xb8;
	[tilespmem:$0xC00] =	vst v63  }
0x2c: {  	_ = 	snop  }
0x2d: {  	[tilespmem:s26], [sflag:$0x1] =	stream.indirect.gather [hbm4b:s2+s13], $0x1, s25, s13, $0xb8;
	[tilespmem:$0xC00] =	vst v63  }
0x2e: {  	_ =	swait.ge [sflag:s28], $0x80  }
0x2f: {  	[sflag:s28] =	ssyncset.done $0x0  }
0x30: {  	[sflag:s28] =	ssyncadd.s32 $0xFFFFFF80  }
0x31: {  	_ =	swait.ge [sflag:s28], $0x80  }
0x32: {  	[sflag:s28] =	ssyncset.done $0x0  }
0x33: {  	[sflag:s28] =	ssyncadd.s32 $0xFFFFFF80  }
0x34: {  	_ =	swait.ge [sflag:s28], $0x80  }
0x35: {  	[sflag:s28] =	ssyncset.done $0x0  }
0x36: {  	[sflag:s28] =	ssyncadd.s32 $0xFFFFFF80  }
0x37: {  	_ =	swait.ge [sflag:s28], $0x80  }
0x38: {  	[sflag:s28] =	ssyncset.done $0x0  }
0x39: {  	[sflag:s28] =	ssyncadd.s32 $0xFFFFFF80  }
0x3a: {  	_ =	swait.ge [sflag:s28], $0x80  }
0x3b: {  	[sflag:s28] =	ssyncset.done $0x0  }
0x3c: {  	[sflag:s28] =	ssyncadd.s32 $0xFFFFFF80  }
0x3d: {  	_ =	swait.ge [sflag:s28], $0x80  }
0x3e: {  	[sflag:s28] =	ssyncset.done $0x0  }
0x3f: {  	[sflag:s28] =	ssyncadd.s32 $0xFFFFFF80  }
0x40: {  	_ =	swait.ge [sflag:s28], $0x80  }
0x41: {  	[sflag:s28] =	ssyncset.done $0x0  }
0x42: {  	[sflag:s28] =	ssyncadd.s32 $0xFFFFFF80  }
0x43: {  	_ =	swait.ge [sflag:s28], $0x80  }
0x44: {  	[sflag:s28] =	ssyncset.done $0x0  }
0x45: {  	s31 =	simm.s32 $0x0;
	[sflag:s28] =	ssyncadd.s32 $0xFFFFFF80  }
0x46: {  	v0 =	vld [tilespmem:s31+$0x400]  }
0x47: {  	v1 =	vld [tilespmem:s31+$0x600];
	_ =	sdelay $0x1  }
0x48: {  	v2 =	vld [tilespmem:s31+$0x800]  }
0x49: {  	s0 =	simm.s32 $0x40  }
.LBB2_2:
0x4a: {  	s3 =	sshra.s32 s0, $0x2;
	p0 =	sne.s32 s0, $0x7C0  }
.Ltmp0:
0x4b: {  	s0 =	sadd.s32 $0x40, s0;
	v3 =	vadd.f32 v1, v0;
	v0 =	vld [tilespmem:s3+$0x400];
	(pc) =	sbr.rel @p0 .LBB2_2-.Ltmp0, $4  }
0x4c: {  	v1 =	vld [tilespmem:s3+$0x600]  }
0x4d: {  	v3 =	vadd.f32 v2, v3  }
0x4e: {  	v2 =	vld [tilespmem:s3+$0x800]  }
0x4f: {  	[tilespmem:s31+$0xA00] =	vst v3;
	s31 =	smov.u32 s3  }
0x50: {  	_ = 	snop  }
0x51: {  	v0 =	vadd.f32 v1, v0;
	_ =	sdelay $0x1  }
0x52: {  	s30 =	sadd.s32 $0x1, s30;
	v0 =	vadd.f32 v2, v0  }
0x53: {  	p0 =	sne.s32 s30, s9  }
.Ltmp1:
0x54: {  	[tilespmem:s31+$0xA00] =	vst v0;
	(pc) =	sbr.rel @p0 .LBB2_1-.Ltmp1, $4  }
0x55: {  	[hbm4b:s8+s4] =	stream.linear.scatter [tilespmem:s29], [sflag:$0x2], $0x200, $0x38;
	[tilespmem:$0xC00] =	vst v63  }
0x56: {  	_ =	swait.ge [sflag:s10], $0x200  }
0x57: {  	[sflag:s10] =	ssyncset.done $0x0  }
0x58: {  	[sflag:s10] =	ssyncadd.s32 $0xFFFFFE00  }
0x59: {  	_ =	sfence.sel $0x180000  }
0x5a: {  	[bflag:$0x0] =	sbarrier.arrive $0xFFFF  }
0x5b: {  	_ =	strace $0x9000004A  }
0x5c: {  	s0 =	stileid.u32;
	[bflag:$0x2] =	sbarrier.arrive $0xFFFF  }
0x5d: {  	p0 =	sne.s32 s0, $0x0;
	s0 =	rddreg [dreg:$0x6]  }
0x5e: {  	s0 =	sadd.s32 @!p0 $0x100000, s0  }
0x5f: {  	[sflag:s0] =	ssyncadd.tile.s32 @!p0 $0x1;
	_ =	shalt  }
.Lfunc_end2:
_tile_overlayer_lowered:
.L_overlay_start_2:
0x60: {  	(tag) =	ssettag $0x2  }
0x61: {  	s0 =	rddreg [dreg:$0x0];
	s2 =	stileid.u32  }
0x62: {  	s1 =	rddreg [dreg:$0x1];
	p0 =	sne.s32 s2, $0x0  }
0x63: {  	s3 =	rddreg [dreg:$0x2];
	[bflag:$0x3] =	sbarrier.arrive $0xFFFF;
	s2 =	simm.s32 @!p0 $0x1C02  }
0x64: {  	[timem:s3], [sflag:s2] =	dma.local @!p0 [hbm:s0], s1  }
0x65: {  	s0 =	simm.s32 @!p0 $0x2  }
0x66: {  	_ =	swait.ge @!p0 [sflag:s0], s1  }
0x67: {  	s1 =	ssub.s32 @!p0 $0x0, s1;
	[sflag:s0] =	ssyncset.done @!p0 $0x0  }
0x68: {  	[sflag:s0] =	ssyncadd.s32 @!p0 s1  }
0x69: {  	[bflag:$0x3] =	sbarrier.arrive $0xFFFF  }
0x6a: {  	_ =	shalt  }

</sc_bundles>
